<compile_context>
chip_gen: v7x
topology: tpu7x:2x2x1
jax: 0.10.2.dev20260603
libtpu: 0.0.44.dev20260713+nightly
codegen_flags: <defaults>
</compile_context>

<pallas_src>
import functools

import jax
import jax.numpy as jnp
from jax import lax
from jax.experimental import pallas as pl
from jax.experimental.pallas import tpu as pltpu
from jax.experimental.pallas import tpu_sc as plsc

_B = 4096
_K1 = 21
_LOG2 = 0.6931471805599453

_NC = 2
_NS = 16
_NW = _NC * _NS
_RPW = _B // _NW
_RB = 8
_CAP = 256
_TAU0 = 2.0


def _neg_log_sigmoid(d):
    return jnp.maximum(-d, 0.0) + jnp.log1p(jnp.exp(-jnp.abs(d)))


def _iter_topk_loss(x0, pos, rank_self, rows, s_ref):
    neginf = jnp.float32(-jnp.inf)
    sarange = jax.lax.broadcasted_iota(jnp.int32, (1, _K1), 1).astype(jnp.float32)
    wrow = 1.0 / jnp.log2(sarange + 2.0)

    self_in = rank_self < _K1
    w_self = jnp.sum(jnp.where(sarange == rank_self, wrow, 0.0),
                     axis=1, keepdims=True)
    loss_self = jnp.where(self_in, w_self * _LOG2, 0.0)
    mask_rows = jnp.where(self_in, _K1 - 1.0, float(_K1))

    s_ref[...] = x0

    def body(_, carry):
        r_cur, loss_row = carry
        xm = s_ref[...]
        m = jnp.max(xm, axis=1, keepdims=True)
        eq = xm == m
        c = jnp.sum(eq.astype(jnp.float32), axis=1, keepdims=True)
        s_ref[...] = jnp.where(eq, neginf, xm)
        in_win = (sarange >= r_cur) & (sarange < r_cur + c)
        wsum = jnp.sum(jnp.where(in_win, wrow, 0.0), axis=1, keepdims=True)
        f = _neg_log_sigmoid(pos - m)
        loss_row = loss_row + jnp.where(wsum > 0.0, f * wsum, 0.0)
        return r_cur + c, loss_row

    zero = jnp.zeros((rows, 1), jnp.float32)
    _, loss_row = jax.lax.fori_loop(0, _K1, body, (zero, zero))
    return loss_row - loss_self, mask_rows


_DROWS = 64


def _dense_body(x_ref, out_ref, s_ref, acc_ref):
    i = pl.program_id(0)
    x0 = x_ref[...]
    cols = jax.lax.broadcasted_iota(jnp.int32, (_DROWS, _B), 1)
    rowg = i * _DROWS + jax.lax.broadcasted_iota(jnp.int32, (_DROWS, _B), 0)
    neginf = jnp.float32(-jnp.inf)

    is_diag = cols == rowg
    pos = jnp.max(jnp.where(is_diag, x0, neginf), axis=1, keepdims=True)
    cnt_gt = jnp.sum((x0 > pos).astype(jnp.float32), axis=1, keepdims=True)
    cnt_eq = jnp.sum(((x0 == pos) & (cols < rowg)).astype(jnp.float32),
                     axis=1, keepdims=True)
    rank_self = cnt_gt + cnt_eq

    loss_row, mask_rows = _iter_topk_loss(x0, pos, rank_self, _DROWS, s_ref)

    @pl.when(i == 0)
    def _():
        acc_ref[0] = 0.0
        acc_ref[1] = 0.0

    acc_ref[0] += jnp.sum(loss_row)
    acc_ref[1] += jnp.sum(mask_rows)
    out_ref[...] = jnp.full((1, 1), acc_ref[0] / jnp.maximum(acc_ref[1], 1.0),
                            jnp.float32)


def _dense_loss(scores):
    out = pl.pallas_call(
        _dense_body,
        grid=(_B // _DROWS,),
        in_specs=[pl.BlockSpec((_DROWS, _B), lambda i: (i, 0))],
        out_specs=pl.BlockSpec((1, 1), lambda i: (0, 0)),
        out_shape=jax.ShapeDtypeStruct((1, 1), jnp.float32),
        scratch_shapes=[
            pltpu.VMEM((_DROWS, _B), jnp.float32),
            pltpu.SMEM((2,), jnp.float32),
        ],
    )(scores)
    return jnp.reshape(out, ())


def _sc_compact_body(scores_hbm, vals_hbm, rowA, rowB, vbuf, semA, semB):
    wid = lax.axis_index("s") * _NC + lax.axis_index("c")
    base = wid * _RPW
    tau = jnp.float32(_TAU0)
    nb = _RPW // _RB

    def _start(bi, buf, sem):
        pltpu.async_copy(scores_hbm.at[pl.ds(base + bi * _RB, _RB)], buf, sem)

    def _wait(bi, buf, sem):
        pltpu.make_async_copy(scores_hbm.at[pl.ds(base + bi * _RB, _RB)],
                              buf, sem).wait()

    def _do_batch(bi, rowbuf):
        for r in range(_RB):
            def vbody(j8, off):
                vs, masks, cs = [], [], []
                for u in range(8):
                    j = j8 * 8 + u
                    v = rowbuf[r, pl.ds(j * 16, 16)]
                    mask = v > tau
                    vs.append(v)
                    masks.append(mask)
                    cs.append(plsc.all_reduce_population_count(mask)[0])
                for u in range(8):
                    offc = jnp.minimum(off, _CAP - 16)
                    m2 = jnp.logical_and(masks[u], off < _CAP - 15)
                    plsc.store_compressed(vbuf.at[r, pl.ds(offc, 16)],
                                          vs[u], mask=m2)
                    off = off + cs[u]
                return off

            lax.fori_loop(0, _B // 128, vbody, jnp.int32(0))

        pltpu.sync_copy(vbuf, vals_hbm.at[pl.ds(base + bi * _RB, _RB)])

    _start(0, rowA, semA)

    def batch2_body(b2, _):
        bi0 = b2 * 2

        _wait(bi0, rowA, semA)
        _start(bi0 + 1, rowB, semB)
        _do_batch(bi0, rowA)

        _wait(bi0 + 1, rowB, semB)

        @pl.when(bi0 + 2 < nb)
        def _():
            _start(bi0 + 2, rowA, semA)

        _do_batch(bi0 + 1, rowB)
        return 0

    lax.fori_loop(0, nb // 2, batch2_body, 0)


@functools.cache
def _make_sc_compact():
    return pl.kernel(
        _sc_compact_body,
        out_type=[
            jax.ShapeDtypeStruct((_B, _CAP), jnp.float32),
        ],
        mesh=plsc.VectorSubcoreMesh(core_axis_name="c", subcore_axis_name="s"),
        compiler_params=pltpu.CompilerParams(needs_layout_passes=False),
        scratch_types=[
            pltpu.VMEM((_RB, _B), jnp.float32),
            pltpu.VMEM((_RB, _B), jnp.float32),
            pltpu.VMEM((_RB, _CAP), jnp.float32),
            pltpu.SemaphoreType.DMA,
            pltpu.SemaphoreType.DMA,
        ],
    )


_PR = 256


def _cand_body(x_ref, vals_ref, out_ref, bad_ref, s_ref, acc_ref):
    i = pl.program_id(0)
    x0 = x_ref[...]
    vals = vals_ref[...]
    neginf = jnp.float32(-jnp.inf)

    cols = jax.lax.broadcasted_iota(jnp.int32, (_PR, _B), 1)
    rowg = i * _PR + jax.lax.broadcasted_iota(jnp.int32, (_PR, _B), 0)
    pos = jnp.max(jnp.where(cols == rowg, x0, neginf), axis=1, keepdims=True)
    rank_self = jnp.sum(
        ((x0 > pos) | ((x0 == pos) & (cols < rowg))).astype(jnp.float32),
        axis=1, keepdims=True)
    n0 = jnp.sum((x0 > _TAU0).astype(jnp.float32), axis=1, keepdims=True)

    cpos = jax.lax.broadcasted_iota(jnp.int32, (_PR, _CAP), 1).astype(jnp.float32)
    valid = cpos < n0
    v = jnp.where(valid, vals, neginf)

    loss_row, mask_rows = _iter_topk_loss(v, pos, rank_self, _PR, s_ref)
    bad_row = (n0 < float(_K1)) | (n0 > float(_CAP - 16))

    @pl.when(i == 0)
    def _():
        acc_ref[0] = 0.0
        acc_ref[1] = 0.0
        acc_ref[2] = 0.0

    acc_ref[0] += jnp.sum(loss_row)
    acc_ref[1] += jnp.sum(mask_rows)
    acc_ref[2] += jnp.sum(bad_row.astype(jnp.float32))
    out_ref[...] = jnp.full((1, 1), acc_ref[0] / jnp.maximum(acc_ref[1], 1.0),
                            jnp.float32)
    bad_ref[...] = jnp.full((1, 1), acc_ref[2], jnp.float32)


def _cand_loss(scores, vals):
    return pl.pallas_call(
        _cand_body,
        grid=(_B // _PR,),
        in_specs=[
            pl.BlockSpec((_PR, _B), lambda i: (i, 0)),
            pl.BlockSpec((_PR, _CAP), lambda i: (i, 0)),
        ],
        out_specs=[
            pl.BlockSpec((1, 1), lambda i: (0, 0)),
            pl.BlockSpec((1, 1), lambda i: (0, 0)),
        ],
        out_shape=[
            jax.ShapeDtypeStruct((1, 1), jnp.float32),
            jax.ShapeDtypeStruct((1, 1), jnp.float32),
        ],
        scratch_shapes=[
            pltpu.VMEM((_PR, _CAP), jnp.float32),
            pltpu.SMEM((3,), jnp.float32),
        ],
    )(scores, vals)


@jax.jit
def kernel(scores):
    (vals,) = _make_sc_compact()(scores)
    fast, badf = _cand_loss(scores, vals)
    fast_s = jnp.reshape(fast, ())
    bad = jnp.reshape(badf, ()) > 0.0
    return lax.cond(bad, _dense_loss, lambda s: fast_s, scores)

# --- scband reference (transcript-rebuilt; emitter-appended) ---
"""Pipeline reference for scband-top-k-ndcg-bpr-33079838114615 (READ-ONLY COPY).

The authoritative reference and input builder live on the scoring server;
editing this copy changes nothing except your own understanding.
"""

import jax, jax.numpy as jnp
import numpy as np

K = 20
ONLY_VIOLATION = False

def setup_inputs(seed: int = 0) -> dict:
    key = jax.random.key(seed)
    scores = jax.random.normal(key, (4096, 4096), dtype=jnp.float32)
    return {"scores": scores}

def reference(scores):
    B = scores.shape[0]
    labels = jnp.arange(B)
    pos_scores = scores[labels, labels][:, None]
    k_val = min(K + 1, B)
    topk_vals, topk_inds = jax.lax.top_k(scores, k_val)
    ranks = jnp.broadcast_to(jnp.arange(k_val)[None, :], (B, k_val))
    weights = 1.0 / jnp.log2(ranks.astype(jnp.float32) + 2.0)
    diff = pos_scores - topk_vals
    is_self = topk_inds == labels[:, None]
    mask = (~is_self).astype(jnp.float32)
    if ONLY_VIOLATION:
        mask = mask * (topk_vals > pos_scores).astype(jnp.float32)
    loss_map = -jax.nn.log_sigmoid(diff) * weights * mask
    return loss_map.sum() / jnp.clip(mask.sum(), 1.0, None)

if __name__ == "__main__":
    import jax
    _d = setup_inputs()
    print(jax.jit(kernel)(*tuple(_d.values())))

</pallas_src>

<mosaic_0001>
#map = affine_map<(d0, d1) -> (0, 0)>
module attributes {stable_mosaic.version = 14 : i64} {
  func.func @_sc_compact_body(%arg0: i32, %arg1: i32, %arg2: memref<4096x4096xf32, #tpu.memory_space<hbm>>, %arg3: memref<4096x256xf32, #tpu.memory_space<hbm>>, %arg4: memref<8x4096xf32, #tpu.memory_space<vmem>>, %arg5: memref<8x4096xf32, #tpu.memory_space<vmem>>, %arg6: memref<8x256xf32, #tpu.memory_space<vmem>>, %arg7: memref<!tpu.dma_semaphore, #tpu.memory_space<semaphore_mem>>, %arg8: memref<!tpu.dma_semaphore, #tpu.memory_space<semaphore_mem>>) attributes {dimension_semantics = [#tpu.dimension_semantics<core_parallel>, #tpu.dimension_semantics<subcore_parallel>], iteration_bounds = array<i64: 2, 16>, scalar_prefetch = 0 : i64, scratch_operands = 5 : i64, tpu.core_type = #tpu.core_type<sc_vector_subcore>, window_params = [{transform_indices = #map}, {transform_indices = #map}]} {
    %mul3A = arith.constant 2 : i32
    %mul3A_0 = arith.muli %arg1, %mul3A : i32
    %add3A = arith.addi %mul3A_0, %arg0 : i32
    %mul3A_1 = arith.constant 128 : i32
    %mul3A_2 = arith.muli %add3A, %mul3A_1 : i32
    %add3A_3 = arith.constant 0 : i32
    %add3A_4 = arith.addi %mul3A_2, %add3A_3 : i32
    %dma_start3A = arith.constant 0 : i32
    %dma_start3A_5 = tpu.memref_slice %arg2[%add3A_4, %dma_start3A] : memref<4096x4096xf32, #tpu.memory_space<hbm>> -> memref<8x4096xf32, #tpu.memory_space<hbm>>
    %dma_start3A_6 = arith.constant 0 : i32
    %dma_start3A_7 = tpu.memref_slice %arg2[%add3A_4, %dma_start3A_6] : memref<4096x4096xf32, #tpu.memory_space<hbm>> -> memref<8x4096xf32, #tpu.memory_space<hbm>>
    tpu.enqueue_dma source(%dma_start3A_7 : memref<8x4096xf32, #tpu.memory_space<hbm>>) target(%arg4 : memref<8x4096xf32, #tpu.memory_space<vmem>>) target_semaphore(%arg7 : memref<!tpu.dma_semaphore, #tpu.memory_space<semaphore_mem>>)
    %scan3A = arith.constant 2.000000e+00 : f32
    %scan3A_8 = arith.constant 0 : i32
    %scan3A_9 = arith.constant 0 : i32
    %scan3A_10 = arith.constant 8 : i32
    %scan3A_11 = arith.addi %scan3A_9, %scan3A_10 : i32
    %scan3A_12 = arith.constant 1 : i32
    %scan3A_13 = scf.for %scan3A_15 = %scan3A_9 to %scan3A_11 step %scan3A_12 iter_args(%scan3A_16 = %scan3A_8) -> (i32)  : i32 {
      %mul3A_17 = arith.constant 2 : i32
      %mul3A_18 = arith.muli %scan3A_15, %mul3A_17 : i32
      %mul3A_19 = arith.constant 8 : i32
      %mul3A_20 = arith.muli %mul3A_18, %mul3A_19 : i32
      %add3A_21 = arith.addi %mul3A_2, %mul3A_20 : i32
      %dma_wait3A = arith.constant 0 : i32
      %dma_wait3A_22 = tpu.memref_slice %arg2[%add3A_21, %dma_wait3A] : memref<4096x4096xf32, #tpu.memory_space<hbm>> -> memref<8x4096xf32, #tpu.memory_space<hbm>>
      %dma_wait3A_23 = arith.constant 0 : i32
      %dma_wait3A_24 = tpu.memref_slice %arg2[%add3A_21, %dma_wait3A_23] : memref<4096x4096xf32, #tpu.memory_space<hbm>> -> memref<8x4096xf32, #tpu.memory_space<hbm>>
      tpu.wait_dma2 semaphore(%arg7 : memref<!tpu.dma_semaphore, #tpu.memory_space<semaphore_mem>>) src(%dma_wait3A_24 : memref<8x4096xf32, #tpu.memory_space<hbm>>) dst(%arg4 : memref<8x4096xf32, #tpu.memory_space<vmem>>)
      %add3A_25 = arith.constant 1 : i32
      %add3A_26 = arith.addi %mul3A_18, %add3A_25 : i32
      %mul3A_27 = arith.constant 8 : i32
      %mul3A_28 = arith.muli %add3A_26, %mul3A_27 : i32
      %add3A_29 = arith.addi %mul3A_2, %mul3A_28 : i32
      %dma_start3A_30 = arith.constant 0 : i32
      %dma_start3A_31 = tpu.memref_slice %arg2[%add3A_29, %dma_start3A_30] : memref<4096x4096xf32, #tpu.memory_space<hbm>> -> memref<8x4096xf32, #tpu.memory_space<hbm>>
      %dma_start3A_32 = arith.constant 0 : i32
      %dma_start3A_33 = tpu.memref_slice %arg2[%add3A_29, %dma_start3A_32] : memref<4096x4096xf32, #tpu.memory_space<hbm>> -> memref<8x4096xf32, #tpu.memory_space<hbm>>
      tpu.enqueue_dma source(%dma_start3A_33 : memref<8x4096xf32, #tpu.memory_space<hbm>>) target(%arg5 : memref<8x4096xf32, #tpu.memory_space<vmem>>) target_semaphore(%arg8 : memref<!tpu.dma_semaphore, #tpu.memory_space<semaphore_mem>>)
      %scan3A_34 = arith.constant 0 : i32
      %scan3A_35 = arith.constant 0 : i32
      %scan3A_36 = arith.constant 32 : i32
      %scan3A_37 = arith.addi %scan3A_35, %scan3A_36 : i32
      %scan3A_38 = arith.constant 1 : i32
      %scan3A_39 = scf.for %scan3A_168 = %scan3A_35 to %scan3A_37 step %scan3A_38 iter_args(%scan3A_169 = %scan3A_34) -> (i32)  : i32 {
        %mul3A_170 = arith.constant 8 : i32
        %mul3A_171 = arith.muli %scan3A_168, %mul3A_170 : i32
        %add3A_172 = arith.constant 0 : i32
        %add3A_173 = arith.addi %mul3A_171, %add3A_172 : i32
        %mul3A_174 = arith.constant 16 : i32
        %mul3A_175 = arith.muli %add3A_173, %mul3A_174 : i32
        %get3A = arith.constant 0 : i32
        %get3A_176 = arith.index_cast %get3A : i32 to index
        %get3A_177 = arith.index_cast %mul3A_175 : i32 to index
        %get3A_178 = tpu.vector_load %arg4[%get3A_176, %get3A_177] {strides = array<i32>} : memref<8x4096xf32, #tpu.memory_space<vmem>>, vector<16xf32>,
        %gt3A = vector.broadcast %scan3A : f32 to vector<16xf32>
        %gt3A_179 = arith.cmpf ogt, %get3A_178, %gt3A : vector<16xf32>
        %all_reduce_population_count3A = tpu.all_reduce %gt3A_179 {dim = 0 : i64, kind = #tpu.reduction_kind<sum>} : vector<16xi1> -> vector<16xi32>
        %slice3A = vector.extract_strided_slice %all_reduce_population_count3A {offsets = [0], sizes = [1], strides = [1]} : vector<16xi32> to vector<1xi32>
        %squeeze3A = vector.extract %slice3A[0] : i32 from vector<1xi32>
        %mul3A_180 = arith.constant 8 : i32
        %mul3A_181 = arith.muli %scan3A_168, %mul3A_180 : i32
        %add3A_182 = arith.constant 1 : i32
        %add3A_183 = arith.addi %mul3A_181, %add3A_182 : i32
        %mul3A_184 = arith.constant 16 : i32
        %mul3A_185 = arith.muli %add3A_183, %mul3A_184 : i32
        %get3A_186 = arith.constant 0 : i32
        %get3A_187 = arith.index_cast %get3A_186 : i32 to index
        %get3A_188 = arith.index_cast %mul3A_185 : i32 to index
        %get3A_189 = tpu.vector_load %arg4[%get3A_187, %get3A_188] {strides = array<i32>} : memref<8x4096xf32, #tpu.memory_space<vmem>>, vector<16xf32>,
        %gt3A_190 = vector.broadcast %scan3A : f32 to vector<16xf32>
        %gt3A_191 = arith.cmpf ogt, %get3A_189, %gt3A_190 : vector<16xf32>
        %all_reduce_population_count3A_192 = tpu.all_reduce %gt3A_191 {dim = 0 : i64, kind = #tpu.reduction_kind<sum>} : vector<16xi1> -> vector<16xi32>
        %slice3A_193 = vector.extract_strided_slice %all_reduce_population_count3A_192 {offsets = [0], sizes = [1], strides = [1]} : vector<16xi32> to vector<1xi32>
        %squeeze3A_194 = vector.extract %slice3A_193[0] : i32 from vector<1xi32>
        %mul3A_195 = arith.constant 8 : i32
        %mul3A_196 = arith.muli %scan3A_168, %mul3A_195 : i32
        %add3A_197 = arith.constant 2 : i32
        %add3A_198 = arith.addi %mul3A_196, %add3A_197 : i32
        %mul3A_199 = arith.constant 16 : i32
        %mul3A_200 = arith.muli %add3A_198, %mul3A_199 : i32
        %get3A_201 = arith.constant 0 : i32
        %get3A_202 = arith.index_cast %get3A_201 : i32 to index
        %get3A_203 = arith.index_cast %mul3A_200 : i32 to index
        %get3A_204 = tpu.vector_load %arg4[%get3A_202, %get3A_203] {strides = array<i32>} : memref<8x4096xf32, #tpu.memory_space<vmem>>, vector<16xf32>,
        %gt3A_205 = vector.broadcast %scan3A : f32 to vector<16xf32>
        %gt3A_206 = arith.cmpf ogt, %get3A_204, %gt3A_205 : vector<16xf32>
        %all_reduce_population_count3A_207 = tpu.all_reduce %gt3A_206 {dim = 0 : i64, kind = #tpu.reduction_kind<sum>} : vector<16xi1> -> vector<16xi32>
        %slice3A_208 = vector.extract_strided_slice %all_reduce_population_count3A_207 {offsets = [0], sizes = [1], strides = [1]} : vector<16xi32> to vector<1xi32>
        %squeeze3A_209 = vector.extract %slice3A_208[0] : i32 from vector<1xi32>
        %mul3A_210 = arith.constant 8 : i32
        %mul3A_211 = arith.muli %scan3A_168, %mul3A_210 : i32
        %add3A_212 = arith.constant 3 : i32
        %add3A_213 = arith.addi %mul3A_211, %add3A_212 : i32
        %mul3A_214 = arith.constant 16 : i32
        %mul3A_215 = arith.muli %add3A_213, %mul3A_214 : i32
        %get3A_216 = arith.constant 0 : i32
        %get3A_217 = arith.index_cast %get3A_216 : i32 to index
        %get3A_218 = arith.index_cast %mul3A_215 : i32 to index
        %get3A_219 = tpu.vector_load %arg4[%get3A_217, %get3A_218] {strides = array<i32>} : memref<8x4096xf32, #tpu.memory_space<vmem>>, vector<16xf32>,
        %gt3A_220 = vector.broadcast %scan3A : f32 to vector<16xf32>
        %gt3A_221 = arith.cmpf ogt, %get3A_219, %gt3A_220 : vector<16xf32>
        %all_reduce_population_count3A_222 = tpu.all_reduce %gt3A_221 {dim = 0 : i64, kind = #tpu.reduction_kind<sum>} : vector<16xi1> -> vector<16xi32>
        %slice3A_223 = vector.extract_strided_slice %all_reduce_population_count3A_222 {offsets = [0], sizes = [1], strides = [1]} : vector<16xi32> to vector<1xi32>
        %squeeze3A_224 = vector.extract %slice3A_223[0] : i32 from vector<1xi32>
        %mul3A_225 = arith.constant 8 : i32
        %mul3A_226 = arith.muli %scan3A_168, %mul3A_225 : i32
        %add3A_227 = arith.constant 4 : i32
        %add3A_228 = arith.addi %mul3A_226, %add3A_227 : i32
        %mul3A_229 = arith.constant 16 : i32
        %mul3A_230 = arith.muli %add3A_228, %mul3A_229 : i32
        %get3A_231 = arith.constant 0 : i32
        %get3A_232 = arith.index_cast %get3A_231 : i32 to index
        %get3A_233 = arith.index_cast %mul3A_230 : i32 to index
        %get3A_234 = tpu.vector_load %arg4[%get3A_232, %get3A_233] {strides = array<i32>} : memref<8x4096xf32, #tpu.memory_space<vmem>>, vector<16xf32>,
        %gt3A_235 = vector.broadcast %scan3A : f32 to vector<16xf32>
        %gt3A_236 = arith.cmpf ogt, %get3A_234, %gt3A_235 : vector<16xf32>
        %all_reduce_population_count3A_237 = tpu.all_reduce %gt3A_236 {dim = 0 : i64, kind = #tpu.reduction_kind<sum>} : vector<16xi1> -> vector<16xi32>
        %slice3A_238 = vector.extract_strided_slice %all_reduce_population_count3A_237 {offsets = [0], sizes = [1], strides = [1]} : vector<16xi32> to vector<1xi32>
        %squeeze3A_239 = vector.extract %slice3A_238[0] : i32 from vector<1xi32>
        %mul3A_240 = arith.constant 8 : i32
        %mul3A_241 = arith.muli %scan3A_168, %mul3A_240 : i32
        %add3A_242 = arith.constant 5 : i32
        %add3A_243 = arith.addi %mul3A_241, %add3A_242 : i32
        %mul3A_244 = arith.constant 16 : i32
        %mul3A_245 = arith.muli %add3A_243, %mul3A_244 : i32
        %get3A_246 = arith.constant 0 : i32
        %get3A_247 = arith.index_cast %get3A_246 : i32 to index
        %get3A_248 = arith.index_cast %mul3A_245 : i32 to index
        %get3A_249 = tpu.vector_load %arg4[%get3A_247, %get3A_248] {strides = array<i32>} : memref<8x4096xf32, #tpu.memory_space<vmem>>, vector<16xf32>,
        %gt3A_250 = vector.broadcast %scan3A : f32 to vector<16xf32>
        %gt3A_251 = arith.cmpf ogt, %get3A_249, %gt3A_250 : vector<16xf32>
        %all_reduce_population_count3A_252 = tpu.all_reduce %gt3A_251 {dim = 0 : i64, kind = #tpu.reduction_kind<sum>} : vector<16xi1> -> vector<16xi32>
        %slice3A_253 = vector.extract_strided_slice %all_reduce_population_count3A_252 {offsets = [0], sizes = [1], strides = [1]} : vector<16xi32> to vector<1xi32>
        %squeeze3A_254 = vector.extract %slice3A_253[0] : i32 from vector<1xi32>
        %mul3A_255 = arith.constant 8 : i32
        %mul3A_256 = arith.muli %scan3A_168, %mul3A_255 : i32
        %add3A_257 = arith.constant 6 : i32
        %add3A_258 = arith.addi %mul3A_256, %add3A_257 : i32
        %mul3A_259 = arith.constant 16 : i32
        %mul3A_260 = arith.muli %add3A_258, %mul3A_259 : i32
        %get3A_261 = arith.constant 0 : i32
        %get3A_262 = arith.index_cast %get3A_261 : i32 to index
        %get3A_263 = arith.index_cast %mul3A_260 : i32 to index
        %get3A_264 = tpu.vector_load %arg4[%get3A_262, %get3A_263] {strides = array<i32>} : memref<8x4096xf32, #tpu.memory_space<vmem>>, vector<16xf32>,
        %gt3A_265 = vector.broadcast %scan3A : f32 to vector<16xf32>
        %gt3A_266 = arith.cmpf ogt, %get3A_264, %gt3A_265 : vector<16xf32>
        %all_reduce_population_count3A_267 = tpu.all_reduce %gt3A_266 {dim = 0 : i64, kind = #tpu.reduction_kind<sum>} : vector<16xi1> -> vector<16xi32>
        %slice3A_268 = vector.extract_strided_slice %all_reduce_population_count3A_267 {offsets = [0], sizes = [1], strides = [1]} : vector<16xi32> to vector<1xi32>
        %squeeze3A_269 = vector.extract %slice3A_268[0] : i32 from vector<1xi32>
        %mul3A_270 = arith.constant 8 : i32
        %mul3A_271 = arith.muli %scan3A_168, %mul3A_270 : i32
        %add3A_272 = arith.constant 7 : i32
        %add3A_273 = arith.addi %mul3A_271, %add3A_272 : i32
        %mul3A_274 = arith.constant 16 : i32
        %mul3A_275 = arith.muli %add3A_273, %mul3A_274 : i32
        %get3A_276 = arith.constant 0 : i32
        %get3A_277 = arith.index_cast %get3A_276 : i32 to index
        %get3A_278 = arith.index_cast %mul3A_275 : i32 to index
        %get3A_279 = tpu.vector_load %arg4[%get3A_277, %get3A_278] {strides = array<i32>} : memref<8x4096xf32, #tpu.memory_space<vmem>>, vector<16xf32>,
        %gt3A_280 = vector.broadcast %scan3A : f32 to vector<16xf32>
        %gt3A_281 = arith.cmpf ogt, %get3A_279, %gt3A_280 : vector<16xf32>
        %all_reduce_population_count3A_282 = tpu.all_reduce %gt3A_281 {dim = 0 : i64, kind = #tpu.reduction_kind<sum>} : vector<16xi1> -> vector<16xi32>
        %slice3A_283 = vector.extract_strided_slice %all_reduce_population_count3A_282 {offsets = [0], sizes = [1], strides = [1]} : vector<16xi32> to vector<1xi32>
        %squeeze3A_284 = vector.extract %slice3A_283[0] : i32 from vector<1xi32>
        %min3A = arith.constant 240 : i32
        %min3A_285 = arith.minsi %scan3A_169, %min3A : i32
        %lt3A_286 = arith.constant 241 : i32
        %lt3A_287 = arith.cmpi slt, %scan3A_169, %lt3A_286 : i32
        %and3A = vector.broadcast %lt3A_287 : i1 to vector<16xi1>
        %and3A_288 = arith.andi %gt3A_179, %and3A : vector<16xi1>
        %swap3A = arith.constant 0 : i32
        %swap3A_289 = arith.index_cast %swap3A : i32 to index
        %swap3A_290 = arith.index_cast %min3A_285 : i32 to index
        %swap3A_291 = tpu.vector_load %arg6[%swap3A_289, %swap3A_290] masked %and3A_288 {strides = array<i32>} : memref<8x256xf32, #tpu.memory_space<vmem>>, vector<16xf32>, vector<16xi1>
        tpu.vector_store %arg6[%swap3A_289, %swap3A_290], %get3A_178 masked %and3A_288 {strides = array<i32>} : memref<8x256xf32, #tpu.memory_space<vmem>>, vector<16xf32>, vector<16xi1>
        %add3A_292 = arith.addi %scan3A_169, %squeeze3A : i32
        %min3A_293 = arith.constant 240 : i32
        %min3A_294 = arith.minsi %add3A_292, %min3A_293 : i32
        %lt3A_295 = arith.constant 241 : i32
        %lt3A_296 = arith.cmpi slt, %add3A_292, %lt3A_295 : i32
        %and3A_297 = vector.broadcast %lt3A_296 : i1 to vector<16xi1>
        %and3A_298 = arith.andi %gt3A_191, %and3A_297 : vector<16xi1>
        %swap3A_299 = arith.constant 0 : i32
        %swap3A_300 = arith.index_cast %swap3A_299 : i32 to index
        %swap3A_301 = arith.index_cast %min3A_294 : i32 to index
        %swap3A_302 = tpu.vector_load %arg6[%swap3A_300, %swap3A_301] masked %and3A_298 {strides = array<i32>} : memref<8x256xf32, #tpu.memory_space<vmem>>, vector<16xf32>, vector<16xi1>
        tpu.vector_store %arg6[%swap3A_300, %swap3A_301], %get3A_189 masked %and3A_298 {strides = array<i32>} : memref<8x256xf32, #tpu.memory_space<vmem>>, vector<16xf32>, vector<16xi1>
        %add3A_303 = arith.addi %add3A_292, %squeeze3A_194 : i32
        %min3A_304 = arith.constant 240 : i32
        %min3A_305 = arith.minsi %add3A_303, %min3A_304 : i32
        %lt3A_306 = arith.constant 241 : i32
        %lt3A_307 = arith.cmpi slt, %add3A_303, %lt3A_306 : i32
        %and3A_308 = vector.broadcast %lt3A_307 : i1 to vector<16xi1>
        %and3A_309 = arith.andi %gt3A_206, %and3A_308 : vector<16xi1>
        %swap3A_310 = arith.constant 0 : i32
        %swap3A_311 = arith.index_cast %swap3A_310 : i32 to index
        %swap3A_312 = arith.index_cast %min3A_305 : i32 to index
        %swap3A_313 = tpu.vector_load %arg6[%swap3A_311, %swap3A_312] masked %and3A_309 {strides = array<i32>} : memref<8x256xf32, #tpu.memory_space<vmem>>, vector<16xf32>, vector<16xi1>
        tpu.vector_store %arg6[%swap3A_311, %swap3A_312], %get3A_204 masked %and3A_309 {strides = array<i32>} : memref<8x256xf32, #tpu.memory_space<vmem>>, vector<16xf32>, vector<16xi1>
        %add3A_314 = arith.addi %add3A_303, %squeeze3A_209 : i32
        %min3A_315 = arith.constant 240 : i32
        %min3A_316 = arith.minsi %add3A_314, %min3A_315 : i32
        %lt3A_317 = arith.constant 241 : i32
        %lt3A_318 = arith.cmpi slt, %add3A_314, %lt3A_317 : i32
        %and3A_319 = vector.broadcast %lt3A_318 : i1 to vector<16xi1>
        %and3A_320 = arith.andi %gt3A_221, %and3A_319 : vector<16xi1>
        %swap3A_321 = arith.constant 0 : i32
        %swap3A_322 = arith.index_cast %swap3A_321 : i32 to index
        %swap3A_323 = arith.index_cast %min3A_316 : i32 to index
        %swap3A_324 = tpu.vector_load %arg6[%swap3A_322, %swap3A_323] masked %and3A_320 {strides = array<i32>} : memref<8x256xf32, #tpu.memory_space<vmem>>, vector<16xf32>, vector<16xi1>
        tpu.vector_store %arg6[%swap3A_322, %swap3A_323], %get3A_219 masked %and3A_320 {strides = array<i32>} : memref<8x256xf32, #tpu.memory_space<vmem>>, vector<16xf32>, vector<16xi1>
        %add3A_325 = arith.addi %add3A_314, %squeeze3A_224 : i32
        %min3A_326 = arith.constant 240 : i32
        %min3A_327 = arith.minsi %add3A_325, %min3A_326 : i32
        %lt3A_328 = arith.constant 241 : i32
        %lt3A_329 = arith.cmpi slt, %add3A_325, %lt3A_328 : i32
        %and3A_330 = vector.broadcast %lt3A_329 : i1 to vector<16xi1>
        %and3A_331 = arith.andi %gt3A_236, %and3A_330 : vector<16xi1>
        %swap3A_332 = arith.constant 0 : i32
        %swap3A_333 = arith.index_cast %swap3A_332 : i32 to index
        %swap3A_334 = arith.index_cast %min3A_327 : i32 to index
        %swap3A_335 = tpu.vector_load %arg6[%swap3A_333, %swap3A_334] masked %and3A_331 {strides = array<i32>} : memref<8x256xf32, #tpu.memory_space<vmem>>, vector<16xf32>, vector<16xi1>
        tpu.vector_store %arg6[%swap3A_333, %swap3A_334], %get3A_234 masked %and3A_331 {strides = array<i32>} : memref<8x256xf32, #tpu.memory_space<vmem>>, vector<16xf32>, vector<16xi1>
        %add3A_336 = arith.addi %add3A_325, %squeeze3A_239 : i32
        %min3A_337 = arith.constant 240 : i32
        %min3A_338 = arith.minsi %add3A_336, %min3A_337 : i32
        %lt3A_339 = arith.constant 241 : i32
        %lt3A_340 = arith.cmpi slt, %add3A_336, %lt3A_339 : i32
        %and3A_341 = vector.broadcast %lt3A_340 : i1 to vector<16xi1>
        %and3A_342 = arith.andi %gt3A_251, %and3A_341 : vector<16xi1>
        %swap3A_343 = arith.constant 0 : i32
        %swap3A_344 = arith.index_cast %swap3A_343 : i32 to index
        %swap3A_345 = arith.index_cast %min3A_338 : i32 to index
        %swap3A_346 = tpu.vector_load %arg6[%swap3A_344, %swap3A_345] masked %and3A_342 {strides = array<i32>} : memref<8x256xf32, #tpu.memory_space<vmem>>, vector<16xf32>, vector<16xi1>
        tpu.vector_store %arg6[%swap3A_344, %swap3A_345], %get3A_249 masked %and3A_342 {strides = array<i32>} : memref<8x256xf32, #tpu.memory_space<vmem>>, vector<16xf32>, vector<16xi1>
        %add3A_347 = arith.addi %add3A_336, %squeeze3A_254 : i32
        %min3A_348 = arith.constant 240 : i32
        %min3A_349 = arith.minsi %add3A_347, %min3A_348 : i32
        %lt3A_350 = arith.constant 241 : i32
        %lt3A_351 = arith.cmpi slt, %add3A_347, %lt3A_350 : i32
        %and3A_352 = vector.broadcast %lt3A_351 : i1 to vector<16xi1>
        %and3A_353 = arith.andi %gt3A_266, %and3A_352 : vector<16xi1>
        %swap3A_354 = arith.constant 0 : i32
        %swap3A_355 = arith.index_cast %swap3A_354 : i32 to index
        %swap3A_356 = arith.index_cast %min3A_349 : i32 to index
        %swap3A_357 = tpu.vector_load %arg6[%swap3A_355, %swap3A_356] masked %and3A_353 {strides = array<i32>} : memref<8x256xf32, #tpu.memory_space<vmem>>, vector<16xf32>, vector<16xi1>
        tpu.vector_store %arg6[%swap3A_355, %swap3A_356], %get3A_264 masked %and3A_353 {strides = array<i32>} : memref<8x256xf32, #tpu.memory_space<vmem>>, vector<16xf32>, vector<16xi1>
        %add3A_358 = arith.addi %add3A_347, %squeeze3A_269 : i32
        %min3A_359 = arith.constant 240 : i32
        %min3A_360 = arith.minsi %add3A_358, %min3A_359 : i32
        %lt3A_361 = arith.constant 241 : i32
        %lt3A_362 = arith.cmpi slt, %add3A_358, %lt3A_361 : i32
        %and3A_363 = vector.broadcast %lt3A_362 : i1 to vector<16xi1>
        %and3A_364 = arith.andi %gt3A_281, %and3A_363 : vector<16xi1>
        %swap3A_365 = arith.constant 0 : i32
        %swap3A_366 = arith.index_cast %swap3A_365 : i32 to index
        %swap3A_367 = arith.index_cast %min3A_360 : i32 to index
        %swap3A_368 = tpu.vector_load %arg6[%swap3A_366, %swap3A_367] masked %and3A_364 {strides = array<i32>} : memref<8x256xf32, #tpu.memory_space<vmem>>, vector<16xf32>, vector<16xi1>
        tpu.vector_store %arg6[%swap3A_366, %swap3A_367], %get3A_279 masked %and3A_364 {strides = array<i32>} : memref<8x256xf32, #tpu.memory_space<vmem>>, vector<16xf32>, vector<16xi1>
        %add3A_369 = arith.addi %add3A_358, %squeeze3A_284 : i32
        scf.yield %add3A_369 : i32
      }
      %scan3A_40 = arith.constant 32 : i32
      %scan3A_41 = arith.constant 0 : i32
      %scan3A_42 = arith.constant 0 : i32
      %scan3A_43 = arith.constant 32 : i32
      %scan3A_44 = arith.addi %scan3A_42, %scan3A_43 : i32
      %scan3A_45 = arith.constant 1 : i32
      %scan3A_46 = scf.for %scan3A_168 = %scan3A_42 to %scan3A_44 step %scan3A_45 iter_args(%scan3A_169 = %scan3A_41) -> (i32)  : i32 {
        %mul3A_170 = arith.constant 8 : i32
        %mul3A_171 = arith.muli %scan3A_168, %mul3A_170 : i32
        %add3A_172 = arith.constant 0 : i32
        %add3A_173 = arith.addi %mul3A_171, %add3A_172 : i32
        %mul3A_174 = arith.constant 16 : i32
        %mul3A_175 = arith.muli %add3A_173, %mul3A_174 : i32
        %get3A = arith.constant 1 : i32
        %get3A_176 = arith.index_cast %get3A : i32 to index
        %get3A_177 = arith.index_cast %mul3A_175 : i32 to index
        %get3A_178 = tpu.vector_load %arg4[%get3A_176, %get3A_177] {strides = array<i32>} : memref<8x4096xf32, #tpu.memory_space<vmem>>, vector<16xf32>,
        %gt3A = vector.broadcast %scan3A : f32 to vector<16xf32>
        %gt3A_179 = arith.cmpf ogt, %get3A_178, %gt3A : vector<16xf32>
        %all_reduce_population_count3A = tpu.all_reduce %gt3A_179 {dim = 0 : i64, kind = #tpu.reduction_kind<sum>} : vector<16xi1> -> vector<16xi32>
        %slice3A = vector.extract_strided_slice %all_reduce_population_count3A {offsets = [0], sizes = [1], strides = [1]} : vector<16xi32> to vector<1xi32>
        %squeeze3A = vector.extract %slice3A[0] : i32 from vector<1xi32>
        %mul3A_180 = arith.constant 8 : i32
        %mul3A_181 = arith.muli %scan3A_168, %mul3A_180 : i32
        %add3A_182 = arith.constant 1 : i32
        %add3A_183 = arith.addi %mul3A_181, %add3A_182 : i32
        %mul3A_184 = arith.constant 16 : i32
        %mul3A_185 = arith.muli %add3A_183, %mul3A_184 : i32
        %get3A_186 = arith.constant 1 : i32
        %get3A_187 = arith.index_cast %get3A_186 : i32 to index
        %get3A_188 = arith.index_cast %mul3A_185 : i32 to index
        %get3A_189 = tpu.vector_load %arg4[%get3A_187, %get3A_188] {strides = array<i32>} : memref<8x4096xf32, #tpu.memory_space<vmem>>, vector<16xf32>,
        %gt3A_190 = vector.broadcast %scan3A : f32 to vector<16xf32>
        %gt3A_191 = arith.cmpf ogt, %get3A_189, %gt3A_190 : vector<16xf32>
        %all_reduce_population_count3A_192 = tpu.all_reduce %gt3A_191 {dim = 0 : i64, kind = #tpu.reduction_kind<sum>} : vector<16xi1> -> vector<16xi32>
        %slice3A_193 = vector.extract_strided_slice %all_reduce_population_count3A_192 {offsets = [0], sizes = [1], strides = [1]} : vector<16xi32> to vector<1xi32>
        %squeeze3A_194 = vector.extract %slice3A_193[0] : i32 from vector<1xi32>
        %mul3A_195 = arith.constant 8 : i32
        %mul3A_196 = arith.muli %scan3A_168, %mul3A_195 : i32
        %add3A_197 = arith.constant 2 : i32
        %add3A_198 = arith.addi %mul3A_196, %add3A_197 : i32
        %mul3A_199 = arith.constant 16 : i32
        %mul3A_200 = arith.muli %add3A_198, %mul3A_199 : i32
        %get3A_201 = arith.constant 1 : i32
        %get3A_202 = arith.index_cast %get3A_201 : i32 to index
        %get3A_203 = arith.index_cast %mul3A_200 : i32 to index
        %get3A_204 = tpu.vector_load %arg4[%get3A_202, %get3A_203] {strides = array<i32>} : memref<8x4096xf32, #tpu.memory_space<vmem>>, vector<16xf32>,
        %gt3A_205 = vector.broadcast %scan3A : f32 to vector<16xf32>
        %gt3A_206 = arith.cmpf ogt, %get3A_204, %gt3A_205 : vector<16xf32>
        %all_reduce_population_count3A_207 = tpu.all_reduce %gt3A_206 {dim = 0 : i64, kind = #tpu.reduction_kind<sum>} : vector<16xi1> -> vector<16xi32>
        %slice3A_208 = vector.extract_strided_slice %all_reduce_population_count3A_207 {offsets = [0], sizes = [1], strides = [1]} : vector<16xi32> to vector<1xi32>
        %squeeze3A_209 = vector.extract %slice3A_208[0] : i32 from vector<1xi32>
        %mul3A_210 = arith.constant 8 : i32
        %mul3A_211 = arith.muli %scan3A_168, %mul3A_210 : i32
        %add3A_212 = arith.constant 3 : i32
        %add3A_213 = arith.addi %mul3A_211, %add3A_212 : i32
        %mul3A_214 = arith.constant 16 : i32
        %mul3A_215 = arith.muli %add3A_213, %mul3A_214 : i32
        %get3A_216 = arith.constant 1 : i32
        %get3A_217 = arith.index_cast %get3A_216 : i32 to index
        %get3A_218 = arith.index_cast %mul3A_215 : i32 to index
        %get3A_219 = tpu.vector_load %arg4[%get3A_217, %get3A_218] {strides = array<i32>} : memref<8x4096xf32, #tpu.memory_space<vmem>>, vector<16xf32>,
        %gt3A_220 = vector.broadcast %scan3A : f32 to vector<16xf32>
        %gt3A_221 = arith.cmpf ogt, %get3A_219, %gt3A_220 : vector<16xf32>
        %all_reduce_population_count3A_222 = tpu.all_reduce %gt3A_221 {dim = 0 : i64, kind = #tpu.reduction_kind<sum>} : vector<16xi1> -> vector<16xi32>
        %slice3A_223 = vector.extract_strided_slice %all_reduce_population_count3A_222 {offsets = [0], sizes = [1], strides = [1]} : vector<16xi32> to vector<1xi32>
        %squeeze3A_224 = vector.extract %slice3A_223[0] : i32 from vector<1xi32>
        %mul3A_225 = arith.constant 8 : i32
        %mul3A_226 = arith.muli %scan3A_168, %mul3A_225 : i32
        %add3A_227 = arith.constant 4 : i32
        %add3A_228 = arith.addi %mul3A_226, %add3A_227 : i32
        %mul3A_229 = arith.constant 16 : i32
        %mul3A_230 = arith.muli %add3A_228, %mul3A_229 : i32
        %get3A_231 = arith.constant 1 : i32
        %get3A_232 = arith.index_cast %get3A_231 : i32 to index
        %get3A_233 = arith.index_cast %mul3A_230 : i32 to index
        %get3A_234 = tpu.vector_load %arg4[%get3A_232, %get3A_233] {strides = array<i32>} : memref<8x4096xf32, #tpu.memory_space<vmem>>, vector<16xf32>,
        %gt3A_235 = vector.broadcast %scan3A : f32 to vector<16xf32>
        %gt3A_236 = arith.cmpf ogt, %get3A_234, %gt3A_235 : vector<16xf32>
        %all_reduce_population_count3A_237 = tpu.all_reduce %gt3A_236 {dim = 0 : i64, kind = #tpu.reduction_kind<sum>} : vector<16xi1> -> vector<16xi32>
        %slice3A_238 = vector.extract_strided_slice %all_reduce_population_count3A_237 {offsets = [0], sizes = [1], strides = [1]} : vector<16xi32> to vector<1xi32>
        %squeeze3A_239 = vector.extract %slice3A_238[0] : i32 from vector<1xi32>
        %mul3A_240 = arith.constant 8 : i32
        %mul3A_241 = arith.muli %scan3A_168, %mul3A_240 : i32
        %add3A_242 = arith.constant 5 : i32
        %add3A_243 = arith.addi %mul3A_241, %add3A_242 : i32
        %mul3A_244 = arith.constant 16 : i32
        %mul3A_245 = arith.muli %add3A_243, %mul3A_244 : i32
        %get3A_246 = arith.constant 1 : i32
        %get3A_247 = arith.index_cast %get3A_246 : i32 to index
        %get3A_248 = arith.index_cast %mul3A_245 : i32 to index
        %get3A_249 = tpu.vector_load %arg4[%get3A_247, %get3A_248] {strides = array<i32>} : memref<8x4096xf32, #tpu.memory_space<vmem>>, vector<16xf32>,
        %gt3A_250 = vector.broadcast %scan3A : f32 to vector<16xf32>
        %gt3A_251 = arith.cmpf ogt, %get3A_249, %gt3A_250 : vector<16xf32>
        %all_reduce_population_count3A_252 = tpu.all_reduce %gt3A_251 {dim = 0 : i64, kind = #tpu.reduction_kind<sum>} : vector<16xi1> -> vector<16xi32>
        %slice3A_253 = vector.extract_strided_slice %all_reduce_population_count3A_252 {offsets = [0], sizes = [1], strides = [1]} : vector<16xi32> to vector<1xi32>
        %squeeze3A_254 = vector.extract %slice3A_253[0] : i32 from vector<1xi32>
        %mul3A_255 = arith.constant 8 : i32
        %mul3A_256 = arith.muli %scan3A_168, %mul3A_255 : i32
        %add3A_257 = arith.constant 6 : i32
        %add3A_258 = arith.addi %mul3A_256, %add3A_257 : i32
        %mul3A_259 = arith.constant 16 : i32
        %mul3A_260 = arith.muli %add3A_258, %mul3A_259 : i32
        %get3A_261 = arith.constant 1 : i32
        %get3A_262 = arith.index_cast %get3A_261 : i32 to index
        %get3A_263 = arith.index_cast %mul3A_260 : i32 to index
        %get3A_264 = tpu.vector_load %arg4[%get3A_262, %get3A_263] {strides = array<i32>} : memref<8x4096xf32, #tpu.memory_space<vmem>>, vector<16xf32>,
        %gt3A_265 = vector.broadcast %scan3A : f32 to vector<16xf32>
        %gt3A_266 = arith.cmpf ogt, %get3A_264, %gt3A_265 : vector<16xf32>
        %all_reduce_population_count3A_267 = tpu.all_reduce %gt3A_266 {dim = 0 : i64, kind = #tpu.reduction_kind<sum>} : vector<16xi1> -> vector<16xi32>
        %slice3A_268 = vector.extract_strided_slice %all_reduce_population_count3A_267 {offsets = [0], sizes = [1], strides = [1]} : vector<16xi32> to vector<1xi32>
        %squeeze3A_269 = vector.extract %slice3A_268[0] : i32 from vector<1xi32>
        %mul3A_270 = arith.constant 8 : i32
        %mul3A_271 = arith.muli %scan3A_168, %mul3A_270 : i32
        %add3A_272 = arith.constant 7 : i32
        %add3A_273 = arith.addi %mul3A_271, %add3A_272 : i32
        %mul3A_274 = arith.constant 16 : i32
        %mul3A_275 = arith.muli %add3A_273, %mul3A_274 : i32
        %get3A_276 = arith.constant 1 : i32
        %get3A_277 = arith.index_cast %get3A_276 : i32 to index
        %get3A_278 = arith.index_cast %mul3A_275 : i32 to index
        %get3A_279 = tpu.vector_load %arg4[%get3A_277, %get3A_278] {strides = array<i32>} : memref<8x4096xf32, #tpu.memory_space<vmem>>, vector<16xf32>,
        %gt3A_280 = vector.broadcast %scan3A : f32 to vector<16xf32>
        %gt3A_281 = arith.cmpf ogt, %get3A_279, %gt3A_280 : vector<16xf32>
        %all_reduce_population_count3A_282 = tpu.all_reduce %gt3A_281 {dim = 0 : i64, kind = #tpu.reduction_kind<sum>} : vector<16xi1> -> vector<16xi32>
        %slice3A_283 = vector.extract_strided_slice %all_reduce_population_count3A_282 {offsets = [0], sizes = [1], strides = [1]} : vector<16xi32> to vector<1xi32>
        %squeeze3A_284 = vector.extract %slice3A_283[0] : i32 from vector<1xi32>
        %min3A = arith.constant 240 : i32
        %min3A_285 = arith.minsi %scan3A_169, %min3A : i32
        %lt3A_286 = arith.constant 241 : i32
        %lt3A_287 = arith.cmpi slt, %scan3A_169, %lt3A_286 : i32
        %and3A = vector.broadcast %lt3A_287 : i1 to vector<16xi1>
        %and3A_288 = arith.andi %gt3A_179, %and3A : vector<16xi1>
        %swap3A = arith.constant 1 : i32
        %swap3A_289 = arith.index_cast %swap3A : i32 to index
        %swap3A_290 = arith.index_cast %min3A_285 : i32 to index
        %swap3A_291 = tpu.vector_load %arg6[%swap3A_289, %swap3A_290] masked %and3A_288 {strides = array<i32>} : memref<8x256xf32, #tpu.memory_space<vmem>>, vector<16xf32>, vector<16xi1>
        tpu.vector_store %arg6[%swap3A_289, %swap3A_290], %get3A_178 masked %and3A_288 {strides = array<i32>} : memref<8x256xf32, #tpu.memory_space<vmem>>, vector<16xf32>, vector<16xi1>
        %add3A_292 = arith.addi %scan3A_169, %squeeze3A : i32
        %min3A_293 = arith.constant 240 : i32
        %min3A_294 = arith.minsi %add3A_292, %min3A_293 : i32
        %lt3A_295 = arith.constant 241 : i32
        %lt3A_296 = arith.cmpi slt, %add3A_292, %lt3A_295 : i32
        %and3A_297 = vector.broadcast %lt3A_296 : i1 to vector<16xi1>
        %and3A_298 = arith.andi %gt3A_191, %and3A_297 : vector<16xi1>
        %swap3A_299 = arith.constant 1 : i32
        %swap3A_300 = arith.index_cast %swap3A_299 : i32 to index
        %swap3A_301 = arith.index_cast %min3A_294 : i32 to index
        %swap3A_302 = tpu.vector_load %arg6[%swap3A_300, %swap3A_301] masked %and3A_298 {strides = array<i32>} : memref<8x256xf32, #tpu.memory_space<vmem>>, vector<16xf32>, vector<16xi1>
        tpu.vector_store %arg6[%swap3A_300, %swap3A_301], %get3A_189 masked %and3A_298 {strides = array<i32>} : memref<8x256xf32, #tpu.memory_space<vmem>>, vector<16xf32>, vector<16xi1>
        %add3A_303 = arith.addi %add3A_292, %squeeze3A_194 : i32
        %min3A_304 = arith.constant 240 : i32
        %min3A_305 = arith.minsi %add3A_303, %min3A_304 : i32
        %lt3A_306 = arith.constant 241 : i32
        %lt3A_307 = arith.cmpi slt, %add3A_303, %lt3A_306 : i32
        %and3A_308 = vector.broadcast %lt3A_307 : i1 to vector<16xi1>
        %and3A_309 = arith.andi %gt3A_206, %and3A_308 : vector<16xi1>
        %swap3A_310 = arith.constant 1 : i32
        %swap3A_311 = arith.index_cast %swap3A_310 : i32 to index
        %swap3A_312 = arith.index_cast %min3A_305 : i32 to index
        %swap3A_313 = tpu.vector_load %arg6[%swap3A_311, %swap3A_312] masked %and3A_309 {strides = array<i32>} : memref<8x256xf32, #tpu.memory_space<vmem>>, vector<16xf32>, vector<16xi1>
        tpu.vector_store %arg6[%swap3A_311, %swap3A_312], %get3A_204 masked %and3A_309 {strides = array<i32>} : memref<8x256xf32, #tpu.memory_space<vmem>>, vector<16xf32>, vector<16xi1>
        %add3A_314 = arith.addi %add3A_303, %squeeze3A_209 : i32
        %min3A_315 = arith.constant 240 : i32
        %min3A_316 = arith.minsi %add3A_314, %min3A_315 : i32
        %lt3A_317 = arith.constant 241 : i32
        %lt3A_318 = arith.cmpi slt, %add3A_314, %lt3A_317 : i32
        %and3A_319 = vector.broadcast %lt3A_318 : i1 to vector<16xi1>
        %and3A_320 = arith.andi %gt3A_221, %and3A_319 : vector<16xi1>
        %swap3A_321 = arith.constant 1 : i32
        %swap3A_322 = arith.index_cast %swap3A_321 : i32 to index
        %swap3A_323 = arith.index_cast %min3A_316 : i32 to index
        %swap3A_324 = tpu.vector_load %arg6[%swap3A_322, %swap3A_323] masked %and3A_320 {strides = array<i32>} : memref<8x256xf32, #tpu.memory_space<vmem>>, vector<16xf32>, vector<16xi1>
        tpu.vector_store %arg6[%swap3A_322, %swap3A_323], %get3A_219 masked %and3A_320 {strides = array<i32>} : memref<8x256xf32, #tpu.memory_space<vmem>>, vector<16xf32>, vector<16xi1>
        %add3A_325 = arith.addi %add3A_314, %squeeze3A_224 : i32
        %min3A_326 = arith.constant 240 : i32
        %min3A_327 = arith.minsi %add3A_325, %min3A_326 : i32
        %lt3A_328 = arith.constant 241 : i32
        %lt3A_329 = arith.cmpi slt, %add3A_325, %lt3A_328 : i32
        %and3A_330 = vector.broadcast %lt3A_329 : i1 to vector<16xi1>
        %and3A_331 = arith.andi %gt3A_236, %and3A_330 : vector<16xi1>
        %swap3A_332 = arith.constant 1 : i32
        %swap3A_333 = arith.index_cast %swap3A_332 : i32 to index
        %swap3A_334 = arith.index_cast %min3A_327 : i32 to index
        %swap3A_335 = tpu.vector_load %arg6[%swap3A_333, %swap3A_334] masked %and3A_331 {strides = array<i32>} : memref<8x256xf32, #tpu.memory_space<vmem>>, vector<16xf32>, vector<16xi1>
        tpu.vector_store %arg6[%swap3A_333, %swap3A_334], %get3A_234 masked %and3A_331 {strides = array<i32>} : memref<8x256xf32, #tpu.memory_space<vmem>>, vector<16xf32>, vector<16xi1>
        %add3A_336 = arith.addi %add3A_325, %squeeze3A_239 : i32
        %min3A_337 = arith.constant 240 : i32
        %min3A_338 = arith.minsi %add3A_336, %min3A_337 : i32
        %lt3A_339 = arith.constant 241 : i32
        %lt3A_340 = arith.cmpi slt, %add3A_336, %lt3A_339 : i32
        %and3A_341 = vector.broadcast %lt3A_340 : i1 to vector<16xi1>
        %and3A_342 = arith.andi %gt3A_251, %and3A_341 : vector<16xi1>
        %swap3A_343 = arith.constant 1 : i32
        %swap3A_344 = arith.index_cast %swap3A_343 : i32 to index
        %swap3A_345 = arith.index_cast %min3A_338 : i32 to index
        %swap3A_346 = tpu.vector_load %arg6[%swap3A_344, %swap3A_345] masked %and3A_342 {strides = array<i32>} : memref<8x256xf32, #tpu.memory_space<vmem>>, vector<16xf32>, vector<16xi1>
        tpu.vector_store %arg6[%swap3A_344, %swap3A_345], %get3A_249 masked %and3A_342 {strides = array<i32>} : memref<8x256xf32, #tpu.memory_space<vmem>>, vector<16xf32>, vector<16xi1>
        %add3A_347 = arith.addi %add3A_336, %squeeze3A_254 : i32
        %min3A_348 = arith.constant 240 : i32
        %min3A_349 = arith.minsi %add3A_347, %min3A_348 : i32
        %lt3A_350 = arith.constant 241 : i32
        %lt3A_351 = arith.cmpi slt, %add3A_347, %lt3A_350 : i32
        %and3A_352 = vector.broadcast %lt3A_351 : i1 to vector<16xi1>
        %and3A_353 = arith.andi %gt3A_266, %and3A_352 : vector<16xi1>
        %swap3A_354 = arith.constant 1 : i32
        %swap3A_355 = arith.index_cast %swap3A_354 : i32 to index
        %swap3A_356 = arith.index_cast %min3A_349 : i32 to index
        %swap3A_357 = tpu.vector_load %arg6[%swap3A_355, %swap3A_356] masked %and3A_353 {strides = array<i32>} : memref<8x256xf32, #tpu.memory_space<vmem>>, vector<16xf32>, vector<16xi1>
        tpu.vector_store %arg6[%swap3A_355, %swap3A_356], %get3A_264 masked %and3A_353 {strides = array<i32>} : memref<8x256xf32, #tpu.memory_space<vmem>>, vector<16xf32>, vector<16xi1>
        %add3A_358 = arith.addi %add3A_347, %squeeze3A_269 : i32
        %min3A_359 = arith.constant 240 : i32
        %min3A_360 = arith.minsi %add3A_358, %min3A_359 : i32
        %lt3A_361 = arith.constant 241 : i32
        %lt3A_362 = arith.cmpi slt, %add3A_358, %lt3A_361 : i32
        %and3A_363 = vector.broadcast %lt3A_362 : i1 to vector<16xi1>
        %and3A_364 = arith.andi %gt3A_281, %and3A_363 : vector<16xi1>
        %swap3A_365 = arith.constant 1 : i32
        %swap3A_366 = arith.index_cast %swap3A_365 : i32 to index
        %swap3A_367 = arith.index_cast %min3A_360 : i32 to index
        %swap3A_368 = tpu.vector_load %arg6[%swap3A_366, %swap3A_367] masked %and3A_364 {strides = array<i32>} : memref<8x256xf32, #tpu.memory_space<vmem>>, vector<16xf32>, vector<16xi1>
        tpu.vector_store %arg6[%swap3A_366, %swap3A_367], %get3A_279 masked %and3A_364 {strides = array<i32>} : memref<8x256xf32, #tpu.memory_space<vmem>>, vector<16xf32>, vector<16xi1>
        %add3A_369 = arith.addi %add3A_358, %squeeze3A_284 : i32
        scf.yield %add3A_369 : i32
      }
      %scan3A_47 = arith.constant 32 : i32
      %scan3A_48 = arith.constant 0 : i32
      %scan3A_49 = arith.constant 0 : i32
      %scan3A_50 = arith.constant 32 : i32
      %scan3A_51 = arith.addi %scan3A_49, %scan3A_50 : i32
      %scan3A_52 = arith.constant 1 : i32
      %scan3A_53 = scf.for %scan3A_168 = %scan3A_49 to %scan3A_51 step %scan3A_52 iter_args(%scan3A_169 = %scan3A_48) -> (i32)  : i32 {
        %mul3A_170 = arith.constant 8 : i32
        %mul3A_171 = arith.muli %scan3A_168, %mul3A_170 : i32
        %add3A_172 = arith.constant 0 : i32
        %add3A_173 = arith.addi %mul3A_171, %add3A_172 : i32
        %mul3A_174 = arith.constant 16 : i32
        %mul3A_175 = arith.muli %add3A_173, %mul3A_174 : i32
        %get3A = arith.constant 2 : i32
        %get3A_176 = arith.index_cast %get3A : i32 to index
        %get3A_177 = arith.index_cast %mul3A_175 : i32 to index
        %get3A_178 = tpu.vector_load %arg4[%get3A_176, %get3A_177] {strides = array<i32>} : memref<8x4096xf32, #tpu.memory_space<vmem>>, vector<16xf32>,
        %gt3A = vector.broadcast %scan3A : f32 to vector<16xf32>
        %gt3A_179 = arith.cmpf ogt, %get3A_178, %gt3A : vector<16xf32>
        %all_reduce_population_count3A = tpu.all_reduce %gt3A_179 {dim = 0 : i64, kind = #tpu.reduction_kind<sum>} : vector<16xi1> -> vector<16xi32>
        %slice3A = vector.extract_strided_slice %all_reduce_population_count3A {offsets = [0], sizes = [1], strides = [1]} : vector<16xi32> to vector<1xi32>
        %squeeze3A = vector.extract %slice3A[0] : i32 from vector<1xi32>
        %mul3A_180 = arith.constant 8 : i32
        %mul3A_181 = arith.muli %scan3A_168, %mul3A_180 : i32
        %add3A_182 = arith.constant 1 : i32
        %add3A_183 = arith.addi %mul3A_181, %add3A_182 : i32
        %mul3A_184 = arith.constant 16 : i32
        %mul3A_185 = arith.muli %add3A_183, %mul3A_184 : i32
        %get3A_186 = arith.constant 2 : i32
        %get3A_187 = arith.index_cast %get3A_186 : i32 to index
        %get3A_188 = arith.index_cast %mul3A_185 : i32 to index
        %get3A_189 = tpu.vector_load %arg4[%get3A_187, %get3A_188] {strides = array<i32>} : memref<8x4096xf32, #tpu.memory_space<vmem>>, vector<16xf32>,
        %gt3A_190 = vector.broadcast %scan3A : f32 to vector<16xf32>
        %gt3A_191 = arith.cmpf ogt, %get3A_189, %gt3A_190 : vector<16xf32>
        %all_reduce_population_count3A_192 = tpu.all_reduce %gt3A_191 {dim = 0 : i64, kind = #tpu.reduction_kind<sum>} : vector<16xi1> -> vector<16xi32>
        %slice3A_193 = vector.extract_strided_slice %all_reduce_population_count3A_192 {offsets = [0], sizes = [1], strides = [1]} : vector<16xi32> to vector<1xi32>
        %squeeze3A_194 = vector.extract %slice3A_193[0] : i32 from vector<1xi32>
        %mul3A_195 = arith.constant 8 : i32
        %mul3A_196 = arith.muli %scan3A_168, %mul3A_195 : i32
        %add3A_197 = arith.constant 2 : i32
        %add3A_198 = arith.addi %mul3A_196, %add3A_197 : i32
        %mul3A_199 = arith.constant 16 : i32
        %mul3A_200 = arith.muli %add3A_198, %mul3A_199 : i32
        %get3A_201 = arith.constant 2 : i32
        %get3A_202 = arith.index_cast %get3A_201 : i32 to index
        %get3A_203 = arith.index_cast %mul3A_200 : i32 to index
        %get3A_204 = tpu.vector_load %arg4[%get3A_202, %get3A_203] {strides = array<i32>} : memref<8x4096xf32, #tpu.memory_space<vmem>>, vector<16xf32>,
        %gt3A_205 = vector.broadcast %scan3A : f32 to vector<16xf32>
        %gt3A_206 = arith.cmpf ogt, %get3A_204, %gt3A_205 : vector<16xf32>
        %all_reduce_population_count3A_207 = tpu.all_reduce %gt3A_206 {dim = 0 : i64, kind = #tpu.reduction_kind<sum>} : vector<16xi1> -> vector<16xi32>
        %slice3A_208 = vector.extract_strided_slice %all_reduce_population_count3A_207 {offsets = [0], sizes = [1], strides = [1]} : vector<16xi32> to vector<1xi32>
        %squeeze3A_209 = vector.extract %slice3A_208[0] : i32 from vector<1xi32>
        %mul3A_210 = arith.constant 8 : i32
        %mul3A_211 = arith.muli %scan3A_168, %mul3A_210 : i32
        %add3A_212 = arith.constant 3 : i32
        %add3A_213 = arith.addi %mul3A_211, %add3A_212 : i32
        %mul3A_214 = arith.constant 16 : i32
        %mul3A_215 = arith.muli %add3A_213, %mul3A_214 : i32
        %get3A_216 = arith.constant 2 : i32
        %get3A_217 = arith.index_cast %get3A_216 : i32 to index
        %get3A_218 = arith.index_cast %mul3A_215 : i32 to index
        %get3A_219 = tpu.vector_load %arg4[%get3A_217, %get3A_218] {strides = array<i32>} : memref<8x4096xf32, #tpu.memory_space<vmem>>, vector<16xf32>,
        %gt3A_220 = vector.broadcast %scan3A : f32 to vector<16xf32>
        %gt3A_221 = arith.cmpf ogt, %get3A_219, %gt3A_220 : vector<16xf32>
        %all_reduce_population_count3A_222 = tpu.all_reduce %gt3A_221 {dim = 0 : i64, kind = #tpu.reduction_kind<sum>} : vector<16xi1> -> vector<16xi32>
        %slice3A_223 = vector.extract_strided_slice %all_reduce_population_count3A_222 {offsets = [0], sizes = [1], strides = [1]} : vector<16xi32> to vector<1xi32>
        %squeeze3A_224 = vector.extract %slice3A_223[0] : i32 from vector<1xi32>
        %mul3A_225 = arith.constant 8 : i32
        %mul3A_226 = arith.muli %scan3A_168, %mul3A_225 : i32
        %add3A_227 = arith.constant 4 : i32
        %add3A_228 = arith.addi %mul3A_226, %add3A_227 : i32
        %mul3A_229 = arith.constant 16 : i32
        %mul3A_230 = arith.muli %add3A_228, %mul3A_229 : i32
        %get3A_231 = arith.constant 2 : i32
        %get3A_232 = arith.index_cast %get3A_231 : i32 to index
        %get3A_233 = arith.index_cast %mul3A_230 : i32 to index
        %get3A_234 = tpu.vector_load %arg4[%get3A_232, %get3A_233] {strides = array<i32>} : memref<8x4096xf32, #tpu.memory_space<vmem>>, vector<16xf32>,
        %gt3A_235 = vector.broadcast %scan3A : f32 to vector<16xf32>
        %gt3A_236 = arith.cmpf ogt, %get3A_234, %gt3A_235 : vector<16xf32>
        %all_reduce_population_count3A_237 = tpu.all_reduce %gt3A_236 {dim = 0 : i64, kind = #tpu.reduction_kind<sum>} : vector<16xi1> -> vector<16xi32>
        %slice3A_238 = vector.extract_strided_slice %all_reduce_population_count3A_237 {offsets = [0], sizes = [1], strides = [1]} : vector<16xi32> to vector<1xi32>
        %squeeze3A_239 = vector.extract %slice3A_238[0] : i32 from vector<1xi32>
        %mul3A_240 = arith.constant 8 : i32
        %mul3A_241 = arith.muli %scan3A_168, %mul3A_240 : i32
        %add3A_242 = arith.constant 5 : i32
        %add3A_243 = arith.addi %mul3A_241, %add3A_242 : i32
        %mul3A_244 = arith.constant 16 : i32
        %mul3A_245 = arith.muli %add3A_243, %mul3A_244 : i32
        %get3A_246 = arith.constant 2 : i32
        %get3A_247 = arith.index_cast %get3A_246 : i32 to index
        %get3A_248 = arith.index_cast %mul3A_245 : i32 to index
        %get3A_249 = tpu.vector_load %arg4[%get3A_247, %get3A_248] {strides = array<i32>} : memref<8x4096xf32, #tpu.memory_space<vmem>>, vector<16xf32>,
        %gt3A_250 = vector.broadcast %scan3A : f32 to vector<16xf32>
        %gt3A_251 = arith.cmpf ogt, %get3A_249, %gt3A_250 : vector<16xf32>
        %all_reduce_population_count3A_252 = tpu.all_reduce %gt3A_251 {dim = 0 : i64, kind = #tpu.reduction_kind<sum>} : vector<16xi1> -> vector<16xi32>
        %slice3A_253 = vector.extract_strided_slice %all_reduce_population_count3A_252 {offsets = [0], sizes = [1], strides = [1]} : vector<16xi32> to vector<1xi32>
        %squeeze3A_254 = vector.extract %slice3A_253[0] : i32 from vector<1xi32>
        %mul3A_255 = arith.constant 8 : i32
        %mul3A_256 = arith.muli %scan3A_168, %mul3A_255 : i32
        %add3A_257 = arith.constant 6 : i32
        %add3A_258 = arith.addi %mul3A_256, %add3A_257 : i32
        %mul3A_259 = arith.constant 16 : i32
        %mul3A_260 = arith.muli %add3A_258, %mul3A_259 : i32
        %get3A_261 = arith.constant 2 : i32
        %get3A_262 = arith.index_cast %get3A_261 : i32 to index
        %get3A_263 = arith.index_cast %mul3A_260 : i32 to index
        %get3A_264 = tpu.vector_load %arg4[%get3A_262, %get3A_263] {strides = array<i32>} : memref<8x4096xf32, #tpu.memory_space<vmem>>, vector<16xf32>,
        %gt3A_265 = vector.broadcast %scan3A : f32 to vector<16xf32>
        %gt3A_266 = arith.cmpf ogt, %get3A_264, %gt3A_265 : vector<16xf32>
        %all_reduce_population_count3A_267 = tpu.all_reduce %gt3A_266 {dim = 0 : i64, kind = #tpu.reduction_kind<sum>} : vector<16xi1> -> vector<16xi32>
        %slice3A_268 = vector.extract_strided_slice %all_reduce_population_count3A_267 {offsets = [0], sizes = [1], strides = [1]} : vector<16xi32> to vector<1xi32>
        %squeeze3A_269 = vector.extract %slice3A_268[0] : i32 from vector<1xi32>
        %mul3A_270 = arith.constant 8 : i32
        %mul3A_271 = arith.muli %scan3A_168, %mul3A_270 : i32
        %add3A_272 = arith.constant 7 : i32
        %add3A_273 = arith.addi %mul3A_271, %add3A_272 : i32
        %mul3A_274 = arith.constant 16 : i32
        %mul3A_275 = arith.muli %add3A_273, %mul3A_274 : i32
        %get3A_276 = arith.constant 2 : i32
        %get3A_277 = arith.index_cast %get3A_276 : i32 to index
        %get3A_278 = arith.index_cast %mul3A_275 : i32 to index
        %get3A_279 = tpu.vector_load %arg4[%get3A_277, %get3A_278] {strides = array<i32>} : memref<8x4096xf32, #tpu.memory_space<vmem>>, vector<16xf32>,
        %gt3A_280 = vector.broadcast %scan3A : f32 to vector<16xf32>
        %gt3A_281 = arith.cmpf ogt, %get3A_279, %gt3A_280 : vector<16xf32>
        %all_reduce_population_count3A_282 = tpu.all_reduce %gt3A_281 {dim = 0 : i64, kind = #tpu.reduction_kind<sum>} : vector<16xi1> -> vector<16xi32>
        %slice3A_283 = vector.extract_strided_slice %all_reduce_population_count3A_282 {offsets = [0], sizes = [1], strides = [1]} : vector<16xi32> to vector<1xi32>
        %squeeze3A_284 = vector.extract %slice3A_283[0] : i32 from vector<1xi32>
        %min3A = arith.constant 240 : i32
        %min3A_285 = arith.minsi %scan3A_169, %min3A : i32
        %lt3A_286 = arith.constant 241 : i32
        %lt3A_287 = arith.cmpi slt, %scan3A_169, %lt3A_286 : i32
        %and3A = vector.broadcast %lt3A_287 : i1 to vector<16xi1>
        %and3A_288 = arith.andi %gt3A_179, %and3A : vector<16xi1>
        %swap3A = arith.constant 2 : i32
        %swap3A_289 = arith.index_cast %swap3A : i32 to index
        %swap3A_290 = arith.index_cast %min3A_285 : i32 to index
        %swap3A_291 = tpu.vector_load %arg6[%swap3A_289, %swap3A_290] masked %and3A_288 {strides = array<i32>} : memref<8x256xf32, #tpu.memory_space<vmem>>, vector<16xf32>, vector<16xi1>
        tpu.vector_store %arg6[%swap3A_289, %swap3A_290], %get3A_178 masked %and3A_288 {strides = array<i32>} : memref<8x256xf32, #tpu.memory_space<vmem>>, vector<16xf32>, vector<16xi1>
        %add3A_292 = arith.addi %scan3A_169, %squeeze3A : i32
        %min3A_293 = arith.constant 240 : i32
        %min3A_294 = arith.minsi %add3A_292, %min3A_293 : i32
        %lt3A_295 = arith.constant 241 : i32
        %lt3A_296 = arith.cmpi slt, %add3A_292, %lt3A_295 : i32
        %and3A_297 = vector.broadcast %lt3A_296 : i1 to vector<16xi1>
        %and3A_298 = arith.andi %gt3A_191, %and3A_297 : vector<16xi1>
        %swap3A_299 = arith.constant 2 : i32
        %swap3A_300 = arith.index_cast %swap3A_299 : i32 to index
        %swap3A_301 = arith.index_cast %min3A_294 : i32 to index
        %swap3A_302 = tpu.vector_load %arg6[%swap3A_300, %swap3A_301] masked %and3A_298 {strides = array<i32>} : memref<8x256xf32, #tpu.memory_space<vmem>>, vector<16xf32>, vector<16xi1>
        tpu.vector_store %arg6[%swap3A_300, %swap3A_301], %get3A_189 masked %and3A_298 {strides = array<i32>} : memref<8x256xf32, #tpu.memory_space<vmem>>, vector<16xf32>, vector<16xi1>
        %add3A_303 = arith.addi %add3A_292, %squeeze3A_194 : i32
        %min3A_304 = arith.constant 240 : i32
        %min3A_305 = arith.minsi %add3A_303, %min3A_304 : i32
        %lt3A_306 = arith.constant 241 : i32
        %lt3A_307 = arith.cmpi slt, %add3A_303, %lt3A_306 : i32
        %and3A_308 = vector.broadcast %lt3A_307 : i1 to vector<16xi1>
        %and3A_309 = arith.andi %gt3A_206, %and3A_308 : vector<16xi1>
        %swap3A_310 = arith.constant 2 : i32
        %swap3A_311 = arith.index_cast %swap3A_310 : i32 to index
        %swap3A_312 = arith.index_cast %min3A_305 : i32 to index
        %swap3A_313 = tpu.vector_load %arg6[%swap3A_311, %swap3A_312] masked %and3A_309 {strides = array<i32>} : memref<8x256xf32, #tpu.memory_space<vmem>>, vector<16xf32>, vector<16xi1>
        tpu.vector_store %arg6[%swap3A_311, %swap3A_312], %get3A_204 masked %and3A_309 {strides = array<i32>} : memref<8x256xf32, #tpu.memory_space<vmem>>, vector<16xf32>, vector<16xi1>
        %add3A_314 = arith.addi %add3A_303, %squeeze3A_209 : i32
        %min3A_315 = arith.constant 240 : i32
        %min3A_316 = arith.minsi %add3A_314, %min3A_315 : i32
        %lt3A_317 = arith.constant 241 : i32
        %lt3A_318 = arith.cmpi slt, %add3A_314, %lt3A_317 : i32
        %and3A_319 = vector.broadcast %lt3A_318 : i1 to vector<16xi1>
        %and3A_320 = arith.andi %gt3A_221, %and3A_319 : vector<16xi1>
        %swap3A_321 = arith.constant 2 : i32
        %swap3A_322 = arith.index_cast %swap3A_321 : i32 to index
        %swap3A_323 = arith.index_cast %min3A_316 : i32 to index
        %swap3A_324 = tpu.vector_load %arg6[%swap3A_322, %swap3A_323] masked %and3A_320 {strides = array<i32>} : memref<8x256xf32, #tpu.memory_space<vmem>>, vector<16xf32>, vector<16xi1>
        tpu.vector_store %arg6[%swap3A_322, %swap3A_323], %get3A_219 masked %and3A_320 {strides = array<i32>} : memref<8x256xf32, #tpu.memory_space<vmem>>, vector<16xf32>, vector<16xi1>
        %add3A_325 = arith.addi %add3A_314, %squeeze3A_224 : i32
        %min3A_326 = arith.constant 240 : i32
        %min3A_327 = arith.minsi %add3A_325, %min3A_326 : i32
        %lt3A_328 = arith.constant 241 : i32
        %lt3A_329 = arith.cmpi slt, %add3A_325, %lt3A_328 : i32
        %and3A_330 = vector.broadcast %lt3A_329 : i1 to vector<16xi1>
        %and3A_331 = arith.andi %gt3A_236, %and3A_330 : vector<16xi1>
        %swap3A_332 = arith.constant 2 : i32
        %swap3A_333 = arith.index_cast %swap3A_332 : i32 to index
        %swap3A_334 = arith.index_cast %min3A_327 : i32 to index
        %swap3A_335 = tpu.vector_load %arg6[%swap3A_333, %swap3A_334] masked %and3A_331 {strides = array<i32>} : memref<8x256xf32, #tpu.memory_space<vmem>>, vector<16xf32>, vector<16xi1>
        tpu.vector_store %arg6[%swap3A_333, %swap3A_334], %get3A_234 masked %and3A_331 {strides = array<i32>} : memref<8x256xf32, #tpu.memory_space<vmem>>, vector<16xf32>, vector<16xi1>
        %add3A_336 = arith.addi %add3A_325, %squeeze3A_239 : i32
        %min3A_337 = arith.constant 240 : i32
        %min3A_338 = arith.minsi %add3A_336, %min3A_337 : i32
        %lt3A_339 = arith.constant 241 : i32
        %lt3A_340 = arith.cmpi slt, %add3A_336, %lt3A_339 : i32
        %and3A_341 = vector.broadcast %lt3A_340 : i1 to vector<16xi1>
        %and3A_342 = arith.andi %gt3A_251, %and3A_341 : vector<16xi1>
        %swap3A_343 = arith.constant 2 : i32
        %swap3A_344 = arith.index_cast %swap3A_343 : i32 to index
        %swap3A_345 = arith.index_cast %min3A_338 : i32 to index
        %swap3A_346 = tpu.vector_load %arg6[%swap3A_344, %swap3A_345] masked %and3A_342 {strides = array<i32>} : memref<8x256xf32, #tpu.memory_space<vmem>>, vector<16xf32>, vector<16xi1>
        tpu.vector_store %arg6[%swap3A_344, %swap3A_345], %get3A_249 masked %and3A_342 {strides = array<i32>} : memref<8x256xf32, #tpu.memory_space<vmem>>, vector<16xf32>, vector<16xi1>
        %add3A_347 = arith.addi %add3A_336, %squeeze3A_254 : i32
        %min3A_348 = arith.constant 240 : i32
        %min3A_349 = arith.minsi %add3A_347, %min3A_348 : i32
        %lt3A_350 = arith.constant 241 : i32
        %lt3A_351 = arith.cmpi slt, %add3A_347, %lt3A_350 : i32
        %and3A_352 = vector.broadcast %lt3A_351 : i1 to vector<16xi1>
        %and3A_353 = arith.andi %gt3A_266, %and3A_352 : vector<16xi1>
        %swap3A_354 = arith.constant 2 : i32
        %swap3A_355 = arith.index_cast %swap3A_354 : i32 to index
        %swap3A_356 = arith.index_cast %min3A_349 : i32 to index
        %swap3A_357 = tpu.vector_load %arg6[%swap3A_355, %swap3A_356] masked %and3A_353 {strides = array<i32>} : memref<8x256xf32, #tpu.memory_space<vmem>>, vector<16xf32>, vector<16xi1>
        tpu.vector_store %arg6[%swap3A_355, %swap3A_356], %get3A_264 masked %and3A_353 {strides = array<i32>} : memref<8x256xf32, #tpu.memory_space<vmem>>, vector<16xf32>, vector<16xi1>
        %add3A_358 = arith.addi %add3A_347, %squeeze3A_269 : i32
        %min3A_359 = arith.constant 240 : i32
        %min3A_360 = arith.minsi %add3A_358, %min3A_359 : i32
        %lt3A_361 = arith.constant 241 : i32
        %lt3A_362 = arith.cmpi slt, %add3A_358, %lt3A_361 : i32
        %and3A_363 = vector.broadcast %lt3A_362 : i1 to vector<16xi1>
        %and3A_364 = arith.andi %gt3A_281, %and3A_363 : vector<16xi1>
        %swap3A_365 = arith.constant 2 : i32
        %swap3A_366 = arith.index_cast %swap3A_365 : i32 to index
        %swap3A_367 = arith.index_cast %min3A_360 : i32 to index
        %swap3A_368 = tpu.vector_load %arg6[%swap3A_366, %swap3A_367] masked %and3A_364 {strides = array<i32>} : memref<8x256xf32, #tpu.memory_space<vmem>>, vector<16xf32>, vector<16xi1>
        tpu.vector_store %arg6[%swap3A_366, %swap3A_367], %get3A_279 masked %and3A_364 {strides = array<i32>} : memref<8x256xf32, #tpu.memory_space<vmem>>, vector<16xf32>, vector<16xi1>
        %add3A_369 = arith.addi %add3A_358, %squeeze3A_284 : i32
        scf.yield %add3A_369 : i32
      }
      %scan3A_54 = arith.constant 32 : i32
      %scan3A_55 = arith.constant 0 : i32
      %scan3A_56 = arith.constant 0 : i32
      %scan3A_57 = arith.constant 32 : i32
      %scan3A_58 = arith.addi %scan3A_56, %scan3A_57 : i32
      %scan3A_59 = arith.constant 1 : i32
      %scan3A_60 = scf.for %scan3A_168 = %scan3A_56 to %scan3A_58 step %scan3A_59 iter_args(%scan3A_169 = %scan3A_55) -> (i32)  : i32 {
        %mul3A_170 = arith.constant 8 : i32
        %mul3A_171 = arith.muli %scan3A_168, %mul3A_170 : i32
        %add3A_172 = arith.constant 0 : i32
        %add3A_173 = arith.addi %mul3A_171, %add3A_172 : i32
        %mul3A_174 = arith.constant 16 : i32
        %mul3A_175 = arith.muli %add3A_173, %mul3A_174 : i32
        %get3A = arith.constant 3 : i32
        %get3A_176 = arith.index_cast %get3A : i32 to index
        %get3A_177 = arith.index_cast %mul3A_175 : i32 to index
        %get3A_178 = tpu.vector_load %arg4[%get3A_176, %get3A_177] {strides = array<i32>} : memref<8x4096xf32, #tpu.memory_space<vmem>>, vector<16xf32>,
        %gt3A = vector.broadcast %scan3A : f32 to vector<16xf32>
        %gt3A_179 = arith.cmpf ogt, %get3A_178, %gt3A : vector<16xf32>
        %all_reduce_population_count3A = tpu.all_reduce %gt3A_179 {dim = 0 : i64, kind = #tpu.reduction_kind<sum>} : vector<16xi1> -> vector<16xi32>
        %slice3A = vector.extract_strided_slice %all_reduce_population_count3A {offsets = [0], sizes = [1], strides = [1]} : vector<16xi32> to vector<1xi32>
        %squeeze3A = vector.extract %slice3A[0] : i32 from vector<1xi32>
        %mul3A_180 = arith.constant 8 : i32
        %mul3A_181 = arith.muli %scan3A_168, %mul3A_180 : i32
        %add3A_182 = arith.constant 1 : i32
        %add3A_183 = arith.addi %mul3A_181, %add3A_182 : i32
        %mul3A_184 = arith.constant 16 : i32
        %mul3A_185 = arith.muli %add3A_183, %mul3A_184 : i32
        %get3A_186 = arith.constant 3 : i32
        %get3A_187 = arith.index_cast %get3A_186 : i32 to index
        %get3A_188 = arith.index_cast %mul3A_185 : i32 to index
        %get3A_189 = tpu.vector_load %arg4[%get3A_187, %get3A_188] {strides = array<i32>} : memref<8x4096xf32, #tpu.memory_space<vmem>>, vector<16xf32>,
        %gt3A_190 = vector.broadcast %scan3A : f32 to vector<16xf32>
        %gt3A_191 = arith.cmpf ogt, %get3A_189, %gt3A_190 : vector<16xf32>
        %all_reduce_population_count3A_192 = tpu.all_reduce %gt3A_191 {dim = 0 : i64, kind = #tpu.reduction_kind<sum>} : vector<16xi1> -> vector<16xi32>
        %slice3A_193 = vector.extract_strided_slice %all_reduce_population_count3A_192 {offsets = [0], sizes = [1], strides = [1]} : vector<16xi32> to vector<1xi32>
        %squeeze3A_194 = vector.extract %slice3A_193[0] : i32 from vector<1xi32>
        %mul3A_195 = arith.constant 8 : i32
        %mul3A_196 = arith.muli %scan3A_168, %mul3A_195 : i32
        %add3A_197 = arith.constant 2 : i32
        %add3A_198 = arith.addi %mul3A_196, %add3A_197 : i32
        %mul3A_199 = arith.constant 16 : i32
        %mul3A_200 = arith.muli %add3A_198, %mul3A_199 : i32
        %get3A_201 = arith.constant 3 : i32
        %get3A_202 = arith.index_cast %get3A_201 : i32 to index
        %get3A_203 = arith.index_cast %mul3A_200 : i32 to index
        %get3A_204 = tpu.vector_load %arg4[%get3A_202, %get3A_203] {strides = array<i32>} : memref<8x4096xf32, #tpu.memory_space<vmem>>, vector<16xf32>,
        %gt3A_205 = vector.broadcast %scan3A : f32 to vector<16xf32>
        %gt3A_206 = arith.cmpf ogt, %get3A_204, %gt3A_205 : vector<16xf32>
        %all_reduce_population_count3A_207 = tpu.all_reduce %gt3A_206 {dim = 0 : i64, kind = #tpu.reduction_kind<sum>} : vector<16xi1> -> vector<16xi32>
        %slice3A_208 = vector.extract_strided_slice %all_reduce_population_count3A_207 {offsets = [0], sizes = [1], strides = [1]} : vector<16xi32> to vector<1xi32>
        %squeeze3A_209 = vector.extract %slice3A_208[0] : i32 from vector<1xi32>
        %mul3A_210 = arith.constant 8 : i32
        %mul3A_211 = arith.muli %scan3A_168, %mul3A_210 : i32
        %add3A_212 = arith.constant 3 : i32
        %add3A_213 = arith.addi %mul3A_211, %add3A_212 : i32
        %mul3A_214 = arith.constant 16 : i32
        %mul3A_215 = arith.muli %add3A_213, %mul3A_214 : i32
        %get3A_216 = arith.constant 3 : i32
        %get3A_217 = arith.index_cast %get3A_216 : i32 to index
        %get3A_218 = arith.index_cast %mul3A_215 : i32 to index
        %get3A_219 = tpu.vector_load %arg4[%get3A_217, %get3A_218] {strides = array<i32>} : memref<8x4096xf32, #tpu.memory_space<vmem>>, vector<16xf32>,
        %gt3A_220 = vector.broadcast %scan3A : f32 to vector<16xf32>
        %gt3A_221 = arith.cmpf ogt, %get3A_219, %gt3A_220 : vector<16xf32>
        %all_reduce_population_count3A_222 = tpu.all_reduce %gt3A_221 {dim = 0 : i64, kind = #tpu.reduction_kind<sum>} : vector<16xi1> -> vector<16xi32>
        %slice3A_223 = vector.extract_strided_slice %all_reduce_population_count3A_222 {offsets = [0], sizes = [1], strides = [1]} : vector<16xi32> to vector<1xi32>
        %squeeze3A_224 = vector.extract %slice3A_223[0] : i32 from vector<1xi32>
        %mul3A_225 = arith.constant 8 : i32
        %mul3A_226 = arith.muli %scan3A_168, %mul3A_225 : i32
        %add3A_227 = arith.constant 4 : i32
        %add3A_228 = arith.addi %mul3A_226, %add3A_227 : i32
        %mul3A_229 = arith.constant 16 : i32
        %mul3A_230 = arith.muli %add3A_228, %mul3A_229 : i32
        %get3A_231 = arith.constant 3 : i32
        %get3A_232 = arith.index_cast %get3A_231 : i32 to index
        %get3A_233 = arith.index_cast %mul3A_230 : i32 to index
        %get3A_234 = tpu.vector_load %arg4[%get3A_232, %get3A_233] {strides = array<i32>} : memref<8x4096xf32, #tpu.memory_space<vmem>>, vector<16xf32>,
        %gt3A_235 = vector.broadcast %scan3A : f32 to vector<16xf32>
        %gt3A_236 = arith.cmpf ogt, %get3A_234, %gt3A_235 : vector<16xf32>
        %all_reduce_population_count3A_237 = tpu.all_reduce %gt3A_236 {dim = 0 : i64, kind = #tpu.reduction_kind<sum>} : vector<16xi1> -> vector<16xi32>
        %slice3A_238 = vector.extract_strided_slice %all_reduce_population_count3A_237 {offsets = [0], sizes = [1], strides = [1]} : vector<16xi32> to vector<1xi32>
        %squeeze3A_239 = vector.extract %slice3A_238[0] : i32 from vector<1xi32>
        %mul3A_240 = arith.constant 8 : i32
        %mul3A_241 = arith.muli %scan3A_168, %mul3A_240 : i32
        %add3A_242 = arith.constant 5 : i32
        %add3A_243 = arith.addi %mul3A_241, %add3A_242 : i32
        %mul3A_244 = arith.constant 16 : i32
        %mul3A_245 = arith.muli %add3A_243, %mul3A_244 : i32
        %get3A_246 = arith.constant 3 : i32
        %get3A_247 = arith.index_cast %get3A_246 : i32 to index
        %get3A_248 = arith.index_cast %mul3A_245 : i32 to index
        %get3A_249 = tpu.vector_load %arg4[%get3A_247, %get3A_248] {strides = array<i32>} : memref<8x4096xf32, #tpu.memory_space<vmem>>, vector<16xf32>,
        %gt3A_250 = vector.broadcast %scan3A : f32 to vector<16xf32>
        %gt3A_251 = arith.cmpf ogt, %get3A_249, %gt3A_250 : vector<16xf32>
        %all_reduce_population_count3A_252 = tpu.all_reduce %gt3A_251 {dim = 0 : i64, kind = #tpu.reduction_kind<sum>} : vector<16xi1> -> vector<16xi32>
        %slice3A_253 = vector.extract_strided_slice %all_reduce_population_count3A_252 {offsets = [0], sizes = [1], strides = [1]} : vector<16xi32> to vector<1xi32>
        %squeeze3A_254 = vector.extract %slice3A_253[0] : i32 from vector<1xi32>
        %mul3A_255 = arith.constant 8 : i32
        %mul3A_256 = arith.muli %scan3A_168, %mul3A_255 : i32
        %add3A_257 = arith.constant 6 : i32
        %add3A_258 = arith.addi %mul3A_256, %add3A_257 : i32
        %mul3A_259 = arith.constant 16 : i32
        %mul3A_260 = arith.muli %add3A_258, %mul3A_259 : i32
        %get3A_261 = arith.constant 3 : i32
        %get3A_262 = arith.index_cast %get3A_261 : i32 to index
        %get3A_263 = arith.index_cast %mul3A_260 : i32 to index
        %get3A_264 = tpu.vector_load %arg4[%get3A_262, %get3A_263] {strides = array<i32>} : memref<8x4096xf32, #tpu.memory_space<vmem>>, vector<16xf32>,
        %gt3A_265 = vector.broadcast %scan3A : f32 to vector<16xf32>
        %gt3A_266 = arith.cmpf ogt, %get3A_264, %gt3A_265 : vector<16xf32>
        %all_reduce_population_count3A_267 = tpu.all_reduce %gt3A_266 {dim = 0 : i64, kind = #tpu.reduction_kind<sum>} : vector<16xi1> -> vector<16xi32>
        %slice3A_268 = vector.extract_strided_slice %all_reduce_population_count3A_267 {offsets = [0], sizes = [1], strides = [1]} : vector<16xi32> to vector<1xi32>
        %squeeze3A_269 = vector.extract %slice3A_268[0] : i32 from vector<1xi32>
        %mul3A_270 = arith.constant 8 : i32
        %mul3A_271 = arith.muli %scan3A_168, %mul3A_270 : i32
        %add3A_272 = arith.constant 7 : i32
        %add3A_273 = arith.addi %mul3A_271, %add3A_272 : i32
        %mul3A_274 = arith.constant 16 : i32
        %mul3A_275 = arith.muli %add3A_273, %mul3A_274 : i32
        %get3A_276 = arith.constant 3 : i32
        %get3A_277 = arith.index_cast %get3A_276 : i32 to index
        %get3A_278 = arith.index_cast %mul3A_275 : i32 to index
        %get3A_279 = tpu.vector_load %arg4[%get3A_277, %get3A_278] {strides = array<i32>} : memref<8x4096xf32, #tpu.memory_space<vmem>>, vector<16xf32>,
        %gt3A_280 = vector.broadcast %scan3A : f32 to vector<16xf32>
        %gt3A_281 = arith.cmpf ogt, %get3A_279, %gt3A_280 : vector<16xf32>
        %all_reduce_population_count3A_282 = tpu.all_reduce %gt3A_281 {dim = 0 : i64, kind = #tpu.reduction_kind<sum>} : vector<16xi1> -> vector<16xi32>
        %slice3A_283 = vector.extract_strided_slice %all_reduce_population_count3A_282 {offsets = [0], sizes = [1], strides = [1]} : vector<16xi32> to vector<1xi32>
        %squeeze3A_284 = vector.extract %slice3A_283[0] : i32 from vector<1xi32>
        %min3A = arith.constant 240 : i32
        %min3A_285 = arith.minsi %scan3A_169, %min3A : i32
        %lt3A_286 = arith.constant 241 : i32
        %lt3A_287 = arith.cmpi slt, %scan3A_169, %lt3A_286 : i32
        %and3A = vector.broadcast %lt3A_287 : i1 to vector<16xi1>
        %and3A_288 = arith.andi %gt3A_179, %and3A : vector<16xi1>
        %swap3A = arith.constant 3 : i32
        %swap3A_289 = arith.index_cast %swap3A : i32 to index
        %swap3A_290 = arith.index_cast %min3A_285 : i32 to index
        %swap3A_291 = tpu.vector_load %arg6[%swap3A_289, %swap3A_290] masked %and3A_288 {strides = array<i32>} : memref<8x256xf32, #tpu.memory_space<vmem>>, vector<16xf32>, vector<16xi1>
        tpu.vector_store %arg6[%swap3A_289, %swap3A_290], %get3A_178 masked %and3A_288 {strides = array<i32>} : memref<8x256xf32, #tpu.memory_space<vmem>>, vector<16xf32>, vector<16xi1>
        %add3A_292 = arith.addi %scan3A_169, %squeeze3A : i32
        %min3A_293 = arith.constant 240 : i32
        %min3A_294 = arith.minsi %add3A_292, %min3A_293 : i32
        %lt3A_295 = arith.constant 241 : i32
        %lt3A_296 = arith.cmpi slt, %add3A_292, %lt3A_295 : i32
        %and3A_297 = vector.broadcast %lt3A_296 : i1 to vector<16xi1>
        %and3A_298 = arith.andi %gt3A_191, %and3A_297 : vector<16xi1>
        %swap3A_299 = arith.constant 3 : i32
        %swap3A_300 = arith.index_cast %swap3A_299 : i32 to index
        %swap3A_301 = arith.index_cast %min3A_294 : i32 to index
        %swap3A_302 = tpu.vector_load %arg6[%swap3A_300, %swap3A_301] masked %and3A_298 {strides = array<i32>} : memref<8x256xf32, #tpu.memory_space<vmem>>, vector<16xf32>, vector<16xi1>
        tpu.vector_store %arg6[%swap3A_300, %swap3A_301], %get3A_189 masked %and3A_298 {strides = array<i32>} : memref<8x256xf32, #tpu.memory_space<vmem>>, vector<16xf32>, vector<16xi1>
        %add3A_303 = arith.addi %add3A_292, %squeeze3A_194 : i32
        %min3A_304 = arith.constant 240 : i32
        %min3A_305 = arith.minsi %add3A_303, %min3A_304 : i32
        %lt3A_306 = arith.constant 241 : i32
        %lt3A_307 = arith.cmpi slt, %add3A_303, %lt3A_306 : i32
        %and3A_308 = vector.broadcast %lt3A_307 : i1 to vector<16xi1>
        %and3A_309 = arith.andi %gt3A_206, %and3A_308 : vector<16xi1>
        %swap3A_310 = arith.constant 3 : i32
        %swap3A_311 = arith.index_cast %swap3A_310 : i32 to index
        %swap3A_312 = arith.index_cast %min3A_305 : i32 to index
        %swap3A_313 = tpu.vector_load %arg6[%swap3A_311, %swap3A_312] masked %and3A_309 {strides = array<i32>} : memref<8x256xf32, #tpu.memory_space<vmem>>, vector<16xf32>, vector<16xi1>
        tpu.vector_store %arg6[%swap3A_311, %swap3A_312], %get3A_204 masked %and3A_309 {strides = array<i32>} : memref<8x256xf32, #tpu.memory_space<vmem>>, vector<16xf32>, vector<16xi1>
        %add3A_314 = arith.addi %add3A_303, %squeeze3A_209 : i32
        %min3A_315 = arith.constant 240 : i32
        %min3A_316 = arith.minsi %add3A_314, %min3A_315 : i32
        %lt3A_317 = arith.constant 241 : i32
        %lt3A_318 = arith.cmpi slt, %add3A_314, %lt3A_317 : i32
        %and3A_319 = vector.broadcast %lt3A_318 : i1 to vector<16xi1>
        %and3A_320 = arith.andi %gt3A_221, %and3A_319 : vector<16xi1>
        %swap3A_321 = arith.constant 3 : i32
        %swap3A_322 = arith.index_cast %swap3A_321 : i32 to index
        %swap3A_323 = arith.index_cast %min3A_316 : i32 to index
        %swap3A_324 = tpu.vector_load %arg6[%swap3A_322, %swap3A_323] masked %and3A_320 {strides = array<i32>} : memref<8x256xf32, #tpu.memory_space<vmem>>, vector<16xf32>, vector<16xi1>
        tpu.vector_store %arg6[%swap3A_322, %swap3A_323], %get3A_219 masked %and3A_320 {strides = array<i32>} : memref<8x256xf32, #tpu.memory_space<vmem>>, vector<16xf32>, vector<16xi1>
        %add3A_325 = arith.addi %add3A_314, %squeeze3A_224 : i32
        %min3A_326 = arith.constant 240 : i32
        %min3A_327 = arith.minsi %add3A_325, %min3A_326 : i32
        %lt3A_328 = arith.constant 241 : i32
        %lt3A_329 = arith.cmpi slt, %add3A_325, %lt3A_328 : i32
        %and3A_330 = vector.broadcast %lt3A_329 : i1 to vector<16xi1>
        %and3A_331 = arith.andi %gt3A_236, %and3A_330 : vector<16xi1>
        %swap3A_332 = arith.constant 3 : i32
        %swap3A_333 = arith.index_cast %swap3A_332 : i32 to index
        %swap3A_334 = arith.index_cast %min3A_327 : i32 to index
        %swap3A_335 = tpu.vector_load %arg6[%swap3A_333, %swap3A_334] masked %and3A_331 {strides = array<i32>} : memref<8x256xf32, #tpu.memory_space<vmem>>, vector<16xf32>, vector<16xi1>
        tpu.vector_store %arg6[%swap3A_333, %swap3A_334], %get3A_234 masked %and3A_331 {strides = array<i32>} : memref<8x256xf32, #tpu.memory_space<vmem>>, vector<16xf32>, vector<16xi1>
        %add3A_336 = arith.addi %add3A_325, %squeeze3A_239 : i32
        %min3A_337 = arith.constant 240 : i32
        %min3A_338 = arith.minsi %add3A_336, %min3A_337 : i32
        %lt3A_339 = arith.constant 241 : i32
        %lt3A_340 = arith.cmpi slt, %add3A_336, %lt3A_339 : i32
        %and3A_341 = vector.broadcast %lt3A_340 : i1 to vector<16xi1>
        %and3A_342 = arith.andi %gt3A_251, %and3A_341 : vector<16xi1>
        %swap3A_343 = arith.constant 3 : i32
        %swap3A_344 = arith.index_cast %swap3A_343 : i32 to index
        %swap3A_345 = arith.index_cast %min3A_338 : i32 to index
        %swap3A_346 = tpu.vector_load %arg6[%swap3A_344, %swap3A_345] masked %and3A_342 {strides = array<i32>} : memref<8x256xf32, #tpu.memory_space<vmem>>, vector<16xf32>, vector<16xi1>
        tpu.vector_store %arg6[%swap3A_344, %swap3A_345], %get3A_249 masked %and3A_342 {strides = array<i32>} : memref<8x256xf32, #tpu.memory_space<vmem>>, vector<16xf32>, vector<16xi1>
        %add3A_347 = arith.addi %add3A_336, %squeeze3A_254 : i32
        %min3A_348 = arith.constant 240 : i32
        %min3A_349 = arith.minsi %add3A_347, %min3A_348 : i32
        %lt3A_350 = arith.constant 241 : i32
        %lt3A_351 = arith.cmpi slt, %add3A_347, %lt3A_350 : i32
        %and3A_352 = vector.broadcast %lt3A_351 : i1 to vector<16xi1>
        %and3A_353 = arith.andi %gt3A_266, %and3A_352 : vector<16xi1>
        %swap3A_354 = arith.constant 3 : i32
        %swap3A_355 = arith.index_cast %swap3A_354 : i32 to index
        %swap3A_356 = arith.index_cast %min3A_349 : i32 to index
        %swap3A_357 = tpu.vector_load %arg6[%swap3A_355, %swap3A_356] masked %and3A_353 {strides = array<i32>} : memref<8x256xf32, #tpu.memory_space<vmem>>, vector<16xf32>, vector<16xi1>
        tpu.vector_store %arg6[%swap3A_355, %swap3A_356], %get3A_264 masked %and3A_353 {strides = array<i32>} : memref<8x256xf32, #tpu.memory_space<vmem>>, vector<16xf32>, vector<16xi1>
        %add3A_358 = arith.addi %add3A_347, %squeeze3A_269 : i32
        %min3A_359 = arith.constant 240 : i32
        %min3A_360 = arith.minsi %add3A_358, %min3A_359 : i32
        %lt3A_361 = arith.constant 241 : i32
        %lt3A_362 = arith.cmpi slt, %add3A_358, %lt3A_361 : i32
        %and3A_363 = vector.broadcast %lt3A_362 : i1 to vector<16xi1>
        %and3A_364 = arith.andi %gt3A_281, %and3A_363 : vector<16xi1>
        %swap3A_365 = arith.constant 3 : i32
        %swap3A_366 = arith.index_cast %swap3A_365 : i32 to index
        %swap3A_367 = arith.index_cast %min3A_360 : i32 to index
        %swap3A_368 = tpu.vector_load %arg6[%swap3A_366, %swap3A_367] masked %and3A_364 {strides = array<i32>} : memref<8x256xf32, #tpu.memory_space<vmem>>, vector<16xf32>, vector<16xi1>
        tpu.vector_store %arg6[%swap3A_366, %swap3A_367], %get3A_279 masked %and3A_364 {strides = array<i32>} : memref<8x256xf32, #tpu.memory_space<vmem>>, vector<16xf32>, vector<16xi1>
        %add3A_369 = arith.addi %add3A_358, %squeeze3A_284 : i32
        scf.yield %add3A_369 : i32
      }
      %scan3A_61 = arith.constant 32 : i32
      %scan3A_62 = arith.constant 0 : i32
      %scan3A_63 = arith.constant 0 : i32
      %scan3A_64 = arith.constant 32 : i32
      %scan3A_65 = arith.addi %scan3A_63, %scan3A_64 : i32
      %scan3A_66 = arith.constant 1 : i32
      %scan3A_67 = scf.for %scan3A_168 = %scan3A_63 to %scan3A_65 step %scan3A_66 iter_args(%scan3A_169 = %scan3A_62) -> (i32)  : i32 {
        %mul3A_170 = arith.constant 8 : i32
        %mul3A_171 = arith.muli %scan3A_168, %mul3A_170 : i32
        %add3A_172 = arith.constant 0 : i32
        %add3A_173 = arith.addi %mul3A_171, %add3A_172 : i32
        %mul3A_174 = arith.constant 16 : i32
        %mul3A_175 = arith.muli %add3A_173, %mul3A_174 : i32
        %get3A = arith.constant 4 : i32
        %get3A_176 = arith.index_cast %get3A : i32 to index
        %get3A_177 = arith.index_cast %mul3A_175 : i32 to index
        %get3A_178 = tpu.vector_load %arg4[%get3A_176, %get3A_177] {strides = array<i32>} : memref<8x4096xf32, #tpu.memory_space<vmem>>, vector<16xf32>,
        %gt3A = vector.broadcast %scan3A : f32 to vector<16xf32>
        %gt3A_179 = arith.cmpf ogt, %get3A_178, %gt3A : vector<16xf32>
        %all_reduce_population_count3A = tpu.all_reduce %gt3A_179 {dim = 0 : i64, kind = #tpu.reduction_kind<sum>} : vector<16xi1> -> vector<16xi32>
        %slice3A = vector.extract_strided_slice %all_reduce_population_count3A {offsets = [0], sizes = [1], strides = [1]} : vector<16xi32> to vector<1xi32>
        %squeeze3A = vector.extract %slice3A[0] : i32 from vector<1xi32>
        %mul3A_180 = arith.constant 8 : i32
        %mul3A_181 = arith.muli %scan3A_168, %mul3A_180 : i32
        %add3A_182 = arith.constant 1 : i32
        %add3A_183 = arith.addi %mul3A_181, %add3A_182 : i32
        %mul3A_184 = arith.constant 16 : i32
        %mul3A_185 = arith.muli %add3A_183, %mul3A_184 : i32
        %get3A_186 = arith.constant 4 : i32
        %get3A_187 = arith.index_cast %get3A_186 : i32 to index
        %get3A_188 = arith.index_cast %mul3A_185 : i32 to index
        %get3A_189 = tpu.vector_load %arg4[%get3A_187, %get3A_188] {strides = array<i32>} : memref<8x4096xf32, #tpu.memory_space<vmem>>, vector<16xf32>,
        %gt3A_190 = vector.broadcast %scan3A : f32 to vector<16xf32>
        %gt3A_191 = arith.cmpf ogt, %get3A_189, %gt3A_190 : vector<16xf32>
        %all_reduce_population_count3A_192 = tpu.all_reduce %gt3A_191 {dim = 0 : i64, kind = #tpu.reduction_kind<sum>} : vector<16xi1> -> vector<16xi32>
        %slice3A_193 = vector.extract_strided_slice %all_reduce_population_count3A_192 {offsets = [0], sizes = [1], strides = [1]} : vector<16xi32> to vector<1xi32>
        %squeeze3A_194 = vector.extract %slice3A_193[0] : i32 from vector<1xi32>
        %mul3A_195 = arith.constant 8 : i32
        %mul3A_196 = arith.muli %scan3A_168, %mul3A_195 : i32
        %add3A_197 = arith.constant 2 : i32
        %add3A_198 = arith.addi %mul3A_196, %add3A_197 : i32
        %mul3A_199 = arith.constant 16 : i32
        %mul3A_200 = arith.muli %add3A_198, %mul3A_199 : i32
        %get3A_201 = arith.constant 4 : i32
        %get3A_202 = arith.index_cast %get3A_201 : i32 to index
        %get3A_203 = arith.index_cast %mul3A_200 : i32 to index
        %get3A_204 = tpu.vector_load %arg4[%get3A_202, %get3A_203] {strides = array<i32>} : memref<8x4096xf32, #tpu.memory_space<vmem>>, vector<16xf32>,
        %gt3A_205 = vector.broadcast %scan3A : f32 to vector<16xf32>
        %gt3A_206 = arith.cmpf ogt, %get3A_204, %gt3A_205 : vector<16xf32>
        %all_reduce_population_count3A_207 = tpu.all_reduce %gt3A_206 {dim = 0 : i64, kind = #tpu.reduction_kind<sum>} : vector<16xi1> -> vector<16xi32>
        %slice3A_208 = vector.extract_strided_slice %all_reduce_population_count3A_207 {offsets = [0], sizes = [1], strides = [1]} : vector<16xi32> to vector<1xi32>
        %squeeze3A_209 = vector.extract %slice3A_208[0] : i32 from vector<1xi32>
        %mul3A_210 = arith.constant 8 : i32
        %mul3A_211 = arith.muli %scan3A_168, %mul3A_210 : i32
        %add3A_212 = arith.constant 3 : i32
        %add3A_213 = arith.addi %mul3A_211, %add3A_212 : i32
        %mul3A_214 = arith.constant 16 : i32
        %mul3A_215 = arith.muli %add3A_213, %mul3A_214 : i32
        %get3A_216 = arith.constant 4 : i32
        %get3A_217 = arith.index_cast %get3A_216 : i32 to index
        %get3A_218 = arith.index_cast %mul3A_215 : i32 to index
        %get3A_219 = tpu.vector_load %arg4[%get3A_217, %get3A_218] {strides = array<i32>} : memref<8x4096xf32, #tpu.memory_space<vmem>>, vector<16xf32>,
        %gt3A_220 = vector.broadcast %scan3A : f32 to vector<16xf32>
        %gt3A_221 = arith.cmpf ogt, %get3A_219, %gt3A_220 : vector<16xf32>
        %all_reduce_population_count3A_222 = tpu.all_reduce %gt3A_221 {dim = 0 : i64, kind = #tpu.reduction_kind<sum>} : vector<16xi1> -> vector<16xi32>
        %slice3A_223 = vector.extract_strided_slice %all_reduce_population_count3A_222 {offsets = [0], sizes = [1], strides = [1]} : vector<16xi32> to vector<1xi32>
        %squeeze3A_224 = vector.extract %slice3A_223[0] : i32 from vector<1xi32>
        %mul3A_225 = arith.constant 8 : i32
        %mul3A_226 = arith.muli %scan3A_168, %mul3A_225 : i32
        %add3A_227 = arith.constant 4 : i32
        %add3A_228 = arith.addi %mul3A_226, %add3A_227 : i32
        %mul3A_229 = arith.constant 16 : i32
        %mul3A_230 = arith.muli %add3A_228, %mul3A_229 : i32
        %get3A_231 = arith.constant 4 : i32
        %get3A_232 = arith.index_cast %get3A_231 : i32 to index
        %get3A_233 = arith.index_cast %mul3A_230 : i32 to index
        %get3A_234 = tpu.vector_load %arg4[%get3A_232, %get3A_233] {strides = array<i32>} : memref<8x4096xf32, #tpu.memory_space<vmem>>, vector<16xf32>,
        %gt3A_235 = vector.broadcast %scan3A : f32 to vector<16xf32>
        %gt3A_236 = arith.cmpf ogt, %get3A_234, %gt3A_235 : vector<16xf32>
        %all_reduce_population_count3A_237 = tpu.all_reduce %gt3A_236 {dim = 0 : i64, kind = #tpu.reduction_kind<sum>} : vector<16xi1> -> vector<16xi32>
        %slice3A_238 = vector.extract_strided_slice %all_reduce_population_count3A_237 {offsets = [0], sizes = [1], strides = [1]} : vector<16xi32> to vector<1xi32>
        %squeeze3A_239 = vector.extract %slice3A_238[0] : i32 from vector<1xi32>
        %mul3A_240 = arith.constant 8 : i32
        %mul3A_241 = arith.muli %scan3A_168, %mul3A_240 : i32
        %add3A_242 = arith.constant 5 : i32
        %add3A_243 = arith.addi %mul3A_241, %add3A_242 : i32
        %mul3A_244 = arith.constant 16 : i32
        %mul3A_245 = arith.muli %add3A_243, %mul3A_244 : i32
        %get3A_246 = arith.constant 4 : i32
        %get3A_247 = arith.index_cast %get3A_246 : i32 to index
        %get3A_248 = arith.index_cast %mul3A_245 : i32 to index
        %get3A_249 = tpu.vector_load %arg4[%get3A_247, %get3A_248] {strides = array<i32>} : memref<8x4096xf32, #tpu.memory_space<vmem>>, vector<16xf32>,
        %gt3A_250 = vector.broadcast %scan3A : f32 to vector<16xf32>
        %gt3A_251 = arith.cmpf ogt, %get3A_249, %gt3A_250 : vector<16xf32>
        %all_reduce_population_count3A_252 = tpu.all_reduce %gt3A_251 {dim = 0 : i64, kind = #tpu.reduction_kind<sum>} : vector<16xi1> -> vector<16xi32>
        %slice3A_253 = vector.extract_strided_slice %all_reduce_population_count3A_252 {offsets = [0], sizes = [1], strides = [1]} : vector<16xi32> to vector<1xi32>
        %squeeze3A_254 = vector.extract %slice3A_253[0] : i32 from vector<1xi32>
        %mul3A_255 = arith.constant 8 : i32
        %mul3A_256 = arith.muli %scan3A_168, %mul3A_255 : i32
        %add3A_257 = arith.constant 6 : i32
        %add3A_258 = arith.addi %mul3A_256, %add3A_257 : i32
        %mul3A_259 = arith.constant 16 : i32
        %mul3A_260 = arith.muli %add3A_258, %mul3A_259 : i32
        %get3A_261 = arith.constant 4 : i32
        %get3A_262 = arith.index_cast %get3A_261 : i32 to index
        %get3A_263 = arith.index_cast %mul3A_260 : i32 to index
        %get3A_264 = tpu.vector_load %arg4[%get3A_262, %get3A_263] {strides = array<i32>} : memref<8x4096xf32, #tpu.memory_space<vmem>>, vector<16xf32>,
        %gt3A_265 = vector.broadcast %scan3A : f32 to vector<16xf32>
        %gt3A_266 = arith.cmpf ogt, %get3A_264, %gt3A_265 : vector<16xf32>
        %all_reduce_population_count3A_267 = tpu.all_reduce %gt3A_266 {dim = 0 : i64, kind = #tpu.reduction_kind<sum>} : vector<16xi1> -> vector<16xi32>
        %slice3A_268 = vector.extract_strided_slice %all_reduce_population_count3A_267 {offsets = [0], sizes = [1], strides = [1]} : vector<16xi32> to vector<1xi32>
        %squeeze3A_269 = vector.extract %slice3A_268[0] : i32 from vector<1xi32>
        %mul3A_270 = arith.constant 8 : i32
        %mul3A_271 = arith.muli %scan3A_168, %mul3A_270 : i32
        %add3A_272 = arith.constant 7 : i32
        %add3A_273 = arith.addi %mul3A_271, %add3A_272 : i32
        %mul3A_274 = arith.constant 16 : i32
        %mul3A_275 = arith.muli %add3A_273, %mul3A_274 : i32
        %get3A_276 = arith.constant 4 : i32
        %get3A_277 = arith.index_cast %get3A_276 : i32 to index
        %get3A_278 = arith.index_cast %mul3A_275 : i32 to index
        %get3A_279 = tpu.vector_load %arg4[%get3A_277, %get3A_278] {strides = array<i32>} : memref<8x4096xf32, #tpu.memory_space<vmem>>, vector<16xf32>,
        %gt3A_280 = vector.broadcast %scan3A : f32 to vector<16xf32>
        %gt3A_281 = arith.cmpf ogt, %get3A_279, %gt3A_280 : vector<16xf32>
        %all_reduce_population_count3A_282 = tpu.all_reduce %gt3A_281 {dim = 0 : i64, kind = #tpu.reduction_kind<sum>} : vector<16xi1> -> vector<16xi32>
        %slice3A_283 = vector.extract_strided_slice %all_reduce_population_count3A_282 {offsets = [0], sizes = [1], strides = [1]} : vector<16xi32> to vector<1xi32>
        %squeeze3A_284 = vector.extract %slice3A_283[0] : i32 from vector<1xi32>
        %min3A = arith.constant 240 : i32
        %min3A_285 = arith.minsi %scan3A_169, %min3A : i32
        %lt3A_286 = arith.constant 241 : i32
        %lt3A_287 = arith.cmpi slt, %scan3A_169, %lt3A_286 : i32
        %and3A = vector.broadcast %lt3A_287 : i1 to vector<16xi1>
        %and3A_288 = arith.andi %gt3A_179, %and3A : vector<16xi1>
        %swap3A = arith.constant 4 : i32
        %swap3A_289 = arith.index_cast %swap3A : i32 to index
        %swap3A_290 = arith.index_cast %min3A_285 : i32 to index
        %swap3A_291 = tpu.vector_load %arg6[%swap3A_289, %swap3A_290] masked %and3A_288 {strides = array<i32>} : memref<8x256xf32, #tpu.memory_space<vmem>>, vector<16xf32>, vector<16xi1>
        tpu.vector_store %arg6[%swap3A_289, %swap3A_290], %get3A_178 masked %and3A_288 {strides = array<i32>} : memref<8x256xf32, #tpu.memory_space<vmem>>, vector<16xf32>, vector<16xi1>
        %add3A_292 = arith.addi %scan3A_169, %squeeze3A : i32
        %min3A_293 = arith.constant 240 : i32
        %min3A_294 = arith.minsi %add3A_292, %min3A_293 : i32
        %lt3A_295 = arith.constant 241 : i32
        %lt3A_296 = arith.cmpi slt, %add3A_292, %lt3A_295 : i32
        %and3A_297 = vector.broadcast %lt3A_296 : i1 to vector<16xi1>
        %and3A_298 = arith.andi %gt3A_191, %and3A_297 : vector<16xi1>
        %swap3A_299 = arith.constant 4 : i32
        %swap3A_300 = arith.index_cast %swap3A_299 : i32 to index
        %swap3A_301 = arith.index_cast %min3A_294 : i32 to index
        %swap3A_302 = tpu.vector_load %arg6[%swap3A_300, %swap3A_301] masked %and3A_298 {strides = array<i32>} : memref<8x256xf32, #tpu.memory_space<vmem>>, vector<16xf32>, vector<16xi1>
        tpu.vector_store %arg6[%swap3A_300, %swap3A_301], %get3A_189 masked %and3A_298 {strides = array<i32>} : memref<8x256xf32, #tpu.memory_space<vmem>>, vector<16xf32>, vector<16xi1>
        %add3A_303 = arith.addi %add3A_292, %squeeze3A_194 : i32
        %min3A_304 = arith.constant 240 : i32
        %min3A_305 = arith.minsi %add3A_303, %min3A_304 : i32
        %lt3A_306 = arith.constant 241 : i32
        %lt3A_307 = arith.cmpi slt, %add3A_303, %lt3A_306 : i32
        %and3A_308 = vector.broadcast %lt3A_307 : i1 to vector<16xi1>
        %and3A_309 = arith.andi %gt3A_206, %and3A_308 : vector<16xi1>
        %swap3A_310 = arith.constant 4 : i32
        %swap3A_311 = arith.index_cast %swap3A_310 : i32 to index
        %swap3A_312 = arith.index_cast %min3A_305 : i32 to index
        %swap3A_313 = tpu.vector_load %arg6[%swap3A_311, %swap3A_312] masked %and3A_309 {strides = array<i32>} : memref<8x256xf32, #tpu.memory_space<vmem>>, vector<16xf32>, vector<16xi1>
        tpu.vector_store %arg6[%swap3A_311, %swap3A_312], %get3A_204 masked %and3A_309 {strides = array<i32>} : memref<8x256xf32, #tpu.memory_space<vmem>>, vector<16xf32>, vector<16xi1>
        %add3A_314 = arith.addi %add3A_303, %squeeze3A_209 : i32
        %min3A_315 = arith.constant 240 : i32
        %min3A_316 = arith.minsi %add3A_314, %min3A_315 : i32
        %lt3A_317 = arith.constant 241 : i32
        %lt3A_318 = arith.cmpi slt, %add3A_314, %lt3A_317 : i32
        %and3A_319 = vector.broadcast %lt3A_318 : i1 to vector<16xi1>
        %and3A_320 = arith.andi %gt3A_221, %and3A_319 : vector<16xi1>
        %swap3A_321 = arith.constant 4 : i32
        %swap3A_322 = arith.index_cast %swap3A_321 : i32 to index
        %swap3A_323 = arith.index_cast %min3A_316 : i32 to index
        %swap3A_324 = tpu.vector_load %arg6[%swap3A_322, %swap3A_323] masked %and3A_320 {strides = array<i32>} : memref<8x256xf32, #tpu.memory_space<vmem>>, vector<16xf32>, vector<16xi1>
        tpu.vector_store %arg6[%swap3A_322, %swap3A_323], %get3A_219 masked %and3A_320 {strides = array<i32>} : memref<8x256xf32, #tpu.memory_space<vmem>>, vector<16xf32>, vector<16xi1>
        %add3A_325 = arith.addi %add3A_314, %squeeze3A_224 : i32
        %min3A_326 = arith.constant 240 : i32
        %min3A_327 = arith.minsi %add3A_325, %min3A_326 : i32
        %lt3A_328 = arith.constant 241 : i32
        %lt3A_329 = arith.cmpi slt, %add3A_325, %lt3A_328 : i32
        %and3A_330 = vector.broadcast %lt3A_329 : i1 to vector<16xi1>
        %and3A_331 = arith.andi %gt3A_236, %and3A_330 : vector<16xi1>
        %swap3A_332 = arith.constant 4 : i32
        %swap3A_333 = arith.index_cast %swap3A_332 : i32 to index
        %swap3A_334 = arith.index_cast %min3A_327 : i32 to index
        %swap3A_335 = tpu.vector_load %arg6[%swap3A_333, %swap3A_334] masked %and3A_331 {strides = array<i32>} : memref<8x256xf32, #tpu.memory_space<vmem>>, vector<16xf32>, vector<16xi1>
        tpu.vector_store %arg6[%swap3A_333, %swap3A_334], %get3A_234 masked %and3A_331 {strides = array<i32>} : memref<8x256xf32, #tpu.memory_space<vmem>>, vector<16xf32>, vector<16xi1>
        %add3A_336 = arith.addi %add3A_325, %squeeze3A_239 : i32
        %min3A_337 = arith.constant 240 : i32
        %min3A_338 = arith.minsi %add3A_336, %min3A_337 : i32
        %lt3A_339 = arith.constant 241 : i32
        %lt3A_340 = arith.cmpi slt, %add3A_336, %lt3A_339 : i32
        %and3A_341 = vector.broadcast %lt3A_340 : i1 to vector<16xi1>
        %and3A_342 = arith.andi %gt3A_251, %and3A_341 : vector<16xi1>
        %swap3A_343 = arith.constant 4 : i32
        %swap3A_344 = arith.index_cast %swap3A_343 : i32 to index
        %swap3A_345 = arith.index_cast %min3A_338 : i32 to index
        %swap3A_346 = tpu.vector_load %arg6[%swap3A_344, %swap3A_345] masked %and3A_342 {strides = array<i32>} : memref<8x256xf32, #tpu.memory_space<vmem>>, vector<16xf32>, vector<16xi1>
        tpu.vector_store %arg6[%swap3A_344, %swap3A_345], %get3A_249 masked %and3A_342 {strides = array<i32>} : memref<8x256xf32, #tpu.memory_space<vmem>>, vector<16xf32>, vector<16xi1>
        %add3A_347 = arith.addi %add3A_336, %squeeze3A_254 : i32
        %min3A_348 = arith.constant 240 : i32
        %min3A_349 = arith.minsi %add3A_347, %min3A_348 : i32
        %lt3A_350 = arith.constant 241 : i32
        %lt3A_351 = arith.cmpi slt, %add3A_347, %lt3A_350 : i32
        %and3A_352 = vector.broadcast %lt3A_351 : i1 to vector<16xi1>
        %and3A_353 = arith.andi %gt3A_266, %and3A_352 : vector<16xi1>
        %swap3A_354 = arith.constant 4 : i32
        %swap3A_355 = arith.index_cast %swap3A_354 : i32 to index
        %swap3A_356 = arith.index_cast %min3A_349 : i32 to index
        %swap3A_357 = tpu.vector_load %arg6[%swap3A_355, %swap3A_356] masked %and3A_353 {strides = array<i32>} : memref<8x256xf32, #tpu.memory_space<vmem>>, vector<16xf32>, vector<16xi1>
        tpu.vector_store %arg6[%swap3A_355, %swap3A_356], %get3A_264 masked %and3A_353 {strides = array<i32>} : memref<8x256xf32, #tpu.memory_space<vmem>>, vector<16xf32>, vector<16xi1>
        %add3A_358 = arith.addi %add3A_347, %squeeze3A_269 : i32
        %min3A_359 = arith.constant 240 : i32
        %min3A_360 = arith.minsi %add3A_358, %min3A_359 : i32
        %lt3A_361 = arith.constant 241 : i32
        %lt3A_362 = arith.cmpi slt, %add3A_358, %lt3A_361 : i32
        %and3A_363 = vector.broadcast %lt3A_362 : i1 to vector<16xi1>
        %and3A_364 = arith.andi %gt3A_281, %and3A_363 : vector<16xi1>
        %swap3A_365 = arith.constant 4 : i32
        %swap3A_366 = arith.index_cast %swap3A_365 : i32 to index
        %swap3A_367 = arith.index_cast %min3A_360 : i32 to index
        %swap3A_368 = tpu.vector_load %arg6[%swap3A_366, %swap3A_367] masked %and3A_364 {strides = array<i32>} : memref<8x256xf32, #tpu.memory_space<vmem>>, vector<16xf32>, vector<16xi1>
        tpu.vector_store %arg6[%swap3A_366, %swap3A_367], %get3A_279 masked %and3A_364 {strides = array<i32>} : memref<8x256xf32, #tpu.memory_space<vmem>>, vector<16xf32>, vector<16xi1>
        %add3A_369 = arith.addi %add3A_358, %squeeze3A_284 : i32
        scf.yield %add3A_369 : i32
      }
      %scan3A_68 = arith.constant 32 : i32
      %scan3A_69 = arith.constant 0 : i32
      %scan3A_70 = arith.constant 0 : i32
      %scan3A_71 = arith.constant 32 : i32
      %scan3A_72 = arith.addi %scan3A_70, %scan3A_71 : i32
      %scan3A_73 = arith.constant 1 : i32
      %scan3A_74 = scf.for %scan3A_168 = %scan3A_70 to %scan3A_72 step %scan3A_73 iter_args(%scan3A_169 = %scan3A_69) -> (i32)  : i32 {
        %mul3A_170 = arith.constant 8 : i32
        %mul3A_171 = arith.muli %scan3A_168, %mul3A_170 : i32
        %add3A_172 = arith.constant 0 : i32
        %add3A_173 = arith.addi %mul3A_171, %add3A_172 : i32
        %mul3A_174 = arith.constant 16 : i32
        %mul3A_175 = arith.muli %add3A_173, %mul3A_174 : i32
        %get3A = arith.constant 5 : i32
        %get3A_176 = arith.index_cast %get3A : i32 to index
        %get3A_177 = arith.index_cast %mul3A_175 : i32 to index
        %get3A_178 = tpu.vector_load %arg4[%get3A_176, %get3A_177] {strides = array<i32>} : memref<8x4096xf32, #tpu.memory_space<vmem>>, vector<16xf32>,
        %gt3A = vector.broadcast %scan3A : f32 to vector<16xf32>
        %gt3A_179 = arith.cmpf ogt, %get3A_178, %gt3A : vector<16xf32>
        %all_reduce_population_count3A = tpu.all_reduce %gt3A_179 {dim = 0 : i64, kind = #tpu.reduction_kind<sum>} : vector<16xi1> -> vector<16xi32>
        %slice3A = vector.extract_strided_slice %all_reduce_population_count3A {offsets = [0], sizes = [1], strides = [1]} : vector<16xi32> to vector<1xi32>
        %squeeze3A = vector.extract %slice3A[0] : i32 from vector<1xi32>
        %mul3A_180 = arith.constant 8 : i32
        %mul3A_181 = arith.muli %scan3A_168, %mul3A_180 : i32
        %add3A_182 = arith.constant 1 : i32
        %add3A_183 = arith.addi %mul3A_181, %add3A_182 : i32
        %mul3A_184 = arith.constant 16 : i32
        %mul3A_185 = arith.muli %add3A_183, %mul3A_184 : i32
        %get3A_186 = arith.constant 5 : i32
        %get3A_187 = arith.index_cast %get3A_186 : i32 to index
        %get3A_188 = arith.index_cast %mul3A_185 : i32 to index
        %get3A_189 = tpu.vector_load %arg4[%get3A_187, %get3A_188] {strides = array<i32>} : memref<8x4096xf32, #tpu.memory_space<vmem>>, vector<16xf32>,
        %gt3A_190 = vector.broadcast %scan3A : f32 to vector<16xf32>
        %gt3A_191 = arith.cmpf ogt, %get3A_189, %gt3A_190 : vector<16xf32>
        %all_reduce_population_count3A_192 = tpu.all_reduce %gt3A_191 {dim = 0 : i64, kind = #tpu.reduction_kind<sum>} : vector<16xi1> -> vector<16xi32>
        %slice3A_193 = vector.extract_strided_slice %all_reduce_population_count3A_192 {offsets = [0], sizes = [1], strides = [1]} : vector<16xi32> to vector<1xi32>
        %squeeze3A_194 = vector.extract %slice3A_193[0] : i32 from vector<1xi32>
        %mul3A_195 = arith.constant 8 : i32
        %mul3A_196 = arith.muli %scan3A_168, %mul3A_195 : i32
        %add3A_197 = arith.constant 2 : i32
        %add3A_198 = arith.addi %mul3A_196, %add3A_197 : i32
        %mul3A_199 = arith.constant 16 : i32
        %mul3A_200 = arith.muli %add3A_198, %mul3A_199 : i32
        %get3A_201 = arith.constant 5 : i32
        %get3A_202 = arith.index_cast %get3A_201 : i32 to index
        %get3A_203 = arith.index_cast %mul3A_200 : i32 to index
        %get3A_204 = tpu.vector_load %arg4[%get3A_202, %get3A_203] {strides = array<i32>} : memref<8x4096xf32, #tpu.memory_space<vmem>>, vector<16xf32>,
        %gt3A_205 = vector.broadcast %scan3A : f32 to vector<16xf32>
        %gt3A_206 = arith.cmpf ogt, %get3A_204, %gt3A_205 : vector<16xf32>
        %all_reduce_population_count3A_207 = tpu.all_reduce %gt3A_206 {dim = 0 : i64, kind = #tpu.reduction_kind<sum>} : vector<16xi1> -> vector<16xi32>
        %slice3A_208 = vector.extract_strided_slice %all_reduce_population_count3A_207 {offsets = [0], sizes = [1], strides = [1]} : vector<16xi32> to vector<1xi32>
        %squeeze3A_209 = vector.extract %slice3A_208[0] : i32 from vector<1xi32>
        %mul3A_210 = arith.constant 8 : i32
        %mul3A_211 = arith.muli %scan3A_168, %mul3A_210 : i32
        %add3A_212 = arith.constant 3 : i32
        %add3A_213 = arith.addi %mul3A_211, %add3A_212 : i32
        %mul3A_214 = arith.constant 16 : i32
        %mul3A_215 = arith.muli %add3A_213, %mul3A_214 : i32
        %get3A_216 = arith.constant 5 : i32
        %get3A_217 = arith.index_cast %get3A_216 : i32 to index
        %get3A_218 = arith.index_cast %mul3A_215 : i32 to index
        %get3A_219 = tpu.vector_load %arg4[%get3A_217, %get3A_218] {strides = array<i32>} : memref<8x4096xf32, #tpu.memory_space<vmem>>, vector<16xf32>,
        %gt3A_220 = vector.broadcast %scan3A : f32 to vector<16xf32>
        %gt3A_221 = arith.cmpf ogt, %get3A_219, %gt3A_220 : vector<16xf32>
        %all_reduce_population_count3A_222 = tpu.all_reduce %gt3A_221 {dim = 0 : i64, kind = #tpu.reduction_kind<sum>} : vector<16xi1> -> vector<16xi32>
        %slice3A_223 = vector.extract_strided_slice %all_reduce_population_count3A_222 {offsets = [0], sizes = [1], strides = [1]} : vector<16xi32> to vector<1xi32>
        %squeeze3A_224 = vector.extract %slice3A_223[0] : i32 from vector<1xi32>
        %mul3A_225 = arith.constant 8 : i32
        %mul3A_226 = arith.muli %scan3A_168, %mul3A_225 : i32
        %add3A_227 = arith.constant 4 : i32
        %add3A_228 = arith.addi %mul3A_226, %add3A_227 : i32
        %mul3A_229 = arith.constant 16 : i32
        %mul3A_230 = arith.muli %add3A_228, %mul3A_229 : i32
        %get3A_231 = arith.constant 5 : i32
        %get3A_232 = arith.index_cast %get3A_231 : i32 to index
        %get3A_233 = arith.index_cast %mul3A_230 : i32 to index
        %get3A_234 = tpu.vector_load %arg4[%get3A_232, %get3A_233] {strides = array<i32>} : memref<8x4096xf32, #tpu.memory_space<vmem>>, vector<16xf32>,
        %gt3A_235 = vector.broadcast %scan3A : f32 to vector<16xf32>
        %gt3A_236 = arith.cmpf ogt, %get3A_234, %gt3A_235 : vector<16xf32>
        %all_reduce_population_count3A_237 = tpu.all_reduce %gt3A_236 {dim = 0 : i64, kind = #tpu.reduction_kind<sum>} : vector<16xi1> -> vector<16xi32>
        %slice3A_238 = vector.extract_strided_slice %all_reduce_population_count3A_237 {offsets = [0], sizes = [1], strides = [1]} : vector<16xi32> to vector<1xi32>
        %squeeze3A_239 = vector.extract %slice3A_238[0] : i32 from vector<1xi32>
        %mul3A_240 = arith.constant 8 : i32
        %mul3A_241 = arith.muli %scan3A_168, %mul3A_240 : i32
        %add3A_242 = arith.constant 5 : i32
        %add3A_243 = arith.addi %mul3A_241, %add3A_242 : i32
        %mul3A_244 = arith.constant 16 : i32
        %mul3A_245 = arith.muli %add3A_243, %mul3A_244 : i32
        %get3A_246 = arith.constant 5 : i32
        %get3A_247 = arith.index_cast %get3A_246 : i32 to index
        %get3A_248 = arith.index_cast %mul3A_245 : i32 to index
        %get3A_249 = tpu.vector_load %arg4[%get3A_247, %get3A_248] {strides = array<i32>} : memref<8x4096xf32, #tpu.memory_space<vmem>>, vector<16xf32>,
        %gt3A_250 = vector.broadcast %scan3A : f32 to vector<16xf32>
        %gt3A_251 = arith.cmpf ogt, %get3A_249, %gt3A_250 : vector<16xf32>
        %all_reduce_population_count3A_252 = tpu.all_reduce %gt3A_251 {dim = 0 : i64, kind = #tpu.reduction_kind<sum>} : vector<16xi1> -> vector<16xi32>
        %slice3A_253 = vector.extract_strided_slice %all_reduce_population_count3A_252 {offsets = [0], sizes = [1], strides = [1]} : vector<16xi32> to vector<1xi32>
        %squeeze3A_254 = vector.extract %slice3A_253[0] : i32 from vector<1xi32>
        %mul3A_255 = arith.constant 8 : i32
        %mul3A_256 = arith.muli %scan3A_168, %mul3A_255 : i32
        %add3A_257 = arith.constant 6 : i32
        %add3A_258 = arith.addi %mul3A_256, %add3A_257 : i32
        %mul3A_259 = arith.constant 16 : i32
        %mul3A_260 = arith.muli %add3A_258, %mul3A_259 : i32
        %get3A_261 = arith.constant 5 : i32
        %get3A_262 = arith.index_cast %get3A_261 : i32 to index
        %get3A_263 = arith.index_cast %mul3A_260 : i32 to index
        %get3A_264 = tpu.vector_load %arg4[%get3A_262, %get3A_263] {strides = array<i32>} : memref<8x4096xf32, #tpu.memory_space<vmem>>, vector<16xf32>,
        %gt3A_265 = vector.broadcast %scan3A : f32 to vector<16xf32>
        %gt3A_266 = arith.cmpf ogt, %get3A_264, %gt3A_265 : vector<16xf32>
        %all_reduce_population_count3A_267 = tpu.all_reduce %gt3A_266 {dim = 0 : i64, kind = #tpu.reduction_kind<sum>} : vector<16xi1> -> vector<16xi32>
        %slice3A_268 = vector.extract_strided_slice %all_reduce_population_count3A_267 {offsets = [0], sizes = [1], strides = [1]} : vector<16xi32> to vector<1xi32>
        %squeeze3A_269 = vector.extract %slice3A_268[0] : i32 from vector<1xi32>
        %mul3A_270 = arith.constant 8 : i32
        %mul3A_271 = arith.muli %scan3A_168, %mul3A_270 : i32
        %add3A_272 = arith.constant 7 : i32
        %add3A_273 = arith.addi %mul3A_271, %add3A_272 : i32
        %mul3A_274 = arith.constant 16 : i32
        %mul3A_275 = arith.muli %add3A_273, %mul3A_274 : i32
        %get3A_276 = arith.constant 5 : i32
        %get3A_277 = arith.index_cast %get3A_276 : i32 to index
        %get3A_278 = arith.index_cast %mul3A_275 : i32 to index
        %get3A_279 = tpu.vector_load %arg4[%get3A_277, %get3A_278] {strides = array<i32>} : memref<8x4096xf32, #tpu.memory_space<vmem>>, vector<16xf32>,
        %gt3A_280 = vector.broadcast %scan3A : f32 to vector<16xf32>
        %gt3A_281 = arith.cmpf ogt, %get3A_279, %gt3A_280 : vector<16xf32>
        %all_reduce_population_count3A_282 = tpu.all_reduce %gt3A_281 {dim = 0 : i64, kind = #tpu.reduction_kind<sum>} : vector<16xi1> -> vector<16xi32>
        %slice3A_283 = vector.extract_strided_slice %all_reduce_population_count3A_282 {offsets = [0], sizes = [1], strides = [1]} : vector<16xi32> to vector<1xi32>
        %squeeze3A_284 = vector.extract %slice3A_283[0] : i32 from vector<1xi32>
        %min3A = arith.constant 240 : i32
        %min3A_285 = arith.minsi %scan3A_169, %min3A : i32
        %lt3A_286 = arith.constant 241 : i32
        %lt3A_287 = arith.cmpi slt, %scan3A_169, %lt3A_286 : i32
        %and3A = vector.broadcast %lt3A_287 : i1 to vector<16xi1>
        %and3A_288 = arith.andi %gt3A_179, %and3A : vector<16xi1>
        %swap3A = arith.constant 5 : i32
        %swap3A_289 = arith.index_cast %swap3A : i32 to index
        %swap3A_290 = arith.index_cast %min3A_285 : i32 to index
        %swap3A_291 = tpu.vector_load %arg6[%swap3A_289, %swap3A_290] masked %and3A_288 {strides = array<i32>} : memref<8x256xf32, #tpu.memory_space<vmem>>, vector<16xf32>, vector<16xi1>
        tpu.vector_store %arg6[%swap3A_289, %swap3A_290], %get3A_178 masked %and3A_288 {strides = array<i32>} : memref<8x256xf32, #tpu.memory_space<vmem>>, vector<16xf32>, vector<16xi1>
        %add3A_292 = arith.addi %scan3A_169, %squeeze3A : i32
        %min3A_293 = arith.constant 240 : i32
        %min3A_294 = arith.minsi %add3A_292, %min3A_293 : i32
        %lt3A_295 = arith.constant 241 : i32
        %lt3A_296 = arith.cmpi slt, %add3A_292, %lt3A_295 : i32
        %and3A_297 = vector.broadcast %lt3A_296 : i1 to vector<16xi1>
        %and3A_298 = arith.andi %gt3A_191, %and3A_297 : vector<16xi1>
        %swap3A_299 = arith.constant 5 : i32
        %swap3A_300 = arith.index_cast %swap3A_299 : i32 to index
        %swap3A_301 = arith.index_cast %min3A_294 : i32 to index
        %swap3A_302 = tpu.vector_load %arg6[%swap3A_300, %swap3A_301] masked %and3A_298 {strides = array<i32>} : memref<8x256xf32, #tpu.memory_space<vmem>>, vector<16xf32>, vector<16xi1>
        tpu.vector_store %arg6[%swap3A_300, %swap3A_301], %get3A_189 masked %and3A_298 {strides = array<i32>} : memref<8x256xf32, #tpu.memory_space<vmem>>, vector<16xf32>, vector<16xi1>
        %add3A_303 = arith.addi %add3A_292, %squeeze3A_194 : i32
        %min3A_304 = arith.constant 240 : i32
        %min3A_305 = arith.minsi %add3A_303, %min3A_304 : i32
        %lt3A_306 = arith.constant 241 : i32
        %lt3A_307 = arith.cmpi slt, %add3A_303, %lt3A_306 : i32
        %and3A_308 = vector.broadcast %lt3A_307 : i1 to vector<16xi1>
        %and3A_309 = arith.andi %gt3A_206, %and3A_308 : vector<16xi1>
        %swap3A_310 = arith.constant 5 : i32
        %swap3A_311 = arith.index_cast %swap3A_310 : i32 to index
        %swap3A_312 = arith.index_cast %min3A_305 : i32 to index
        %swap3A_313 = tpu.vector_load %arg6[%swap3A_311, %swap3A_312] masked %and3A_309 {strides = array<i32>} : memref<8x256xf32, #tpu.memory_space<vmem>>, vector<16xf32>, vector<16xi1>
        tpu.vector_store %arg6[%swap3A_311, %swap3A_312], %get3A_204 masked %and3A_309 {strides = array<i32>} : memref<8x256xf32, #tpu.memory_space<vmem>>, vector<16xf32>, vector<16xi1>
        %add3A_314 = arith.addi %add3A_303, %squeeze3A_209 : i32
        %min3A_315 = arith.constant 240 : i32
        %min3A_316 = arith.minsi %add3A_314, %min3A_315 : i32
        %lt3A_317 = arith.constant 241 : i32
        %lt3A_318 = arith.cmpi slt, %add3A_314, %lt3A_317 : i32
        %and3A_319 = vector.broadcast %lt3A_318 : i1 to vector<16xi1>
        %and3A_320 = arith.andi %gt3A_221, %and3A_319 : vector<16xi1>
        %swap3A_321 = arith.constant 5 : i32
        %swap3A_322 = arith.index_cast %swap3A_321 : i32 to index
        %swap3A_323 = arith.index_cast %min3A_316 : i32 to index
        %swap3A_324 = tpu.vector_load %arg6[%swap3A_322, %swap3A_323] masked %and3A_320 {strides = array<i32>} : memref<8x256xf32, #tpu.memory_space<vmem>>, vector<16xf32>, vector<16xi1>
        tpu.vector_store %arg6[%swap3A_322, %swap3A_323], %get3A_219 masked %and3A_320 {strides = array<i32>} : memref<8x256xf32, #tpu.memory_space<vmem>>, vector<16xf32>, vector<16xi1>
        %add3A_325 = arith.addi %add3A_314, %squeeze3A_224 : i32
        %min3A_326 = arith.constant 240 : i32
        %min3A_327 = arith.minsi %add3A_325, %min3A_326 : i32
        %lt3A_328 = arith.constant 241 : i32
        %lt3A_329 = arith.cmpi slt, %add3A_325, %lt3A_328 : i32
        %and3A_330 = vector.broadcast %lt3A_329 : i1 to vector<16xi1>
        %and3A_331 = arith.andi %gt3A_236, %and3A_330 : vector<16xi1>
        %swap3A_332 = arith.constant 5 : i32
        %swap3A_333 = arith.index_cast %swap3A_332 : i32 to index
        %swap3A_334 = arith.index_cast %min3A_327 : i32 to index
        %swap3A_335 = tpu.vector_load %arg6[%swap3A_333, %swap3A_334] masked %and3A_331 {strides = array<i32>} : memref<8x256xf32, #tpu.memory_space<vmem>>, vector<16xf32>, vector<16xi1>
        tpu.vector_store %arg6[%swap3A_333, %swap3A_334], %get3A_234 masked %and3A_331 {strides = array<i32>} : memref<8x256xf32, #tpu.memory_space<vmem>>, vector<16xf32>, vector<16xi1>
        %add3A_336 = arith.addi %add3A_325, %squeeze3A_239 : i32
        %min3A_337 = arith.constant 240 : i32
        %min3A_338 = arith.minsi %add3A_336, %min3A_337 : i32
        %lt3A_339 = arith.constant 241 : i32
        %lt3A_340 = arith.cmpi slt, %add3A_336, %lt3A_339 : i32
        %and3A_341 = vector.broadcast %lt3A_340 : i1 to vector<16xi1>
        %and3A_342 = arith.andi %gt3A_251, %and3A_341 : vector<16xi1>
        %swap3A_343 = arith.constant 5 : i32
        %swap3A_344 = arith.index_cast %swap3A_343 : i32 to index
        %swap3A_345 = arith.index_cast %min3A_338 : i32 to index
        %swap3A_346 = tpu.vector_load %arg6[%swap3A_344, %swap3A_345] masked %and3A_342 {strides = array<i32>} : memref<8x256xf32, #tpu.memory_space<vmem>>, vector<16xf32>, vector<16xi1>
        tpu.vector_store %arg6[%swap3A_344, %swap3A_345], %get3A_249 masked %and3A_342 {strides = array<i32>} : memref<8x256xf32, #tpu.memory_space<vmem>>, vector<16xf32>, vector<16xi1>
        %add3A_347 = arith.addi %add3A_336, %squeeze3A_254 : i32
        %min3A_348 = arith.constant 240 : i32
        %min3A_349 = arith.minsi %add3A_347, %min3A_348 : i32
        %lt3A_350 = arith.constant 241 : i32
        %lt3A_351 = arith.cmpi slt, %add3A_347, %lt3A_350 : i32
        %and3A_352 = vector.broadcast %lt3A_351 : i1 to vector<16xi1>
        %and3A_353 = arith.andi %gt3A_266, %and3A_352 : vector<16xi1>
        %swap3A_354 = arith.constant 5 : i32
        %swap3A_355 = arith.index_cast %swap3A_354 : i32 to index
        %swap3A_356 = arith.index_cast %min3A_349 : i32 to index
        %swap3A_357 = tpu.vector_load %arg6[%swap3A_355, %swap3A_356] masked %and3A_353 {strides = array<i32>} : memref<8x256xf32, #tpu.memory_space<vmem>>, vector<16xf32>, vector<16xi1>
        tpu.vector_store %arg6[%swap3A_355, %swap3A_356], %get3A_264 masked %and3A_353 {strides = array<i32>} : memref<8x256xf32, #tpu.memory_space<vmem>>, vector<16xf32>, vector<16xi1>
        %add3A_358 = arith.addi %add3A_347, %squeeze3A_269 : i32
        %min3A_359 = arith.constant 240 : i32
        %min3A_360 = arith.minsi %add3A_358, %min3A_359 : i32
        %lt3A_361 = arith.constant 241 : i32
        %lt3A_362 = arith.cmpi slt, %add3A_358, %lt3A_361 : i32
        %and3A_363 = vector.broadcast %lt3A_362 : i1 to vector<16xi1>
        %and3A_364 = arith.andi %gt3A_281, %and3A_363 : vector<16xi1>
        %swap3A_365 = arith.constant 5 : i32
        %swap3A_366 = arith.index_cast %swap3A_365 : i32 to index
        %swap3A_367 = arith.index_cast %min3A_360 : i32 to index
        %swap3A_368 = tpu.vector_load %arg6[%swap3A_366, %swap3A_367] masked %and3A_364 {strides = array<i32>} : memref<8x256xf32, #tpu.memory_space<vmem>>, vector<16xf32>, vector<16xi1>
        tpu.vector_store %arg6[%swap3A_366, %swap3A_367], %get3A_279 masked %and3A_364 {strides = array<i32>} : memref<8x256xf32, #tpu.memory_space<vmem>>, vector<16xf32>, vector<16xi1>
        %add3A_369 = arith.addi %add3A_358, %squeeze3A_284 : i32
        scf.yield %add3A_369 : i32
      }
      %scan3A_75 = arith.constant 32 : i32
      %scan3A_76 = arith.constant 0 : i32
      %scan3A_77 = arith.constant 0 : i32
      %scan3A_78 = arith.constant 32 : i32
      %scan3A_79 = arith.addi %scan3A_77, %scan3A_78 : i32
      %scan3A_80 = arith.constant 1 : i32
      %scan3A_81 = scf.for %scan3A_168 = %scan3A_77 to %scan3A_79 step %scan3A_80 iter_args(%scan3A_169 = %scan3A_76) -> (i32)  : i32 {
        %mul3A_170 = arith.constant 8 : i32
        %mul3A_171 = arith.muli %scan3A_168, %mul3A_170 : i32
        %add3A_172 = arith.constant 0 : i32
        %add3A_173 = arith.addi %mul3A_171, %add3A_172 : i32
        %mul3A_174 = arith.constant 16 : i32
        %mul3A_175 = arith.muli %add3A_173, %mul3A_174 : i32
        %get3A = arith.constant 6 : i32
        %get3A_176 = arith.index_cast %get3A : i32 to index
        %get3A_177 = arith.index_cast %mul3A_175 : i32 to index
        %get3A_178 = tpu.vector_load %arg4[%get3A_176, %get3A_177] {strides = array<i32>} : memref<8x4096xf32, #tpu.memory_space<vmem>>, vector<16xf32>,
        %gt3A = vector.broadcast %scan3A : f32 to vector<16xf32>
        %gt3A_179 = arith.cmpf ogt, %get3A_178, %gt3A : vector<16xf32>
        %all_reduce_population_count3A = tpu.all_reduce %gt3A_179 {dim = 0 : i64, kind = #tpu.reduction_kind<sum>} : vector<16xi1> -> vector<16xi32>
        %slice3A = vector.extract_strided_slice %all_reduce_population_count3A {offsets = [0], sizes = [1], strides = [1]} : vector<16xi32> to vector<1xi32>
        %squeeze3A = vector.extract %slice3A[0] : i32 from vector<1xi32>
        %mul3A_180 = arith.constant 8 : i32
        %mul3A_181 = arith.muli %scan3A_168, %mul3A_180 : i32
        %add3A_182 = arith.constant 1 : i32
        %add3A_183 = arith.addi %mul3A_181, %add3A_182 : i32
        %mul3A_184 = arith.constant 16 : i32
        %mul3A_185 = arith.muli %add3A_183, %mul3A_184 : i32
        %get3A_186 = arith.constant 6 : i32
        %get3A_187 = arith.index_cast %get3A_186 : i32 to index
        %get3A_188 = arith.index_cast %mul3A_185 : i32 to index
        %get3A_189 = tpu.vector_load %arg4[%get3A_187, %get3A_188] {strides = array<i32>} : memref<8x4096xf32, #tpu.memory_space<vmem>>, vector<16xf32>,
        %gt3A_190 = vector.broadcast %scan3A : f32 to vector<16xf32>
        %gt3A_191 = arith.cmpf ogt, %get3A_189, %gt3A_190 : vector<16xf32>
        %all_reduce_population_count3A_192 = tpu.all_reduce %gt3A_191 {dim = 0 : i64, kind = #tpu.reduction_kind<sum>} : vector<16xi1> -> vector<16xi32>
        %slice3A_193 = vector.extract_strided_slice %all_reduce_population_count3A_192 {offsets = [0], sizes = [1], strides = [1]} : vector<16xi32> to vector<1xi32>
        %squeeze3A_194 = vector.extract %slice3A_193[0] : i32 from vector<1xi32>
        %mul3A_195 = arith.constant 8 : i32
        %mul3A_196 = arith.muli %scan3A_168, %mul3A_195 : i32
        %add3A_197 = arith.constant 2 : i32
        %add3A_198 = arith.addi %mul3A_196, %add3A_197 : i32
        %mul3A_199 = arith.constant 16 : i32
        %mul3A_200 = arith.muli %add3A_198, %mul3A_199 : i32
        %get3A_201 = arith.constant 6 : i32
        %get3A_202 = arith.index_cast %get3A_201 : i32 to index
        %get3A_203 = arith.index_cast %mul3A_200 : i32 to index
        %get3A_204 = tpu.vector_load %arg4[%get3A_202, %get3A_203] {strides = array<i32>} : memref<8x4096xf32, #tpu.memory_space<vmem>>, vector<16xf32>,
        %gt3A_205 = vector.broadcast %scan3A : f32 to vector<16xf32>
        %gt3A_206 = arith.cmpf ogt, %get3A_204, %gt3A_205 : vector<16xf32>
        %all_reduce_population_count3A_207 = tpu.all_reduce %gt3A_206 {dim = 0 : i64, kind = #tpu.reduction_kind<sum>} : vector<16xi1> -> vector<16xi32>
        %slice3A_208 = vector.extract_strided_slice %all_reduce_population_count3A_207 {offsets = [0], sizes = [1], strides = [1]} : vector<16xi32> to vector<1xi32>
        %squeeze3A_209 = vector.extract %slice3A_208[0] : i32 from vector<1xi32>
        %mul3A_210 = arith.constant 8 : i32
        %mul3A_211 = arith.muli %scan3A_168, %mul3A_210 : i32
        %add3A_212 = arith.constant 3 : i32
        %add3A_213 = arith.addi %mul3A_211, %add3A_212 : i32
        %mul3A_214 = arith.constant 16 : i32
        %mul3A_215 = arith.muli %add3A_213, %mul3A_214 : i32
        %get3A_216 = arith.constant 6 : i32
        %get3A_217 = arith.index_cast %get3A_216 : i32 to index
        %get3A_218 = arith.index_cast %mul3A_215 : i32 to index
        %get3A_219 = tpu.vector_load %arg4[%get3A_217, %get3A_218] {strides = array<i32>} : memref<8x4096xf32, #tpu.memory_space<vmem>>, vector<16xf32>,
        %gt3A_220 = vector.broadcast %scan3A : f32 to vector<16xf32>
        %gt3A_221 = arith.cmpf ogt, %get3A_219, %gt3A_220 : vector<16xf32>
        %all_reduce_population_count3A_222 = tpu.all_reduce %gt3A_221 {dim = 0 : i64, kind = #tpu.reduction_kind<sum>} : vector<16xi1> -> vector<16xi32>
        %slice3A_223 = vector.extract_strided_slice %all_reduce_population_count3A_222 {offsets = [0], sizes = [1], strides = [1]} : vector<16xi32> to vector<1xi32>
        %squeeze3A_224 = vector.extract %slice3A_223[0] : i32 from vector<1xi32>
        %mul3A_225 = arith.constant 8 : i32
        %mul3A_226 = arith.muli %scan3A_168, %mul3A_225 : i32
        %add3A_227 = arith.constant 4 : i32
        %add3A_228 = arith.addi %mul3A_226, %add3A_227 : i32
        %mul3A_229 = arith.constant 16 : i32
        %mul3A_230 = arith.muli %add3A_228, %mul3A_229 : i32
        %get3A_231 = arith.constant 6 : i32
        %get3A_232 = arith.index_cast %get3A_231 : i32 to index
        %get3A_233 = arith.index_cast %mul3A_230 : i32 to index
        %get3A_234 = tpu.vector_load %arg4[%get3A_232, %get3A_233] {strides = array<i32>} : memref<8x4096xf32, #tpu.memory_space<vmem>>, vector<16xf32>,
        %gt3A_235 = vector.broadcast %scan3A : f32 to vector<16xf32>
        %gt3A_236 = arith.cmpf ogt, %get3A_234, %gt3A_235 : vector<16xf32>
        %all_reduce_population_count3A_237 = tpu.all_reduce %gt3A_236 {dim = 0 : i64, kind = #tpu.reduction_kind<sum>} : vector<16xi1> -> vector<16xi32>
        %slice3A_238 = vector.extract_strided_slice %all_reduce_population_count3A_237 {offsets = [0], sizes = [1], strides = [1]} : vector<16xi32> to vector<1xi32>
        %squeeze3A_239 = vector.extract %slice3A_238[0] : i32 from vector<1xi32>
        %mul3A_240 = arith.constant 8 : i32
        %mul3A_241 = arith.muli %scan3A_168, %mul3A_240 : i32
        %add3A_242 = arith.constant 5 : i32
        %add3A_243 = arith.addi %mul3A_241, %add3A_242 : i32
        %mul3A_244 = arith.constant 16 : i32
        %mul3A_245 = arith.muli %add3A_243, %mul3A_244 : i32
        %get3A_246 = arith.constant 6 : i32
        %get3A_247 = arith.index_cast %get3A_246 : i32 to index
        %get3A_248 = arith.index_cast %mul3A_245 : i32 to index
        %get3A_249 = tpu.vector_load %arg4[%get3A_247, %get3A_248] {strides = array<i32>} : memref<8x4096xf32, #tpu.memory_space<vmem>>, vector<16xf32>,
        %gt3A_250 = vector.broadcast %scan3A : f32 to vector<16xf32>
        %gt3A_251 = arith.cmpf ogt, %get3A_249, %gt3A_250 : vector<16xf32>
        %all_reduce_population_count3A_252 = tpu.all_reduce %gt3A_251 {dim = 0 : i64, kind = #tpu.reduction_kind<sum>} : vector<16xi1> -> vector<16xi32>
        %slice3A_253 = vector.extract_strided_slice %all_reduce_population_count3A_252 {offsets = [0], sizes = [1], strides = [1]} : vector<16xi32> to vector<1xi32>
        %squeeze3A_254 = vector.extract %slice3A_253[0] : i32 from vector<1xi32>
        %mul3A_255 = arith.constant 8 : i32
        %mul3A_256 = arith.muli %scan3A_168, %mul3A_255 : i32
        %add3A_257 = arith.constant 6 : i32
        %add3A_258 = arith.addi %mul3A_256, %add3A_257 : i32
        %mul3A_259 = arith.constant 16 : i32
        %mul3A_260 = arith.muli %add3A_258, %mul3A_259 : i32
        %get3A_261 = arith.constant 6 : i32
        %get3A_262 = arith.index_cast %get3A_261 : i32 to index
        %get3A_263 = arith.index_cast %mul3A_260 : i32 to index
        %get3A_264 = tpu.vector_load %arg4[%get3A_262, %get3A_263] {strides = array<i32>} : memref<8x4096xf32, #tpu.memory_space<vmem>>, vector<16xf32>,
        %gt3A_265 = vector.broadcast %scan3A : f32 to vector<16xf32>
        %gt3A_266 = arith.cmpf ogt, %get3A_264, %gt3A_265 : vector<16xf32>
        %all_reduce_population_count3A_267 = tpu.all_reduce %gt3A_266 {dim = 0 : i64, kind = #tpu.reduction_kind<sum>} : vector<16xi1> -> vector<16xi32>
        %slice3A_268 = vector.extract_strided_slice %all_reduce_population_count3A_267 {offsets = [0], sizes = [1], strides = [1]} : vector<16xi32> to vector<1xi32>
        %squeeze3A_269 = vector.extract %slice3A_268[0] : i32 from vector<1xi32>
        %mul3A_270 = arith.constant 8 : i32
        %mul3A_271 = arith.muli %scan3A_168, %mul3A_270 : i32
        %add3A_272 = arith.constant 7 : i32
        %add3A_273 = arith.addi %mul3A_271, %add3A_272 : i32
        %mul3A_274 = arith.constant 16 : i32
        %mul3A_275 = arith.muli %add3A_273, %mul3A_274 : i32
        %get3A_276 = arith.constant 6 : i32
        %get3A_277 = arith.index_cast %get3A_276 : i32 to index
        %get3A_278 = arith.index_cast %mul3A_275 : i32 to index
        %get3A_279 = tpu.vector_load %arg4[%get3A_277, %get3A_278] {strides = array<i32>} : memref<8x4096xf32, #tpu.memory_space<vmem>>, vector<16xf32>,
        %gt3A_280 = vector.broadcast %scan3A : f32 to vector<16xf32>
        %gt3A_281 = arith.cmpf ogt, %get3A_279, %gt3A_280 : vector<16xf32>
        %all_reduce_population_count3A_282 = tpu.all_reduce %gt3A_281 {dim = 0 : i64, kind = #tpu.reduction_kind<sum>} : vector<16xi1> -> vector<16xi32>
        %slice3A_283 = vector.extract_strided_slice %all_reduce_population_count3A_282 {offsets = [0], sizes = [1], strides = [1]} : vector<16xi32> to vector<1xi32>
        %squeeze3A_284 = vector.extract %slice3A_283[0] : i32 from vector<1xi32>
        %min3A = arith.constant 240 : i32
        %min3A_285 = arith.minsi %scan3A_169, %min3A : i32
        %lt3A_286 = arith.constant 241 : i32
        %lt3A_287 = arith.cmpi slt, %scan3A_169, %lt3A_286 : i32
        %and3A = vector.broadcast %lt3A_287 : i1 to vector<16xi1>
        %and3A_288 = arith.andi %gt3A_179, %and3A : vector<16xi1>
        %swap3A = arith.constant 6 : i32
        %swap3A_289 = arith.index_cast %swap3A : i32 to index
        %swap3A_290 = arith.index_cast %min3A_285 : i32 to index
        %swap3A_291 = tpu.vector_load %arg6[%swap3A_289, %swap3A_290] masked %and3A_288 {strides = array<i32>} : memref<8x256xf32, #tpu.memory_space<vmem>>, vector<16xf32>, vector<16xi1>
        tpu.vector_store %arg6[%swap3A_289, %swap3A_290], %get3A_178 masked %and3A_288 {strides = array<i32>} : memref<8x256xf32, #tpu.memory_space<vmem>>, vector<16xf32>, vector<16xi1>
        %add3A_292 = arith.addi %scan3A_169, %squeeze3A : i32
        %min3A_293 = arith.constant 240 : i32
        %min3A_294 = arith.minsi %add3A_292, %min3A_293 : i32
        %lt3A_295 = arith.constant 241 : i32
        %lt3A_296 = arith.cmpi slt, %add3A_292, %lt3A_295 : i32
        %and3A_297 = vector.broadcast %lt3A_296 : i1 to vector<16xi1>
        %and3A_298 = arith.andi %gt3A_191, %and3A_297 : vector<16xi1>
        %swap3A_299 = arith.constant 6 : i32
        %swap3A_300 = arith.index_cast %swap3A_299 : i32 to index
        %swap3A_301 = arith.index_cast %min3A_294 : i32 to index
        %swap3A_302 = tpu.vector_load %arg6[%swap3A_300, %swap3A_301] masked %and3A_298 {strides = array<i32>} : memref<8x256xf32, #tpu.memory_space<vmem>>, vector<16xf32>, vector<16xi1>
        tpu.vector_store %arg6[%swap3A_300, %swap3A_301], %get3A_189 masked %and3A_298 {strides = array<i32>} : memref<8x256xf32, #tpu.memory_space<vmem>>, vector<16xf32>, vector<16xi1>
        %add3A_303 = arith.addi %add3A_292, %squeeze3A_194 : i32
        %min3A_304 = arith.constant 240 : i32
        %min3A_305 = arith.minsi %add3A_303, %min3A_304 : i32
        %lt3A_306 = arith.constant 241 : i32
        %lt3A_307 = arith.cmpi slt, %add3A_303, %lt3A_306 : i32
        %and3A_308 = vector.broadcast %lt3A_307 : i1 to vector<16xi1>
        %and3A_309 = arith.andi %gt3A_206, %and3A_308 : vector<16xi1>
        %swap3A_310 = arith.constant 6 : i32
        %swap3A_311 = arith.index_cast %swap3A_310 : i32 to index
        %swap3A_312 = arith.index_cast %min3A_305 : i32 to index
        %swap3A_313 = tpu.vector_load %arg6[%swap3A_311, %swap3A_312] masked %and3A_309 {strides = array<i32>} : memref<8x256xf32, #tpu.memory_space<vmem>>, vector<16xf32>, vector<16xi1>
        tpu.vector_store %arg6[%swap3A_311, %swap3A_312], %get3A_204 masked %and3A_309 {strides = array<i32>} : memref<8x256xf32, #tpu.memory_space<vmem>>, vector<16xf32>, vector<16xi1>
        %add3A_314 = arith.addi %add3A_303, %squeeze3A_209 : i32
        %min3A_315 = arith.constant 240 : i32
        %min3A_316 = arith.minsi %add3A_314, %min3A_315 : i32
        %lt3A_317 = arith.constant 241 : i32
        %lt3A_318 = arith.cmpi slt, %add3A_314, %lt3A_317 : i32
        %and3A_319 = vector.broadcast %lt3A_318 : i1 to vector<16xi1>
        %and3A_320 = arith.andi %gt3A_221, %and3A_319 : vector<16xi1>
        %swap3A_321 = arith.constant 6 : i32
        %swap3A_322 = arith.index_cast %swap3A_321 : i32 to index
        %swap3A_323 = arith.index_cast %min3A_316 : i32 to index
        %swap3A_324 = tpu.vector_load %arg6[%swap3A_322, %swap3A_323] masked %and3A_320 {strides = array<i32>} : memref<8x256xf32, #tpu.memory_space<vmem>>, vector<16xf32>, vector<16xi1>
        tpu.vector_store %arg6[%swap3A_322, %swap3A_323], %get3A_219 masked %and3A_320 {strides = array<i32>} : memref<8x256xf32, #tpu.memory_space<vmem>>, vector<16xf32>, vector<16xi1>
        %add3A_325 = arith.addi %add3A_314, %squeeze3A_224 : i32
        %min3A_326 = arith.constant 240 : i32
        %min3A_327 = arith.minsi %add3A_325, %min3A_326 : i32
        %lt3A_328 = arith.constant 241 : i32
        %lt3A_329 = arith.cmpi slt, %add3A_325, %lt3A_328 : i32
        %and3A_330 = vector.broadcast %lt3A_329 : i1 to vector<16xi1>
        %and3A_331 = arith.andi %gt3A_236, %and3A_330 : vector<16xi1>
        %swap3A_332 = arith.constant 6 : i32
        %swap3A_333 = arith.index_cast %swap3A_332 : i32 to index
        %swap3A_334 = arith.index_cast %min3A_327 : i32 to index
        %swap3A_335 = tpu.vector_load %arg6[%swap3A_333, %swap3A_334] masked %and3A_331 {strides = array<i32>} : memref<8x256xf32, #tpu.memory_space<vmem>>, vector<16xf32>, vector<16xi1>
        tpu.vector_store %arg6[%swap3A_333, %swap3A_334], %get3A_234 masked %and3A_331 {strides = array<i32>} : memref<8x256xf32, #tpu.memory_space<vmem>>, vector<16xf32>, vector<16xi1>
        %add3A_336 = arith.addi %add3A_325, %squeeze3A_239 : i32
        %min3A_337 = arith.constant 240 : i32
        %min3A_338 = arith.minsi %add3A_336, %min3A_337 : i32
        %lt3A_339 = arith.constant 241 : i32
        %lt3A_340 = arith.cmpi slt, %add3A_336, %lt3A_339 : i32
        %and3A_341 = vector.broadcast %lt3A_340 : i1 to vector<16xi1>
        %and3A_342 = arith.andi %gt3A_251, %and3A_341 : vector<16xi1>
        %swap3A_343 = arith.constant 6 : i32
        %swap3A_344 = arith.index_cast %swap3A_343 : i32 to index
        %swap3A_345 = arith.index_cast %min3A_338 : i32 to index
        %swap3A_346 = tpu.vector_load %arg6[%swap3A_344, %swap3A_345] masked %and3A_342 {strides = array<i32>} : memref<8x256xf32, #tpu.memory_space<vmem>>, vector<16xf32>, vector<16xi1>
        tpu.vector_store %arg6[%swap3A_344, %swap3A_345], %get3A_249 masked %and3A_342 {strides = array<i32>} : memref<8x256xf32, #tpu.memory_space<vmem>>, vector<16xf32>, vector<16xi1>
        %add3A_347 = arith.addi %add3A_336, %squeeze3A_254 : i32
        %min3A_348 = arith.constant 240 : i32
        %min3A_349 = arith.minsi %add3A_347, %min3A_348 : i32
        %lt3A_350 = arith.constant 241 : i32
        %lt3A_351 = arith.cmpi slt, %add3A_347, %lt3A_350 : i32
        %and3A_352 = vector.broadcast %lt3A_351 : i1 to vector<16xi1>
        %and3A_353 = arith.andi %gt3A_266, %and3A_352 : vector<16xi1>
        %swap3A_354 = arith.constant 6 : i32
        %swap3A_355 = arith.index_cast %swap3A_354 : i32 to index
        %swap3A_356 = arith.index_cast %min3A_349 : i32 to index
        %swap3A_357 = tpu.vector_load %arg6[%swap3A_355, %swap3A_356] masked %and3A_353 {strides = array<i32>} : memref<8x256xf32, #tpu.memory_space<vmem>>, vector<16xf32>, vector<16xi1>
        tpu.vector_store %arg6[%swap3A_355, %swap3A_356], %get3A_264 masked %and3A_353 {strides = array<i32>} : memref<8x256xf32, #tpu.memory_space<vmem>>, vector<16xf32>, vector<16xi1>
        %add3A_358 = arith.addi %add3A_347, %squeeze3A_269 : i32
        %min3A_359 = arith.constant 240 : i32
        %min3A_360 = arith.minsi %add3A_358, %min3A_359 : i32
        %lt3A_361 = arith.constant 241 : i32
        %lt3A_362 = arith.cmpi slt, %add3A_358, %lt3A_361 : i32
        %and3A_363 = vector.broadcast %lt3A_362 : i1 to vector<16xi1>
        %and3A_364 = arith.andi %gt3A_281, %and3A_363 : vector<16xi1>
        %swap3A_365 = arith.constant 6 : i32
        %swap3A_366 = arith.index_cast %swap3A_365 : i32 to index
        %swap3A_367 = arith.index_cast %min3A_360 : i32 to index
        %swap3A_368 = tpu.vector_load %arg6[%swap3A_366, %swap3A_367] masked %and3A_364 {strides = array<i32>} : memref<8x256xf32, #tpu.memory_space<vmem>>, vector<16xf32>, vector<16xi1>
        tpu.vector_store %arg6[%swap3A_366, %swap3A_367], %get3A_279 masked %and3A_364 {strides = array<i32>} : memref<8x256xf32, #tpu.memory_space<vmem>>, vector<16xf32>, vector<16xi1>
        %add3A_369 = arith.addi %add3A_358, %squeeze3A_284 : i32
        scf.yield %add3A_369 : i32
      }
      %scan3A_82 = arith.constant 32 : i32
      %scan3A_83 = arith.constant 0 : i32
      %scan3A_84 = arith.constant 0 : i32
      %scan3A_85 = arith.constant 32 : i32
      %scan3A_86 = arith.addi %scan3A_84, %scan3A_85 : i32
      %scan3A_87 = arith.constant 1 : i32
      %scan3A_88 = scf.for %scan3A_168 = %scan3A_84 to %scan3A_86 step %scan3A_87 iter_args(%scan3A_169 = %scan3A_83) -> (i32)  : i32 {
        %mul3A_170 = arith.constant 8 : i32
        %mul3A_171 = arith.muli %scan3A_168, %mul3A_170 : i32
        %add3A_172 = arith.constant 0 : i32
        %add3A_173 = arith.addi %mul3A_171, %add3A_172 : i32
        %mul3A_174 = arith.constant 16 : i32
        %mul3A_175 = arith.muli %add3A_173, %mul3A_174 : i32
        %get3A = arith.constant 7 : i32
        %get3A_176 = arith.index_cast %get3A : i32 to index
        %get3A_177 = arith.index_cast %mul3A_175 : i32 to index
        %get3A_178 = tpu.vector_load %arg4[%get3A_176, %get3A_177] {strides = array<i32>} : memref<8x4096xf32, #tpu.memory_space<vmem>>, vector<16xf32>,
        %gt3A = vector.broadcast %scan3A : f32 to vector<16xf32>
        %gt3A_179 = arith.cmpf ogt, %get3A_178, %gt3A : vector<16xf32>
        %all_reduce_population_count3A = tpu.all_reduce %gt3A_179 {dim = 0 : i64, kind = #tpu.reduction_kind<sum>} : vector<16xi1> -> vector<16xi32>
        %slice3A = vector.extract_strided_slice %all_reduce_population_count3A {offsets = [0], sizes = [1], strides = [1]} : vector<16xi32> to vector<1xi32>
        %squeeze3A = vector.extract %slice3A[0] : i32 from vector<1xi32>
        %mul3A_180 = arith.constant 8 : i32
        %mul3A_181 = arith.muli %scan3A_168, %mul3A_180 : i32
        %add3A_182 = arith.constant 1 : i32
        %add3A_183 = arith.addi %mul3A_181, %add3A_182 : i32
        %mul3A_184 = arith.constant 16 : i32
        %mul3A_185 = arith.muli %add3A_183, %mul3A_184 : i32
        %get3A_186 = arith.constant 7 : i32
        %get3A_187 = arith.index_cast %get3A_186 : i32 to index
        %get3A_188 = arith.index_cast %mul3A_185 : i32 to index
        %get3A_189 = tpu.vector_load %arg4[%get3A_187, %get3A_188] {strides = array<i32>} : memref<8x4096xf32, #tpu.memory_space<vmem>>, vector<16xf32>,
        %gt3A_190 = vector.broadcast %scan3A : f32 to vector<16xf32>
        %gt3A_191 = arith.cmpf ogt, %get3A_189, %gt3A_190 : vector<16xf32>
        %all_reduce_population_count3A_192 = tpu.all_reduce %gt3A_191 {dim = 0 : i64, kind = #tpu.reduction_kind<sum>} : vector<16xi1> -> vector<16xi32>
        %slice3A_193 = vector.extract_strided_slice %all_reduce_population_count3A_192 {offsets = [0], sizes = [1], strides = [1]} : vector<16xi32> to vector<1xi32>
        %squeeze3A_194 = vector.extract %slice3A_193[0] : i32 from vector<1xi32>
        %mul3A_195 = arith.constant 8 : i32
        %mul3A_196 = arith.muli %scan3A_168, %mul3A_195 : i32
        %add3A_197 = arith.constant 2 : i32
        %add3A_198 = arith.addi %mul3A_196, %add3A_197 : i32
        %mul3A_199 = arith.constant 16 : i32
        %mul3A_200 = arith.muli %add3A_198, %mul3A_199 : i32
        %get3A_201 = arith.constant 7 : i32
        %get3A_202 = arith.index_cast %get3A_201 : i32 to index
        %get3A_203 = arith.index_cast %mul3A_200 : i32 to index
        %get3A_204 = tpu.vector_load %arg4[%get3A_202, %get3A_203] {strides = array<i32>} : memref<8x4096xf32, #tpu.memory_space<vmem>>, vector<16xf32>,
        %gt3A_205 = vector.broadcast %scan3A : f32 to vector<16xf32>
        %gt3A_206 = arith.cmpf ogt, %get3A_204, %gt3A_205 : vector<16xf32>
        %all_reduce_population_count3A_207 = tpu.all_reduce %gt3A_206 {dim = 0 : i64, kind = #tpu.reduction_kind<sum>} : vector<16xi1> -> vector<16xi32>
        %slice3A_208 = vector.extract_strided_slice %all_reduce_population_count3A_207 {offsets = [0], sizes = [1], strides = [1]} : vector<16xi32> to vector<1xi32>
        %squeeze3A_209 = vector.extract %slice3A_208[0] : i32 from vector<1xi32>
        %mul3A_210 = arith.constant 8 : i32
        %mul3A_211 = arith.muli %scan3A_168, %mul3A_210 : i32
        %add3A_212 = arith.constant 3 : i32
        %add3A_213 = arith.addi %mul3A_211, %add3A_212 : i32
        %mul3A_214 = arith.constant 16 : i32
        %mul3A_215 = arith.muli %add3A_213, %mul3A_214 : i32
        %get3A_216 = arith.constant 7 : i32
        %get3A_217 = arith.index_cast %get3A_216 : i32 to index
        %get3A_218 = arith.index_cast %mul3A_215 : i32 to index
        %get3A_219 = tpu.vector_load %arg4[%get3A_217, %get3A_218] {strides = array<i32>} : memref<8x4096xf32, #tpu.memory_space<vmem>>, vector<16xf32>,
        %gt3A_220 = vector.broadcast %scan3A : f32 to vector<16xf32>
        %gt3A_221 = arith.cmpf ogt, %get3A_219, %gt3A_220 : vector<16xf32>
        %all_reduce_population_count3A_222 = tpu.all_reduce %gt3A_221 {dim = 0 : i64, kind = #tpu.reduction_kind<sum>} : vector<16xi1> -> vector<16xi32>
        %slice3A_223 = vector.extract_strided_slice %all_reduce_population_count3A_222 {offsets = [0], sizes = [1], strides = [1]} : vector<16xi32> to vector<1xi32>
        %squeeze3A_224 = vector.extract %slice3A_223[0] : i32 from vector<1xi32>
        %mul3A_225 = arith.constant 8 : i32
        %mul3A_226 = arith.muli %scan3A_168, %mul3A_225 : i32
        %add3A_227 = arith.constant 4 : i32
        %add3A_228 = arith.addi %mul3A_226, %add3A_227 : i32
        %mul3A_229 = arith.constant 16 : i32
        %mul3A_230 = arith.muli %add3A_228, %mul3A_229 : i32
        %get3A_231 = arith.constant 7 : i32
        %get3A_232 = arith.index_cast %get3A_231 : i32 to index
        %get3A_233 = arith.index_cast %mul3A_230 : i32 to index
        %get3A_234 = tpu.vector_load %arg4[%get3A_232, %get3A_233] {strides = array<i32>} : memref<8x4096xf32, #tpu.memory_space<vmem>>, vector<16xf32>,
        %gt3A_235 = vector.broadcast %scan3A : f32 to vector<16xf32>
        %gt3A_236 = arith.cmpf ogt, %get3A_234, %gt3A_235 : vector<16xf32>
        %all_reduce_population_count3A_237 = tpu.all_reduce %gt3A_236 {dim = 0 : i64, kind = #tpu.reduction_kind<sum>} : vector<16xi1> -> vector<16xi32>
        %slice3A_238 = vector.extract_strided_slice %all_reduce_population_count3A_237 {offsets = [0], sizes = [1], strides = [1]} : vector<16xi32> to vector<1xi32>
        %squeeze3A_239 = vector.extract %slice3A_238[0] : i32 from vector<1xi32>
        %mul3A_240 = arith.constant 8 : i32
        %mul3A_241 = arith.muli %scan3A_168, %mul3A_240 : i32
        %add3A_242 = arith.constant 5 : i32
        %add3A_243 = arith.addi %mul3A_241, %add3A_242 : i32
        %mul3A_244 = arith.constant 16 : i32
        %mul3A_245 = arith.muli %add3A_243, %mul3A_244 : i32
        %get3A_246 = arith.constant 7 : i32
        %get3A_247 = arith.index_cast %get3A_246 : i32 to index
        %get3A_248 = arith.index_cast %mul3A_245 : i32 to index
        %get3A_249 = tpu.vector_load %arg4[%get3A_247, %get3A_248] {strides = array<i32>} : memref<8x4096xf32, #tpu.memory_space<vmem>>, vector<16xf32>,
        %gt3A_250 = vector.broadcast %scan3A : f32 to vector<16xf32>
        %gt3A_251 = arith.cmpf ogt, %get3A_249, %gt3A_250 : vector<16xf32>
        %all_reduce_population_count3A_252 = tpu.all_reduce %gt3A_251 {dim = 0 : i64, kind = #tpu.reduction_kind<sum>} : vector<16xi1> -> vector<16xi32>
        %slice3A_253 = vector.extract_strided_slice %all_reduce_population_count3A_252 {offsets = [0], sizes = [1], strides = [1]} : vector<16xi32> to vector<1xi32>
        %squeeze3A_254 = vector.extract %slice3A_253[0] : i32 from vector<1xi32>
        %mul3A_255 = arith.constant 8 : i32
        %mul3A_256 = arith.muli %scan3A_168, %mul3A_255 : i32
        %add3A_257 = arith.constant 6 : i32
        %add3A_258 = arith.addi %mul3A_256, %add3A_257 : i32
        %mul3A_259 = arith.constant 16 : i32
        %mul3A_260 = arith.muli %add3A_258, %mul3A_259 : i32
        %get3A_261 = arith.constant 7 : i32
        %get3A_262 = arith.index_cast %get3A_261 : i32 to index
        %get3A_263 = arith.index_cast %mul3A_260 : i32 to index
        %get3A_264 = tpu.vector_load %arg4[%get3A_262, %get3A_263] {strides = array<i32>} : memref<8x4096xf32, #tpu.memory_space<vmem>>, vector<16xf32>,
        %gt3A_265 = vector.broadcast %scan3A : f32 to vector<16xf32>
        %gt3A_266 = arith.cmpf ogt, %get3A_264, %gt3A_265 : vector<16xf32>
        %all_reduce_population_count3A_267 = tpu.all_reduce %gt3A_266 {dim = 0 : i64, kind = #tpu.reduction_kind<sum>} : vector<16xi1> -> vector<16xi32>
        %slice3A_268 = vector.extract_strided_slice %all_reduce_population_count3A_267 {offsets = [0], sizes = [1], strides = [1]} : vector<16xi32> to vector<1xi32>
        %squeeze3A_269 = vector.extract %slice3A_268[0] : i32 from vector<1xi32>
        %mul3A_270 = arith.constant 8 : i32
        %mul3A_271 = arith.muli %scan3A_168, %mul3A_270 : i32
        %add3A_272 = arith.constant 7 : i32
        %add3A_273 = arith.addi %mul3A_271, %add3A_272 : i32
        %mul3A_274 = arith.constant 16 : i32
        %mul3A_275 = arith.muli %add3A_273, %mul3A_274 : i32
        %get3A_276 = arith.constant 7 : i32
        %get3A_277 = arith.index_cast %get3A_276 : i32 to index
        %get3A_278 = arith.index_cast %mul3A_275 : i32 to index
        %get3A_279 = tpu.vector_load %arg4[%get3A_277, %get3A_278] {strides = array<i32>} : memref<8x4096xf32, #tpu.memory_space<vmem>>, vector<16xf32>,
        %gt3A_280 = vector.broadcast %scan3A : f32 to vector<16xf32>
        %gt3A_281 = arith.cmpf ogt, %get3A_279, %gt3A_280 : vector<16xf32>
        %all_reduce_population_count3A_282 = tpu.all_reduce %gt3A_281 {dim = 0 : i64, kind = #tpu.reduction_kind<sum>} : vector<16xi1> -> vector<16xi32>
        %slice3A_283 = vector.extract_strided_slice %all_reduce_population_count3A_282 {offsets = [0], sizes = [1], strides = [1]} : vector<16xi32> to vector<1xi32>
        %squeeze3A_284 = vector.extract %slice3A_283[0] : i32 from vector<1xi32>
        %min3A = arith.constant 240 : i32
        %min3A_285 = arith.minsi %scan3A_169, %min3A : i32
        %lt3A_286 = arith.constant 241 : i32
        %lt3A_287 = arith.cmpi slt, %scan3A_169, %lt3A_286 : i32
        %and3A = vector.broadcast %lt3A_287 : i1 to vector<16xi1>
        %and3A_288 = arith.andi %gt3A_179, %and3A : vector<16xi1>
        %swap3A = arith.constant 7 : i32
        %swap3A_289 = arith.index_cast %swap3A : i32 to index
        %swap3A_290 = arith.index_cast %min3A_285 : i32 to index
        %swap3A_291 = tpu.vector_load %arg6[%swap3A_289, %swap3A_290] masked %and3A_288 {strides = array<i32>} : memref<8x256xf32, #tpu.memory_space<vmem>>, vector<16xf32>, vector<16xi1>
        tpu.vector_store %arg6[%swap3A_289, %swap3A_290], %get3A_178 masked %and3A_288 {strides = array<i32>} : memref<8x256xf32, #tpu.memory_space<vmem>>, vector<16xf32>, vector<16xi1>
        %add3A_292 = arith.addi %scan3A_169, %squeeze3A : i32
        %min3A_293 = arith.constant 240 : i32
        %min3A_294 = arith.minsi %add3A_292, %min3A_293 : i32
        %lt3A_295 = arith.constant 241 : i32
        %lt3A_296 = arith.cmpi slt, %add3A_292, %lt3A_295 : i32
        %and3A_297 = vector.broadcast %lt3A_296 : i1 to vector<16xi1>
        %and3A_298 = arith.andi %gt3A_191, %and3A_297 : vector<16xi1>
        %swap3A_299 = arith.constant 7 : i32
        %swap3A_300 = arith.index_cast %swap3A_299 : i32 to index
        %swap3A_301 = arith.index_cast %min3A_294 : i32 to index
        %swap3A_302 = tpu.vector_load %arg6[%swap3A_300, %swap3A_301] masked %and3A_298 {strides = array<i32>} : memref<8x256xf32, #tpu.memory_space<vmem>>, vector<16xf32>, vector<16xi1>
        tpu.vector_store %arg6[%swap3A_300, %swap3A_301], %get3A_189 masked %and3A_298 {strides = array<i32>} : memref<8x256xf32, #tpu.memory_space<vmem>>, vector<16xf32>, vector<16xi1>
        %add3A_303 = arith.addi %add3A_292, %squeeze3A_194 : i32
        %min3A_304 = arith.constant 240 : i32
        %min3A_305 = arith.minsi %add3A_303, %min3A_304 : i32
        %lt3A_306 = arith.constant 241 : i32
        %lt3A_307 = arith.cmpi slt, %add3A_303, %lt3A_306 : i32
        %and3A_308 = vector.broadcast %lt3A_307 : i1 to vector<16xi1>
        %and3A_309 = arith.andi %gt3A_206, %and3A_308 : vector<16xi1>
        %swap3A_310 = arith.constant 7 : i32
        %swap3A_311 = arith.index_cast %swap3A_310 : i32 to index
        %swap3A_312 = arith.index_cast %min3A_305 : i32 to index
        %swap3A_313 = tpu.vector_load %arg6[%swap3A_311, %swap3A_312] masked %and3A_309 {strides = array<i32>} : memref<8x256xf32, #tpu.memory_space<vmem>>, vector<16xf32>, vector<16xi1>
        tpu.vector_store %arg6[%swap3A_311, %swap3A_312], %get3A_204 masked %and3A_309 {strides = array<i32>} : memref<8x256xf32, #tpu.memory_space<vmem>>, vector<16xf32>, vector<16xi1>
        %add3A_314 = arith.addi %add3A_303, %squeeze3A_209 : i32
        %min3A_315 = arith.constant 240 : i32
        %min3A_316 = arith.minsi %add3A_314, %min3A_315 : i32
        %lt3A_317 = arith.constant 241 : i32
        %lt3A_318 = arith.cmpi slt, %add3A_314, %lt3A_317 : i32
        %and3A_319 = vector.broadcast %lt3A_318 : i1 to vector<16xi1>
        %and3A_320 = arith.andi %gt3A_221, %and3A_319 : vector<16xi1>
        %swap3A_321 = arith.constant 7 : i32
        %swap3A_322 = arith.index_cast %swap3A_321 : i32 to index
        %swap3A_323 = arith.index_cast %min3A_316 : i32 to index
        %swap3A_324 = tpu.vector_load %arg6[%swap3A_322, %swap3A_323] masked %and3A_320 {strides = array<i32>} : memref<8x256xf32, #tpu.memory_space<vmem>>, vector<16xf32>, vector<16xi1>
        tpu.vector_store %arg6[%swap3A_322, %swap3A_323], %get3A_219 masked %and3A_320 {strides = array<i32>} : memref<8x256xf32, #tpu.memory_space<vmem>>, vector<16xf32>, vector<16xi1>
        %add3A_325 = arith.addi %add3A_314, %squeeze3A_224 : i32
        %min3A_326 = arith.constant 240 : i32
        %min3A_327 = arith.minsi %add3A_325, %min3A_326 : i32
        %lt3A_328 = arith.constant 241 : i32
        %lt3A_329 = arith.cmpi slt, %add3A_325, %lt3A_328 : i32
        %and3A_330 = vector.broadcast %lt3A_329 : i1 to vector<16xi1>
        %and3A_331 = arith.andi %gt3A_236, %and3A_330 : vector<16xi1>
        %swap3A_332 = arith.constant 7 : i32
        %swap3A_333 = arith.index_cast %swap3A_332 : i32 to index
        %swap3A_334 = arith.index_cast %min3A_327 : i32 to index
        %swap3A_335 = tpu.vector_load %arg6[%swap3A_333, %swap3A_334] masked %and3A_331 {strides = array<i32>} : memref<8x256xf32, #tpu.memory_space<vmem>>, vector<16xf32>, vector<16xi1>
        tpu.vector_store %arg6[%swap3A_333, %swap3A_334], %get3A_234 masked %and3A_331 {strides = array<i32>} : memref<8x256xf32, #tpu.memory_space<vmem>>, vector<16xf32>, vector<16xi1>
        %add3A_336 = arith.addi %add3A_325, %squeeze3A_239 : i32
        %min3A_337 = arith.constant 240 : i32
        %min3A_338 = arith.minsi %add3A_336, %min3A_337 : i32
        %lt3A_339 = arith.constant 241 : i32
        %lt3A_340 = arith.cmpi slt, %add3A_336, %lt3A_339 : i32
        %and3A_341 = vector.broadcast %lt3A_340 : i1 to vector<16xi1>
        %and3A_342 = arith.andi %gt3A_251, %and3A_341 : vector<16xi1>
        %swap3A_343 = arith.constant 7 : i32
        %swap3A_344 = arith.index_cast %swap3A_343 : i32 to index
        %swap3A_345 = arith.index_cast %min3A_338 : i32 to index
        %swap3A_346 = tpu.vector_load %arg6[%swap3A_344, %swap3A_345] masked %and3A_342 {strides = array<i32>} : memref<8x256xf32, #tpu.memory_space<vmem>>, vector<16xf32>, vector<16xi1>
        tpu.vector_store %arg6[%swap3A_344, %swap3A_345], %get3A_249 masked %and3A_342 {strides = array<i32>} : memref<8x256xf32, #tpu.memory_space<vmem>>, vector<16xf32>, vector<16xi1>
        %add3A_347 = arith.addi %add3A_336, %squeeze3A_254 : i32
        %min3A_348 = arith.constant 240 : i32
        %min3A_349 = arith.minsi %add3A_347, %min3A_348 : i32
        %lt3A_350 = arith.constant 241 : i32
        %lt3A_351 = arith.cmpi slt, %add3A_347, %lt3A_350 : i32
        %and3A_352 = vector.broadcast %lt3A_351 : i1 to vector<16xi1>
        %and3A_353 = arith.andi %gt3A_266, %and3A_352 : vector<16xi1>
        %swap3A_354 = arith.constant 7 : i32
        %swap3A_355 = arith.index_cast %swap3A_354 : i32 to index
        %swap3A_356 = arith.index_cast %min3A_349 : i32 to index
        %swap3A_357 = tpu.vector_load %arg6[%swap3A_355, %swap3A_356] masked %and3A_353 {strides = array<i32>} : memref<8x256xf32, #tpu.memory_space<vmem>>, vector<16xf32>, vector<16xi1>
        tpu.vector_store %arg6[%swap3A_355, %swap3A_356], %get3A_264 masked %and3A_353 {strides = array<i32>} : memref<8x256xf32, #tpu.memory_space<vmem>>, vector<16xf32>, vector<16xi1>
        %add3A_358 = arith.addi %add3A_347, %squeeze3A_269 : i32
        %min3A_359 = arith.constant 240 : i32
        %min3A_360 = arith.minsi %add3A_358, %min3A_359 : i32
        %lt3A_361 = arith.constant 241 : i32
        %lt3A_362 = arith.cmpi slt, %add3A_358, %lt3A_361 : i32
        %and3A_363 = vector.broadcast %lt3A_362 : i1 to vector<16xi1>
        %and3A_364 = arith.andi %gt3A_281, %and3A_363 : vector<16xi1>
        %swap3A_365 = arith.constant 7 : i32
        %swap3A_366 = arith.index_cast %swap3A_365 : i32 to index
        %swap3A_367 = arith.index_cast %min3A_360 : i32 to index
        %swap3A_368 = tpu.vector_load %arg6[%swap3A_366, %swap3A_367] masked %and3A_364 {strides = array<i32>} : memref<8x256xf32, #tpu.memory_space<vmem>>, vector<16xf32>, vector<16xi1>
        tpu.vector_store %arg6[%swap3A_366, %swap3A_367], %get3A_279 masked %and3A_364 {strides = array<i32>} : memref<8x256xf32, #tpu.memory_space<vmem>>, vector<16xf32>, vector<16xi1>
        %add3A_369 = arith.addi %add3A_358, %squeeze3A_284 : i32
        scf.yield %add3A_369 : i32
      }
      %scan3A_89 = arith.constant 32 : i32
      %mul3A_90 = arith.constant 8 : i32
      %mul3A_91 = arith.muli %mul3A_18, %mul3A_90 : i32
      %add3A_92 = arith.addi %mul3A_2, %mul3A_91 : i32
      "tpu.region"() ({
        %run_scoped3A = tpu.sem_alloc : memref<!tpu.dma_semaphore, #tpu.memory_space<semaphore_mem>>
        %dma_start3A_168 = arith.constant 0 : i32
        %dma_start3A_169 = tpu.memref_slice %arg3[%add3A_92, %dma_start3A_168] : memref<4096x256xf32, #tpu.memory_space<hbm>> -> memref<8x256xf32, #tpu.memory_space<hbm>>
        %dma_start3A_170 = arith.constant 0 : i32
        %dma_start3A_171 = tpu.memref_slice %arg3[%add3A_92, %dma_start3A_170] : memref<4096x256xf32, #tpu.memory_space<hbm>> -> memref<8x256xf32, #tpu.memory_space<hbm>>
        tpu.enqueue_dma source(%arg6 : memref<8x256xf32, #tpu.memory_space<vmem>>) target(%dma_start3A_171 : memref<8x256xf32, #tpu.memory_space<hbm>>) target_semaphore(%run_scoped3A : memref<!tpu.dma_semaphore, #tpu.memory_space<semaphore_mem>>)
        %dma_wait3A_172 = arith.constant 0 : i32
        %dma_wait3A_173 = tpu.memref_slice %arg3[%add3A_92, %dma_wait3A_172] : memref<4096x256xf32, #tpu.memory_space<hbm>> -> memref<8x256xf32, #tpu.memory_space<hbm>>
        %dma_wait3A_174 = arith.constant 0 : i32
        %dma_wait3A_175 = tpu.memref_slice %arg3[%add3A_92, %dma_wait3A_174] : memref<4096x256xf32, #tpu.memory_space<hbm>> -> memref<8x256xf32, #tpu.memory_space<hbm>>
        tpu.wait_dma2 semaphore(%run_scoped3A : memref<!tpu.dma_semaphore, #tpu.memory_space<semaphore_mem>>) src(%arg6 : memref<8x256xf32, #tpu.memory_space<vmem>>) dst(%dma_wait3A_175 : memref<8x256xf32, #tpu.memory_space<hbm>>)
        tpu.yield
      }) : () -> ()
      %add3A_93 = arith.constant 1 : i32
      %add3A_94 = arith.addi %mul3A_18, %add3A_93 : i32
      %mul3A_95 = arith.constant 8 : i32
      %mul3A_96 = arith.muli %add3A_94, %mul3A_95 : i32
      %add3A_97 = arith.addi %mul3A_2, %mul3A_96 : i32
      %dma_wait3A_98 = arith.constant 0 : i32
      %dma_wait3A_99 = tpu.memref_slice %arg2[%add3A_97, %dma_wait3A_98] : memref<4096x4096xf32, #tpu.memory_space<hbm>> -> memref<8x4096xf32, #tpu.memory_space<hbm>>
      %dma_wait3A_100 = arith.constant 0 : i32
      %dma_wait3A_101 = tpu.memref_slice %arg2[%add3A_97, %dma_wait3A_100] : memref<4096x4096xf32, #tpu.memory_space<hbm>> -> memref<8x4096xf32, #tpu.memory_space<hbm>>
      tpu.wait_dma2 semaphore(%arg8 : memref<!tpu.dma_semaphore, #tpu.memory_space<semaphore_mem>>) src(%dma_wait3A_101 : memref<8x4096xf32, #tpu.memory_space<hbm>>) dst(%arg5 : memref<8x4096xf32, #tpu.memory_space<vmem>>)
      %add3A_102 = arith.constant 2 : i32
      %add3A_103 = arith.addi %mul3A_18, %add3A_102 : i32
      %lt3A = arith.constant 16 : i32
      %lt3A_104 = arith.cmpi slt, %add3A_103, %lt3A : i32
      %convert_element_type3A = arith.extui %lt3A_104 : i1 to i32
      %cond3A = arith.constant 0 : i32
      %cond3A_105 = arith.cmpi ne, %convert_element_type3A, %cond3A : i32
      scf.if %cond3A_105 {
        %add3A_168 = arith.constant 2 : i32
        %add3A_169 = arith.addi %mul3A_18, %add3A_168 : i32
        %mul3A_170 = arith.constant 8 : i32
        %mul3A_171 = arith.muli %add3A_169, %mul3A_170 : i32
        %add3A_172 = arith.addi %mul3A_2, %mul3A_171 : i32
        %dma_start3A_173 = arith.constant 0 : i32
        %dma_start3A_174 = tpu.memref_slice %arg2[%add3A_172, %dma_start3A_173] : memref<4096x4096xf32, #tpu.memory_space<hbm>> -> memref<8x4096xf32, #tpu.memory_space<hbm>>
        %dma_start3A_175 = arith.constant 0 : i32
        %dma_start3A_176 = tpu.memref_slice %arg2[%add3A_172, %dma_start3A_175] : memref<4096x4096xf32, #tpu.memory_space<hbm>> -> memref<8x4096xf32, #tpu.memory_space<hbm>>
        tpu.enqueue_dma source(%dma_start3A_176 : memref<8x4096xf32, #tpu.memory_space<hbm>>) target(%arg4 : memref<8x4096xf32, #tpu.memory_space<vmem>>) target_semaphore(%arg7 : memref<!tpu.dma_semaphore, #tpu.memory_space<semaphore_mem>>)
      } else {
      }
      %add3A_106 = arith.constant 1 : i32
      %add3A_107 = arith.addi %mul3A_18, %add3A_106 : i32
      %scan3A_108 = arith.constant 0 : i32
      %scan3A_109 = arith.constant 0 : i32
      %scan3A_110 = arith.constant 32 : i32
      %scan3A_111 = arith.addi %scan3A_109, %scan3A_110 : i32
      %scan3A_112 = arith.constant 1 : i32
      %scan3A_113 = scf.for %scan3A_168 = %scan3A_109 to %scan3A_111 step %scan3A_112 iter_args(%scan3A_169 = %scan3A_108) -> (i32)  : i32 {
        %mul3A_170 = arith.constant 8 : i32
        %mul3A_171 = arith.muli %scan3A_168, %mul3A_170 : i32
        %add3A_172 = arith.constant 0 : i32
        %add3A_173 = arith.addi %mul3A_171, %add3A_172 : i32
        %mul3A_174 = arith.constant 16 : i32
        %mul3A_175 = arith.muli %add3A_173, %mul3A_174 : i32
        %get3A = arith.constant 0 : i32
        %get3A_176 = arith.index_cast %get3A : i32 to index
        %get3A_177 = arith.index_cast %mul3A_175 : i32 to index
        %get3A_178 = tpu.vector_load %arg5[%get3A_176, %get3A_177] {strides = array<i32>} : memref<8x4096xf32, #tpu.memory_space<vmem>>, vector<16xf32>,
        %gt3A = vector.broadcast %scan3A : f32 to vector<16xf32>
        %gt3A_179 = arith.cmpf ogt, %get3A_178, %gt3A : vector<16xf32>
        %all_reduce_population_count3A = tpu.all_reduce %gt3A_179 {dim = 0 : i64, kind = #tpu.reduction_kind<sum>} : vector<16xi1> -> vector<16xi32>
        %slice3A = vector.extract_strided_slice %all_reduce_population_count3A {offsets = [0], sizes = [1], strides = [1]} : vector<16xi32> to vector<1xi32>
        %squeeze3A = vector.extract %slice3A[0] : i32 from vector<1xi32>
        %mul3A_180 = arith.constant 8 : i32
        %mul3A_181 = arith.muli %scan3A_168, %mul3A_180 : i32
        %add3A_182 = arith.constant 1 : i32
        %add3A_183 = arith.addi %mul3A_181, %add3A_182 : i32
        %mul3A_184 = arith.constant 16 : i32
        %mul3A_185 = arith.muli %add3A_183, %mul3A_184 : i32
        %get3A_186 = arith.constant 0 : i32
        %get3A_187 = arith.index_cast %get3A_186 : i32 to index
        %get3A_188 = arith.index_cast %mul3A_185 : i32 to index
        %get3A_189 = tpu.vector_load %arg5[%get3A_187, %get3A_188] {strides = array<i32>} : memref<8x4096xf32, #tpu.memory_space<vmem>>, vector<16xf32>,
        %gt3A_190 = vector.broadcast %scan3A : f32 to vector<16xf32>
        %gt3A_191 = arith.cmpf ogt, %get3A_189, %gt3A_190 : vector<16xf32>
        %all_reduce_population_count3A_192 = tpu.all_reduce %gt3A_191 {dim = 0 : i64, kind = #tpu.reduction_kind<sum>} : vector<16xi1> -> vector<16xi32>
        %slice3A_193 = vector.extract_strided_slice %all_reduce_population_count3A_192 {offsets = [0], sizes = [1], strides = [1]} : vector<16xi32> to vector<1xi32>
        %squeeze3A_194 = vector.extract %slice3A_193[0] : i32 from vector<1xi32>
        %mul3A_195 = arith.constant 8 : i32
        %mul3A_196 = arith.muli %scan3A_168, %mul3A_195 : i32
        %add3A_197 = arith.constant 2 : i32
        %add3A_198 = arith.addi %mul3A_196, %add3A_197 : i32
        %mul3A_199 = arith.constant 16 : i32
        %mul3A_200 = arith.muli %add3A_198, %mul3A_199 : i32
        %get3A_201 = arith.constant 0 : i32
        %get3A_202 = arith.index_cast %get3A_201 : i32 to index
        %get3A_203 = arith.index_cast %mul3A_200 : i32 to index
        %get3A_204 = tpu.vector_load %arg5[%get3A_202, %get3A_203] {strides = array<i32>} : memref<8x4096xf32, #tpu.memory_space<vmem>>, vector<16xf32>,
        %gt3A_205 = vector.broadcast %scan3A : f32 to vector<16xf32>
        %gt3A_206 = arith.cmpf ogt, %get3A_204, %gt3A_205 : vector<16xf32>
        %all_reduce_population_count3A_207 = tpu.all_reduce %gt3A_206 {dim = 0 : i64, kind = #tpu.reduction_kind<sum>} : vector<16xi1> -> vector<16xi32>
        %slice3A_208 = vector.extract_strided_slice %all_reduce_population_count3A_207 {offsets = [0], sizes = [1], strides = [1]} : vector<16xi32> to vector<1xi32>
        %squeeze3A_209 = vector.extract %slice3A_208[0] : i32 from vector<1xi32>
        %mul3A_210 = arith.constant 8 : i32
        %mul3A_211 = arith.muli %scan3A_168, %mul3A_210 : i32
        %add3A_212 = arith.constant 3 : i32
        %add3A_213 = arith.addi %mul3A_211, %add3A_212 : i32
        %mul3A_214 = arith.constant 16 : i32
        %mul3A_215 = arith.muli %add3A_213, %mul3A_214 : i32
        %get3A_216 = arith.constant 0 : i32
        %get3A_217 = arith.index_cast %get3A_216 : i32 to index
        %get3A_218 = arith.index_cast %mul3A_215 : i32 to index
        %get3A_219 = tpu.vector_load %arg5[%get3A_217, %get3A_218] {strides = array<i32>} : memref<8x4096xf32, #tpu.memory_space<vmem>>, vector<16xf32>,
        %gt3A_220 = vector.broadcast %scan3A : f32 to vector<16xf32>
        %gt3A_221 = arith.cmpf ogt, %get3A_219, %gt3A_220 : vector<16xf32>
        %all_reduce_population_count3A_222 = tpu.all_reduce %gt3A_221 {dim = 0 : i64, kind = #tpu.reduction_kind<sum>} : vector<16xi1> -> vector<16xi32>
        %slice3A_223 = vector.extract_strided_slice %all_reduce_population_count3A_222 {offsets = [0], sizes = [1], strides = [1]} : vector<16xi32> to vector<1xi32>
        %squeeze3A_224 = vector.extract %slice3A_223[0] : i32 from vector<1xi32>
        %mul3A_225 = arith.constant 8 : i32
        %mul3A_226 = arith.muli %scan3A_168, %mul3A_225 : i32
        %add3A_227 = arith.constant 4 : i32
        %add3A_228 = arith.addi %mul3A_226, %add3A_227 : i32
        %mul3A_229 = arith.constant 16 : i32
        %mul3A_230 = arith.muli %add3A_228, %mul3A_229 : i32
        %get3A_231 = arith.constant 0 : i32
        %get3A_232 = arith.index_cast %get3A_231 : i32 to index
        %get3A_233 = arith.index_cast %mul3A_230 : i32 to index
        %get3A_234 = tpu.vector_load %arg5[%get3A_232, %get3A_233] {strides = array<i32>} : memref<8x4096xf32, #tpu.memory_space<vmem>>, vector<16xf32>,
        %gt3A_235 = vector.broadcast %scan3A : f32 to vector<16xf32>
        %gt3A_236 = arith.cmpf ogt, %get3A_234, %gt3A_235 : vector<16xf32>
        %all_reduce_population_count3A_237 = tpu.all_reduce %gt3A_236 {dim = 0 : i64, kind = #tpu.reduction_kind<sum>} : vector<16xi1> -> vector<16xi32>
        %slice3A_238 = vector.extract_strided_slice %all_reduce_population_count3A_237 {offsets = [0], sizes = [1], strides = [1]} : vector<16xi32> to vector<1xi32>
        %squeeze3A_239 = vector.extract %slice3A_238[0] : i32 from vector<1xi32>
        %mul3A_240 = arith.constant 8 : i32
        %mul3A_241 = arith.muli %scan3A_168, %mul3A_240 : i32
        %add3A_242 = arith.constant 5 : i32
        %add3A_243 = arith.addi %mul3A_241, %add3A_242 : i32
        %mul3A_244 = arith.constant 16 : i32
        %mul3A_245 = arith.muli %add3A_243, %mul3A_244 : i32
        %get3A_246 = arith.constant 0 : i32
        %get3A_247 = arith.index_cast %get3A_246 : i32 to index
        %get3A_248 = arith.index_cast %mul3A_245 : i32 to index
        %get3A_249 = tpu.vector_load %arg5[%get3A_247, %get3A_248] {strides = array<i32>} : memref<8x4096xf32, #tpu.memory_space<vmem>>, vector<16xf32>,
        %gt3A_250 = vector.broadcast %scan3A : f32 to vector<16xf32>
        %gt3A_251 = arith.cmpf ogt, %get3A_249, %gt3A_250 : vector<16xf32>
        %all_reduce_population_count3A_252 = tpu.all_reduce %gt3A_251 {dim = 0 : i64, kind = #tpu.reduction_kind<sum>} : vector<16xi1> -> vector<16xi32>
        %slice3A_253 = vector.extract_strided_slice %all_reduce_population_count3A_252 {offsets = [0], sizes = [1], strides = [1]} : vector<16xi32> to vector<1xi32>
        %squeeze3A_254 = vector.extract %slice3A_253[0] : i32 from vector<1xi32>
        %mul3A_255 = arith.constant 8 : i32
        %mul3A_256 = arith.muli %scan3A_168, %mul3A_255 : i32
        %add3A_257 = arith.constant 6 : i32
        %add3A_258 = arith.addi %mul3A_256, %add3A_257 : i32
        %mul3A_259 = arith.constant 16 : i32
        %mul3A_260 = arith.muli %add3A_258, %mul3A_259 : i32
        %get3A_261 = arith.constant 0 : i32
        %get3A_262 = arith.index_cast %get3A_261 : i32 to index
        %get3A_263 = arith.index_cast %mul3A_260 : i32 to index
        %get3A_264 = tpu.vector_load %arg5[%get3A_262, %get3A_263] {strides = array<i32>} : memref<8x4096xf32, #tpu.memory_space<vmem>>, vector<16xf32>,
        %gt3A_265 = vector.broadcast %scan3A : f32 to vector<16xf32>
        %gt3A_266 = arith.cmpf ogt, %get3A_264, %gt3A_265 : vector<16xf32>
        %all_reduce_population_count3A_267 = tpu.all_reduce %gt3A_266 {dim = 0 : i64, kind = #tpu.reduction_kind<sum>} : vector<16xi1> -> vector<16xi32>
        %slice3A_268 = vector.extract_strided_slice %all_reduce_population_count3A_267 {offsets = [0], sizes = [1], strides = [1]} : vector<16xi32> to vector<1xi32>
        %squeeze3A_269 = vector.extract %slice3A_268[0] : i32 from vector<1xi32>
        %mul3A_270 = arith.constant 8 : i32
        %mul3A_271 = arith.muli %scan3A_168, %mul3A_270 : i32
        %add3A_272 = arith.constant 7 : i32
        %add3A_273 = arith.addi %mul3A_271, %add3A_272 : i32
        %mul3A_274 = arith.constant 16 : i32
        %mul3A_275 = arith.muli %add3A_273, %mul3A_274 : i32
        %get3A_276 = arith.constant 0 : i32
        %get3A_277 = arith.index_cast %get3A_276 : i32 to index
        %get3A_278 = arith.index_cast %mul3A_275 : i32 to index
        %get3A_279 = tpu.vector_load %arg5[%get3A_277, %get3A_278] {strides = array<i32>} : memref<8x4096xf32, #tpu.memory_space<vmem>>, vector<16xf32>,
        %gt3A_280 = vector.broadcast %scan3A : f32 to vector<16xf32>
        %gt3A_281 = arith.cmpf ogt, %get3A_279, %gt3A_280 : vector<16xf32>
        %all_reduce_population_count3A_282 = tpu.all_reduce %gt3A_281 {dim = 0 : i64, kind = #tpu.reduction_kind<sum>} : vector<16xi1> -> vector<16xi32>
        %slice3A_283 = vector.extract_strided_slice %all_reduce_population_count3A_282 {offsets = [0], sizes = [1], strides = [1]} : vector<16xi32> to vector<1xi32>
        %squeeze3A_284 = vector.extract %slice3A_283[0] : i32 from vector<1xi32>
        %min3A = arith.constant 240 : i32
        %min3A_285 = arith.minsi %scan3A_169, %min3A : i32
        %lt3A_286 = arith.constant 241 : i32
        %lt3A_287 = arith.cmpi slt, %scan3A_169, %lt3A_286 : i32
        %and3A = vector.broadcast %lt3A_287 : i1 to vector<16xi1>
        %and3A_288 = arith.andi %gt3A_179, %and3A : vector<16xi1>
        %swap3A = arith.constant 0 : i32
        %swap3A_289 = arith.index_cast %swap3A : i32 to index
        %swap3A_290 = arith.index_cast %min3A_285 : i32 to index
        %swap3A_291 = tpu.vector_load %arg6[%swap3A_289, %swap3A_290] masked %and3A_288 {strides = array<i32>} : memref<8x256xf32, #tpu.memory_space<vmem>>, vector<16xf32>, vector<16xi1>
        tpu.vector_store %arg6[%swap3A_289, %swap3A_290], %get3A_178 masked %and3A_288 {strides = array<i32>} : memref<8x256xf32, #tpu.memory_space<vmem>>, vector<16xf32>, vector<16xi1>
        %add3A_292 = arith.addi %scan3A_169, %squeeze3A : i32
        %min3A_293 = arith.constant 240 : i32
        %min3A_294 = arith.minsi %add3A_292, %min3A_293 : i32
        %lt3A_295 = arith.constant 241 : i32
        %lt3A_296 = arith.cmpi slt, %add3A_292, %lt3A_295 : i32
        %and3A_297 = vector.broadcast %lt3A_296 : i1 to vector<16xi1>
        %and3A_298 = arith.andi %gt3A_191, %and3A_297 : vector<16xi1>
        %swap3A_299 = arith.constant 0 : i32
        %swap3A_300 = arith.index_cast %swap3A_299 : i32 to index
        %swap3A_301 = arith.index_cast %min3A_294 : i32 to index
        %swap3A_302 = tpu.vector_load %arg6[%swap3A_300, %swap3A_301] masked %and3A_298 {strides = array<i32>} : memref<8x256xf32, #tpu.memory_space<vmem>>, vector<16xf32>, vector<16xi1>
        tpu.vector_store %arg6[%swap3A_300, %swap3A_301], %get3A_189 masked %and3A_298 {strides = array<i32>} : memref<8x256xf32, #tpu.memory_space<vmem>>, vector<16xf32>, vector<16xi1>
        %add3A_303 = arith.addi %add3A_292, %squeeze3A_194 : i32
        %min3A_304 = arith.constant 240 : i32
        %min3A_305 = arith.minsi %add3A_303, %min3A_304 : i32
        %lt3A_306 = arith.constant 241 : i32
        %lt3A_307 = arith.cmpi slt, %add3A_303, %lt3A_306 : i32
        %and3A_308 = vector.broadcast %lt3A_307 : i1 to vector<16xi1>
        %and3A_309 = arith.andi %gt3A_206, %and3A_308 : vector<16xi1>
        %swap3A_310 = arith.constant 0 : i32
        %swap3A_311 = arith.index_cast %swap3A_310 : i32 to index
        %swap3A_312 = arith.index_cast %min3A_305 : i32 to index
        %swap3A_313 = tpu.vector_load %arg6[%swap3A_311, %swap3A_312] masked %and3A_309 {strides = array<i32>} : memref<8x256xf32, #tpu.memory_space<vmem>>, vector<16xf32>, vector<16xi1>
        tpu.vector_store %arg6[%swap3A_311, %swap3A_312], %get3A_204 masked %and3A_309 {strides = array<i32>} : memref<8x256xf32, #tpu.memory_space<vmem>>, vector<16xf32>, vector<16xi1>
        %add3A_314 = arith.addi %add3A_303, %squeeze3A_209 : i32
        %min3A_315 = arith.constant 240 : i32
        %min3A_316 = arith.minsi %add3A_314, %min3A_315 : i32
        %lt3A_317 = arith.constant 241 : i32
        %lt3A_318 = arith.cmpi slt, %add3A_314, %lt3A_317 : i32
        %and3A_319 = vector.broadcast %lt3A_318 : i1 to vector<16xi1>
        %and3A_320 = arith.andi %gt3A_221, %and3A_319 : vector<16xi1>
        %swap3A_321 = arith.constant 0 : i32
        %swap3A_322 = arith.index_cast %swap3A_321 : i32 to index
        %swap3A_323 = arith.index_cast %min3A_316 : i32 to index
        %swap3A_324 = tpu.vector_load %arg6[%swap3A_322, %swap3A_323] masked %and3A_320 {strides = array<i32>} : memref<8x256xf32, #tpu.memory_space<vmem>>, vector<16xf32>, vector<16xi1>
        tpu.vector_store %arg6[%swap3A_322, %swap3A_323], %get3A_219 masked %and3A_320 {strides = array<i32>} : memref<8x256xf32, #tpu.memory_space<vmem>>, vector<16xf32>, vector<16xi1>
        %add3A_325 = arith.addi %add3A_314, %squeeze3A_224 : i32
        %min3A_326 = arith.constant 240 : i32
        %min3A_327 = arith.minsi %add3A_325, %min3A_326 : i32
        %lt3A_328 = arith.constant 241 : i32
        %lt3A_329 = arith.cmpi slt, %add3A_325, %lt3A_328 : i32
        %and3A_330 = vector.broadcast %lt3A_329 : i1 to vector<16xi1>
        %and3A_331 = arith.andi %gt3A_236, %and3A_330 : vector<16xi1>
        %swap3A_332 = arith.constant 0 : i32
        %swap3A_333 = arith.index_cast %swap3A_332 : i32 to index
        %swap3A_334 = arith.index_cast %min3A_327 : i32 to index
        %swap3A_335 = tpu.vector_load %arg6[%swap3A_333, %swap3A_334] masked %and3A_331 {strides = array<i32>} : memref<8x256xf32, #tpu.memory_space<vmem>>, vector<16xf32>, vector<16xi1>
        tpu.vector_store %arg6[%swap3A_333, %swap3A_334], %get3A_234 masked %and3A_331 {strides = array<i32>} : memref<8x256xf32, #tpu.memory_space<vmem>>, vector<16xf32>, vector<16xi1>
        %add3A_336 = arith.addi %add3A_325, %squeeze3A_239 : i32
        %min3A_337 = arith.constant 240 : i32
        %min3A_338 = arith.minsi %add3A_336, %min3A_337 : i32
        %lt3A_339 = arith.constant 241 : i32
        %lt3A_340 = arith.cmpi slt, %add3A_336, %lt3A_339 : i32
        %and3A_341 = vector.broadcast %lt3A_340 : i1 to vector<16xi1>
        %and3A_342 = arith.andi %gt3A_251, %and3A_341 : vector<16xi1>
        %swap3A_343 = arith.constant 0 : i32
        %swap3A_344 = arith.index_cast %swap3A_343 : i32 to index
        %swap3A_345 = arith.index_cast %min3A_338 : i32 to index
        %swap3A_346 = tpu.vector_load %arg6[%swap3A_344, %swap3A_345] masked %and3A_342 {strides = array<i32>} : memref<8x256xf32, #tpu.memory_space<vmem>>, vector<16xf32>, vector<16xi1>
        tpu.vector_store %arg6[%swap3A_344, %swap3A_345], %get3A_249 masked %and3A_342 {strides = array<i32>} : memref<8x256xf32, #tpu.memory_space<vmem>>, vector<16xf32>, vector<16xi1>
        %add3A_347 = arith.addi %add3A_336, %squeeze3A_254 : i32
        %min3A_348 = arith.constant 240 : i32
        %min3A_349 = arith.minsi %add3A_347, %min3A_348 : i32
        %lt3A_350 = arith.constant 241 : i32
        %lt3A_351 = arith.cmpi slt, %add3A_347, %lt3A_350 : i32
        %and3A_352 = vector.broadcast %lt3A_351 : i1 to vector<16xi1>
        %and3A_353 = arith.andi %gt3A_266, %and3A_352 : vector<16xi1>
        %swap3A_354 = arith.constant 0 : i32
        %swap3A_355 = arith.index_cast %swap3A_354 : i32 to index
        %swap3A_356 = arith.index_cast %min3A_349 : i32 to index
        %swap3A_357 = tpu.vector_load %arg6[%swap3A_355, %swap3A_356] masked %and3A_353 {strides = array<i32>} : memref<8x256xf32, #tpu.memory_space<vmem>>, vector<16xf32>, vector<16xi1>
        tpu.vector_store %arg6[%swap3A_355, %swap3A_356], %get3A_264 masked %and3A_353 {strides = array<i32>} : memref<8x256xf32, #tpu.memory_space<vmem>>, vector<16xf32>, vector<16xi1>
        %add3A_358 = arith.addi %add3A_347, %squeeze3A_269 : i32
        %min3A_359 = arith.constant 240 : i32
        %min3A_360 = arith.minsi %add3A_358, %min3A_359 : i32
        %lt3A_361 = arith.constant 241 : i32
        %lt3A_362 = arith.cmpi slt, %add3A_358, %lt3A_361 : i32
        %and3A_363 = vector.broadcast %lt3A_362 : i1 to vector<16xi1>
        %and3A_364 = arith.andi %gt3A_281, %and3A_363 : vector<16xi1>
        %swap3A_365 = arith.constant 0 : i32
        %swap3A_366 = arith.index_cast %swap3A_365 : i32 to index
        %swap3A_367 = arith.index_cast %min3A_360 : i32 to index
        %swap3A_368 = tpu.vector_load %arg6[%swap3A_366, %swap3A_367] masked %and3A_364 {strides = array<i32>} : memref<8x256xf32, #tpu.memory_space<vmem>>, vector<16xf32>, vector<16xi1>
        tpu.vector_store %arg6[%swap3A_366, %swap3A_367], %get3A_279 masked %and3A_364 {strides = array<i32>} : memref<8x256xf32, #tpu.memory_space<vmem>>, vector<16xf32>, vector<16xi1>
        %add3A_369 = arith.addi %add3A_358, %squeeze3A_284 : i32
        scf.yield %add3A_369 : i32
      }
      %scan3A_114 = arith.constant 32 : i32
      %scan3A_115 = arith.constant 0 : i32
      %scan3A_116 = arith.constant 0 : i32
      %scan3A_117 = arith.constant 32 : i32
      %scan3A_118 = arith.addi %scan3A_116, %scan3A_117 : i32
      %scan3A_119 = arith.constant 1 : i32
      %scan3A_120 = scf.for %scan3A_168 = %scan3A_116 to %scan3A_118 step %scan3A_119 iter_args(%scan3A_169 = %scan3A_115) -> (i32)  : i32 {
        %mul3A_170 = arith.constant 8 : i32
        %mul3A_171 = arith.muli %scan3A_168, %mul3A_170 : i32
        %add3A_172 = arith.constant 0 : i32
        %add3A_173 = arith.addi %mul3A_171, %add3A_172 : i32
        %mul3A_174 = arith.constant 16 : i32
        %mul3A_175 = arith.muli %add3A_173, %mul3A_174 : i32
        %get3A = arith.constant 1 : i32
        %get3A_176 = arith.index_cast %get3A : i32 to index
        %get3A_177 = arith.index_cast %mul3A_175 : i32 to index
        %get3A_178 = tpu.vector_load %arg5[%get3A_176, %get3A_177] {strides = array<i32>} : memref<8x4096xf32, #tpu.memory_space<vmem>>, vector<16xf32>,
        %gt3A = vector.broadcast %scan3A : f32 to vector<16xf32>
        %gt3A_179 = arith.cmpf ogt, %get3A_178, %gt3A : vector<16xf32>
        %all_reduce_population_count3A = tpu.all_reduce %gt3A_179 {dim = 0 : i64, kind = #tpu.reduction_kind<sum>} : vector<16xi1> -> vector<16xi32>
        %slice3A = vector.extract_strided_slice %all_reduce_population_count3A {offsets = [0], sizes = [1], strides = [1]} : vector<16xi32> to vector<1xi32>
        %squeeze3A = vector.extract %slice3A[0] : i32 from vector<1xi32>
        %mul3A_180 = arith.constant 8 : i32
        %mul3A_181 = arith.muli %scan3A_168, %mul3A_180 : i32
        %add3A_182 = arith.constant 1 : i32
        %add3A_183 = arith.addi %mul3A_181, %add3A_182 : i32
        %mul3A_184 = arith.constant 16 : i32
        %mul3A_185 = arith.muli %add3A_183, %mul3A_184 : i32
        %get3A_186 = arith.constant 1 : i32
        %get3A_187 = arith.index_cast %get3A_186 : i32 to index
        %get3A_188 = arith.index_cast %mul3A_185 : i32 to index
        %get3A_189 = tpu.vector_load %arg5[%get3A_187, %get3A_188] {strides = array<i32>} : memref<8x4096xf32, #tpu.memory_space<vmem>>, vector<16xf32>,
        %gt3A_190 = vector.broadcast %scan3A : f32 to vector<16xf32>
        %gt3A_191 = arith.cmpf ogt, %get3A_189, %gt3A_190 : vector<16xf32>
        %all_reduce_population_count3A_192 = tpu.all_reduce %gt3A_191 {dim = 0 : i64, kind = #tpu.reduction_kind<sum>} : vector<16xi1> -> vector<16xi32>
        %slice3A_193 = vector.extract_strided_slice %all_reduce_population_count3A_192 {offsets = [0], sizes = [1], strides = [1]} : vector<16xi32> to vector<1xi32>
        %squeeze3A_194 = vector.extract %slice3A_193[0] : i32 from vector<1xi32>
        %mul3A_195 = arith.constant 8 : i32
        %mul3A_196 = arith.muli %scan3A_168, %mul3A_195 : i32
        %add3A_197 = arith.constant 2 : i32
        %add3A_198 = arith.addi %mul3A_196, %add3A_197 : i32
        %mul3A_199 = arith.constant 16 : i32
        %mul3A_200 = arith.muli %add3A_198, %mul3A_199 : i32
        %get3A_201 = arith.constant 1 : i32
        %get3A_202 = arith.index_cast %get3A_201 : i32 to index
        %get3A_203 = arith.index_cast %mul3A_200 : i32 to index
        %get3A_204 = tpu.vector_load %arg5[%get3A_202, %get3A_203] {strides = array<i32>} : memref<8x4096xf32, #tpu.memory_space<vmem>>, vector<16xf32>,
        %gt3A_205 = vector.broadcast %scan3A : f32 to vector<16xf32>
        %gt3A_206 = arith.cmpf ogt, %get3A_204, %gt3A_205 : vector<16xf32>
        %all_reduce_population_count3A_207 = tpu.all_reduce %gt3A_206 {dim = 0 : i64, kind = #tpu.reduction_kind<sum>} : vector<16xi1> -> vector<16xi32>
        %slice3A_208 = vector.extract_strided_slice %all_reduce_population_count3A_207 {offsets = [0], sizes = [1], strides = [1]} : vector<16xi32> to vector<1xi32>
        %squeeze3A_209 = vector.extract %slice3A_208[0] : i32 from vector<1xi32>
        %mul3A_210 = arith.constant 8 : i32
        %mul3A_211 = arith.muli %scan3A_168, %mul3A_210 : i32
        %add3A_212 = arith.constant 3 : i32
        %add3A_213 = arith.addi %mul3A_211, %add3A_212 : i32
        %mul3A_214 = arith.constant 16 : i32
        %mul3A_215 = arith.muli %add3A_213, %mul3A_214 : i32
        %get3A_216 = arith.constant 1 : i32
        %get3A_217 = arith.index_cast %get3A_216 : i32 to index
        %get3A_218 = arith.index_cast %mul3A_215 : i32 to index
        %get3A_219 = tpu.vector_load %arg5[%get3A_217, %get3A_218] {strides = array<i32>} : memref<8x4096xf32, #tpu.memory_space<vmem>>, vector<16xf32>,
        %gt3A_220 = vector.broadcast %scan3A : f32 to vector<16xf32>
        %gt3A_221 = arith.cmpf ogt, %get3A_219, %gt3A_220 : vector<16xf32>
        %all_reduce_population_count3A_222 = tpu.all_reduce %gt3A_221 {dim = 0 : i64, kind = #tpu.reduction_kind<sum>} : vector<16xi1> -> vector<16xi32>
        %slice3A_223 = vector.extract_strided_slice %all_reduce_population_count3A_222 {offsets = [0], sizes = [1], strides = [1]} : vector<16xi32> to vector<1xi32>
        %squeeze3A_224 = vector.extract %slice3A_223[0] : i32 from vector<1xi32>
        %mul3A_225 = arith.constant 8 : i32
        %mul3A_226 = arith.muli %scan3A_168, %mul3A_225 : i32
        %add3A_227 = arith.constant 4 : i32
        %add3A_228 = arith.addi %mul3A_226, %add3A_227 : i32
        %mul3A_229 = arith.constant 16 : i32
        %mul3A_230 = arith.muli %add3A_228, %mul3A_229 : i32
        %get3A_231 = arith.constant 1 : i32
        %get3A_232 = arith.index_cast %get3A_231 : i32 to index
        %get3A_233 = arith.index_cast %mul3A_230 : i32 to index
        %get3A_234 = tpu.vector_load %arg5[%get3A_232, %get3A_233] {strides = array<i32>} : memref<8x4096xf32, #tpu.memory_space<vmem>>, vector<16xf32>,
        %gt3A_235 = vector.broadcast %scan3A : f32 to vector<16xf32>
        %gt3A_236 = arith.cmpf ogt, %get3A_234, %gt3A_235 : vector<16xf32>
        %all_reduce_population_count3A_237 = tpu.all_reduce %gt3A_236 {dim = 0 : i64, kind = #tpu.reduction_kind<sum>} : vector<16xi1> -> vector<16xi32>
        %slice3A_238 = vector.extract_strided_slice %all_reduce_population_count3A_237 {offsets = [0], sizes = [1], strides = [1]} : vector<16xi32> to vector<1xi32>
        %squeeze3A_239 = vector.extract %slice3A_238[0] : i32 from vector<1xi32>
        %mul3A_240 = arith.constant 8 : i32
        %mul3A_241 = arith.muli %scan3A_168, %mul3A_240 : i32
        %add3A_242 = arith.constant 5 : i32
        %add3A_243 = arith.addi %mul3A_241, %add3A_242 : i32
        %mul3A_244 = arith.constant 16 : i32
        %mul3A_245 = arith.muli %add3A_243, %mul3A_244 : i32
        %get3A_246 = arith.constant 1 : i32
        %get3A_247 = arith.index_cast %get3A_246 : i32 to index
        %get3A_248 = arith.index_cast %mul3A_245 : i32 to index
        %get3A_249 = tpu.vector_load %arg5[%get3A_247, %get3A_248] {strides = array<i32>} : memref<8x4096xf32, #tpu.memory_space<vmem>>, vector<16xf32>,
        %gt3A_250 = vector.broadcast %scan3A : f32 to vector<16xf32>
        %gt3A_251 = arith.cmpf ogt, %get3A_249, %gt3A_250 : vector<16xf32>
        %all_reduce_population_count3A_252 = tpu.all_reduce %gt3A_251 {dim = 0 : i64, kind = #tpu.reduction_kind<sum>} : vector<16xi1> -> vector<16xi32>
        %slice3A_253 = vector.extract_strided_slice %all_reduce_population_count3A_252 {offsets = [0], sizes = [1], strides = [1]} : vector<16xi32> to vector<1xi32>
        %squeeze3A_254 = vector.extract %slice3A_253[0] : i32 from vector<1xi32>
        %mul3A_255 = arith.constant 8 : i32
        %mul3A_256 = arith.muli %scan3A_168, %mul3A_255 : i32
        %add3A_257 = arith.constant 6 : i32
        %add3A_258 = arith.addi %mul3A_256, %add3A_257 : i32
        %mul3A_259 = arith.constant 16 : i32
        %mul3A_260 = arith.muli %add3A_258, %mul3A_259 : i32
        %get3A_261 = arith.constant 1 : i32
        %get3A_262 = arith.index_cast %get3A_261 : i32 to index
        %get3A_263 = arith.index_cast %mul3A_260 : i32 to index
        %get3A_264 = tpu.vector_load %arg5[%get3A_262, %get3A_263] {strides = array<i32>} : memref<8x4096xf32, #tpu.memory_space<vmem>>, vector<16xf32>,
        %gt3A_265 = vector.broadcast %scan3A : f32 to vector<16xf32>
        %gt3A_266 = arith.cmpf ogt, %get3A_264, %gt3A_265 : vector<16xf32>
        %all_reduce_population_count3A_267 = tpu.all_reduce %gt3A_266 {dim = 0 : i64, kind = #tpu.reduction_kind<sum>} : vector<16xi1> -> vector<16xi32>
        %slice3A_268 = vector.extract_strided_slice %all_reduce_population_count3A_267 {offsets = [0], sizes = [1], strides = [1]} : vector<16xi32> to vector<1xi32>
        %squeeze3A_269 = vector.extract %slice3A_268[0] : i32 from vector<1xi32>
        %mul3A_270 = arith.constant 8 : i32
        %mul3A_271 = arith.muli %scan3A_168, %mul3A_270 : i32
        %add3A_272 = arith.constant 7 : i32
        %add3A_273 = arith.addi %mul3A_271, %add3A_272 : i32
        %mul3A_274 = arith.constant 16 : i32
        %mul3A_275 = arith.muli %add3A_273, %mul3A_274 : i32
        %get3A_276 = arith.constant 1 : i32
        %get3A_277 = arith.index_cast %get3A_276 : i32 to index
        %get3A_278 = arith.index_cast %mul3A_275 : i32 to index
        %get3A_279 = tpu.vector_load %arg5[%get3A_277, %get3A_278] {strides = array<i32>} : memref<8x4096xf32, #tpu.memory_space<vmem>>, vector<16xf32>,
        %gt3A_280 = vector.broadcast %scan3A : f32 to vector<16xf32>
        %gt3A_281 = arith.cmpf ogt, %get3A_279, %gt3A_280 : vector<16xf32>
        %all_reduce_population_count3A_282 = tpu.all_reduce %gt3A_281 {dim = 0 : i64, kind = #tpu.reduction_kind<sum>} : vector<16xi1> -> vector<16xi32>
        %slice3A_283 = vector.extract_strided_slice %all_reduce_population_count3A_282 {offsets = [0], sizes = [1], strides = [1]} : vector<16xi32> to vector<1xi32>
        %squeeze3A_284 = vector.extract %slice3A_283[0] : i32 from vector<1xi32>
        %min3A = arith.constant 240 : i32
        %min3A_285 = arith.minsi %scan3A_169, %min3A : i32
        %lt3A_286 = arith.constant 241 : i32
        %lt3A_287 = arith.cmpi slt, %scan3A_169, %lt3A_286 : i32
        %and3A = vector.broadcast %lt3A_287 : i1 to vector<16xi1>
        %and3A_288 = arith.andi %gt3A_179, %and3A : vector<16xi1>
        %swap3A = arith.constant 1 : i32
        %swap3A_289 = arith.index_cast %swap3A : i32 to index
        %swap3A_290 = arith.index_cast %min3A_285 : i32 to index
        %swap3A_291 = tpu.vector_load %arg6[%swap3A_289, %swap3A_290] masked %and3A_288 {strides = array<i32>} : memref<8x256xf32, #tpu.memory_space<vmem>>, vector<16xf32>, vector<16xi1>
        tpu.vector_store %arg6[%swap3A_289, %swap3A_290], %get3A_178 masked %and3A_288 {strides = array<i32>} : memref<8x256xf32, #tpu.memory_space<vmem>>, vector<16xf32>, vector<16xi1>
        %add3A_292 = arith.addi %scan3A_169, %squeeze3A : i32
        %min3A_293 = arith.constant 240 : i32
        %min3A_294 = arith.minsi %add3A_292, %min3A_293 : i32
        %lt3A_295 = arith.constant 241 : i32
        %lt3A_296 = arith.cmpi slt, %add3A_292, %lt3A_295 : i32
        %and3A_297 = vector.broadcast %lt3A_296 : i1 to vector<16xi1>
        %and3A_298 = arith.andi %gt3A_191, %and3A_297 : vector<16xi1>
        %swap3A_299 = arith.constant 1 : i32
        %swap3A_300 = arith.index_cast %swap3A_299 : i32 to index
        %swap3A_301 = arith.index_cast %min3A_294 : i32 to index
        %swap3A_302 = tpu.vector_load %arg6[%swap3A_300, %swap3A_301] masked %and3A_298 {strides = array<i32>} : memref<8x256xf32, #tpu.memory_space<vmem>>, vector<16xf32>, vector<16xi1>
        tpu.vector_store %arg6[%swap3A_300, %swap3A_301], %get3A_189 masked %and3A_298 {strides = array<i32>} : memref<8x256xf32, #tpu.memory_space<vmem>>, vector<16xf32>, vector<16xi1>
        %add3A_303 = arith.addi %add3A_292, %squeeze3A_194 : i32
        %min3A_304 = arith.constant 240 : i32
        %min3A_305 = arith.minsi %add3A_303, %min3A_304 : i32
        %lt3A_306 = arith.constant 241 : i32
        %lt3A_307 = arith.cmpi slt, %add3A_303, %lt3A_306 : i32
        %and3A_308 = vector.broadcast %lt3A_307 : i1 to vector<16xi1>
        %and3A_309 = arith.andi %gt3A_206, %and3A_308 : vector<16xi1>
        %swap3A_310 = arith.constant 1 : i32
        %swap3A_311 = arith.index_cast %swap3A_310 : i32 to index
        %swap3A_312 = arith.index_cast %min3A_305 : i32 to index
        %swap3A_313 = tpu.vector_load %arg6[%swap3A_311, %swap3A_312] masked %and3A_309 {strides = array<i32>} : memref<8x256xf32, #tpu.memory_space<vmem>>, vector<16xf32>, vector<16xi1>
        tpu.vector_store %arg6[%swap3A_311, %swap3A_312], %get3A_204 masked %and3A_309 {strides = array<i32>} : memref<8x256xf32, #tpu.memory_space<vmem>>, vector<16xf32>, vector<16xi1>
        %add3A_314 = arith.addi %add3A_303, %squeeze3A_209 : i32
        %min3A_315 = arith.constant 240 : i32
        %min3A_316 = arith.minsi %add3A_314, %min3A_315 : i32
        %lt3A_317 = arith.constant 241 : i32
        %lt3A_318 = arith.cmpi slt, %add3A_314, %lt3A_317 : i32
        %and3A_319 = vector.broadcast %lt3A_318 : i1 to vector<16xi1>
        %and3A_320 = arith.andi %gt3A_221, %and3A_319 : vector<16xi1>
        %swap3A_321 = arith.constant 1 : i32
        %swap3A_322 = arith.index_cast %swap3A_321 : i32 to index
        %swap3A_323 = arith.index_cast %min3A_316 : i32 to index
        %swap3A_324 = tpu.vector_load %arg6[%swap3A_322, %swap3A_323] masked %and3A_320 {strides = array<i32>} : memref<8x256xf32, #tpu.memory_space<vmem>>, vector<16xf32>, vector<16xi1>
        tpu.vector_store %arg6[%swap3A_322, %swap3A_323], %get3A_219 masked %and3A_320 {strides = array<i32>} : memref<8x256xf32, #tpu.memory_space<vmem>>, vector<16xf32>, vector<16xi1>
        %add3A_325 = arith.addi %add3A_314, %squeeze3A_224 : i32
        %min3A_326 = arith.constant 240 : i32
        %min3A_327 = arith.minsi %add3A_325, %min3A_326 : i32
        %lt3A_328 = arith.constant 241 : i32
        %lt3A_329 = arith.cmpi slt, %add3A_325, %lt3A_328 : i32
        %and3A_330 = vector.broadcast %lt3A_329 : i1 to vector<16xi1>
        %and3A_331 = arith.andi %gt3A_236, %and3A_330 : vector<16xi1>
        %swap3A_332 = arith.constant 1 : i32
        %swap3A_333 = arith.index_cast %swap3A_332 : i32 to index
        %swap3A_334 = arith.index_cast %min3A_327 : i32 to index
        %swap3A_335 = tpu.vector_load %arg6[%swap3A_333, %swap3A_334] masked %and3A_331 {strides = array<i32>} : memref<8x256xf32, #tpu.memory_space<vmem>>, vector<16xf32>, vector<16xi1>
        tpu.vector_store %arg6[%swap3A_333, %swap3A_334], %get3A_234 masked %and3A_331 {strides = array<i32>} : memref<8x256xf32, #tpu.memory_space<vmem>>, vector<16xf32>, vector<16xi1>
        %add3A_336 = arith.addi %add3A_325, %squeeze3A_239 : i32
        %min3A_337 = arith.constant 240 : i32
        %min3A_338 = arith.minsi %add3A_336, %min3A_337 : i32
        %lt3A_339 = arith.constant 241 : i32
        %lt3A_340 = arith.cmpi slt, %add3A_336, %lt3A_339 : i32
        %and3A_341 = vector.broadcast %lt3A_340 : i1 to vector<16xi1>
        %and3A_342 = arith.andi %gt3A_251, %and3A_341 : vector<16xi1>
        %swap3A_343 = arith.constant 1 : i32
        %swap3A_344 = arith.index_cast %swap3A_343 : i32 to index
        %swap3A_345 = arith.index_cast %min3A_338 : i32 to index
        %swap3A_346 = tpu.vector_load %arg6[%swap3A_344, %swap3A_345] masked %and3A_342 {strides = array<i32>} : memref<8x256xf32, #tpu.memory_space<vmem>>, vector<16xf32>, vector<16xi1>
        tpu.vector_store %arg6[%swap3A_344, %swap3A_345], %get3A_249 masked %and3A_342 {strides = array<i32>} : memref<8x256xf32, #tpu.memory_space<vmem>>, vector<16xf32>, vector<16xi1>
        %add3A_347 = arith.addi %add3A_336, %squeeze3A_254 : i32
        %min3A_348 = arith.constant 240 : i32
        %min3A_349 = arith.minsi %add3A_347, %min3A_348 : i32
        %lt3A_350 = arith.constant 241 : i32
        %lt3A_351 = arith.cmpi slt, %add3A_347, %lt3A_350 : i32
        %and3A_352 = vector.broadcast %lt3A_351 : i1 to vector<16xi1>
        %and3A_353 = arith.andi %gt3A_266, %and3A_352 : vector<16xi1>
        %swap3A_354 = arith.constant 1 : i32
        %swap3A_355 = arith.index_cast %swap3A_354 : i32 to index
        %swap3A_356 = arith.index_cast %min3A_349 : i32 to index
        %swap3A_357 = tpu.vector_load %arg6[%swap3A_355, %swap3A_356] masked %and3A_353 {strides = array<i32>} : memref<8x256xf32, #tpu.memory_space<vmem>>, vector<16xf32>, vector<16xi1>
        tpu.vector_store %arg6[%swap3A_355, %swap3A_356], %get3A_264 masked %and3A_353 {strides = array<i32>} : memref<8x256xf32, #tpu.memory_space<vmem>>, vector<16xf32>, vector<16xi1>
        %add3A_358 = arith.addi %add3A_347, %squeeze3A_269 : i32
        %min3A_359 = arith.constant 240 : i32
        %min3A_360 = arith.minsi %add3A_358, %min3A_359 : i32
        %lt3A_361 = arith.constant 241 : i32
        %lt3A_362 = arith.cmpi slt, %add3A_358, %lt3A_361 : i32
        %and3A_363 = vector.broadcast %lt3A_362 : i1 to vector<16xi1>
        %and3A_364 = arith.andi %gt3A_281, %and3A_363 : vector<16xi1>
        %swap3A_365 = arith.constant 1 : i32
        %swap3A_366 = arith.index_cast %swap3A_365 : i32 to index
        %swap3A_367 = arith.index_cast %min3A_360 : i32 to index
        %swap3A_368 = tpu.vector_load %arg6[%swap3A_366, %swap3A_367] masked %and3A_364 {strides = array<i32>} : memref<8x256xf32, #tpu.memory_space<vmem>>, vector<16xf32>, vector<16xi1>
        tpu.vector_store %arg6[%swap3A_366, %swap3A_367], %get3A_279 masked %and3A_364 {strides = array<i32>} : memref<8x256xf32, #tpu.memory_space<vmem>>, vector<16xf32>, vector<16xi1>
        %add3A_369 = arith.addi %add3A_358, %squeeze3A_284 : i32
        scf.yield %add3A_369 : i32
      }
      %scan3A_121 = arith.constant 32 : i32
      %scan3A_122 = arith.constant 0 : i32
      %scan3A_123 = arith.constant 0 : i32
      %scan3A_124 = arith.constant 32 : i32
      %scan3A_125 = arith.addi %scan3A_123, %scan3A_124 : i32
      %scan3A_126 = arith.constant 1 : i32
      %scan3A_127 = scf.for %scan3A_168 = %scan3A_123 to %scan3A_125 step %scan3A_126 iter_args(%scan3A_169 = %scan3A_122) -> (i32)  : i32 {
        %mul3A_170 = arith.constant 8 : i32
        %mul3A_171 = arith.muli %scan3A_168, %mul3A_170 : i32
        %add3A_172 = arith.constant 0 : i32
        %add3A_173 = arith.addi %mul3A_171, %add3A_172 : i32
        %mul3A_174 = arith.constant 16 : i32
        %mul3A_175 = arith.muli %add3A_173, %mul3A_174 : i32
        %get3A = arith.constant 2 : i32
        %get3A_176 = arith.index_cast %get3A : i32 to index
        %get3A_177 = arith.index_cast %mul3A_175 : i32 to index
        %get3A_178 = tpu.vector_load %arg5[%get3A_176, %get3A_177] {strides = array<i32>} : memref<8x4096xf32, #tpu.memory_space<vmem>>, vector<16xf32>,
        %gt3A = vector.broadcast %scan3A : f32 to vector<16xf32>
        %gt3A_179 = arith.cmpf ogt, %get3A_178, %gt3A : vector<16xf32>
        %all_reduce_population_count3A = tpu.all_reduce %gt3A_179 {dim = 0 : i64, kind = #tpu.reduction_kind<sum>} : vector<16xi1> -> vector<16xi32>
        %slice3A = vector.extract_strided_slice %all_reduce_population_count3A {offsets = [0], sizes = [1], strides = [1]} : vector<16xi32> to vector<1xi32>
        %squeeze3A = vector.extract %slice3A[0] : i32 from vector<1xi32>
        %mul3A_180 = arith.constant 8 : i32
        %mul3A_181 = arith.muli %scan3A_168, %mul3A_180 : i32
        %add3A_182 = arith.constant 1 : i32
        %add3A_183 = arith.addi %mul3A_181, %add3A_182 : i32
        %mul3A_184 = arith.constant 16 : i32
        %mul3A_185 = arith.muli %add3A_183, %mul3A_184 : i32
        %get3A_186 = arith.constant 2 : i32
        %get3A_187 = arith.index_cast %get3A_186 : i32 to index
        %get3A_188 = arith.index_cast %mul3A_185 : i32 to index
        %get3A_189 = tpu.vector_load %arg5[%get3A_187, %get3A_188] {strides = array<i32>} : memref<8x4096xf32, #tpu.memory_space<vmem>>, vector<16xf32>,
        %gt3A_190 = vector.broadcast %scan3A : f32 to vector<16xf32>
        %gt3A_191 = arith.cmpf ogt, %get3A_189, %gt3A_190 : vector<16xf32>
        %all_reduce_population_count3A_192 = tpu.all_reduce %gt3A_191 {dim = 0 : i64, kind = #tpu.reduction_kind<sum>} : vector<16xi1> -> vector<16xi32>
        %slice3A_193 = vector.extract_strided_slice %all_reduce_population_count3A_192 {offsets = [0], sizes = [1], strides = [1]} : vector<16xi32> to vector<1xi32>
        %squeeze3A_194 = vector.extract %slice3A_193[0] : i32 from vector<1xi32>
        %mul3A_195 = arith.constant 8 : i32
        %mul3A_196 = arith.muli %scan3A_168, %mul3A_195 : i32
        %add3A_197 = arith.constant 2 : i32
        %add3A_198 = arith.addi %mul3A_196, %add3A_197 : i32
        %mul3A_199 = arith.constant 16 : i32
        %mul3A_200 = arith.muli %add3A_198, %mul3A_199 : i32
        %get3A_201 = arith.constant 2 : i32
        %get3A_202 = arith.index_cast %get3A_201 : i32 to index
        %get3A_203 = arith.index_cast %mul3A_200 : i32 to index
        %get3A_204 = tpu.vector_load %arg5[%get3A_202, %get3A_203] {strides = array<i32>} : memref<8x4096xf32, #tpu.memory_space<vmem>>, vector<16xf32>,
        %gt3A_205 = vector.broadcast %scan3A : f32 to vector<16xf32>
        %gt3A_206 = arith.cmpf ogt, %get3A_204, %gt3A_205 : vector<16xf32>
        %all_reduce_population_count3A_207 = tpu.all_reduce %gt3A_206 {dim = 0 : i64, kind = #tpu.reduction_kind<sum>} : vector<16xi1> -> vector<16xi32>
        %slice3A_208 = vector.extract_strided_slice %all_reduce_population_count3A_207 {offsets = [0], sizes = [1], strides = [1]} : vector<16xi32> to vector<1xi32>
        %squeeze3A_209 = vector.extract %slice3A_208[0] : i32 from vector<1xi32>
        %mul3A_210 = arith.constant 8 : i32
        %mul3A_211 = arith.muli %scan3A_168, %mul3A_210 : i32
        %add3A_212 = arith.constant 3 : i32
        %add3A_213 = arith.addi %mul3A_211, %add3A_212 : i32
        %mul3A_214 = arith.constant 16 : i32
        %mul3A_215 = arith.muli %add3A_213, %mul3A_214 : i32
        %get3A_216 = arith.constant 2 : i32
        %get3A_217 = arith.index_cast %get3A_216 : i32 to index
        %get3A_218 = arith.index_cast %mul3A_215 : i32 to index
        %get3A_219 = tpu.vector_load %arg5[%get3A_217, %get3A_218] {strides = array<i32>} : memref<8x4096xf32, #tpu.memory_space<vmem>>, vector<16xf32>,
        %gt3A_220 = vector.broadcast %scan3A : f32 to vector<16xf32>
        %gt3A_221 = arith.cmpf ogt, %get3A_219, %gt3A_220 : vector<16xf32>
        %all_reduce_population_count3A_222 = tpu.all_reduce %gt3A_221 {dim = 0 : i64, kind = #tpu.reduction_kind<sum>} : vector<16xi1> -> vector<16xi32>
        %slice3A_223 = vector.extract_strided_slice %all_reduce_population_count3A_222 {offsets = [0], sizes = [1], strides = [1]} : vector<16xi32> to vector<1xi32>
        %squeeze3A_224 = vector.extract %slice3A_223[0] : i32 from vector<1xi32>
        %mul3A_225 = arith.constant 8 : i32
        %mul3A_226 = arith.muli %scan3A_168, %mul3A_225 : i32
        %add3A_227 = arith.constant 4 : i32
        %add3A_228 = arith.addi %mul3A_226, %add3A_227 : i32
        %mul3A_229 = arith.constant 16 : i32
        %mul3A_230 = arith.muli %add3A_228, %mul3A_229 : i32
        %get3A_231 = arith.constant 2 : i32
        %get3A_232 = arith.index_cast %get3A_231 : i32 to index
        %get3A_233 = arith.index_cast %mul3A_230 : i32 to index
        %get3A_234 = tpu.vector_load %arg5[%get3A_232, %get3A_233] {strides = array<i32>} : memref<8x4096xf32, #tpu.memory_space<vmem>>, vector<16xf32>,
        %gt3A_235 = vector.broadcast %scan3A : f32 to vector<16xf32>
        %gt3A_236 = arith.cmpf ogt, %get3A_234, %gt3A_235 : vector<16xf32>
        %all_reduce_population_count3A_237 = tpu.all_reduce %gt3A_236 {dim = 0 : i64, kind = #tpu.reduction_kind<sum>} : vector<16xi1> -> vector<16xi32>
        %slice3A_238 = vector.extract_strided_slice %all_reduce_population_count3A_237 {offsets = [0], sizes = [1], strides = [1]} : vector<16xi32> to vector<1xi32>
        %squeeze3A_239 = vector.extract %slice3A_238[0] : i32 from vector<1xi32>
        %mul3A_240 = arith.constant 8 : i32
        %mul3A_241 = arith.muli %scan3A_168, %mul3A_240 : i32
        %add3A_242 = arith.constant 5 : i32
        %add3A_243 = arith.addi %mul3A_241, %add3A_242 : i32
        %mul3A_244 = arith.constant 16 : i32
        %mul3A_245 = arith.muli %add3A_243, %mul3A_244 : i32
        %get3A_246 = arith.constant 2 : i32
        %get3A_247 = arith.index_cast %get3A_246 : i32 to index
        %get3A_248 = arith.index_cast %mul3A_245 : i32 to index
        %get3A_249 = tpu.vector_load %arg5[%get3A_247, %get3A_248] {strides = array<i32>} : memref<8x4096xf32, #tpu.memory_space<vmem>>, vector<16xf32>,
        %gt3A_250 = vector.broadcast %scan3A : f32 to vector<16xf32>
        %gt3A_251 = arith.cmpf ogt, %get3A_249, %gt3A_250 : vector<16xf32>
        %all_reduce_population_count3A_252 = tpu.all_reduce %gt3A_251 {dim = 0 : i64, kind = #tpu.reduction_kind<sum>} : vector<16xi1> -> vector<16xi32>
        %slice3A_253 = vector.extract_strided_slice %all_reduce_population_count3A_252 {offsets = [0], sizes = [1], strides = [1]} : vector<16xi32> to vector<1xi32>
        %squeeze3A_254 = vector.extract %slice3A_253[0] : i32 from vector<1xi32>
        %mul3A_255 = arith.constant 8 : i32
        %mul3A_256 = arith.muli %scan3A_168, %mul3A_255 : i32
        %add3A_257 = arith.constant 6 : i32
        %add3A_258 = arith.addi %mul3A_256, %add3A_257 : i32
        %mul3A_259 = arith.constant 16 : i32
        %mul3A_260 = arith.muli %add3A_258, %mul3A_259 : i32
        %get3A_261 = arith.constant 2 : i32
        %get3A_262 = arith.index_cast %get3A_261 : i32 to index
        %get3A_263 = arith.index_cast %mul3A_260 : i32 to index
        %get3A_264 = tpu.vector_load %arg5[%get3A_262, %get3A_263] {strides = array<i32>} : memref<8x4096xf32, #tpu.memory_space<vmem>>, vector<16xf32>,
        %gt3A_265 = vector.broadcast %scan3A : f32 to vector<16xf32>
        %gt3A_266 = arith.cmpf ogt, %get3A_264, %gt3A_265 : vector<16xf32>
        %all_reduce_population_count3A_267 = tpu.all_reduce %gt3A_266 {dim = 0 : i64, kind = #tpu.reduction_kind<sum>} : vector<16xi1> -> vector<16xi32>
        %slice3A_268 = vector.extract_strided_slice %all_reduce_population_count3A_267 {offsets = [0], sizes = [1], strides = [1]} : vector<16xi32> to vector<1xi32>
        %squeeze3A_269 = vector.extract %slice3A_268[0] : i32 from vector<1xi32>
        %mul3A_270 = arith.constant 8 : i32
        %mul3A_271 = arith.muli %scan3A_168, %mul3A_270 : i32
        %add3A_272 = arith.constant 7 : i32
        %add3A_273 = arith.addi %mul3A_271, %add3A_272 : i32
        %mul3A_274 = arith.constant 16 : i32
        %mul3A_275 = arith.muli %add3A_273, %mul3A_274 : i32
        %get3A_276 = arith.constant 2 : i32
        %get3A_277 = arith.index_cast %get3A_276 : i32 to index
        %get3A_278 = arith.index_cast %mul3A_275 : i32 to index
        %get3A_279 = tpu.vector_load %arg5[%get3A_277, %get3A_278] {strides = array<i32>} : memref<8x4096xf32, #tpu.memory_space<vmem>>, vector<16xf32>,
        %gt3A_280 = vector.broadcast %scan3A : f32 to vector<16xf32>
        %gt3A_281 = arith.cmpf ogt, %get3A_279, %gt3A_280 : vector<16xf32>
        %all_reduce_population_count3A_282 = tpu.all_reduce %gt3A_281 {dim = 0 : i64, kind = #tpu.reduction_kind<sum>} : vector<16xi1> -> vector<16xi32>
        %slice3A_283 = vector.extract_strided_slice %all_reduce_population_count3A_282 {offsets = [0], sizes = [1], strides = [1]} : vector<16xi32> to vector<1xi32>
        %squeeze3A_284 = vector.extract %slice3A_283[0] : i32 from vector<1xi32>
        %min3A = arith.constant 240 : i32
        %min3A_285 = arith.minsi %scan3A_169, %min3A : i32
        %lt3A_286 = arith.constant 241 : i32
        %lt3A_287 = arith.cmpi slt, %scan3A_169, %lt3A_286 : i32
        %and3A = vector.broadcast %lt3A_287 : i1 to vector<16xi1>
        %and3A_288 = arith.andi %gt3A_179, %and3A : vector<16xi1>
        %swap3A = arith.constant 2 : i32
        %swap3A_289 = arith.index_cast %swap3A : i32 to index
        %swap3A_290 = arith.index_cast %min3A_285 : i32 to index
        %swap3A_291 = tpu.vector_load %arg6[%swap3A_289, %swap3A_290] masked %and3A_288 {strides = array<i32>} : memref<8x256xf32, #tpu.memory_space<vmem>>, vector<16xf32>, vector<16xi1>
        tpu.vector_store %arg6[%swap3A_289, %swap3A_290], %get3A_178 masked %and3A_288 {strides = array<i32>} : memref<8x256xf32, #tpu.memory_space<vmem>>, vector<16xf32>, vector<16xi1>
        %add3A_292 = arith.addi %scan3A_169, %squeeze3A : i32
        %min3A_293 = arith.constant 240 : i32
        %min3A_294 = arith.minsi %add3A_292, %min3A_293 : i32
        %lt3A_295 = arith.constant 241 : i32
        %lt3A_296 = arith.cmpi slt, %add3A_292, %lt3A_295 : i32
        %and3A_297 = vector.broadcast %lt3A_296 : i1 to vector<16xi1>
        %and3A_298 = arith.andi %gt3A_191, %and3A_297 : vector<16xi1>
        %swap3A_299 = arith.constant 2 : i32
        %swap3A_300 = arith.index_cast %swap3A_299 : i32 to index
        %swap3A_301 = arith.index_cast %min3A_294 : i32 to index
        %swap3A_302 = tpu.vector_load %arg6[%swap3A_300, %swap3A_301] masked %and3A_298 {strides = array<i32>} : memref<8x256xf32, #tpu.memory_space<vmem>>, vector<16xf32>, vector<16xi1>
        tpu.vector_store %arg6[%swap3A_300, %swap3A_301], %get3A_189 masked %and3A_298 {strides = array<i32>} : memref<8x256xf32, #tpu.memory_space<vmem>>, vector<16xf32>, vector<16xi1>
        %add3A_303 = arith.addi %add3A_292, %squeeze3A_194 : i32
        %min3A_304 = arith.constant 240 : i32
        %min3A_305 = arith.minsi %add3A_303, %min3A_304 : i32
        %lt3A_306 = arith.constant 241 : i32
        %lt3A_307 = arith.cmpi slt, %add3A_303, %lt3A_306 : i32
        %and3A_308 = vector.broadcast %lt3A_307 : i1 to vector<16xi1>
        %and3A_309 = arith.andi %gt3A_206, %and3A_308 : vector<16xi1>
        %swap3A_310 = arith.constant 2 : i32
        %swap3A_311 = arith.index_cast %swap3A_310 : i32 to index
        %swap3A_312 = arith.index_cast %min3A_305 : i32 to index
        %swap3A_313 = tpu.vector_load %arg6[%swap3A_311, %swap3A_312] masked %and3A_309 {strides = array<i32>} : memref<8x256xf32, #tpu.memory_space<vmem>>, vector<16xf32>, vector<16xi1>
        tpu.vector_store %arg6[%swap3A_311, %swap3A_312], %get3A_204 masked %and3A_309 {strides = array<i32>} : memref<8x256xf32, #tpu.memory_space<vmem>>, vector<16xf32>, vector<16xi1>
        %add3A_314 = arith.addi %add3A_303, %squeeze3A_209 : i32
        %min3A_315 = arith.constant 240 : i32
        %min3A_316 = arith.minsi %add3A_314, %min3A_315 : i32
        %lt3A_317 = arith.constant 241 : i32
        %lt3A_318 = arith.cmpi slt, %add3A_314, %lt3A_317 : i32
        %and3A_319 = vector.broadcast %lt3A_318 : i1 to vector<16xi1>
        %and3A_320 = arith.andi %gt3A_221, %and3A_319 : vector<16xi1>
        %swap3A_321 = arith.constant 2 : i32
        %swap3A_322 = arith.index_cast %swap3A_321 : i32 to index
        %swap3A_323 = arith.index_cast %min3A_316 : i32 to index
        %swap3A_324 = tpu.vector_load %arg6[%swap3A_322, %swap3A_323] masked %and3A_320 {strides = array<i32>} : memref<8x256xf32, #tpu.memory_space<vmem>>, vector<16xf32>, vector<16xi1>
        tpu.vector_store %arg6[%swap3A_322, %swap3A_323], %get3A_219 masked %and3A_320 {strides = array<i32>} : memref<8x256xf32, #tpu.memory_space<vmem>>, vector<16xf32>, vector<16xi1>
        %add3A_325 = arith.addi %add3A_314, %squeeze3A_224 : i32
        %min3A_326 = arith.constant 240 : i32
        %min3A_327 = arith.minsi %add3A_325, %min3A_326 : i32
        %lt3A_328 = arith.constant 241 : i32
        %lt3A_329 = arith.cmpi slt, %add3A_325, %lt3A_328 : i32
        %and3A_330 = vector.broadcast %lt3A_329 : i1 to vector<16xi1>
        %and3A_331 = arith.andi %gt3A_236, %and3A_330 : vector<16xi1>
        %swap3A_332 = arith.constant 2 : i32
        %swap3A_333 = arith.index_cast %swap3A_332 : i32 to index
        %swap3A_334 = arith.index_cast %min3A_327 : i32 to index
        %swap3A_335 = tpu.vector_load %arg6[%swap3A_333, %swap3A_334] masked %and3A_331 {strides = array<i32>} : memref<8x256xf32, #tpu.memory_space<vmem>>, vector<16xf32>, vector<16xi1>
        tpu.vector_store %arg6[%swap3A_333, %swap3A_334], %get3A_234 masked %and3A_331 {strides = array<i32>} : memref<8x256xf32, #tpu.memory_space<vmem>>, vector<16xf32>, vector<16xi1>
        %add3A_336 = arith.addi %add3A_325, %squeeze3A_239 : i32
        %min3A_337 = arith.constant 240 : i32
        %min3A_338 = arith.minsi %add3A_336, %min3A_337 : i32
        %lt3A_339 = arith.constant 241 : i32
        %lt3A_340 = arith.cmpi slt, %add3A_336, %lt3A_339 : i32
        %and3A_341 = vector.broadcast %lt3A_340 : i1 to vector<16xi1>
        %and3A_342 = arith.andi %gt3A_251, %and3A_341 : vector<16xi1>
        %swap3A_343 = arith.constant 2 : i32
        %swap3A_344 = arith.index_cast %swap3A_343 : i32 to index
        %swap3A_345 = arith.index_cast %min3A_338 : i32 to index
        %swap3A_346 = tpu.vector_load %arg6[%swap3A_344, %swap3A_345] masked %and3A_342 {strides = array<i32>} : memref<8x256xf32, #tpu.memory_space<vmem>>, vector<16xf32>, vector<16xi1>
        tpu.vector_store %arg6[%swap3A_344, %swap3A_345], %get3A_249 masked %and3A_342 {strides = array<i32>} : memref<8x256xf32, #tpu.memory_space<vmem>>, vector<16xf32>, vector<16xi1>
        %add3A_347 = arith.addi %add3A_336, %squeeze3A_254 : i32
        %min3A_348 = arith.constant 240 : i32
        %min3A_349 = arith.minsi %add3A_347, %min3A_348 : i32
        %lt3A_350 = arith.constant 241 : i32
        %lt3A_351 = arith.cmpi slt, %add3A_347, %lt3A_350 : i32
        %and3A_352 = vector.broadcast %lt3A_351 : i1 to vector<16xi1>
        %and3A_353 = arith.andi %gt3A_266, %and3A_352 : vector<16xi1>
        %swap3A_354 = arith.constant 2 : i32
        %swap3A_355 = arith.index_cast %swap3A_354 : i32 to index
        %swap3A_356 = arith.index_cast %min3A_349 : i32 to index
        %swap3A_357 = tpu.vector_load %arg6[%swap3A_355, %swap3A_356] masked %and3A_353 {strides = array<i32>} : memref<8x256xf32, #tpu.memory_space<vmem>>, vector<16xf32>, vector<16xi1>
        tpu.vector_store %arg6[%swap3A_355, %swap3A_356], %get3A_264 masked %and3A_353 {strides = array<i32>} : memref<8x256xf32, #tpu.memory_space<vmem>>, vector<16xf32>, vector<16xi1>
        %add3A_358 = arith.addi %add3A_347, %squeeze3A_269 : i32
        %min3A_359 = arith.constant 240 : i32
        %min3A_360 = arith.minsi %add3A_358, %min3A_359 : i32
        %lt3A_361 = arith.constant 241 : i32
        %lt3A_362 = arith.cmpi slt, %add3A_358, %lt3A_361 : i32
        %and3A_363 = vector.broadcast %lt3A_362 : i1 to vector<16xi1>
        %and3A_364 = arith.andi %gt3A_281, %and3A_363 : vector<16xi1>
        %swap3A_365 = arith.constant 2 : i32
        %swap3A_366 = arith.index_cast %swap3A_365 : i32 to index
        %swap3A_367 = arith.index_cast %min3A_360 : i32 to index
        %swap3A_368 = tpu.vector_load %arg6[%swap3A_366, %swap3A_367] masked %and3A_364 {strides = array<i32>} : memref<8x256xf32, #tpu.memory_space<vmem>>, vector<16xf32>, vector<16xi1>
        tpu.vector_store %arg6[%swap3A_366, %swap3A_367], %get3A_279 masked %and3A_364 {strides = array<i32>} : memref<8x256xf32, #tpu.memory_space<vmem>>, vector<16xf32>, vector<16xi1>
        %add3A_369 = arith.addi %add3A_358, %squeeze3A_284 : i32
        scf.yield %add3A_369 : i32
      }
      %scan3A_128 = arith.constant 32 : i32
      %scan3A_129 = arith.constant 0 : i32
      %scan3A_130 = arith.constant 0 : i32
      %scan3A_131 = arith.constant 32 : i32
      %scan3A_132 = arith.addi %scan3A_130, %scan3A_131 : i32
      %scan3A_133 = arith.constant 1 : i32
      %scan3A_134 = scf.for %scan3A_168 = %scan3A_130 to %scan3A_132 step %scan3A_133 iter_args(%scan3A_169 = %scan3A_129) -> (i32)  : i32 {
        %mul3A_170 = arith.constant 8 : i32
        %mul3A_171 = arith.muli %scan3A_168, %mul3A_170 : i32
        %add3A_172 = arith.constant 0 : i32
        %add3A_173 = arith.addi %mul3A_171, %add3A_172 : i32
        %mul3A_174 = arith.constant 16 : i32
        %mul3A_175 = arith.muli %add3A_173, %mul3A_174 : i32
        %get3A = arith.constant 3 : i32
        %get3A_176 = arith.index_cast %get3A : i32 to index
        %get3A_177 = arith.index_cast %mul3A_175 : i32 to index
        %get3A_178 = tpu.vector_load %arg5[%get3A_176, %get3A_177] {strides = array<i32>} : memref<8x4096xf32, #tpu.memory_space<vmem>>, vector<16xf32>,
        %gt3A = vector.broadcast %scan3A : f32 to vector<16xf32>
        %gt3A_179 = arith.cmpf ogt, %get3A_178, %gt3A : vector<16xf32>
        %all_reduce_population_count3A = tpu.all_reduce %gt3A_179 {dim = 0 : i64, kind = #tpu.reduction_kind<sum>} : vector<16xi1> -> vector<16xi32>
        %slice3A = vector.extract_strided_slice %all_reduce_population_count3A {offsets = [0], sizes = [1], strides = [1]} : vector<16xi32> to vector<1xi32>
        %squeeze3A = vector.extract %slice3A[0] : i32 from vector<1xi32>
        %mul3A_180 = arith.constant 8 : i32
        %mul3A_181 = arith.muli %scan3A_168, %mul3A_180 : i32
        %add3A_182 = arith.constant 1 : i32
        %add3A_183 = arith.addi %mul3A_181, %add3A_182 : i32
        %mul3A_184 = arith.constant 16 : i32
        %mul3A_185 = arith.muli %add3A_183, %mul3A_184 : i32
        %get3A_186 = arith.constant 3 : i32
        %get3A_187 = arith.index_cast %get3A_186 : i32 to index
        %get3A_188 = arith.index_cast %mul3A_185 : i32 to index
        %get3A_189 = tpu.vector_load %arg5[%get3A_187, %get3A_188] {strides = array<i32>} : memref<8x4096xf32, #tpu.memory_space<vmem>>, vector<16xf32>,
        %gt3A_190 = vector.broadcast %scan3A : f32 to vector<16xf32>
        %gt3A_191 = arith.cmpf ogt, %get3A_189, %gt3A_190 : vector<16xf32>
        %all_reduce_population_count3A_192 = tpu.all_reduce %gt3A_191 {dim = 0 : i64, kind = #tpu.reduction_kind<sum>} : vector<16xi1> -> vector<16xi32>
        %slice3A_193 = vector.extract_strided_slice %all_reduce_population_count3A_192 {offsets = [0], sizes = [1], strides = [1]} : vector<16xi32> to vector<1xi32>
        %squeeze3A_194 = vector.extract %slice3A_193[0] : i32 from vector<1xi32>
        %mul3A_195 = arith.constant 8 : i32
        %mul3A_196 = arith.muli %scan3A_168, %mul3A_195 : i32
        %add3A_197 = arith.constant 2 : i32
        %add3A_198 = arith.addi %mul3A_196, %add3A_197 : i32
        %mul3A_199 = arith.constant 16 : i32
        %mul3A_200 = arith.muli %add3A_198, %mul3A_199 : i32
        %get3A_201 = arith.constant 3 : i32
        %get3A_202 = arith.index_cast %get3A_201 : i32 to index
        %get3A_203 = arith.index_cast %mul3A_200 : i32 to index
        %get3A_204 = tpu.vector_load %arg5[%get3A_202, %get3A_203] {strides = array<i32>} : memref<8x4096xf32, #tpu.memory_space<vmem>>, vector<16xf32>,
        %gt3A_205 = vector.broadcast %scan3A : f32 to vector<16xf32>
        %gt3A_206 = arith.cmpf ogt, %get3A_204, %gt3A_205 : vector<16xf32>
        %all_reduce_population_count3A_207 = tpu.all_reduce %gt3A_206 {dim = 0 : i64, kind = #tpu.reduction_kind<sum>} : vector<16xi1> -> vector<16xi32>
        %slice3A_208 = vector.extract_strided_slice %all_reduce_population_count3A_207 {offsets = [0], sizes = [1], strides = [1]} : vector<16xi32> to vector<1xi32>
        %squeeze3A_209 = vector.extract %slice3A_208[0] : i32 from vector<1xi32>
        %mul3A_210 = arith.constant 8 : i32
        %mul3A_211 = arith.muli %scan3A_168, %mul3A_210 : i32
        %add3A_212 = arith.constant 3 : i32
        %add3A_213 = arith.addi %mul3A_211, %add3A_212 : i32
        %mul3A_214 = arith.constant 16 : i32
        %mul3A_215 = arith.muli %add3A_213, %mul3A_214 : i32
        %get3A_216 = arith.constant 3 : i32
        %get3A_217 = arith.index_cast %get3A_216 : i32 to index
        %get3A_218 = arith.index_cast %mul3A_215 : i32 to index
        %get3A_219 = tpu.vector_load %arg5[%get3A_217, %get3A_218] {strides = array<i32>} : memref<8x4096xf32, #tpu.memory_space<vmem>>, vector<16xf32>,
        %gt3A_220 = vector.broadcast %scan3A : f32 to vector<16xf32>
        %gt3A_221 = arith.cmpf ogt, %get3A_219, %gt3A_220 : vector<16xf32>
        %all_reduce_population_count3A_222 = tpu.all_reduce %gt3A_221 {dim = 0 : i64, kind = #tpu.reduction_kind<sum>} : vector<16xi1> -> vector<16xi32>
        %slice3A_223 = vector.extract_strided_slice %all_reduce_population_count3A_222 {offsets = [0], sizes = [1], strides = [1]} : vector<16xi32> to vector<1xi32>
        %squeeze3A_224 = vector.extract %slice3A_223[0] : i32 from vector<1xi32>
        %mul3A_225 = arith.constant 8 : i32
        %mul3A_226 = arith.muli %scan3A_168, %mul3A_225 : i32
        %add3A_227 = arith.constant 4 : i32
        %add3A_228 = arith.addi %mul3A_226, %add3A_227 : i32
        %mul3A_229 = arith.constant 16 : i32
        %mul3A_230 = arith.muli %add3A_228, %mul3A_229 : i32
        %get3A_231 = arith.constant 3 : i32
        %get3A_232 = arith.index_cast %get3A_231 : i32 to index
        %get3A_233 = arith.index_cast %mul3A_230 : i32 to index
        %get3A_234 = tpu.vector_load %arg5[%get3A_232, %get3A_233] {strides = array<i32>} : memref<8x4096xf32, #tpu.memory_space<vmem>>, vector<16xf32>,
        %gt3A_235 = vector.broadcast %scan3A : f32 to vector<16xf32>
        %gt3A_236 = arith.cmpf ogt, %get3A_234, %gt3A_235 : vector<16xf32>
        %all_reduce_population_count3A_237 = tpu.all_reduce %gt3A_236 {dim = 0 : i64, kind = #tpu.reduction_kind<sum>} : vector<16xi1> -> vector<16xi32>
        %slice3A_238 = vector.extract_strided_slice %all_reduce_population_count3A_237 {offsets = [0], sizes = [1], strides = [1]} : vector<16xi32> to vector<1xi32>
        %squeeze3A_239 = vector.extract %slice3A_238[0] : i32 from vector<1xi32>
        %mul3A_240 = arith.constant 8 : i32
        %mul3A_241 = arith.muli %scan3A_168, %mul3A_240 : i32
        %add3A_242 = arith.constant 5 : i32
        %add3A_243 = arith.addi %mul3A_241, %add3A_242 : i32
        %mul3A_244 = arith.constant 16 : i32
        %mul3A_245 = arith.muli %add3A_243, %mul3A_244 : i32
        %get3A_246 = arith.constant 3 : i32
        %get3A_247 = arith.index_cast %get3A_246 : i32 to index
        %get3A_248 = arith.index_cast %mul3A_245 : i32 to index
        %get3A_249 = tpu.vector_load %arg5[%get3A_247, %get3A_248] {strides = array<i32>} : memref<8x4096xf32, #tpu.memory_space<vmem>>, vector<16xf32>,
        %gt3A_250 = vector.broadcast %scan3A : f32 to vector<16xf32>
        %gt3A_251 = arith.cmpf ogt, %get3A_249, %gt3A_250 : vector<16xf32>
        %all_reduce_population_count3A_252 = tpu.all_reduce %gt3A_251 {dim = 0 : i64, kind = #tpu.reduction_kind<sum>} : vector<16xi1> -> vector<16xi32>
        %slice3A_253 = vector.extract_strided_slice %all_reduce_population_count3A_252 {offsets = [0], sizes = [1], strides = [1]} : vector<16xi32> to vector<1xi32>
        %squeeze3A_254 = vector.extract %slice3A_253[0] : i32 from vector<1xi32>
        %mul3A_255 = arith.constant 8 : i32
        %mul3A_256 = arith.muli %scan3A_168, %mul3A_255 : i32
        %add3A_257 = arith.constant 6 : i32
        %add3A_258 = arith.addi %mul3A_256, %add3A_257 : i32
        %mul3A_259 = arith.constant 16 : i32
        %mul3A_260 = arith.muli %add3A_258, %mul3A_259 : i32
        %get3A_261 = arith.constant 3 : i32
        %get3A_262 = arith.index_cast %get3A_261 : i32 to index
        %get3A_263 = arith.index_cast %mul3A_260 : i32 to index
        %get3A_264 = tpu.vector_load %arg5[%get3A_262, %get3A_263] {strides = array<i32>} : memref<8x4096xf32, #tpu.memory_space<vmem>>, vector<16xf32>,
        %gt3A_265 = vector.broadcast %scan3A : f32 to vector<16xf32>
        %gt3A_266 = arith.cmpf ogt, %get3A_264, %gt3A_265 : vector<16xf32>
        %all_reduce_population_count3A_267 = tpu.all_reduce %gt3A_266 {dim = 0 : i64, kind = #tpu.reduction_kind<sum>} : vector<16xi1> -> vector<16xi32>
        %slice3A_268 = vector.extract_strided_slice %all_reduce_population_count3A_267 {offsets = [0], sizes = [1], strides = [1]} : vector<16xi32> to vector<1xi32>
        %squeeze3A_269 = vector.extract %slice3A_268[0] : i32 from vector<1xi32>
        %mul3A_270 = arith.constant 8 : i32
        %mul3A_271 = arith.muli %scan3A_168, %mul3A_270 : i32
        %add3A_272 = arith.constant 7 : i32
        %add3A_273 = arith.addi %mul3A_271, %add3A_272 : i32
        %mul3A_274 = arith.constant 16 : i32
        %mul3A_275 = arith.muli %add3A_273, %mul3A_274 : i32
        %get3A_276 = arith.constant 3 : i32
        %get3A_277 = arith.index_cast %get3A_276 : i32 to index
        %get3A_278 = arith.index_cast %mul3A_275 : i32 to index
        %get3A_279 = tpu.vector_load %arg5[%get3A_277, %get3A_278] {strides = array<i32>} : memref<8x4096xf32, #tpu.memory_space<vmem>>, vector<16xf32>,
        %gt3A_280 = vector.broadcast %scan3A : f32 to vector<16xf32>
        %gt3A_281 = arith.cmpf ogt, %get3A_279, %gt3A_280 : vector<16xf32>
        %all_reduce_population_count3A_282 = tpu.all_reduce %gt3A_281 {dim = 0 : i64, kind = #tpu.reduction_kind<sum>} : vector<16xi1> -> vector<16xi32>
        %slice3A_283 = vector.extract_strided_slice %all_reduce_population_count3A_282 {offsets = [0], sizes = [1], strides = [1]} : vector<16xi32> to vector<1xi32>
        %squeeze3A_284 = vector.extract %slice3A_283[0] : i32 from vector<1xi32>
        %min3A = arith.constant 240 : i32
        %min3A_285 = arith.minsi %scan3A_169, %min3A : i32
        %lt3A_286 = arith.constant 241 : i32
        %lt3A_287 = arith.cmpi slt, %scan3A_169, %lt3A_286 : i32
        %and3A = vector.broadcast %lt3A_287 : i1 to vector<16xi1>
        %and3A_288 = arith.andi %gt3A_179, %and3A : vector<16xi1>
        %swap3A = arith.constant 3 : i32
        %swap3A_289 = arith.index_cast %swap3A : i32 to index
        %swap3A_290 = arith.index_cast %min3A_285 : i32 to index
        %swap3A_291 = tpu.vector_load %arg6[%swap3A_289, %swap3A_290] masked %and3A_288 {strides = array<i32>} : memref<8x256xf32, #tpu.memory_space<vmem>>, vector<16xf32>, vector<16xi1>
        tpu.vector_store %arg6[%swap3A_289, %swap3A_290], %get3A_178 masked %and3A_288 {strides = array<i32>} : memref<8x256xf32, #tpu.memory_space<vmem>>, vector<16xf32>, vector<16xi1>
        %add3A_292 = arith.addi %scan3A_169, %squeeze3A : i32
        %min3A_293 = arith.constant 240 : i32
        %min3A_294 = arith.minsi %add3A_292, %min3A_293 : i32
        %lt3A_295 = arith.constant 241 : i32
        %lt3A_296 = arith.cmpi slt, %add3A_292, %lt3A_295 : i32
        %and3A_297 = vector.broadcast %lt3A_296 : i1 to vector<16xi1>
        %and3A_298 = arith.andi %gt3A_191, %and3A_297 : vector<16xi1>
        %swap3A_299 = arith.constant 3 : i32
        %swap3A_300 = arith.index_cast %swap3A_299 : i32 to index
        %swap3A_301 = arith.index_cast %min3A_294 : i32 to index
        %swap3A_302 = tpu.vector_load %arg6[%swap3A_300, %swap3A_301] masked %and3A_298 {strides = array<i32>} : memref<8x256xf32, #tpu.memory_space<vmem>>, vector<16xf32>, vector<16xi1>
        tpu.vector_store %arg6[%swap3A_300, %swap3A_301], %get3A_189 masked %and3A_298 {strides = array<i32>} : memref<8x256xf32, #tpu.memory_space<vmem>>, vector<16xf32>, vector<16xi1>
        %add3A_303 = arith.addi %add3A_292, %squeeze3A_194 : i32
        %min3A_304 = arith.constant 240 : i32
        %min3A_305 = arith.minsi %add3A_303, %min3A_304 : i32
        %lt3A_306 = arith.constant 241 : i32
        %lt3A_307 = arith.cmpi slt, %add3A_303, %lt3A_306 : i32
        %and3A_308 = vector.broadcast %lt3A_307 : i1 to vector<16xi1>
        %and3A_309 = arith.andi %gt3A_206, %and3A_308 : vector<16xi1>
        %swap3A_310 = arith.constant 3 : i32
        %swap3A_311 = arith.index_cast %swap3A_310 : i32 to index
        %swap3A_312 = arith.index_cast %min3A_305 : i32 to index
        %swap3A_313 = tpu.vector_load %arg6[%swap3A_311, %swap3A_312] masked %and3A_309 {strides = array<i32>} : memref<8x256xf32, #tpu.memory_space<vmem>>, vector<16xf32>, vector<16xi1>
        tpu.vector_store %arg6[%swap3A_311, %swap3A_312], %get3A_204 masked %and3A_309 {strides = array<i32>} : memref<8x256xf32, #tpu.memory_space<vmem>>, vector<16xf32>, vector<16xi1>
        %add3A_314 = arith.addi %add3A_303, %squeeze3A_209 : i32
        %min3A_315 = arith.constant 240 : i32
        %min3A_316 = arith.minsi %add3A_314, %min3A_315 : i32
        %lt3A_317 = arith.constant 241 : i32
        %lt3A_318 = arith.cmpi slt, %add3A_314, %lt3A_317 : i32
        %and3A_319 = vector.broadcast %lt3A_318 : i1 to vector<16xi1>
        %and3A_320 = arith.andi %gt3A_221, %and3A_319 : vector<16xi1>
        %swap3A_321 = arith.constant 3 : i32
        %swap3A_322 = arith.index_cast %swap3A_321 : i32 to index
        %swap3A_323 = arith.index_cast %min3A_316 : i32 to index
        %swap3A_324 = tpu.vector_load %arg6[%swap3A_322, %swap3A_323] masked %and3A_320 {strides = array<i32>} : memref<8x256xf32, #tpu.memory_space<vmem>>, vector<16xf32>, vector<16xi1>
        tpu.vector_store %arg6[%swap3A_322, %swap3A_323], %get3A_219 masked %and3A_320 {strides = array<i32>} : memref<8x256xf32, #tpu.memory_space<vmem>>, vector<16xf32>, vector<16xi1>
        %add3A_325 = arith.addi %add3A_314, %squeeze3A_224 : i32
        %min3A_326 = arith.constant 240 : i32
        %min3A_327 = arith.minsi %add3A_325, %min3A_326 : i32
        %lt3A_328 = arith.constant 241 : i32
        %lt3A_329 = arith.cmpi slt, %add3A_325, %lt3A_328 : i32
        %and3A_330 = vector.broadcast %lt3A_329 : i1 to vector<16xi1>
        %and3A_331 = arith.andi %gt3A_236, %and3A_330 : vector<16xi1>
        %swap3A_332 = arith.constant 3 : i32
        %swap3A_333 = arith.index_cast %swap3A_332 : i32 to index
        %swap3A_334 = arith.index_cast %min3A_327 : i32 to index
        %swap3A_335 = tpu.vector_load %arg6[%swap3A_333, %swap3A_334] masked %and3A_331 {strides = array<i32>} : memref<8x256xf32, #tpu.memory_space<vmem>>, vector<16xf32>, vector<16xi1>
        tpu.vector_store %arg6[%swap3A_333, %swap3A_334], %get3A_234 masked %and3A_331 {strides = array<i32>} : memref<8x256xf32, #tpu.memory_space<vmem>>, vector<16xf32>, vector<16xi1>
        %add3A_336 = arith.addi %add3A_325, %squeeze3A_239 : i32
        %min3A_337 = arith.constant 240 : i32
        %min3A_338 = arith.minsi %add3A_336, %min3A_337 : i32
        %lt3A_339 = arith.constant 241 : i32
        %lt3A_340 = arith.cmpi slt, %add3A_336, %lt3A_339 : i32
        %and3A_341 = vector.broadcast %lt3A_340 : i1 to vector<16xi1>
        %and3A_342 = arith.andi %gt3A_251, %and3A_341 : vector<16xi1>
        %swap3A_343 = arith.constant 3 : i32
        %swap3A_344 = arith.index_cast %swap3A_343 : i32 to index
        %swap3A_345 = arith.index_cast %min3A_338 : i32 to index
        %swap3A_346 = tpu.vector_load %arg6[%swap3A_344, %swap3A_345] masked %and3A_342 {strides = array<i32>} : memref<8x256xf32, #tpu.memory_space<vmem>>, vector<16xf32>, vector<16xi1>
        tpu.vector_store %arg6[%swap3A_344, %swap3A_345], %get3A_249 masked %and3A_342 {strides = array<i32>} : memref<8x256xf32, #tpu.memory_space<vmem>>, vector<16xf32>, vector<16xi1>
        %add3A_347 = arith.addi %add3A_336, %squeeze3A_254 : i32
        %min3A_348 = arith.constant 240 : i32
        %min3A_349 = arith.minsi %add3A_347, %min3A_348 : i32
        %lt3A_350 = arith.constant 241 : i32
        %lt3A_351 = arith.cmpi slt, %add3A_347, %lt3A_350 : i32
        %and3A_352 = vector.broadcast %lt3A_351 : i1 to vector<16xi1>
        %and3A_353 = arith.andi %gt3A_266, %and3A_352 : vector<16xi1>
        %swap3A_354 = arith.constant 3 : i32
        %swap3A_355 = arith.index_cast %swap3A_354 : i32 to index
        %swap3A_356 = arith.index_cast %min3A_349 : i32 to index
        %swap3A_357 = tpu.vector_load %arg6[%swap3A_355, %swap3A_356] masked %and3A_353 {strides = array<i32>} : memref<8x256xf32, #tpu.memory_space<vmem>>, vector<16xf32>, vector<16xi1>
        tpu.vector_store %arg6[%swap3A_355, %swap3A_356], %get3A_264 masked %and3A_353 {strides = array<i32>} : memref<8x256xf32, #tpu.memory_space<vmem>>, vector<16xf32>, vector<16xi1>
        %add3A_358 = arith.addi %add3A_347, %squeeze3A_269 : i32
        %min3A_359 = arith.constant 240 : i32
        %min3A_360 = arith.minsi %add3A_358, %min3A_359 : i32
        %lt3A_361 = arith.constant 241 : i32
        %lt3A_362 = arith.cmpi slt, %add3A_358, %lt3A_361 : i32
        %and3A_363 = vector.broadcast %lt3A_362 : i1 to vector<16xi1>
        %and3A_364 = arith.andi %gt3A_281, %and3A_363 : vector<16xi1>
        %swap3A_365 = arith.constant 3 : i32
        %swap3A_366 = arith.index_cast %swap3A_365 : i32 to index
        %swap3A_367 = arith.index_cast %min3A_360 : i32 to index
        %swap3A_368 = tpu.vector_load %arg6[%swap3A_366, %swap3A_367] masked %and3A_364 {strides = array<i32>} : memref<8x256xf32, #tpu.memory_space<vmem>>, vector<16xf32>, vector<16xi1>
        tpu.vector_store %arg6[%swap3A_366, %swap3A_367], %get3A_279 masked %and3A_364 {strides = array<i32>} : memref<8x256xf32, #tpu.memory_space<vmem>>, vector<16xf32>, vector<16xi1>
        %add3A_369 = arith.addi %add3A_358, %squeeze3A_284 : i32
        scf.yield %add3A_369 : i32
      }
      %scan3A_135 = arith.constant 32 : i32
      %scan3A_136 = arith.constant 0 : i32
      %scan3A_137 = arith.constant 0 : i32
      %scan3A_138 = arith.constant 32 : i32
      %scan3A_139 = arith.addi %scan3A_137, %scan3A_138 : i32
      %scan3A_140 = arith.constant 1 : i32
      %scan3A_141 = scf.for %scan3A_168 = %scan3A_137 to %scan3A_139 step %scan3A_140 iter_args(%scan3A_169 = %scan3A_136) -> (i32)  : i32 {
        %mul3A_170 = arith.constant 8 : i32
        %mul3A_171 = arith.muli %scan3A_168, %mul3A_170 : i32
        %add3A_172 = arith.constant 0 : i32
        %add3A_173 = arith.addi %mul3A_171, %add3A_172 : i32
        %mul3A_174 = arith.constant 16 : i32
        %mul3A_175 = arith.muli %add3A_173, %mul3A_174 : i32
        %get3A = arith.constant 4 : i32
        %get3A_176 = arith.index_cast %get3A : i32 to index
        %get3A_177 = arith.index_cast %mul3A_175 : i32 to index
        %get3A_178 = tpu.vector_load %arg5[%get3A_176, %get3A_177] {strides = array<i32>} : memref<8x4096xf32, #tpu.memory_space<vmem>>, vector<16xf32>,
        %gt3A = vector.broadcast %scan3A : f32 to vector<16xf32>
        %gt3A_179 = arith.cmpf ogt, %get3A_178, %gt3A : vector<16xf32>
        %all_reduce_population_count3A = tpu.all_reduce %gt3A_179 {dim = 0 : i64, kind = #tpu.reduction_kind<sum>} : vector<16xi1> -> vector<16xi32>
        %slice3A = vector.extract_strided_slice %all_reduce_population_count3A {offsets = [0], sizes = [1], strides = [1]} : vector<16xi32> to vector<1xi32>
        %squeeze3A = vector.extract %slice3A[0] : i32 from vector<1xi32>
        %mul3A_180 = arith.constant 8 : i32
        %mul3A_181 = arith.muli %scan3A_168, %mul3A_180 : i32
        %add3A_182 = arith.constant 1 : i32
        %add3A_183 = arith.addi %mul3A_181, %add3A_182 : i32
        %mul3A_184 = arith.constant 16 : i32
        %mul3A_185 = arith.muli %add3A_183, %mul3A_184 : i32
        %get3A_186 = arith.constant 4 : i32
        %get3A_187 = arith.index_cast %get3A_186 : i32 to index
        %get3A_188 = arith.index_cast %mul3A_185 : i32 to index
        %get3A_189 = tpu.vector_load %arg5[%get3A_187, %get3A_188] {strides = array<i32>} : memref<8x4096xf32, #tpu.memory_space<vmem>>, vector<16xf32>,
        %gt3A_190 = vector.broadcast %scan3A : f32 to vector<16xf32>
        %gt3A_191 = arith.cmpf ogt, %get3A_189, %gt3A_190 : vector<16xf32>
        %all_reduce_population_count3A_192 = tpu.all_reduce %gt3A_191 {dim = 0 : i64, kind = #tpu.reduction_kind<sum>} : vector<16xi1> -> vector<16xi32>
        %slice3A_193 = vector.extract_strided_slice %all_reduce_population_count3A_192 {offsets = [0], sizes = [1], strides = [1]} : vector<16xi32> to vector<1xi32>
        %squeeze3A_194 = vector.extract %slice3A_193[0] : i32 from vector<1xi32>
        %mul3A_195 = arith.constant 8 : i32
        %mul3A_196 = arith.muli %scan3A_168, %mul3A_195 : i32
        %add3A_197 = arith.constant 2 : i32
        %add3A_198 = arith.addi %mul3A_196, %add3A_197 : i32
        %mul3A_199 = arith.constant 16 : i32
        %mul3A_200 = arith.muli %add3A_198, %mul3A_199 : i32
        %get3A_201 = arith.constant 4 : i32
        %get3A_202 = arith.index_cast %get3A_201 : i32 to index
        %get3A_203 = arith.index_cast %mul3A_200 : i32 to index
        %get3A_204 = tpu.vector_load %arg5[%get3A_202, %get3A_203] {strides = array<i32>} : memref<8x4096xf32, #tpu.memory_space<vmem>>, vector<16xf32>,
        %gt3A_205 = vector.broadcast %scan3A : f32 to vector<16xf32>
        %gt3A_206 = arith.cmpf ogt, %get3A_204, %gt3A_205 : vector<16xf32>
        %all_reduce_population_count3A_207 = tpu.all_reduce %gt3A_206 {dim = 0 : i64, kind = #tpu.reduction_kind<sum>} : vector<16xi1> -> vector<16xi32>
        %slice3A_208 = vector.extract_strided_slice %all_reduce_population_count3A_207 {offsets = [0], sizes = [1], strides = [1]} : vector<16xi32> to vector<1xi32>
        %squeeze3A_209 = vector.extract %slice3A_208[0] : i32 from vector<1xi32>
        %mul3A_210 = arith.constant 8 : i32
        %mul3A_211 = arith.muli %scan3A_168, %mul3A_210 : i32
        %add3A_212 = arith.constant 3 : i32
        %add3A_213 = arith.addi %mul3A_211, %add3A_212 : i32
        %mul3A_214 = arith.constant 16 : i32
        %mul3A_215 = arith.muli %add3A_213, %mul3A_214 : i32
        %get3A_216 = arith.constant 4 : i32
        %get3A_217 = arith.index_cast %get3A_216 : i32 to index
        %get3A_218 = arith.index_cast %mul3A_215 : i32 to index
        %get3A_219 = tpu.vector_load %arg5[%get3A_217, %get3A_218] {strides = array<i32>} : memref<8x4096xf32, #tpu.memory_space<vmem>>, vector<16xf32>,
        %gt3A_220 = vector.broadcast %scan3A : f32 to vector<16xf32>
        %gt3A_221 = arith.cmpf ogt, %get3A_219, %gt3A_220 : vector<16xf32>
        %all_reduce_population_count3A_222 = tpu.all_reduce %gt3A_221 {dim = 0 : i64, kind = #tpu.reduction_kind<sum>} : vector<16xi1> -> vector<16xi32>
        %slice3A_223 = vector.extract_strided_slice %all_reduce_population_count3A_222 {offsets = [0], sizes = [1], strides = [1]} : vector<16xi32> to vector<1xi32>
        %squeeze3A_224 = vector.extract %slice3A_223[0] : i32 from vector<1xi32>
        %mul3A_225 = arith.constant 8 : i32
        %mul3A_226 = arith.muli %scan3A_168, %mul3A_225 : i32
        %add3A_227 = arith.constant 4 : i32
        %add3A_228 = arith.addi %mul3A_226, %add3A_227 : i32
        %mul3A_229 = arith.constant 16 : i32
        %mul3A_230 = arith.muli %add3A_228, %mul3A_229 : i32
        %get3A_231 = arith.constant 4 : i32
        %get3A_232 = arith.index_cast %get3A_231 : i32 to index
        %get3A_233 = arith.index_cast %mul3A_230 : i32 to index
        %get3A_234 = tpu.vector_load %arg5[%get3A_232, %get3A_233] {strides = array<i32>} : memref<8x4096xf32, #tpu.memory_space<vmem>>, vector<16xf32>,
        %gt3A_235 = vector.broadcast %scan3A : f32 to vector<16xf32>
        %gt3A_236 = arith.cmpf ogt, %get3A_234, %gt3A_235 : vector<16xf32>
        %all_reduce_population_count3A_237 = tpu.all_reduce %gt3A_236 {dim = 0 : i64, kind = #tpu.reduction_kind<sum>} : vector<16xi1> -> vector<16xi32>
        %slice3A_238 = vector.extract_strided_slice %all_reduce_population_count3A_237 {offsets = [0], sizes = [1], strides = [1]} : vector<16xi32> to vector<1xi32>
        %squeeze3A_239 = vector.extract %slice3A_238[0] : i32 from vector<1xi32>
        %mul3A_240 = arith.constant 8 : i32
        %mul3A_241 = arith.muli %scan3A_168, %mul3A_240 : i32
        %add3A_242 = arith.constant 5 : i32
        %add3A_243 = arith.addi %mul3A_241, %add3A_242 : i32
        %mul3A_244 = arith.constant 16 : i32
        %mul3A_245 = arith.muli %add3A_243, %mul3A_244 : i32
        %get3A_246 = arith.constant 4 : i32
        %get3A_247 = arith.index_cast %get3A_246 : i32 to index
        %get3A_248 = arith.index_cast %mul3A_245 : i32 to index
        %get3A_249 = tpu.vector_load %arg5[%get3A_247, %get3A_248] {strides = array<i32>} : memref<8x4096xf32, #tpu.memory_space<vmem>>, vector<16xf32>,
        %gt3A_250 = vector.broadcast %scan3A : f32 to vector<16xf32>
        %gt3A_251 = arith.cmpf ogt, %get3A_249, %gt3A_250 : vector<16xf32>
        %all_reduce_population_count3A_252 = tpu.all_reduce %gt3A_251 {dim = 0 : i64, kind = #tpu.reduction_kind<sum>} : vector<16xi1> -> vector<16xi32>
        %slice3A_253 = vector.extract_strided_slice %all_reduce_population_count3A_252 {offsets = [0], sizes = [1], strides = [1]} : vector<16xi32> to vector<1xi32>
        %squeeze3A_254 = vector.extract %slice3A_253[0] : i32 from vector<1xi32>
        %mul3A_255 = arith.constant 8 : i32
        %mul3A_256 = arith.muli %scan3A_168, %mul3A_255 : i32
        %add3A_257 = arith.constant 6 : i32
        %add3A_258 = arith.addi %mul3A_256, %add3A_257 : i32
        %mul3A_259 = arith.constant 16 : i32
        %mul3A_260 = arith.muli %add3A_258, %mul3A_259 : i32
        %get3A_261 = arith.constant 4 : i32
        %get3A_262 = arith.index_cast %get3A_261 : i32 to index
        %get3A_263 = arith.index_cast %mul3A_260 : i32 to index
        %get3A_264 = tpu.vector_load %arg5[%get3A_262, %get3A_263] {strides = array<i32>} : memref<8x4096xf32, #tpu.memory_space<vmem>>, vector<16xf32>,
        %gt3A_265 = vector.broadcast %scan3A : f32 to vector<16xf32>
        %gt3A_266 = arith.cmpf ogt, %get3A_264, %gt3A_265 : vector<16xf32>
        %all_reduce_population_count3A_267 = tpu.all_reduce %gt3A_266 {dim = 0 : i64, kind = #tpu.reduction_kind<sum>} : vector<16xi1> -> vector<16xi32>
        %slice3A_268 = vector.extract_strided_slice %all_reduce_population_count3A_267 {offsets = [0], sizes = [1], strides = [1]} : vector<16xi32> to vector<1xi32>
        %squeeze3A_269 = vector.extract %slice3A_268[0] : i32 from vector<1xi32>
        %mul3A_270 = arith.constant 8 : i32
        %mul3A_271 = arith.muli %scan3A_168, %mul3A_270 : i32
        %add3A_272 = arith.constant 7 : i32
        %add3A_273 = arith.addi %mul3A_271, %add3A_272 : i32
        %mul3A_274 = arith.constant 16 : i32
        %mul3A_275 = arith.muli %add3A_273, %mul3A_274 : i32
        %get3A_276 = arith.constant 4 : i32
        %get3A_277 = arith.index_cast %get3A_276 : i32 to index
        %get3A_278 = arith.index_cast %mul3A_275 : i32 to index
        %get3A_279 = tpu.vector_load %arg5[%get3A_277, %get3A_278] {strides = array<i32>} : memref<8x4096xf32, #tpu.memory_space<vmem>>, vector<16xf32>,
        %gt3A_280 = vector.broadcast %scan3A : f32 to vector<16xf32>
        %gt3A_281 = arith.cmpf ogt, %get3A_279, %gt3A_280 : vector<16xf32>
        %all_reduce_population_count3A_282 = tpu.all_reduce %gt3A_281 {dim = 0 : i64, kind = #tpu.reduction_kind<sum>} : vector<16xi1> -> vector<16xi32>
        %slice3A_283 = vector.extract_strided_slice %all_reduce_population_count3A_282 {offsets = [0], sizes = [1], strides = [1]} : vector<16xi32> to vector<1xi32>
        %squeeze3A_284 = vector.extract %slice3A_283[0] : i32 from vector<1xi32>
        %min3A = arith.constant 240 : i32
        %min3A_285 = arith.minsi %scan3A_169, %min3A : i32
        %lt3A_286 = arith.constant 241 : i32
        %lt3A_287 = arith.cmpi slt, %scan3A_169, %lt3A_286 : i32
        %and3A = vector.broadcast %lt3A_287 : i1 to vector<16xi1>
        %and3A_288 = arith.andi %gt3A_179, %and3A : vector<16xi1>
        %swap3A = arith.constant 4 : i32
        %swap3A_289 = arith.index_cast %swap3A : i32 to index
        %swap3A_290 = arith.index_cast %min3A_285 : i32 to index
        %swap3A_291 = tpu.vector_load %arg6[%swap3A_289, %swap3A_290] masked %and3A_288 {strides = array<i32>} : memref<8x256xf32, #tpu.memory_space<vmem>>, vector<16xf32>, vector<16xi1>
        tpu.vector_store %arg6[%swap3A_289, %swap3A_290], %get3A_178 masked %and3A_288 {strides = array<i32>} : memref<8x256xf32, #tpu.memory_space<vmem>>, vector<16xf32>, vector<16xi1>
        %add3A_292 = arith.addi %scan3A_169, %squeeze3A : i32
        %min3A_293 = arith.constant 240 : i32
        %min3A_294 = arith.minsi %add3A_292, %min3A_293 : i32
        %lt3A_295 = arith.constant 241 : i32
        %lt3A_296 = arith.cmpi slt, %add3A_292, %lt3A_295 : i32
        %and3A_297 = vector.broadcast %lt3A_296 : i1 to vector<16xi1>
        %and3A_298 = arith.andi %gt3A_191, %and3A_297 : vector<16xi1>
        %swap3A_299 = arith.constant 4 : i32
        %swap3A_300 = arith.index_cast %swap3A_299 : i32 to index
        %swap3A_301 = arith.index_cast %min3A_294 : i32 to index
        %swap3A_302 = tpu.vector_load %arg6[%swap3A_300, %swap3A_301] masked %and3A_298 {strides = array<i32>} : memref<8x256xf32, #tpu.memory_space<vmem>>, vector<16xf32>, vector<16xi1>
        tpu.vector_store %arg6[%swap3A_300, %swap3A_301], %get3A_189 masked %and3A_298 {strides = array<i32>} : memref<8x256xf32, #tpu.memory_space<vmem>>, vector<16xf32>, vector<16xi1>
        %add3A_303 = arith.addi %add3A_292, %squeeze3A_194 : i32
        %min3A_304 = arith.constant 240 : i32
        %min3A_305 = arith.minsi %add3A_303, %min3A_304 : i32
        %lt3A_306 = arith.constant 241 : i32
        %lt3A_307 = arith.cmpi slt, %add3A_303, %lt3A_306 : i32
        %and3A_308 = vector.broadcast %lt3A_307 : i1 to vector<16xi1>
        %and3A_309 = arith.andi %gt3A_206, %and3A_308 : vector<16xi1>
        %swap3A_310 = arith.constant 4 : i32
        %swap3A_311 = arith.index_cast %swap3A_310 : i32 to index
        %swap3A_312 = arith.index_cast %min3A_305 : i32 to index
        %swap3A_313 = tpu.vector_load %arg6[%swap3A_311, %swap3A_312] masked %and3A_309 {strides = array<i32>} : memref<8x256xf32, #tpu.memory_space<vmem>>, vector<16xf32>, vector<16xi1>
        tpu.vector_store %arg6[%swap3A_311, %swap3A_312], %get3A_204 masked %and3A_309 {strides = array<i32>} : memref<8x256xf32, #tpu.memory_space<vmem>>, vector<16xf32>, vector<16xi1>
        %add3A_314 = arith.addi %add3A_303, %squeeze3A_209 : i32
        %min3A_315 = arith.constant 240 : i32
        %min3A_316 = arith.minsi %add3A_314, %min3A_315 : i32
        %lt3A_317 = arith.constant 241 : i32
        %lt3A_318 = arith.cmpi slt, %add3A_314, %lt3A_317 : i32
        %and3A_319 = vector.broadcast %lt3A_318 : i1 to vector<16xi1>
        %and3A_320 = arith.andi %gt3A_221, %and3A_319 : vector<16xi1>
        %swap3A_321 = arith.constant 4 : i32
        %swap3A_322 = arith.index_cast %swap3A_321 : i32 to index
        %swap3A_323 = arith.index_cast %min3A_316 : i32 to index
        %swap3A_324 = tpu.vector_load %arg6[%swap3A_322, %swap3A_323] masked %and3A_320 {strides = array<i32>} : memref<8x256xf32, #tpu.memory_space<vmem>>, vector<16xf32>, vector<16xi1>
        tpu.vector_store %arg6[%swap3A_322, %swap3A_323], %get3A_219 masked %and3A_320 {strides = array<i32>} : memref<8x256xf32, #tpu.memory_space<vmem>>, vector<16xf32>, vector<16xi1>
        %add3A_325 = arith.addi %add3A_314, %squeeze3A_224 : i32
        %min3A_326 = arith.constant 240 : i32
        %min3A_327 = arith.minsi %add3A_325, %min3A_326 : i32
        %lt3A_328 = arith.constant 241 : i32
        %lt3A_329 = arith.cmpi slt, %add3A_325, %lt3A_328 : i32
        %and3A_330 = vector.broadcast %lt3A_329 : i1 to vector<16xi1>
        %and3A_331 = arith.andi %gt3A_236, %and3A_330 : vector<16xi1>
        %swap3A_332 = arith.constant 4 : i32
        %swap3A_333 = arith.index_cast %swap3A_332 : i32 to index
        %swap3A_334 = arith.index_cast %min3A_327 : i32 to index
        %swap3A_335 = tpu.vector_load %arg6[%swap3A_333, %swap3A_334] masked %and3A_331 {strides = array<i32>} : memref<8x256xf32, #tpu.memory_space<vmem>>, vector<16xf32>, vector<16xi1>
        tpu.vector_store %arg6[%swap3A_333, %swap3A_334], %get3A_234 masked %and3A_331 {strides = array<i32>} : memref<8x256xf32, #tpu.memory_space<vmem>>, vector<16xf32>, vector<16xi1>
        %add3A_336 = arith.addi %add3A_325, %squeeze3A_239 : i32
        %min3A_337 = arith.constant 240 : i32
        %min3A_338 = arith.minsi %add3A_336, %min3A_337 : i32
        %lt3A_339 = arith.constant 241 : i32
        %lt3A_340 = arith.cmpi slt, %add3A_336, %lt3A_339 : i32
        %and3A_341 = vector.broadcast %lt3A_340 : i1 to vector<16xi1>
        %and3A_342 = arith.andi %gt3A_251, %and3A_341 : vector<16xi1>
        %swap3A_343 = arith.constant 4 : i32
        %swap3A_344 = arith.index_cast %swap3A_343 : i32 to index
        %swap3A_345 = arith.index_cast %min3A_338 : i32 to index
        %swap3A_346 = tpu.vector_load %arg6[%swap3A_344, %swap3A_345] masked %and3A_342 {strides = array<i32>} : memref<8x256xf32, #tpu.memory_space<vmem>>, vector<16xf32>, vector<16xi1>
        tpu.vector_store %arg6[%swap3A_344, %swap3A_345], %get3A_249 masked %and3A_342 {strides = array<i32>} : memref<8x256xf32, #tpu.memory_space<vmem>>, vector<16xf32>, vector<16xi1>
        %add3A_347 = arith.addi %add3A_336, %squeeze3A_254 : i32
        %min3A_348 = arith.constant 240 : i32
        %min3A_349 = arith.minsi %add3A_347, %min3A_348 : i32
        %lt3A_350 = arith.constant 241 : i32
        %lt3A_351 = arith.cmpi slt, %add3A_347, %lt3A_350 : i32
        %and3A_352 = vector.broadcast %lt3A_351 : i1 to vector<16xi1>
        %and3A_353 = arith.andi %gt3A_266, %and3A_352 : vector<16xi1>
        %swap3A_354 = arith.constant 4 : i32
        %swap3A_355 = arith.index_cast %swap3A_354 : i32 to index
        %swap3A_356 = arith.index_cast %min3A_349 : i32 to index
        %swap3A_357 = tpu.vector_load %arg6[%swap3A_355, %swap3A_356] masked %and3A_353 {strides = array<i32>} : memref<8x256xf32, #tpu.memory_space<vmem>>, vector<16xf32>, vector<16xi1>
        tpu.vector_store %arg6[%swap3A_355, %swap3A_356], %get3A_264 masked %and3A_353 {strides = array<i32>} : memref<8x256xf32, #tpu.memory_space<vmem>>, vector<16xf32>, vector<16xi1>
        %add3A_358 = arith.addi %add3A_347, %squeeze3A_269 : i32
        %min3A_359 = arith.constant 240 : i32
        %min3A_360 = arith.minsi %add3A_358, %min3A_359 : i32
        %lt3A_361 = arith.constant 241 : i32
        %lt3A_362 = arith.cmpi slt, %add3A_358, %lt3A_361 : i32
        %and3A_363 = vector.broadcast %lt3A_362 : i1 to vector<16xi1>
        %and3A_364 = arith.andi %gt3A_281, %and3A_363 : vector<16xi1>
        %swap3A_365 = arith.constant 4 : i32
        %swap3A_366 = arith.index_cast %swap3A_365 : i32 to index
        %swap3A_367 = arith.index_cast %min3A_360 : i32 to index
        %swap3A_368 = tpu.vector_load %arg6[%swap3A_366, %swap3A_367] masked %and3A_364 {strides = array<i32>} : memref<8x256xf32, #tpu.memory_space<vmem>>, vector<16xf32>, vector<16xi1>
        tpu.vector_store %arg6[%swap3A_366, %swap3A_367], %get3A_279 masked %and3A_364 {strides = array<i32>} : memref<8x256xf32, #tpu.memory_space<vmem>>, vector<16xf32>, vector<16xi1>
        %add3A_369 = arith.addi %add3A_358, %squeeze3A_284 : i32
        scf.yield %add3A_369 : i32
      }
      %scan3A_142 = arith.constant 32 : i32
      %scan3A_143 = arith.constant 0 : i32
      %scan3A_144 = arith.constant 0 : i32
      %scan3A_145 = arith.constant 32 : i32
      %scan3A_146 = arith.addi %scan3A_144, %scan3A_145 : i32
      %scan3A_147 = arith.constant 1 : i32
      %scan3A_148 = scf.for %scan3A_168 = %scan3A_144 to %scan3A_146 step %scan3A_147 iter_args(%scan3A_169 = %scan3A_143) -> (i32)  : i32 {
        %mul3A_170 = arith.constant 8 : i32
        %mul3A_171 = arith.muli %scan3A_168, %mul3A_170 : i32
        %add3A_172 = arith.constant 0 : i32
        %add3A_173 = arith.addi %mul3A_171, %add3A_172 : i32
        %mul3A_174 = arith.constant 16 : i32
        %mul3A_175 = arith.muli %add3A_173, %mul3A_174 : i32
        %get3A = arith.constant 5 : i32
        %get3A_176 = arith.index_cast %get3A : i32 to index
        %get3A_177 = arith.index_cast %mul3A_175 : i32 to index
        %get3A_178 = tpu.vector_load %arg5[%get3A_176, %get3A_177] {strides = array<i32>} : memref<8x4096xf32, #tpu.memory_space<vmem>>, vector<16xf32>,
        %gt3A = vector.broadcast %scan3A : f32 to vector<16xf32>
        %gt3A_179 = arith.cmpf ogt, %get3A_178, %gt3A : vector<16xf32>
        %all_reduce_population_count3A = tpu.all_reduce %gt3A_179 {dim = 0 : i64, kind = #tpu.reduction_kind<sum>} : vector<16xi1> -> vector<16xi32>
        %slice3A = vector.extract_strided_slice %all_reduce_population_count3A {offsets = [0], sizes = [1], strides = [1]} : vector<16xi32> to vector<1xi32>
        %squeeze3A = vector.extract %slice3A[0] : i32 from vector<1xi32>
        %mul3A_180 = arith.constant 8 : i32
        %mul3A_181 = arith.muli %scan3A_168, %mul3A_180 : i32
        %add3A_182 = arith.constant 1 : i32
        %add3A_183 = arith.addi %mul3A_181, %add3A_182 : i32
        %mul3A_184 = arith.constant 16 : i32
        %mul3A_185 = arith.muli %add3A_183, %mul3A_184 : i32
        %get3A_186 = arith.constant 5 : i32
        %get3A_187 = arith.index_cast %get3A_186 : i32 to index
        %get3A_188 = arith.index_cast %mul3A_185 : i32 to index
        %get3A_189 = tpu.vector_load %arg5[%get3A_187, %get3A_188] {strides = array<i32>} : memref<8x4096xf32, #tpu.memory_space<vmem>>, vector<16xf32>,
        %gt3A_190 = vector.broadcast %scan3A : f32 to vector<16xf32>
        %gt3A_191 = arith.cmpf ogt, %get3A_189, %gt3A_190 : vector<16xf32>
        %all_reduce_population_count3A_192 = tpu.all_reduce %gt3A_191 {dim = 0 : i64, kind = #tpu.reduction_kind<sum>} : vector<16xi1> -> vector<16xi32>
        %slice3A_193 = vector.extract_strided_slice %all_reduce_population_count3A_192 {offsets = [0], sizes = [1], strides = [1]} : vector<16xi32> to vector<1xi32>
        %squeeze3A_194 = vector.extract %slice3A_193[0] : i32 from vector<1xi32>
        %mul3A_195 = arith.constant 8 : i32
        %mul3A_196 = arith.muli %scan3A_168, %mul3A_195 : i32
        %add3A_197 = arith.constant 2 : i32
        %add3A_198 = arith.addi %mul3A_196, %add3A_197 : i32
        %mul3A_199 = arith.constant 16 : i32
        %mul3A_200 = arith.muli %add3A_198, %mul3A_199 : i32
        %get3A_201 = arith.constant 5 : i32
        %get3A_202 = arith.index_cast %get3A_201 : i32 to index
        %get3A_203 = arith.index_cast %mul3A_200 : i32 to index
        %get3A_204 = tpu.vector_load %arg5[%get3A_202, %get3A_203] {strides = array<i32>} : memref<8x4096xf32, #tpu.memory_space<vmem>>, vector<16xf32>,
        %gt3A_205 = vector.broadcast %scan3A : f32 to vector<16xf32>
        %gt3A_206 = arith.cmpf ogt, %get3A_204, %gt3A_205 : vector<16xf32>
        %all_reduce_population_count3A_207 = tpu.all_reduce %gt3A_206 {dim = 0 : i64, kind = #tpu.reduction_kind<sum>} : vector<16xi1> -> vector<16xi32>
        %slice3A_208 = vector.extract_strided_slice %all_reduce_population_count3A_207 {offsets = [0], sizes = [1], strides = [1]} : vector<16xi32> to vector<1xi32>
        %squeeze3A_209 = vector.extract %slice3A_208[0] : i32 from vector<1xi32>
        %mul3A_210 = arith.constant 8 : i32
        %mul3A_211 = arith.muli %scan3A_168, %mul3A_210 : i32
        %add3A_212 = arith.constant 3 : i32
        %add3A_213 = arith.addi %mul3A_211, %add3A_212 : i32
        %mul3A_214 = arith.constant 16 : i32
        %mul3A_215 = arith.muli %add3A_213, %mul3A_214 : i32
        %get3A_216 = arith.constant 5 : i32
        %get3A_217 = arith.index_cast %get3A_216 : i32 to index
        %get3A_218 = arith.index_cast %mul3A_215 : i32 to index
        %get3A_219 = tpu.vector_load %arg5[%get3A_217, %get3A_218] {strides = array<i32>} : memref<8x4096xf32, #tpu.memory_space<vmem>>, vector<16xf32>,
        %gt3A_220 = vector.broadcast %scan3A : f32 to vector<16xf32>
        %gt3A_221 = arith.cmpf ogt, %get3A_219, %gt3A_220 : vector<16xf32>
        %all_reduce_population_count3A_222 = tpu.all_reduce %gt3A_221 {dim = 0 : i64, kind = #tpu.reduction_kind<sum>} : vector<16xi1> -> vector<16xi32>
        %slice3A_223 = vector.extract_strided_slice %all_reduce_population_count3A_222 {offsets = [0], sizes = [1], strides = [1]} : vector<16xi32> to vector<1xi32>
        %squeeze3A_224 = vector.extract %slice3A_223[0] : i32 from vector<1xi32>
        %mul3A_225 = arith.constant 8 : i32
        %mul3A_226 = arith.muli %scan3A_168, %mul3A_225 : i32
        %add3A_227 = arith.constant 4 : i32
        %add3A_228 = arith.addi %mul3A_226, %add3A_227 : i32
        %mul3A_229 = arith.constant 16 : i32
        %mul3A_230 = arith.muli %add3A_228, %mul3A_229 : i32
        %get3A_231 = arith.constant 5 : i32
        %get3A_232 = arith.index_cast %get3A_231 : i32 to index
        %get3A_233 = arith.index_cast %mul3A_230 : i32 to index
        %get3A_234 = tpu.vector_load %arg5[%get3A_232, %get3A_233] {strides = array<i32>} : memref<8x4096xf32, #tpu.memory_space<vmem>>, vector<16xf32>,
        %gt3A_235 = vector.broadcast %scan3A : f32 to vector<16xf32>
        %gt3A_236 = arith.cmpf ogt, %get3A_234, %gt3A_235 : vector<16xf32>
        %all_reduce_population_count3A_237 = tpu.all_reduce %gt3A_236 {dim = 0 : i64, kind = #tpu.reduction_kind<sum>} : vector<16xi1> -> vector<16xi32>
        %slice3A_238 = vector.extract_strided_slice %all_reduce_population_count3A_237 {offsets = [0], sizes = [1], strides = [1]} : vector<16xi32> to vector<1xi32>
        %squeeze3A_239 = vector.extract %slice3A_238[0] : i32 from vector<1xi32>
        %mul3A_240 = arith.constant 8 : i32
        %mul3A_241 = arith.muli %scan3A_168, %mul3A_240 : i32
        %add3A_242 = arith.constant 5 : i32
        %add3A_243 = arith.addi %mul3A_241, %add3A_242 : i32
        %mul3A_244 = arith.constant 16 : i32
        %mul3A_245 = arith.muli %add3A_243, %mul3A_244 : i32
        %get3A_246 = arith.constant 5 : i32
        %get3A_247 = arith.index_cast %get3A_246 : i32 to index
        %get3A_248 = arith.index_cast %mul3A_245 : i32 to index
        %get3A_249 = tpu.vector_load %arg5[%get3A_247, %get3A_248] {strides = array<i32>} : memref<8x4096xf32, #tpu.memory_space<vmem>>, vector<16xf32>,
        %gt3A_250 = vector.broadcast %scan3A : f32 to vector<16xf32>
        %gt3A_251 = arith.cmpf ogt, %get3A_249, %gt3A_250 : vector<16xf32>
        %all_reduce_population_count3A_252 = tpu.all_reduce %gt3A_251 {dim = 0 : i64, kind = #tpu.reduction_kind<sum>} : vector<16xi1> -> vector<16xi32>
        %slice3A_253 = vector.extract_strided_slice %all_reduce_population_count3A_252 {offsets = [0], sizes = [1], strides = [1]} : vector<16xi32> to vector<1xi32>
        %squeeze3A_254 = vector.extract %slice3A_253[0] : i32 from vector<1xi32>
        %mul3A_255 = arith.constant 8 : i32
        %mul3A_256 = arith.muli %scan3A_168, %mul3A_255 : i32
        %add3A_257 = arith.constant 6 : i32
        %add3A_258 = arith.addi %mul3A_256, %add3A_257 : i32
        %mul3A_259 = arith.constant 16 : i32
        %mul3A_260 = arith.muli %add3A_258, %mul3A_259 : i32
        %get3A_261 = arith.constant 5 : i32
        %get3A_262 = arith.index_cast %get3A_261 : i32 to index
        %get3A_263 = arith.index_cast %mul3A_260 : i32 to index
        %get3A_264 = tpu.vector_load %arg5[%get3A_262, %get3A_263] {strides = array<i32>} : memref<8x4096xf32, #tpu.memory_space<vmem>>, vector<16xf32>,
        %gt3A_265 = vector.broadcast %scan3A : f32 to vector<16xf32>
        %gt3A_266 = arith.cmpf ogt, %get3A_264, %gt3A_265 : vector<16xf32>
        %all_reduce_population_count3A_267 = tpu.all_reduce %gt3A_266 {dim = 0 : i64, kind = #tpu.reduction_kind<sum>} : vector<16xi1> -> vector<16xi32>
        %slice3A_268 = vector.extract_strided_slice %all_reduce_population_count3A_267 {offsets = [0], sizes = [1], strides = [1]} : vector<16xi32> to vector<1xi32>
        %squeeze3A_269 = vector.extract %slice3A_268[0] : i32 from vector<1xi32>
        %mul3A_270 = arith.constant 8 : i32
        %mul3A_271 = arith.muli %scan3A_168, %mul3A_270 : i32
        %add3A_272 = arith.constant 7 : i32
        %add3A_273 = arith.addi %mul3A_271, %add3A_272 : i32
        %mul3A_274 = arith.constant 16 : i32
        %mul3A_275 = arith.muli %add3A_273, %mul3A_274 : i32
        %get3A_276 = arith.constant 5 : i32
        %get3A_277 = arith.index_cast %get3A_276 : i32 to index
        %get3A_278 = arith.index_cast %mul3A_275 : i32 to index
        %get3A_279 = tpu.vector_load %arg5[%get3A_277, %get3A_278] {strides = array<i32>} : memref<8x4096xf32, #tpu.memory_space<vmem>>, vector<16xf32>,
        %gt3A_280 = vector.broadcast %scan3A : f32 to vector<16xf32>
        %gt3A_281 = arith.cmpf ogt, %get3A_279, %gt3A_280 : vector<16xf32>
        %all_reduce_population_count3A_282 = tpu.all_reduce %gt3A_281 {dim = 0 : i64, kind = #tpu.reduction_kind<sum>} : vector<16xi1> -> vector<16xi32>
        %slice3A_283 = vector.extract_strided_slice %all_reduce_population_count3A_282 {offsets = [0], sizes = [1], strides = [1]} : vector<16xi32> to vector<1xi32>
        %squeeze3A_284 = vector.extract %slice3A_283[0] : i32 from vector<1xi32>
        %min3A = arith.constant 240 : i32
        %min3A_285 = arith.minsi %scan3A_169, %min3A : i32
        %lt3A_286 = arith.constant 241 : i32
        %lt3A_287 = arith.cmpi slt, %scan3A_169, %lt3A_286 : i32
        %and3A = vector.broadcast %lt3A_287 : i1 to vector<16xi1>
        %and3A_288 = arith.andi %gt3A_179, %and3A : vector<16xi1>
        %swap3A = arith.constant 5 : i32
        %swap3A_289 = arith.index_cast %swap3A : i32 to index
        %swap3A_290 = arith.index_cast %min3A_285 : i32 to index
        %swap3A_291 = tpu.vector_load %arg6[%swap3A_289, %swap3A_290] masked %and3A_288 {strides = array<i32>} : memref<8x256xf32, #tpu.memory_space<vmem>>, vector<16xf32>, vector<16xi1>
        tpu.vector_store %arg6[%swap3A_289, %swap3A_290], %get3A_178 masked %and3A_288 {strides = array<i32>} : memref<8x256xf32, #tpu.memory_space<vmem>>, vector<16xf32>, vector<16xi1>
        %add3A_292 = arith.addi %scan3A_169, %squeeze3A : i32
        %min3A_293 = arith.constant 240 : i32
        %min3A_294 = arith.minsi %add3A_292, %min3A_293 : i32
        %lt3A_295 = arith.constant 241 : i32
        %lt3A_296 = arith.cmpi slt, %add3A_292, %lt3A_295 : i32
        %and3A_297 = vector.broadcast %lt3A_296 : i1 to vector<16xi1>
        %and3A_298 = arith.andi %gt3A_191, %and3A_297 : vector<16xi1>
        %swap3A_299 = arith.constant 5 : i32
        %swap3A_300 = arith.index_cast %swap3A_299 : i32 to index
        %swap3A_301 = arith.index_cast %min3A_294 : i32 to index
        %swap3A_302 = tpu.vector_load %arg6[%swap3A_300, %swap3A_301] masked %and3A_298 {strides = array<i32>} : memref<8x256xf32, #tpu.memory_space<vmem>>, vector<16xf32>, vector<16xi1>
        tpu.vector_store %arg6[%swap3A_300, %swap3A_301], %get3A_189 masked %and3A_298 {strides = array<i32>} : memref<8x256xf32, #tpu.memory_space<vmem>>, vector<16xf32>, vector<16xi1>
        %add3A_303 = arith.addi %add3A_292, %squeeze3A_194 : i32
        %min3A_304 = arith.constant 240 : i32
        %min3A_305 = arith.minsi %add3A_303, %min3A_304 : i32
        %lt3A_306 = arith.constant 241 : i32
        %lt3A_307 = arith.cmpi slt, %add3A_303, %lt3A_306 : i32
        %and3A_308 = vector.broadcast %lt3A_307 : i1 to vector<16xi1>
        %and3A_309 = arith.andi %gt3A_206, %and3A_308 : vector<16xi1>
        %swap3A_310 = arith.constant 5 : i32
        %swap3A_311 = arith.index_cast %swap3A_310 : i32 to index
        %swap3A_312 = arith.index_cast %min3A_305 : i32 to index
        %swap3A_313 = tpu.vector_load %arg6[%swap3A_311, %swap3A_312] masked %and3A_309 {strides = array<i32>} : memref<8x256xf32, #tpu.memory_space<vmem>>, vector<16xf32>, vector<16xi1>
        tpu.vector_store %arg6[%swap3A_311, %swap3A_312], %get3A_204 masked %and3A_309 {strides = array<i32>} : memref<8x256xf32, #tpu.memory_space<vmem>>, vector<16xf32>, vector<16xi1>
        %add3A_314 = arith.addi %add3A_303, %squeeze3A_209 : i32
        %min3A_315 = arith.constant 240 : i32
        %min3A_316 = arith.minsi %add3A_314, %min3A_315 : i32
        %lt3A_317 = arith.constant 241 : i32
        %lt3A_318 = arith.cmpi slt, %add3A_314, %lt3A_317 : i32
        %and3A_319 = vector.broadcast %lt3A_318 : i1 to vector<16xi1>
        %and3A_320 = arith.andi %gt3A_221, %and3A_319 : vector<16xi1>
        %swap3A_321 = arith.constant 5 : i32
        %swap3A_322 = arith.index_cast %swap3A_321 : i32 to index
        %swap3A_323 = arith.index_cast %min3A_316 : i32 to index
        %swap3A_324 = tpu.vector_load %arg6[%swap3A_322, %swap3A_323] masked %and3A_320 {strides = array<i32>} : memref<8x256xf32, #tpu.memory_space<vmem>>, vector<16xf32>, vector<16xi1>
        tpu.vector_store %arg6[%swap3A_322, %swap3A_323], %get3A_219 masked %and3A_320 {strides = array<i32>} : memref<8x256xf32, #tpu.memory_space<vmem>>, vector<16xf32>, vector<16xi1>
        %add3A_325 = arith.addi %add3A_314, %squeeze3A_224 : i32
        %min3A_326 = arith.constant 240 : i32
        %min3A_327 = arith.minsi %add3A_325, %min3A_326 : i32
        %lt3A_328 = arith.constant 241 : i32
        %lt3A_329 = arith.cmpi slt, %add3A_325, %lt3A_328 : i32
        %and3A_330 = vector.broadcast %lt3A_329 : i1 to vector<16xi1>
        %and3A_331 = arith.andi %gt3A_236, %and3A_330 : vector<16xi1>
        %swap3A_332 = arith.constant 5 : i32
        %swap3A_333 = arith.index_cast %swap3A_332 : i32 to index
        %swap3A_334 = arith.index_cast %min3A_327 : i32 to index
        %swap3A_335 = tpu.vector_load %arg6[%swap3A_333, %swap3A_334] masked %and3A_331 {strides = array<i32>} : memref<8x256xf32, #tpu.memory_space<vmem>>, vector<16xf32>, vector<16xi1>
        tpu.vector_store %arg6[%swap3A_333, %swap3A_334], %get3A_234 masked %and3A_331 {strides = array<i32>} : memref<8x256xf32, #tpu.memory_space<vmem>>, vector<16xf32>, vector<16xi1>
        %add3A_336 = arith.addi %add3A_325, %squeeze3A_239 : i32
        %min3A_337 = arith.constant 240 : i32
        %min3A_338 = arith.minsi %add3A_336, %min3A_337 : i32
        %lt3A_339 = arith.constant 241 : i32
        %lt3A_340 = arith.cmpi slt, %add3A_336, %lt3A_339 : i32
        %and3A_341 = vector.broadcast %lt3A_340 : i1 to vector<16xi1>
        %and3A_342 = arith.andi %gt3A_251, %and3A_341 : vector<16xi1>
        %swap3A_343 = arith.constant 5 : i32
        %swap3A_344 = arith.index_cast %swap3A_343 : i32 to index
        %swap3A_345 = arith.index_cast %min3A_338 : i32 to index
        %swap3A_346 = tpu.vector_load %arg6[%swap3A_344, %swap3A_345] masked %and3A_342 {strides = array<i32>} : memref<8x256xf32, #tpu.memory_space<vmem>>, vector<16xf32>, vector<16xi1>
        tpu.vector_store %arg6[%swap3A_344, %swap3A_345], %get3A_249 masked %and3A_342 {strides = array<i32>} : memref<8x256xf32, #tpu.memory_space<vmem>>, vector<16xf32>, vector<16xi1>
        %add3A_347 = arith.addi %add3A_336, %squeeze3A_254 : i32
        %min3A_348 = arith.constant 240 : i32
        %min3A_349 = arith.minsi %add3A_347, %min3A_348 : i32
        %lt3A_350 = arith.constant 241 : i32
        %lt3A_351 = arith.cmpi slt, %add3A_347, %lt3A_350 : i32
        %and3A_352 = vector.broadcast %lt3A_351 : i1 to vector<16xi1>
        %and3A_353 = arith.andi %gt3A_266, %and3A_352 : vector<16xi1>
        %swap3A_354 = arith.constant 5 : i32
        %swap3A_355 = arith.index_cast %swap3A_354 : i32 to index
        %swap3A_356 = arith.index_cast %min3A_349 : i32 to index
        %swap3A_357 = tpu.vector_load %arg6[%swap3A_355, %swap3A_356] masked %and3A_353 {strides = array<i32>} : memref<8x256xf32, #tpu.memory_space<vmem>>, vector<16xf32>, vector<16xi1>
        tpu.vector_store %arg6[%swap3A_355, %swap3A_356], %get3A_264 masked %and3A_353 {strides = array<i32>} : memref<8x256xf32, #tpu.memory_space<vmem>>, vector<16xf32>, vector<16xi1>
        %add3A_358 = arith.addi %add3A_347, %squeeze3A_269 : i32
        %min3A_359 = arith.constant 240 : i32
        %min3A_360 = arith.minsi %add3A_358, %min3A_359 : i32
        %lt3A_361 = arith.constant 241 : i32
        %lt3A_362 = arith.cmpi slt, %add3A_358, %lt3A_361 : i32
        %and3A_363 = vector.broadcast %lt3A_362 : i1 to vector<16xi1>
        %and3A_364 = arith.andi %gt3A_281, %and3A_363 : vector<16xi1>
        %swap3A_365 = arith.constant 5 : i32
        %swap3A_366 = arith.index_cast %swap3A_365 : i32 to index
        %swap3A_367 = arith.index_cast %min3A_360 : i32 to index
        %swap3A_368 = tpu.vector_load %arg6[%swap3A_366, %swap3A_367] masked %and3A_364 {strides = array<i32>} : memref<8x256xf32, #tpu.memory_space<vmem>>, vector<16xf32>, vector<16xi1>
        tpu.vector_store %arg6[%swap3A_366, %swap3A_367], %get3A_279 masked %and3A_364 {strides = array<i32>} : memref<8x256xf32, #tpu.memory_space<vmem>>, vector<16xf32>, vector<16xi1>
        %add3A_369 = arith.addi %add3A_358, %squeeze3A_284 : i32
        scf.yield %add3A_369 : i32
      }
      %scan3A_149 = arith.constant 32 : i32
      %scan3A_150 = arith.constant 0 : i32
      %scan3A_151 = arith.constant 0 : i32
      %scan3A_152 = arith.constant 32 : i32
      %scan3A_153 = arith.addi %scan3A_151, %scan3A_152 : i32
      %scan3A_154 = arith.constant 1 : i32
      %scan3A_155 = scf.for %scan3A_168 = %scan3A_151 to %scan3A_153 step %scan3A_154 iter_args(%scan3A_169 = %scan3A_150) -> (i32)  : i32 {
        %mul3A_170 = arith.constant 8 : i32
        %mul3A_171 = arith.muli %scan3A_168, %mul3A_170 : i32
        %add3A_172 = arith.constant 0 : i32
        %add3A_173 = arith.addi %mul3A_171, %add3A_172 : i32
        %mul3A_174 = arith.constant 16 : i32
        %mul3A_175 = arith.muli %add3A_173, %mul3A_174 : i32
        %get3A = arith.constant 6 : i32
        %get3A_176 = arith.index_cast %get3A : i32 to index
        %get3A_177 = arith.index_cast %mul3A_175 : i32 to index
        %get3A_178 = tpu.vector_load %arg5[%get3A_176, %get3A_177] {strides = array<i32>} : memref<8x4096xf32, #tpu.memory_space<vmem>>, vector<16xf32>,
        %gt3A = vector.broadcast %scan3A : f32 to vector<16xf32>
        %gt3A_179 = arith.cmpf ogt, %get3A_178, %gt3A : vector<16xf32>
        %all_reduce_population_count3A = tpu.all_reduce %gt3A_179 {dim = 0 : i64, kind = #tpu.reduction_kind<sum>} : vector<16xi1> -> vector<16xi32>
        %slice3A = vector.extract_strided_slice %all_reduce_population_count3A {offsets = [0], sizes = [1], strides = [1]} : vector<16xi32> to vector<1xi32>
        %squeeze3A = vector.extract %slice3A[0] : i32 from vector<1xi32>
        %mul3A_180 = arith.constant 8 : i32
        %mul3A_181 = arith.muli %scan3A_168, %mul3A_180 : i32
        %add3A_182 = arith.constant 1 : i32
        %add3A_183 = arith.addi %mul3A_181, %add3A_182 : i32
        %mul3A_184 = arith.constant 16 : i32
        %mul3A_185 = arith.muli %add3A_183, %mul3A_184 : i32
        %get3A_186 = arith.constant 6 : i32
        %get3A_187 = arith.index_cast %get3A_186 : i32 to index
        %get3A_188 = arith.index_cast %mul3A_185 : i32 to index
        %get3A_189 = tpu.vector_load %arg5[%get3A_187, %get3A_188] {strides = array<i32>} : memref<8x4096xf32, #tpu.memory_space<vmem>>, vector<16xf32>,
        %gt3A_190 = vector.broadcast %scan3A : f32 to vector<16xf32>
        %gt3A_191 = arith.cmpf ogt, %get3A_189, %gt3A_190 : vector<16xf32>
        %all_reduce_population_count3A_192 = tpu.all_reduce %gt3A_191 {dim = 0 : i64, kind = #tpu.reduction_kind<sum>} : vector<16xi1> -> vector<16xi32>
        %slice3A_193 = vector.extract_strided_slice %all_reduce_population_count3A_192 {offsets = [0], sizes = [1], strides = [1]} : vector<16xi32> to vector<1xi32>
        %squeeze3A_194 = vector.extract %slice3A_193[0] : i32 from vector<1xi32>
        %mul3A_195 = arith.constant 8 : i32
        %mul3A_196 = arith.muli %scan3A_168, %mul3A_195 : i32
        %add3A_197 = arith.constant 2 : i32
        %add3A_198 = arith.addi %mul3A_196, %add3A_197 : i32
        %mul3A_199 = arith.constant 16 : i32
        %mul3A_200 = arith.muli %add3A_198, %mul3A_199 : i32
        %get3A_201 = arith.constant 6 : i32
        %get3A_202 = arith.index_cast %get3A_201 : i32 to index
        %get3A_203 = arith.index_cast %mul3A_200 : i32 to index
        %get3A_204 = tpu.vector_load %arg5[%get3A_202, %get3A_203] {strides = array<i32>} : memref<8x4096xf32, #tpu.memory_space<vmem>>, vector<16xf32>,
        %gt3A_205 = vector.broadcast %scan3A : f32 to vector<16xf32>
        %gt3A_206 = arith.cmpf ogt, %get3A_204, %gt3A_205 : vector<16xf32>
        %all_reduce_population_count3A_207 = tpu.all_reduce %gt3A_206 {dim = 0 : i64, kind = #tpu.reduction_kind<sum>} : vector<16xi1> -> vector<16xi32>
        %slice3A_208 = vector.extract_strided_slice %all_reduce_population_count3A_207 {offsets = [0], sizes = [1], strides = [1]} : vector<16xi32> to vector<1xi32>
        %squeeze3A_209 = vector.extract %slice3A_208[0] : i32 from vector<1xi32>
        %mul3A_210 = arith.constant 8 : i32
        %mul3A_211 = arith.muli %scan3A_168, %mul3A_210 : i32
        %add3A_212 = arith.constant 3 : i32
        %add3A_213 = arith.addi %mul3A_211, %add3A_212 : i32
        %mul3A_214 = arith.constant 16 : i32
        %mul3A_215 = arith.muli %add3A_213, %mul3A_214 : i32
        %get3A_216 = arith.constant 6 : i32
        %get3A_217 = arith.index_cast %get3A_216 : i32 to index
        %get3A_218 = arith.index_cast %mul3A_215 : i32 to index
        %get3A_219 = tpu.vector_load %arg5[%get3A_217, %get3A_218] {strides = array<i32>} : memref<8x4096xf32, #tpu.memory_space<vmem>>, vector<16xf32>,
        %gt3A_220 = vector.broadcast %scan3A : f32 to vector<16xf32>
        %gt3A_221 = arith.cmpf ogt, %get3A_219, %gt3A_220 : vector<16xf32>
        %all_reduce_population_count3A_222 = tpu.all_reduce %gt3A_221 {dim = 0 : i64, kind = #tpu.reduction_kind<sum>} : vector<16xi1> -> vector<16xi32>
        %slice3A_223 = vector.extract_strided_slice %all_reduce_population_count3A_222 {offsets = [0], sizes = [1], strides = [1]} : vector<16xi32> to vector<1xi32>
        %squeeze3A_224 = vector.extract %slice3A_223[0] : i32 from vector<1xi32>
        %mul3A_225 = arith.constant 8 : i32
        %mul3A_226 = arith.muli %scan3A_168, %mul3A_225 : i32
        %add3A_227 = arith.constant 4 : i32
        %add3A_228 = arith.addi %mul3A_226, %add3A_227 : i32
        %mul3A_229 = arith.constant 16 : i32
        %mul3A_230 = arith.muli %add3A_228, %mul3A_229 : i32
        %get3A_231 = arith.constant 6 : i32
        %get3A_232 = arith.index_cast %get3A_231 : i32 to index
        %get3A_233 = arith.index_cast %mul3A_230 : i32 to index
        %get3A_234 = tpu.vector_load %arg5[%get3A_232, %get3A_233] {strides = array<i32>} : memref<8x4096xf32, #tpu.memory_space<vmem>>, vector<16xf32>,
        %gt3A_235 = vector.broadcast %scan3A : f32 to vector<16xf32>
        %gt3A_236 = arith.cmpf ogt, %get3A_234, %gt3A_235 : vector<16xf32>
        %all_reduce_population_count3A_237 = tpu.all_reduce %gt3A_236 {dim = 0 : i64, kind = #tpu.reduction_kind<sum>} : vector<16xi1> -> vector<16xi32>
        %slice3A_238 = vector.extract_strided_slice %all_reduce_population_count3A_237 {offsets = [0], sizes = [1], strides = [1]} : vector<16xi32> to vector<1xi32>
        %squeeze3A_239 = vector.extract %slice3A_238[0] : i32 from vector<1xi32>
        %mul3A_240 = arith.constant 8 : i32
        %mul3A_241 = arith.muli %scan3A_168, %mul3A_240 : i32
        %add3A_242 = arith.constant 5 : i32
        %add3A_243 = arith.addi %mul3A_241, %add3A_242 : i32
        %mul3A_244 = arith.constant 16 : i32
        %mul3A_245 = arith.muli %add3A_243, %mul3A_244 : i32
        %get3A_246 = arith.constant 6 : i32
        %get3A_247 = arith.index_cast %get3A_246 : i32 to index
        %get3A_248 = arith.index_cast %mul3A_245 : i32 to index
        %get3A_249 = tpu.vector_load %arg5[%get3A_247, %get3A_248] {strides = array<i32>} : memref<8x4096xf32, #tpu.memory_space<vmem>>, vector<16xf32>,
        %gt3A_250 = vector.broadcast %scan3A : f32 to vector<16xf32>
        %gt3A_251 = arith.cmpf ogt, %get3A_249, %gt3A_250 : vector<16xf32>
        %all_reduce_population_count3A_252 = tpu.all_reduce %gt3A_251 {dim = 0 : i64, kind = #tpu.reduction_kind<sum>} : vector<16xi1> -> vector<16xi32>
        %slice3A_253 = vector.extract_strided_slice %all_reduce_population_count3A_252 {offsets = [0], sizes = [1], strides = [1]} : vector<16xi32> to vector<1xi32>
        %squeeze3A_254 = vector.extract %slice3A_253[0] : i32 from vector<1xi32>
        %mul3A_255 = arith.constant 8 : i32
        %mul3A_256 = arith.muli %scan3A_168, %mul3A_255 : i32
        %add3A_257 = arith.constant 6 : i32
        %add3A_258 = arith.addi %mul3A_256, %add3A_257 : i32
        %mul3A_259 = arith.constant 16 : i32
        %mul3A_260 = arith.muli %add3A_258, %mul3A_259 : i32
        %get3A_261 = arith.constant 6 : i32
        %get3A_262 = arith.index_cast %get3A_261 : i32 to index
        %get3A_263 = arith.index_cast %mul3A_260 : i32 to index
        %get3A_264 = tpu.vector_load %arg5[%get3A_262, %get3A_263] {strides = array<i32>} : memref<8x4096xf32, #tpu.memory_space<vmem>>, vector<16xf32>,
        %gt3A_265 = vector.broadcast %scan3A : f32 to vector<16xf32>
        %gt3A_266 = arith.cmpf ogt, %get3A_264, %gt3A_265 : vector<16xf32>
        %all_reduce_population_count3A_267 = tpu.all_reduce %gt3A_266 {dim = 0 : i64, kind = #tpu.reduction_kind<sum>} : vector<16xi1> -> vector<16xi32>
        %slice3A_268 = vector.extract_strided_slice %all_reduce_population_count3A_267 {offsets = [0], sizes = [1], strides = [1]} : vector<16xi32> to vector<1xi32>
        %squeeze3A_269 = vector.extract %slice3A_268[0] : i32 from vector<1xi32>
        %mul3A_270 = arith.constant 8 : i32
        %mul3A_271 = arith.muli %scan3A_168, %mul3A_270 : i32
        %add3A_272 = arith.constant 7 : i32
        %add3A_273 = arith.addi %mul3A_271, %add3A_272 : i32
        %mul3A_274 = arith.constant 16 : i32
        %mul3A_275 = arith.muli %add3A_273, %mul3A_274 : i32
        %get3A_276 = arith.constant 6 : i32
        %get3A_277 = arith.index_cast %get3A_276 : i32 to index
        %get3A_278 = arith.index_cast %mul3A_275 : i32 to index
        %get3A_279 = tpu.vector_load %arg5[%get3A_277, %get3A_278] {strides = array<i32>} : memref<8x4096xf32, #tpu.memory_space<vmem>>, vector<16xf32>,
        %gt3A_280 = vector.broadcast %scan3A : f32 to vector<16xf32>
        %gt3A_281 = arith.cmpf ogt, %get3A_279, %gt3A_280 : vector<16xf32>
        %all_reduce_population_count3A_282 = tpu.all_reduce %gt3A_281 {dim = 0 : i64, kind = #tpu.reduction_kind<sum>} : vector<16xi1> -> vector<16xi32>
        %slice3A_283 = vector.extract_strided_slice %all_reduce_population_count3A_282 {offsets = [0], sizes = [1], strides = [1]} : vector<16xi32> to vector<1xi32>
        %squeeze3A_284 = vector.extract %slice3A_283[0] : i32 from vector<1xi32>
        %min3A = arith.constant 240 : i32
        %min3A_285 = arith.minsi %scan3A_169, %min3A : i32
        %lt3A_286 = arith.constant 241 : i32
        %lt3A_287 = arith.cmpi slt, %scan3A_169, %lt3A_286 : i32
        %and3A = vector.broadcast %lt3A_287 : i1 to vector<16xi1>
        %and3A_288 = arith.andi %gt3A_179, %and3A : vector<16xi1>
        %swap3A = arith.constant 6 : i32
        %swap3A_289 = arith.index_cast %swap3A : i32 to index
        %swap3A_290 = arith.index_cast %min3A_285 : i32 to index
        %swap3A_291 = tpu.vector_load %arg6[%swap3A_289, %swap3A_290] masked %and3A_288 {strides = array<i32>} : memref<8x256xf32, #tpu.memory_space<vmem>>, vector<16xf32>, vector<16xi1>
        tpu.vector_store %arg6[%swap3A_289, %swap3A_290], %get3A_178 masked %and3A_288 {strides = array<i32>} : memref<8x256xf32, #tpu.memory_space<vmem>>, vector<16xf32>, vector<16xi1>
        %add3A_292 = arith.addi %scan3A_169, %squeeze3A : i32
        %min3A_293 = arith.constant 240 : i32
        %min3A_294 = arith.minsi %add3A_292, %min3A_293 : i32
        %lt3A_295 = arith.constant 241 : i32
        %lt3A_296 = arith.cmpi slt, %add3A_292, %lt3A_295 : i32
        %and3A_297 = vector.broadcast %lt3A_296 : i1 to vector<16xi1>
        %and3A_298 = arith.andi %gt3A_191, %and3A_297 : vector<16xi1>
        %swap3A_299 = arith.constant 6 : i32
        %swap3A_300 = arith.index_cast %swap3A_299 : i32 to index
        %swap3A_301 = arith.index_cast %min3A_294 : i32 to index
        %swap3A_302 = tpu.vector_load %arg6[%swap3A_300, %swap3A_301] masked %and3A_298 {strides = array<i32>} : memref<8x256xf32, #tpu.memory_space<vmem>>, vector<16xf32>, vector<16xi1>
        tpu.vector_store %arg6[%swap3A_300, %swap3A_301], %get3A_189 masked %and3A_298 {strides = array<i32>} : memref<8x256xf32, #tpu.memory_space<vmem>>, vector<16xf32>, vector<16xi1>
        %add3A_303 = arith.addi %add3A_292, %squeeze3A_194 : i32
        %min3A_304 = arith.constant 240 : i32
        %min3A_305 = arith.minsi %add3A_303, %min3A_304 : i32
        %lt3A_306 = arith.constant 241 : i32
        %lt3A_307 = arith.cmpi slt, %add3A_303, %lt3A_306 : i32
        %and3A_308 = vector.broadcast %lt3A_307 : i1 to vector<16xi1>
        %and3A_309 = arith.andi %gt3A_206, %and3A_308 : vector<16xi1>
        %swap3A_310 = arith.constant 6 : i32
        %swap3A_311 = arith.index_cast %swap3A_310 : i32 to index
        %swap3A_312 = arith.index_cast %min3A_305 : i32 to index
        %swap3A_313 = tpu.vector_load %arg6[%swap3A_311, %swap3A_312] masked %and3A_309 {strides = array<i32>} : memref<8x256xf32, #tpu.memory_space<vmem>>, vector<16xf32>, vector<16xi1>
        tpu.vector_store %arg6[%swap3A_311, %swap3A_312], %get3A_204 masked %and3A_309 {strides = array<i32>} : memref<8x256xf32, #tpu.memory_space<vmem>>, vector<16xf32>, vector<16xi1>
        %add3A_314 = arith.addi %add3A_303, %squeeze3A_209 : i32
        %min3A_315 = arith.constant 240 : i32
        %min3A_316 = arith.minsi %add3A_314, %min3A_315 : i32
        %lt3A_317 = arith.constant 241 : i32
        %lt3A_318 = arith.cmpi slt, %add3A_314, %lt3A_317 : i32
        %and3A_319 = vector.broadcast %lt3A_318 : i1 to vector<16xi1>
        %and3A_320 = arith.andi %gt3A_221, %and3A_319 : vector<16xi1>
        %swap3A_321 = arith.constant 6 : i32
        %swap3A_322 = arith.index_cast %swap3A_321 : i32 to index
        %swap3A_323 = arith.index_cast %min3A_316 : i32 to index
        %swap3A_324 = tpu.vector_load %arg6[%swap3A_322, %swap3A_323] masked %and3A_320 {strides = array<i32>} : memref<8x256xf32, #tpu.memory_space<vmem>>, vector<16xf32>, vector<16xi1>
        tpu.vector_store %arg6[%swap3A_322, %swap3A_323], %get3A_219 masked %and3A_320 {strides = array<i32>} : memref<8x256xf32, #tpu.memory_space<vmem>>, vector<16xf32>, vector<16xi1>
        %add3A_325 = arith.addi %add3A_314, %squeeze3A_224 : i32
        %min3A_326 = arith.constant 240 : i32
        %min3A_327 = arith.minsi %add3A_325, %min3A_326 : i32
        %lt3A_328 = arith.constant 241 : i32
        %lt3A_329 = arith.cmpi slt, %add3A_325, %lt3A_328 : i32
        %and3A_330 = vector.broadcast %lt3A_329 : i1 to vector<16xi1>
        %and3A_331 = arith.andi %gt3A_236, %and3A_330 : vector<16xi1>
        %swap3A_332 = arith.constant 6 : i32
        %swap3A_333 = arith.index_cast %swap3A_332 : i32 to index
        %swap3A_334 = arith.index_cast %min3A_327 : i32 to index
        %swap3A_335 = tpu.vector_load %arg6[%swap3A_333, %swap3A_334] masked %and3A_331 {strides = array<i32>} : memref<8x256xf32, #tpu.memory_space<vmem>>, vector<16xf32>, vector<16xi1>
        tpu.vector_store %arg6[%swap3A_333, %swap3A_334], %get3A_234 masked %and3A_331 {strides = array<i32>} : memref<8x256xf32, #tpu.memory_space<vmem>>, vector<16xf32>, vector<16xi1>
        %add3A_336 = arith.addi %add3A_325, %squeeze3A_239 : i32
        %min3A_337 = arith.constant 240 : i32
        %min3A_338 = arith.minsi %add3A_336, %min3A_337 : i32
        %lt3A_339 = arith.constant 241 : i32
        %lt3A_340 = arith.cmpi slt, %add3A_336, %lt3A_339 : i32
        %and3A_341 = vector.broadcast %lt3A_340 : i1 to vector<16xi1>
        %and3A_342 = arith.andi %gt3A_251, %and3A_341 : vector<16xi1>
        %swap3A_343 = arith.constant 6 : i32
        %swap3A_344 = arith.index_cast %swap3A_343 : i32 to index
        %swap3A_345 = arith.index_cast %min3A_338 : i32 to index
        %swap3A_346 = tpu.vector_load %arg6[%swap3A_344, %swap3A_345] masked %and3A_342 {strides = array<i32>} : memref<8x256xf32, #tpu.memory_space<vmem>>, vector<16xf32>, vector<16xi1>
        tpu.vector_store %arg6[%swap3A_344, %swap3A_345], %get3A_249 masked %and3A_342 {strides = array<i32>} : memref<8x256xf32, #tpu.memory_space<vmem>>, vector<16xf32>, vector<16xi1>
        %add3A_347 = arith.addi %add3A_336, %squeeze3A_254 : i32
        %min3A_348 = arith.constant 240 : i32
        %min3A_349 = arith.minsi %add3A_347, %min3A_348 : i32
        %lt3A_350 = arith.constant 241 : i32
        %lt3A_351 = arith.cmpi slt, %add3A_347, %lt3A_350 : i32
        %and3A_352 = vector.broadcast %lt3A_351 : i1 to vector<16xi1>
        %and3A_353 = arith.andi %gt3A_266, %and3A_352 : vector<16xi1>
        %swap3A_354 = arith.constant 6 : i32
        %swap3A_355 = arith.index_cast %swap3A_354 : i32 to index
        %swap3A_356 = arith.index_cast %min3A_349 : i32 to index
        %swap3A_357 = tpu.vector_load %arg6[%swap3A_355, %swap3A_356] masked %and3A_353 {strides = array<i32>} : memref<8x256xf32, #tpu.memory_space<vmem>>, vector<16xf32>, vector<16xi1>
        tpu.vector_store %arg6[%swap3A_355, %swap3A_356], %get3A_264 masked %and3A_353 {strides = array<i32>} : memref<8x256xf32, #tpu.memory_space<vmem>>, vector<16xf32>, vector<16xi1>
        %add3A_358 = arith.addi %add3A_347, %squeeze3A_269 : i32
        %min3A_359 = arith.constant 240 : i32
        %min3A_360 = arith.minsi %add3A_358, %min3A_359 : i32
        %lt3A_361 = arith.constant 241 : i32
        %lt3A_362 = arith.cmpi slt, %add3A_358, %lt3A_361 : i32
        %and3A_363 = vector.broadcast %lt3A_362 : i1 to vector<16xi1>
        %and3A_364 = arith.andi %gt3A_281, %and3A_363 : vector<16xi1>
        %swap3A_365 = arith.constant 6 : i32
        %swap3A_366 = arith.index_cast %swap3A_365 : i32 to index
        %swap3A_367 = arith.index_cast %min3A_360 : i32 to index
        %swap3A_368 = tpu.vector_load %arg6[%swap3A_366, %swap3A_367] masked %and3A_364 {strides = array<i32>} : memref<8x256xf32, #tpu.memory_space<vmem>>, vector<16xf32>, vector<16xi1>
        tpu.vector_store %arg6[%swap3A_366, %swap3A_367], %get3A_279 masked %and3A_364 {strides = array<i32>} : memref<8x256xf32, #tpu.memory_space<vmem>>, vector<16xf32>, vector<16xi1>
        %add3A_369 = arith.addi %add3A_358, %squeeze3A_284 : i32
        scf.yield %add3A_369 : i32
      }
      %scan3A_156 = arith.constant 32 : i32
      %scan3A_157 = arith.constant 0 : i32
      %scan3A_158 = arith.constant 0 : i32
      %scan3A_159 = arith.constant 32 : i32
      %scan3A_160 = arith.addi %scan3A_158, %scan3A_159 : i32
      %scan3A_161 = arith.constant 1 : i32
      %scan3A_162 = scf.for %scan3A_168 = %scan3A_158 to %scan3A_160 step %scan3A_161 iter_args(%scan3A_169 = %scan3A_157) -> (i32)  : i32 {
        %mul3A_170 = arith.constant 8 : i32
        %mul3A_171 = arith.muli %scan3A_168, %mul3A_170 : i32
        %add3A_172 = arith.constant 0 : i32
        %add3A_173 = arith.addi %mul3A_171, %add3A_172 : i32
        %mul3A_174 = arith.constant 16 : i32
        %mul3A_175 = arith.muli %add3A_173, %mul3A_174 : i32
        %get3A = arith.constant 7 : i32
        %get3A_176 = arith.index_cast %get3A : i32 to index
        %get3A_177 = arith.index_cast %mul3A_175 : i32 to index
        %get3A_178 = tpu.vector_load %arg5[%get3A_176, %get3A_177] {strides = array<i32>} : memref<8x4096xf32, #tpu.memory_space<vmem>>, vector<16xf32>,
        %gt3A = vector.broadcast %scan3A : f32 to vector<16xf32>
        %gt3A_179 = arith.cmpf ogt, %get3A_178, %gt3A : vector<16xf32>
        %all_reduce_population_count3A = tpu.all_reduce %gt3A_179 {dim = 0 : i64, kind = #tpu.reduction_kind<sum>} : vector<16xi1> -> vector<16xi32>
        %slice3A = vector.extract_strided_slice %all_reduce_population_count3A {offsets = [0], sizes = [1], strides = [1]} : vector<16xi32> to vector<1xi32>
        %squeeze3A = vector.extract %slice3A[0] : i32 from vector<1xi32>
        %mul3A_180 = arith.constant 8 : i32
        %mul3A_181 = arith.muli %scan3A_168, %mul3A_180 : i32
        %add3A_182 = arith.constant 1 : i32
        %add3A_183 = arith.addi %mul3A_181, %add3A_182 : i32
        %mul3A_184 = arith.constant 16 : i32
        %mul3A_185 = arith.muli %add3A_183, %mul3A_184 : i32
        %get3A_186 = arith.constant 7 : i32
        %get3A_187 = arith.index_cast %get3A_186 : i32 to index
        %get3A_188 = arith.index_cast %mul3A_185 : i32 to index
        %get3A_189 = tpu.vector_load %arg5[%get3A_187, %get3A_188] {strides = array<i32>} : memref<8x4096xf32, #tpu.memory_space<vmem>>, vector<16xf32>,
        %gt3A_190 = vector.broadcast %scan3A : f32 to vector<16xf32>
        %gt3A_191 = arith.cmpf ogt, %get3A_189, %gt3A_190 : vector<16xf32>
        %all_reduce_population_count3A_192 = tpu.all_reduce %gt3A_191 {dim = 0 : i64, kind = #tpu.reduction_kind<sum>} : vector<16xi1> -> vector<16xi32>
        %slice3A_193 = vector.extract_strided_slice %all_reduce_population_count3A_192 {offsets = [0], sizes = [1], strides = [1]} : vector<16xi32> to vector<1xi32>
        %squeeze3A_194 = vector.extract %slice3A_193[0] : i32 from vector<1xi32>
        %mul3A_195 = arith.constant 8 : i32
        %mul3A_196 = arith.muli %scan3A_168, %mul3A_195 : i32
        %add3A_197 = arith.constant 2 : i32
        %add3A_198 = arith.addi %mul3A_196, %add3A_197 : i32
        %mul3A_199 = arith.constant 16 : i32
        %mul3A_200 = arith.muli %add3A_198, %mul3A_199 : i32
        %get3A_201 = arith.constant 7 : i32
        %get3A_202 = arith.index_cast %get3A_201 : i32 to index
        %get3A_203 = arith.index_cast %mul3A_200 : i32 to index
        %get3A_204 = tpu.vector_load %arg5[%get3A_202, %get3A_203] {strides = array<i32>} : memref<8x4096xf32, #tpu.memory_space<vmem>>, vector<16xf32>,
        %gt3A_205 = vector.broadcast %scan3A : f32 to vector<16xf32>
        %gt3A_206 = arith.cmpf ogt, %get3A_204, %gt3A_205 : vector<16xf32>
        %all_reduce_population_count3A_207 = tpu.all_reduce %gt3A_206 {dim = 0 : i64, kind = #tpu.reduction_kind<sum>} : vector<16xi1> -> vector<16xi32>
        %slice3A_208 = vector.extract_strided_slice %all_reduce_population_count3A_207 {offsets = [0], sizes = [1], strides = [1]} : vector<16xi32> to vector<1xi32>
        %squeeze3A_209 = vector.extract %slice3A_208[0] : i32 from vector<1xi32>
        %mul3A_210 = arith.constant 8 : i32
        %mul3A_211 = arith.muli %scan3A_168, %mul3A_210 : i32
        %add3A_212 = arith.constant 3 : i32
        %add3A_213 = arith.addi %mul3A_211, %add3A_212 : i32
        %mul3A_214 = arith.constant 16 : i32
        %mul3A_215 = arith.muli %add3A_213, %mul3A_214 : i32
        %get3A_216 = arith.constant 7 : i32
        %get3A_217 = arith.index_cast %get3A_216 : i32 to index
        %get3A_218 = arith.index_cast %mul3A_215 : i32 to index
        %get3A_219 = tpu.vector_load %arg5[%get3A_217, %get3A_218] {strides = array<i32>} : memref<8x4096xf32, #tpu.memory_space<vmem>>, vector<16xf32>,
        %gt3A_220 = vector.broadcast %scan3A : f32 to vector<16xf32>
        %gt3A_221 = arith.cmpf ogt, %get3A_219, %gt3A_220 : vector<16xf32>
        %all_reduce_population_count3A_222 = tpu.all_reduce %gt3A_221 {dim = 0 : i64, kind = #tpu.reduction_kind<sum>} : vector<16xi1> -> vector<16xi32>
        %slice3A_223 = vector.extract_strided_slice %all_reduce_population_count3A_222 {offsets = [0], sizes = [1], strides = [1]} : vector<16xi32> to vector<1xi32>
        %squeeze3A_224 = vector.extract %slice3A_223[0] : i32 from vector<1xi32>
        %mul3A_225 = arith.constant 8 : i32
        %mul3A_226 = arith.muli %scan3A_168, %mul3A_225 : i32
        %add3A_227 = arith.constant 4 : i32
        %add3A_228 = arith.addi %mul3A_226, %add3A_227 : i32
        %mul3A_229 = arith.constant 16 : i32
        %mul3A_230 = arith.muli %add3A_228, %mul3A_229 : i32
        %get3A_231 = arith.constant 7 : i32
        %get3A_232 = arith.index_cast %get3A_231 : i32 to index
        %get3A_233 = arith.index_cast %mul3A_230 : i32 to index
        %get3A_234 = tpu.vector_load %arg5[%get3A_232, %get3A_233] {strides = array<i32>} : memref<8x4096xf32, #tpu.memory_space<vmem>>, vector<16xf32>,
        %gt3A_235 = vector.broadcast %scan3A : f32 to vector<16xf32>
        %gt3A_236 = arith.cmpf ogt, %get3A_234, %gt3A_235 : vector<16xf32>
        %all_reduce_population_count3A_237 = tpu.all_reduce %gt3A_236 {dim = 0 : i64, kind = #tpu.reduction_kind<sum>} : vector<16xi1> -> vector<16xi32>
        %slice3A_238 = vector.extract_strided_slice %all_reduce_population_count3A_237 {offsets = [0], sizes = [1], strides = [1]} : vector<16xi32> to vector<1xi32>
        %squeeze3A_239 = vector.extract %slice3A_238[0] : i32 from vector<1xi32>
        %mul3A_240 = arith.constant 8 : i32
        %mul3A_241 = arith.muli %scan3A_168, %mul3A_240 : i32
        %add3A_242 = arith.constant 5 : i32
        %add3A_243 = arith.addi %mul3A_241, %add3A_242 : i32
        %mul3A_244 = arith.constant 16 : i32
        %mul3A_245 = arith.muli %add3A_243, %mul3A_244 : i32
        %get3A_246 = arith.constant 7 : i32
        %get3A_247 = arith.index_cast %get3A_246 : i32 to index
        %get3A_248 = arith.index_cast %mul3A_245 : i32 to index
        %get3A_249 = tpu.vector_load %arg5[%get3A_247, %get3A_248] {strides = array<i32>} : memref<8x4096xf32, #tpu.memory_space<vmem>>, vector<16xf32>,
        %gt3A_250 = vector.broadcast %scan3A : f32 to vector<16xf32>
        %gt3A_251 = arith.cmpf ogt, %get3A_249, %gt3A_250 : vector<16xf32>
        %all_reduce_population_count3A_252 = tpu.all_reduce %gt3A_251 {dim = 0 : i64, kind = #tpu.reduction_kind<sum>} : vector<16xi1> -> vector<16xi32>
        %slice3A_253 = vector.extract_strided_slice %all_reduce_population_count3A_252 {offsets = [0], sizes = [1], strides = [1]} : vector<16xi32> to vector<1xi32>
        %squeeze3A_254 = vector.extract %slice3A_253[0] : i32 from vector<1xi32>
        %mul3A_255 = arith.constant 8 : i32
        %mul3A_256 = arith.muli %scan3A_168, %mul3A_255 : i32
        %add3A_257 = arith.constant 6 : i32
        %add3A_258 = arith.addi %mul3A_256, %add3A_257 : i32
        %mul3A_259 = arith.constant 16 : i32
        %mul3A_260 = arith.muli %add3A_258, %mul3A_259 : i32
        %get3A_261 = arith.constant 7 : i32
        %get3A_262 = arith.index_cast %get3A_261 : i32 to index
        %get3A_263 = arith.index_cast %mul3A_260 : i32 to index
        %get3A_264 = tpu.vector_load %arg5[%get3A_262, %get3A_263] {strides = array<i32>} : memref<8x4096xf32, #tpu.memory_space<vmem>>, vector<16xf32>,
        %gt3A_265 = vector.broadcast %scan3A : f32 to vector<16xf32>
        %gt3A_266 = arith.cmpf ogt, %get3A_264, %gt3A_265 : vector<16xf32>
        %all_reduce_population_count3A_267 = tpu.all_reduce %gt3A_266 {dim = 0 : i64, kind = #tpu.reduction_kind<sum>} : vector<16xi1> -> vector<16xi32>
        %slice3A_268 = vector.extract_strided_slice %all_reduce_population_count3A_267 {offsets = [0], sizes = [1], strides = [1]} : vector<16xi32> to vector<1xi32>
        %squeeze3A_269 = vector.extract %slice3A_268[0] : i32 from vector<1xi32>
        %mul3A_270 = arith.constant 8 : i32
        %mul3A_271 = arith.muli %scan3A_168, %mul3A_270 : i32
        %add3A_272 = arith.constant 7 : i32
        %add3A_273 = arith.addi %mul3A_271, %add3A_272 : i32
        %mul3A_274 = arith.constant 16 : i32
        %mul3A_275 = arith.muli %add3A_273, %mul3A_274 : i32
        %get3A_276 = arith.constant 7 : i32
        %get3A_277 = arith.index_cast %get3A_276 : i32 to index
        %get3A_278 = arith.index_cast %mul3A_275 : i32 to index
        %get3A_279 = tpu.vector_load %arg5[%get3A_277, %get3A_278] {strides = array<i32>} : memref<8x4096xf32, #tpu.memory_space<vmem>>, vector<16xf32>,
        %gt3A_280 = vector.broadcast %scan3A : f32 to vector<16xf32>
        %gt3A_281 = arith.cmpf ogt, %get3A_279, %gt3A_280 : vector<16xf32>
        %all_reduce_population_count3A_282 = tpu.all_reduce %gt3A_281 {dim = 0 : i64, kind = #tpu.reduction_kind<sum>} : vector<16xi1> -> vector<16xi32>
        %slice3A_283 = vector.extract_strided_slice %all_reduce_population_count3A_282 {offsets = [0], sizes = [1], strides = [1]} : vector<16xi32> to vector<1xi32>
        %squeeze3A_284 = vector.extract %slice3A_283[0] : i32 from vector<1xi32>
        %min3A = arith.constant 240 : i32
        %min3A_285 = arith.minsi %scan3A_169, %min3A : i32
        %lt3A_286 = arith.constant 241 : i32
        %lt3A_287 = arith.cmpi slt, %scan3A_169, %lt3A_286 : i32
        %and3A = vector.broadcast %lt3A_287 : i1 to vector<16xi1>
        %and3A_288 = arith.andi %gt3A_179, %and3A : vector<16xi1>
        %swap3A = arith.constant 7 : i32
        %swap3A_289 = arith.index_cast %swap3A : i32 to index
        %swap3A_290 = arith.index_cast %min3A_285 : i32 to index
        %swap3A_291 = tpu.vector_load %arg6[%swap3A_289, %swap3A_290] masked %and3A_288 {strides = array<i32>} : memref<8x256xf32, #tpu.memory_space<vmem>>, vector<16xf32>, vector<16xi1>
        tpu.vector_store %arg6[%swap3A_289, %swap3A_290], %get3A_178 masked %and3A_288 {strides = array<i32>} : memref<8x256xf32, #tpu.memory_space<vmem>>, vector<16xf32>, vector<16xi1>
        %add3A_292 = arith.addi %scan3A_169, %squeeze3A : i32
        %min3A_293 = arith.constant 240 : i32
        %min3A_294 = arith.minsi %add3A_292, %min3A_293 : i32
        %lt3A_295 = arith.constant 241 : i32
        %lt3A_296 = arith.cmpi slt, %add3A_292, %lt3A_295 : i32
        %and3A_297 = vector.broadcast %lt3A_296 : i1 to vector<16xi1>
        %and3A_298 = arith.andi %gt3A_191, %and3A_297 : vector<16xi1>
        %swap3A_299 = arith.constant 7 : i32
        %swap3A_300 = arith.index_cast %swap3A_299 : i32 to index
        %swap3A_301 = arith.index_cast %min3A_294 : i32 to index
        %swap3A_302 = tpu.vector_load %arg6[%swap3A_300, %swap3A_301] masked %and3A_298 {strides = array<i32>} : memref<8x256xf32, #tpu.memory_space<vmem>>, vector<16xf32>, vector<16xi1>
        tpu.vector_store %arg6[%swap3A_300, %swap3A_301], %get3A_189 masked %and3A_298 {strides = array<i32>} : memref<8x256xf32, #tpu.memory_space<vmem>>, vector<16xf32>, vector<16xi1>
        %add3A_303 = arith.addi %add3A_292, %squeeze3A_194 : i32
        %min3A_304 = arith.constant 240 : i32
        %min3A_305 = arith.minsi %add3A_303, %min3A_304 : i32
        %lt3A_306 = arith.constant 241 : i32
        %lt3A_307 = arith.cmpi slt, %add3A_303, %lt3A_306 : i32
        %and3A_308 = vector.broadcast %lt3A_307 : i1 to vector<16xi1>
        %and3A_309 = arith.andi %gt3A_206, %and3A_308 : vector<16xi1>
        %swap3A_310 = arith.constant 7 : i32
        %swap3A_311 = arith.index_cast %swap3A_310 : i32 to index
        %swap3A_312 = arith.index_cast %min3A_305 : i32 to index
        %swap3A_313 = tpu.vector_load %arg6[%swap3A_311, %swap3A_312] masked %and3A_309 {strides = array<i32>} : memref<8x256xf32, #tpu.memory_space<vmem>>, vector<16xf32>, vector<16xi1>
        tpu.vector_store %arg6[%swap3A_311, %swap3A_312], %get3A_204 masked %and3A_309 {strides = array<i32>} : memref<8x256xf32, #tpu.memory_space<vmem>>, vector<16xf32>, vector<16xi1>
        %add3A_314 = arith.addi %add3A_303, %squeeze3A_209 : i32
        %min3A_315 = arith.constant 240 : i32
        %min3A_316 = arith.minsi %add3A_314, %min3A_315 : i32
        %lt3A_317 = arith.constant 241 : i32
        %lt3A_318 = arith.cmpi slt, %add3A_314, %lt3A_317 : i32
        %and3A_319 = vector.broadcast %lt3A_318 : i1 to vector<16xi1>
        %and3A_320 = arith.andi %gt3A_221, %and3A_319 : vector<16xi1>
        %swap3A_321 = arith.constant 7 : i32
        %swap3A_322 = arith.index_cast %swap3A_321 : i32 to index
        %swap3A_323 = arith.index_cast %min3A_316 : i32 to index
        %swap3A_324 = tpu.vector_load %arg6[%swap3A_322, %swap3A_323] masked %and3A_320 {strides = array<i32>} : memref<8x256xf32, #tpu.memory_space<vmem>>, vector<16xf32>, vector<16xi1>
        tpu.vector_store %arg6[%swap3A_322, %swap3A_323], %get3A_219 masked %and3A_320 {strides = array<i32>} : memref<8x256xf32, #tpu.memory_space<vmem>>, vector<16xf32>, vector<16xi1>
        %add3A_325 = arith.addi %add3A_314, %squeeze3A_224 : i32
        %min3A_326 = arith.constant 240 : i32
        %min3A_327 = arith.minsi %add3A_325, %min3A_326 : i32
        %lt3A_328 = arith.constant 241 : i32
        %lt3A_329 = arith.cmpi slt, %add3A_325, %lt3A_328 : i32
        %and3A_330 = vector.broadcast %lt3A_329 : i1 to vector<16xi1>
        %and3A_331 = arith.andi %gt3A_236, %and3A_330 : vector<16xi1>
        %swap3A_332 = arith.constant 7 : i32
        %swap3A_333 = arith.index_cast %swap3A_332 : i32 to index
        %swap3A_334 = arith.index_cast %min3A_327 : i32 to index
        %swap3A_335 = tpu.vector_load %arg6[%swap3A_333, %swap3A_334] masked %and3A_331 {strides = array<i32>} : memref<8x256xf32, #tpu.memory_space<vmem>>, vector<16xf32>, vector<16xi1>
        tpu.vector_store %arg6[%swap3A_333, %swap3A_334], %get3A_234 masked %and3A_331 {strides = array<i32>} : memref<8x256xf32, #tpu.memory_space<vmem>>, vector<16xf32>, vector<16xi1>
        %add3A_336 = arith.addi %add3A_325, %squeeze3A_239 : i32
        %min3A_337 = arith.constant 240 : i32
        %min3A_338 = arith.minsi %add3A_336, %min3A_337 : i32
        %lt3A_339 = arith.constant 241 : i32
        %lt3A_340 = arith.cmpi slt, %add3A_336, %lt3A_339 : i32
        %and3A_341 = vector.broadcast %lt3A_340 : i1 to vector<16xi1>
        %and3A_342 = arith.andi %gt3A_251, %and3A_341 : vector<16xi1>
        %swap3A_343 = arith.constant 7 : i32
        %swap3A_344 = arith.index_cast %swap3A_343 : i32 to index
        %swap3A_345 = arith.index_cast %min3A_338 : i32 to index
        %swap3A_346 = tpu.vector_load %arg6[%swap3A_344, %swap3A_345] masked %and3A_342 {strides = array<i32>} : memref<8x256xf32, #tpu.memory_space<vmem>>, vector<16xf32>, vector<16xi1>
        tpu.vector_store %arg6[%swap3A_344, %swap3A_345], %get3A_249 masked %and3A_342 {strides = array<i32>} : memref<8x256xf32, #tpu.memory_space<vmem>>, vector<16xf32>, vector<16xi1>
        %add3A_347 = arith.addi %add3A_336, %squeeze3A_254 : i32
        %min3A_348 = arith.constant 240 : i32
        %min3A_349 = arith.minsi %add3A_347, %min3A_348 : i32
        %lt3A_350 = arith.constant 241 : i32
        %lt3A_351 = arith.cmpi slt, %add3A_347, %lt3A_350 : i32
        %and3A_352 = vector.broadcast %lt3A_351 : i1 to vector<16xi1>
        %and3A_353 = arith.andi %gt3A_266, %and3A_352 : vector<16xi1>
        %swap3A_354 = arith.constant 7 : i32
        %swap3A_355 = arith.index_cast %swap3A_354 : i32 to index
        %swap3A_356 = arith.index_cast %min3A_349 : i32 to index
        %swap3A_357 = tpu.vector_load %arg6[%swap3A_355, %swap3A_356] masked %and3A_353 {strides = array<i32>} : memref<8x256xf32, #tpu.memory_space<vmem>>, vector<16xf32>, vector<16xi1>
        tpu.vector_store %arg6[%swap3A_355, %swap3A_356], %get3A_264 masked %and3A_353 {strides = array<i32>} : memref<8x256xf32, #tpu.memory_space<vmem>>, vector<16xf32>, vector<16xi1>
        %add3A_358 = arith.addi %add3A_347, %squeeze3A_269 : i32
        %min3A_359 = arith.constant 240 : i32
        %min3A_360 = arith.minsi %add3A_358, %min3A_359 : i32
        %lt3A_361 = arith.constant 241 : i32
        %lt3A_362 = arith.cmpi slt, %add3A_358, %lt3A_361 : i32
        %and3A_363 = vector.broadcast %lt3A_362 : i1 to vector<16xi1>
        %and3A_364 = arith.andi %gt3A_281, %and3A_363 : vector<16xi1>
        %swap3A_365 = arith.constant 7 : i32
        %swap3A_366 = arith.index_cast %swap3A_365 : i32 to index
        %swap3A_367 = arith.index_cast %min3A_360 : i32 to index
        %swap3A_368 = tpu.vector_load %arg6[%swap3A_366, %swap3A_367] masked %and3A_364 {strides = array<i32>} : memref<8x256xf32, #tpu.memory_space<vmem>>, vector<16xf32>, vector<16xi1>
        tpu.vector_store %arg6[%swap3A_366, %swap3A_367], %get3A_279 masked %and3A_364 {strides = array<i32>} : memref<8x256xf32, #tpu.memory_space<vmem>>, vector<16xf32>, vector<16xi1>
        %add3A_369 = arith.addi %add3A_358, %squeeze3A_284 : i32
        scf.yield %add3A_369 : i32
      }
      %scan3A_163 = arith.constant 32 : i32
      %mul3A_164 = arith.constant 8 : i32
      %mul3A_165 = arith.muli %add3A_107, %mul3A_164 : i32
      %add3A_166 = arith.addi %mul3A_2, %mul3A_165 : i32
      "tpu.region"() ({
        %run_scoped3A = tpu.sem_alloc : memref<!tpu.dma_semaphore, #tpu.memory_space<semaphore_mem>>
        %dma_start3A_168 = arith.constant 0 : i32
        %dma_start3A_169 = tpu.memref_slice %arg3[%add3A_166, %dma_start3A_168] : memref<4096x256xf32, #tpu.memory_space<hbm>> -> memref<8x256xf32, #tpu.memory_space<hbm>>
        %dma_start3A_170 = arith.constant 0 : i32
        %dma_start3A_171 = tpu.memref_slice %arg3[%add3A_166, %dma_start3A_170] : memref<4096x256xf32, #tpu.memory_space<hbm>> -> memref<8x256xf32, #tpu.memory_space<hbm>>
        tpu.enqueue_dma source(%arg6 : memref<8x256xf32, #tpu.memory_space<vmem>>) target(%dma_start3A_171 : memref<8x256xf32, #tpu.memory_space<hbm>>) target_semaphore(%run_scoped3A : memref<!tpu.dma_semaphore, #tpu.memory_space<semaphore_mem>>)
        %dma_wait3A_172 = arith.constant 0 : i32
        %dma_wait3A_173 = tpu.memref_slice %arg3[%add3A_166, %dma_wait3A_172] : memref<4096x256xf32, #tpu.memory_space<hbm>> -> memref<8x256xf32, #tpu.memory_space<hbm>>
        %dma_wait3A_174 = arith.constant 0 : i32
        %dma_wait3A_175 = tpu.memref_slice %arg3[%add3A_166, %dma_wait3A_174] : memref<4096x256xf32, #tpu.memory_space<hbm>> -> memref<8x256xf32, #tpu.memory_space<hbm>>
        tpu.wait_dma2 semaphore(%run_scoped3A : memref<!tpu.dma_semaphore, #tpu.memory_space<semaphore_mem>>) src(%arg6 : memref<8x256xf32, #tpu.memory_space<vmem>>) dst(%dma_wait3A_175 : memref<8x256xf32, #tpu.memory_space<hbm>>)
        tpu.yield
      }) : () -> ()
      %scan3A_167 = arith.constant 0 : i32
      scf.yield %scan3A_167 : i32
    }
    %scan3A_14 = arith.constant 8 : i32
    return
  }
}

module attributes {stable_mosaic.version = 14 : i64} {
  func.func @_dense_body(%arg0: i32, %arg1: memref<64x4096xf32, #tpu.memory_space<vmem>>, %arg2: memref<1x1xf32, #tpu.memory_space<vmem>>, %arg3: memref<64x4096xf32, #tpu.memory_space<vmem>>, %arg4: memref<2xf32, #tpu.memory_space<smem>>) attributes {dimension_semantics = [#tpu.dimension_semantics<arbitrary>], iteration_bounds = array<i64: 64>, scalar_prefetch = 0 : i64, scratch_operands = 2 : i64, tpu.core_type = #tpu.core_type<tc>, window_params = [{transform_indices = @transform_0, window_bounds = array<i64: 64, 4096>}, {pipeline_mode = #tpu.pipeline_mode<synchronous>, transform_indices = @transform_1, window_bounds = array<i64: 1, 1>}]} {
    %get3A = arith.constant 0 : index
    %get3A_0 = arith.constant 0 : index
    %get3A_1 = vector.load %arg1[%get3A, %get3A_0] : memref<64x4096xf32, #tpu.memory_space<vmem>>, vector<64x4096xf32>
    %iota3A = tpu.iota {dimensions = array<i32: 1>} : vector<64x4096xi32>
    %mul3A = arith.constant 64 : i32
    %mul3A_2 = arith.muli %arg0, %mul3A : i32
    %iota3A_3 = tpu.iota {dimensions = array<i32: 0>} : vector<64x4096xi32>
    %add3A = vector.broadcast %mul3A_2 : i32 to vector<64x4096xi32>
    %add3A_4 = arith.addi %add3A, %iota3A_3 : vector<64x4096xi32>
    %eq3A = arith.cmpi eq, %iota3A, %add3A_4 : vector<64x4096xi32>
    %jit3A = arith.constant 0xFF800000 : f32
    %broadcast_in_dim3A = vector.broadcast %jit3A : f32 to vector<64x4096xf32>
    %select_n3A = arith.select %eq3A, %get3A_1, %broadcast_in_dim3A : vector<64x4096xi1>, vector<64x4096xf32>
    %reduce_max3A = arith.constant dense<0xFF800000> : vector<64xf32>
    %reduce_max3A_5 = vector.multi_reduction <maximumf>, %select_n3A, %reduce_max3A [1] : vector<64x4096xf32> to vector<64xf32>
    %broadcast_in_dim3A_6 = vector.shape_cast %reduce_max3A_5 : vector<64xf32> to vector<64x1xf32>
    %gt3A = vector.broadcast %broadcast_in_dim3A_6 : vector<64x1xf32> to vector<64x4096xf32>
    %gt3A_7 = arith.cmpf ogt, %get3A_1, %gt3A : vector<64x4096xf32>
    %convert_element_type3A = arith.extui %gt3A_7 : vector<64x4096xi1> to vector<64x4096xi32>
    %convert_element_type3A_8 = arith.sitofp %convert_element_type3A : vector<64x4096xi32> to vector<64x4096xf32>
    %reduce_sum3A = arith.constant dense<0.000000e+00> : vector<64xf32>
    %reduce_sum3A_9 = vector.multi_reduction <add>, %convert_element_type3A_8, %reduce_sum3A [1] : vector<64x4096xf32> to vector<64xf32>
    %broadcast_in_dim3A_10 = vector.shape_cast %reduce_sum3A_9 : vector<64xf32> to vector<64x1xf32>
    %eq3A_11 = vector.broadcast %broadcast_in_dim3A_6 : vector<64x1xf32> to vector<64x4096xf32>
    %eq3A_12 = arith.cmpf oeq, %get3A_1, %eq3A_11 : vector<64x4096xf32>
    %lt3A = arith.cmpi slt, %iota3A, %add3A_4 : vector<64x4096xi32>
    %and3A = arith.andi %eq3A_12, %lt3A : vector<64x4096xi1>
    %convert_element_type3A_13 = arith.extui %and3A : vector<64x4096xi1> to vector<64x4096xi32>
    %convert_element_type3A_14 = arith.sitofp %convert_element_type3A_13 : vector<64x4096xi32> to vector<64x4096xf32>
    %reduce_sum3A_15 = arith.constant dense<0.000000e+00> : vector<64xf32>
    %reduce_sum3A_16 = vector.multi_reduction <add>, %convert_element_type3A_14, %reduce_sum3A_15 [1] : vector<64x4096xf32> to vector<64xf32>
    %broadcast_in_dim3A_17 = vector.shape_cast %reduce_sum3A_16 : vector<64xf32> to vector<64x1xf32>
    %add3A_18 = arith.addf %broadcast_in_dim3A_10, %broadcast_in_dim3A_17 : vector<64x1xf32>
    %iota3A_19 = tpu.iota {dimensions = array<i32: 1>} : vector<1x21xi32>
    %convert_element_type3A_20 = arith.sitofp %iota3A_19 : vector<1x21xi32> to vector<1x21xf32>
    %add3A_21 = arith.constant 2.000000e+00 : f32
    %add3A_22 = vector.broadcast %add3A_21 : f32 to vector<1x21xf32>
    %add3A_23 = arith.addf %convert_element_type3A_20, %add3A_22 : vector<1x21xf32>
    %log3A = math.log %add3A_23 : vector<1x21xf32>
    %log3A_24 = arith.constant 2.000000e+00 : f32
    %log3A_25 = math.log %log3A_24 : f32
    %div3A = vector.broadcast %log3A_25 : f32 to vector<1x21xf32>
    %div3A_26 = arith.divf %log3A, %div3A : vector<1x21xf32>
    %div3A_27 = arith.constant 1.000000e+00 : f32
    %div3A_28 = vector.broadcast %div3A_27 : f32 to vector<1x21xf32>
    %div3A_29 = arith.divf %div3A_28, %div3A_26 : vector<1x21xf32>
    %lt3A_30 = arith.constant 2.100000e+01 : f32
    %lt3A_31 = vector.broadcast %lt3A_30 : f32 to vector<64x1xf32>
    %lt3A_32 = arith.cmpf olt, %add3A_18, %lt3A_31 : vector<64x1xf32>
    %eq3A_33 = vector.broadcast %convert_element_type3A_20 : vector<1x21xf32> to vector<64x21xf32>
    %eq3A_34 = vector.broadcast %add3A_18 : vector<64x1xf32> to vector<64x21xf32>
    %eq3A_35 = arith.cmpf oeq, %eq3A_33, %eq3A_34 : vector<64x21xf32>
    %jit3A_36 = arith.constant 0.000000e+00 : f32
    %broadcast_in_dim3A_37 = vector.shape_cast %div3A_29 : vector<1x21xf32> to vector<1x21xf32>
    %broadcast_in_dim3A_38 = vector.broadcast %broadcast_in_dim3A_37 : vector<1x21xf32> to vector<64x21xf32>
    %broadcast_in_dim3A_39 = vector.broadcast %jit3A_36 : f32 to vector<64x21xf32>
    %select_n3A_40 = arith.select %eq3A_35, %broadcast_in_dim3A_38, %broadcast_in_dim3A_39 : vector<64x21xi1>, vector<64x21xf32>
    %reduce_sum3A_41 = arith.constant dense<0.000000e+00> : vector<64xf32>
    %reduce_sum3A_42 = vector.multi_reduction <add>, %select_n3A_40, %reduce_sum3A_41 [1] : vector<64x21xf32> to vector<64xf32>
    %broadcast_in_dim3A_43 = vector.shape_cast %reduce_sum3A_42 : vector<64xf32> to vector<64x1xf32>
    %mul3A_44 = arith.constant 0.693147182 : f32
    %mul3A_45 = vector.broadcast %mul3A_44 : f32 to vector<64x1xf32>
    %mul3A_46 = arith.mulf %broadcast_in_dim3A_43, %mul3A_45 : vector<64x1xf32>
    %jit3A_47 = arith.constant 0.000000e+00 : f32
    %broadcast_in_dim3A_48 = vector.broadcast %jit3A_47 : f32 to vector<64x1xf32>
    %select_n3A_49 = arith.select %lt3A_32, %mul3A_46, %broadcast_in_dim3A_48 : vector<64x1xi1>, vector<64x1xf32>
    %jit3A_50 = arith.constant 2.000000e+01 : f32
    %jit3A_51 = arith.constant 2.100000e+01 : f32
    %broadcast_in_dim3A_52 = vector.broadcast %jit3A_50 : f32 to vector<64x1xf32>
    %broadcast_in_dim3A_53 = vector.broadcast %jit3A_51 : f32 to vector<64x1xf32>
    %select_n3A_54 = arith.select %lt3A_32, %broadcast_in_dim3A_52, %broadcast_in_dim3A_53 : vector<64x1xi1>, vector<64x1xf32>
    %swap3A = arith.constant 0 : index
    %swap3A_55 = arith.constant 0 : index
    %swap3A_56 = vector.load %arg3[%swap3A, %swap3A_55] : memref<64x4096xf32, #tpu.memory_space<vmem>>, vector<64x4096xf32>
    tpu.vector_store %arg3[%swap3A, %swap3A_55], %get3A_1 {strides = array<i32>} : memref<64x4096xf32, #tpu.memory_space<vmem>>, vector<64x4096xf32>,
    %broadcast_in_dim3A_57 = arith.constant 0.000000e+00 : f32
    %broadcast_in_dim3A_58 = vector.broadcast %broadcast_in_dim3A_57 : f32 to vector<64x1xf32>
    %scan3A = arith.constant 0xFF800000 : f32
    %scan3A_59 = arith.constant 0 : i32
    %scan3A_60 = arith.constant 21 : i32
    %scan3A_61 = arith.addi %scan3A_59, %scan3A_60 : i32
    %scan3A_62 = arith.constant 1 : i32
    %scan3A_63:2 = scf.for %scan3A_98 = %scan3A_59 to %scan3A_61 step %scan3A_62 iter_args(%scan3A_99 = %broadcast_in_dim3A_58, %scan3A_100 = %broadcast_in_dim3A_58) -> (vector<64x1xf32>, vector<64x1xf32>)  : i32 {
      %get3A_101 = arith.constant 0 : index
      %get3A_102 = arith.constant 0 : index
      %get3A_103 = vector.load %arg3[%get3A_101, %get3A_102] : memref<64x4096xf32, #tpu.memory_space<vmem>>, vector<64x4096xf32>
      %reduce_max3A_104 = arith.constant dense<0xFF800000> : vector<64xf32>
      %reduce_max3A_105 = vector.multi_reduction <maximumf>, %get3A_103, %reduce_max3A_104 [1] : vector<64x4096xf32> to vector<64xf32>
      %broadcast_in_dim3A_106 = vector.shape_cast %reduce_max3A_105 : vector<64xf32> to vector<64x1xf32>
      %eq3A_107 = vector.broadcast %broadcast_in_dim3A_106 : vector<64x1xf32> to vector<64x4096xf32>
      %eq3A_108 = arith.cmpf oeq, %get3A_103, %eq3A_107 : vector<64x4096xf32>
      %convert_element_type3A_109 = arith.extui %eq3A_108 : vector<64x4096xi1> to vector<64x4096xi32>
      %convert_element_type3A_110 = arith.sitofp %convert_element_type3A_109 : vector<64x4096xi32> to vector<64x4096xf32>
      %reduce_sum3A_111 = arith.constant dense<0.000000e+00> : vector<64xf32>
      %reduce_sum3A_112 = vector.multi_reduction <add>, %convert_element_type3A_110, %reduce_sum3A_111 [1] : vector<64x4096xf32> to vector<64xf32>
      %broadcast_in_dim3A_113 = vector.shape_cast %reduce_sum3A_112 : vector<64xf32> to vector<64x1xf32>
      %broadcast_in_dim3A_114 = vector.broadcast %scan3A : f32 to vector<64x4096xf32>
      %select_n3A_115 = arith.select %eq3A_108, %broadcast_in_dim3A_114, %get3A_103 : vector<64x4096xi1>, vector<64x4096xf32>
      %swap3A_116 = arith.constant 0 : index
      %swap3A_117 = arith.constant 0 : index
      %swap3A_118 = vector.load %arg3[%swap3A_116, %swap3A_117] : memref<64x4096xf32, #tpu.memory_space<vmem>>, vector<64x4096xf32>
      tpu.vector_store %arg3[%swap3A_116, %swap3A_117], %select_n3A_115 {strides = array<i32>} : memref<64x4096xf32, #tpu.memory_space<vmem>>, vector<64x4096xf32>,
      %ge3A = vector.broadcast %convert_element_type3A_20 : vector<1x21xf32> to vector<64x21xf32>
      %ge3A_119 = vector.broadcast %scan3A_99 : vector<64x1xf32> to vector<64x21xf32>
      %ge3A_120 = arith.cmpf oge, %ge3A, %ge3A_119 : vector<64x21xf32>
      %add3A_121 = arith.addf %scan3A_99, %broadcast_in_dim3A_113 : vector<64x1xf32>
      %lt3A_122 = vector.broadcast %convert_element_type3A_20 : vector<1x21xf32> to vector<64x21xf32>
      %lt3A_123 = vector.broadcast %add3A_121 : vector<64x1xf32> to vector<64x21xf32>
      %lt3A_124 = arith.cmpf olt, %lt3A_122, %lt3A_123 : vector<64x21xf32>
      %and3A_125 = arith.andi %ge3A_120, %lt3A_124 : vector<64x21xi1>
      %jit3A_126 = arith.constant 0.000000e+00 : f32
      %broadcast_in_dim3A_127 = vector.shape_cast %div3A_29 : vector<1x21xf32> to vector<1x21xf32>
      %broadcast_in_dim3A_128 = vector.broadcast %broadcast_in_dim3A_127 : vector<1x21xf32> to vector<64x21xf32>
      %broadcast_in_dim3A_129 = vector.broadcast %jit3A_126 : f32 to vector<64x21xf32>
      %select_n3A_130 = arith.select %and3A_125, %broadcast_in_dim3A_128, %broadcast_in_dim3A_129 : vector<64x21xi1>, vector<64x21xf32>
      %reduce_sum3A_131 = arith.constant dense<0.000000e+00> : vector<64xf32>
      %reduce_sum3A_132 = vector.multi_reduction <add>, %select_n3A_130, %reduce_sum3A_131 [1] : vector<64x21xf32> to vector<64xf32>
      %broadcast_in_dim3A_133 = vector.shape_cast %reduce_sum3A_132 : vector<64xf32> to vector<64x1xf32>
      %sub3A_134 = arith.subf %broadcast_in_dim3A_6, %broadcast_in_dim3A_106 : vector<64x1xf32>
      %neg3A = arith.constant 0.000000e+00 : f32
      %neg3A_135 = vector.broadcast %neg3A : f32 to vector<64x1xf32>
      %neg3A_136 = arith.subf %neg3A_135, %sub3A_134 : vector<64x1xf32>
      %max3A_137 = arith.constant 0.000000e+00 : f32
      %max3A_138 = vector.broadcast %max3A_137 : f32 to vector<64x1xf32>
      %max3A_139 = arith.maximumf %neg3A_136, %max3A_138 : vector<64x1xf32>
      %abs3A = math.absf %sub3A_134 : vector<64x1xf32>
      %neg3A_140 = arith.constant 0.000000e+00 : f32
      %neg3A_141 = vector.broadcast %neg3A_140 : f32 to vector<64x1xf32>
      %neg3A_142 = arith.subf %neg3A_141, %abs3A : vector<64x1xf32>
      %exp3A = math.exp %neg3A_142 : vector<64x1xf32>
      %log1p3A = math.log1p %exp3A : vector<64x1xf32>
      %add3A_143 = arith.addf %max3A_139, %log1p3A : vector<64x1xf32>
      %gt3A_144 = arith.constant 0.000000e+00 : f32
      %gt3A_145 = vector.broadcast %gt3A_144 : f32 to vector<64x1xf32>
      %gt3A_146 = arith.cmpf ogt, %broadcast_in_dim3A_133, %gt3A_145 : vector<64x1xf32>
      %mul3A_147 = arith.mulf %add3A_143, %broadcast_in_dim3A_133 : vector<64x1xf32>
      %jit3A_148 = arith.constant 0.000000e+00 : f32
      %broadcast_in_dim3A_149 = vector.broadcast %jit3A_148 : f32 to vector<64x1xf32>
      %select_n3A_150 = arith.select %gt3A_146, %mul3A_147, %broadcast_in_dim3A_149 : vector<64x1xi1>, vector<64x1xf32>
      %add3A_151 = arith.addf %scan3A_100, %select_n3A_150 : vector<64x1xf32>
      %add3A_152 = arith.addf %scan3A_99, %broadcast_in_dim3A_113 : vector<64x1xf32>
      scf.yield %add3A_152, %add3A_151 : vector<64x1xf32>, vector<64x1xf32>
    }
    %sub3A = arith.subf %scan3A_63#1, %select_n3A_49 : vector<64x1xf32>
    %eq3A_64 = arith.constant 0 : i32
    %eq3A_65 = arith.cmpi eq, %arg0, %eq3A_64 : i32
    %convert_element_type3A_66 = arith.extui %eq3A_65 : i1 to i32
    %cond3A = arith.constant 0 : i32
    %cond3A_67 = arith.cmpi ne, %convert_element_type3A_66, %cond3A : i32
    scf.if %cond3A_67 {
      %swap3A_98 = arith.constant 0.000000e+00 : f32
      %swap3A_99 = arith.constant 0 : index
      %swap3A_100 = memref.load %arg4[%swap3A_99] : memref<2xf32, #tpu.memory_space<smem>>
      memref.store %swap3A_98, %arg4[%swap3A_99] : memref<2xf32, #tpu.memory_space<smem>>
      %swap3A_101 = arith.constant 0.000000e+00 : f32
      %swap3A_102 = arith.constant 1 : index
      %swap3A_103 = memref.load %arg4[%swap3A_102] : memref<2xf32, #tpu.memory_space<smem>>
      memref.store %swap3A_101, %arg4[%swap3A_102] : memref<2xf32, #tpu.memory_space<smem>>
    } else {
    }
    %get3A_68 = arith.constant 0 : index
    %get3A_69 = memref.load %arg4[%get3A_68] : memref<2xf32, #tpu.memory_space<smem>>
    %reduce_sum3A_70 = vector.shape_cast %sub3A : vector<64x1xf32> to vector<1x64x1xf32>
    %reduce_sum3A_71 = arith.constant dense<0.000000e+00> : vector<1xf32>
    %reduce_sum3A_72 = vector.multi_reduction <add>, %reduce_sum3A_70, %reduce_sum3A_71 [1, 2] : vector<1x64x1xf32> to vector<1xf32>
    %reduce_sum3A_73 = vector.shape_cast %reduce_sum3A_72 : vector<1xf32> to vector<1x1x1xf32>
    %reduce_sum3A_74 = vector.extract %reduce_sum3A_73[0, 0, 0] : f32 from vector<1x1x1xf32>
    %add3A_75 = arith.addf %get3A_69, %reduce_sum3A_74 : f32
    %swap3A_76 = arith.constant 0 : index
    %swap3A_77 = memref.load %arg4[%swap3A_76] : memref<2xf32, #tpu.memory_space<smem>>
    memref.store %add3A_75, %arg4[%swap3A_76] : memref<2xf32, #tpu.memory_space<smem>>
    %get3A_78 = arith.constant 1 : index
    %get3A_79 = memref.load %arg4[%get3A_78] : memref<2xf32, #tpu.memory_space<smem>>
    %reduce_sum3A_80 = vector.shape_cast %select_n3A_54 : vector<64x1xf32> to vector<1x64x1xf32>
    %reduce_sum3A_81 = arith.constant dense<0.000000e+00> : vector<1xf32>
    %reduce_sum3A_82 = vector.multi_reduction <add>, %reduce_sum3A_80, %reduce_sum3A_81 [1, 2] : vector<1x64x1xf32> to vector<1xf32>
    %reduce_sum3A_83 = vector.shape_cast %reduce_sum3A_82 : vector<1xf32> to vector<1x1x1xf32>
    %reduce_sum3A_84 = vector.extract %reduce_sum3A_83[0, 0, 0] : f32 from vector<1x1x1xf32>
    %add3A_85 = arith.addf %get3A_79, %reduce_sum3A_84 : f32
    %swap3A_86 = arith.constant 1 : index
    %swap3A_87 = memref.load %arg4[%swap3A_86] : memref<2xf32, #tpu.memory_space<smem>>
    memref.store %add3A_85, %arg4[%swap3A_86] : memref<2xf32, #tpu.memory_space<smem>>
    %get3A_88 = arith.constant 0 : index
    %get3A_89 = memref.load %arg4[%get3A_88] : memref<2xf32, #tpu.memory_space<smem>>
    %get3A_90 = arith.constant 1 : index
    %get3A_91 = memref.load %arg4[%get3A_90] : memref<2xf32, #tpu.memory_space<smem>>
    %max3A = arith.constant 1.000000e+00 : f32
    %max3A_92 = arith.maximumf %get3A_91, %max3A : f32
    %div3A_93 = arith.divf %get3A_89, %max3A_92 : f32
    %broadcast_in_dim3A_94 = vector.broadcast %div3A_93 : f32 to vector<1x1xf32>
    %swap3A_95 = arith.constant 0 : index
    %swap3A_96 = arith.constant 0 : index
    %swap3A_97 = vector.load %arg2[%swap3A_95, %swap3A_96] : memref<1x1xf32, #tpu.memory_space<vmem>>, vector<1x1xf32>
    tpu.vector_store %arg2[%swap3A_95, %swap3A_96], %broadcast_in_dim3A_94 {strides = array<i32>} : memref<1x1xf32, #tpu.memory_space<vmem>>, vector<1x1xf32>,
    return
  }
  func.func @transform_0(%arg0: i32) -> (i32, i32) {
    %c0_i32 = arith.constant 0 : i32
    %c0_i32_0 = arith.constant 0 : i32
    return %arg0, %c0_i32 : i32, i32
  }
  func.func @transform_1(%arg0: i32) -> (i32, i32) {
    %c0_i32 = arith.constant 0 : i32
    %c0_i32_0 = arith.constant 0 : i32
    %c0_i32_1 = arith.constant 0 : i32
    return %c0_i32, %c0_i32_0 : i32, i32
  }
}

module attributes {stable_mosaic.version = 14 : i64} {
  func.func @_cand_body(%arg0: i32, %arg1: memref<256x4096xf32, #tpu.memory_space<vmem>>, %arg2: memref<256x256xf32, #tpu.memory_space<vmem>>, %arg3: memref<1x1xf32, #tpu.memory_space<vmem>>, %arg4: memref<1x1xf32, #tpu.memory_space<vmem>>, %arg5: memref<256x256xf32, #tpu.memory_space<vmem>>, %arg6: memref<3xf32, #tpu.memory_space<smem>>) attributes {dimension_semantics = [#tpu.dimension_semantics<arbitrary>], iteration_bounds = array<i64: 16>, scalar_prefetch = 0 : i64, scratch_operands = 2 : i64, tpu.core_type = #tpu.core_type<tc>, window_params = [{transform_indices = @transform_0, window_bounds = array<i64: 256, 4096>}, {transform_indices = @transform_1, window_bounds = array<i64: 256, 256>}, {pipeline_mode = #tpu.pipeline_mode<synchronous>, transform_indices = @transform_2, window_bounds = array<i64: 1, 1>}, {pipeline_mode = #tpu.pipeline_mode<synchronous>, transform_indices = @transform_3, window_bounds = array<i64: 1, 1>}]} {
    %get3A = arith.constant 0 : index
    %get3A_0 = arith.constant 0 : index
    %get3A_1 = vector.load %arg1[%get3A, %get3A_0] : memref<256x4096xf32, #tpu.memory_space<vmem>>, vector<256x4096xf32>
    %get3A_2 = arith.constant 0 : index
    %get3A_3 = arith.constant 0 : index
    %get3A_4 = vector.load %arg2[%get3A_2, %get3A_3] : memref<256x256xf32, #tpu.memory_space<vmem>>, vector<256x256xf32>
    %iota3A = tpu.iota {dimensions = array<i32: 1>} : vector<256x4096xi32>
    %mul3A = arith.constant 256 : i32
    %mul3A_5 = arith.muli %arg0, %mul3A : i32
    %iota3A_6 = tpu.iota {dimensions = array<i32: 0>} : vector<256x4096xi32>
    %add3A = vector.broadcast %mul3A_5 : i32 to vector<256x4096xi32>
    %add3A_7 = arith.addi %add3A, %iota3A_6 : vector<256x4096xi32>
    %eq3A = arith.cmpi eq, %iota3A, %add3A_7 : vector<256x4096xi32>
    %jit3A = arith.constant 0xFF800000 : f32
    %broadcast_in_dim3A = vector.broadcast %jit3A : f32 to vector<256x4096xf32>
    %select_n3A = arith.select %eq3A, %get3A_1, %broadcast_in_dim3A : vector<256x4096xi1>, vector<256x4096xf32>
    %reduce_max3A = arith.constant dense<0xFF800000> : vector<256xf32>
    %reduce_max3A_8 = vector.multi_reduction <maximumf>, %select_n3A, %reduce_max3A [1] : vector<256x4096xf32> to vector<256xf32>
    %broadcast_in_dim3A_9 = vector.shape_cast %reduce_max3A_8 : vector<256xf32> to vector<256x1xf32>
    %gt3A = vector.broadcast %broadcast_in_dim3A_9 : vector<256x1xf32> to vector<256x4096xf32>
    %gt3A_10 = arith.cmpf ogt, %get3A_1, %gt3A : vector<256x4096xf32>
    %eq3A_11 = vector.broadcast %broadcast_in_dim3A_9 : vector<256x1xf32> to vector<256x4096xf32>
    %eq3A_12 = arith.cmpf oeq, %get3A_1, %eq3A_11 : vector<256x4096xf32>
    %lt3A = arith.cmpi slt, %iota3A, %add3A_7 : vector<256x4096xi32>
    %and3A = arith.andi %eq3A_12, %lt3A : vector<256x4096xi1>
    %or3A = arith.ori %gt3A_10, %and3A : vector<256x4096xi1>
    %convert_element_type3A = arith.extui %or3A : vector<256x4096xi1> to vector<256x4096xi32>
    %convert_element_type3A_13 = arith.sitofp %convert_element_type3A : vector<256x4096xi32> to vector<256x4096xf32>
    %reduce_sum3A = arith.constant dense<0.000000e+00> : vector<256xf32>
    %reduce_sum3A_14 = vector.multi_reduction <add>, %convert_element_type3A_13, %reduce_sum3A [1] : vector<256x4096xf32> to vector<256xf32>
    %broadcast_in_dim3A_15 = vector.shape_cast %reduce_sum3A_14 : vector<256xf32> to vector<256x1xf32>
    %gt3A_16 = arith.constant 2.000000e+00 : f32
    %gt3A_17 = vector.broadcast %gt3A_16 : f32 to vector<256x4096xf32>
    %gt3A_18 = arith.cmpf ogt, %get3A_1, %gt3A_17 : vector<256x4096xf32>
    %convert_element_type3A_19 = arith.extui %gt3A_18 : vector<256x4096xi1> to vector<256x4096xi32>
    %convert_element_type3A_20 = arith.sitofp %convert_element_type3A_19 : vector<256x4096xi32> to vector<256x4096xf32>
    %reduce_sum3A_21 = arith.constant dense<0.000000e+00> : vector<256xf32>
    %reduce_sum3A_22 = vector.multi_reduction <add>, %convert_element_type3A_20, %reduce_sum3A_21 [1] : vector<256x4096xf32> to vector<256xf32>
    %broadcast_in_dim3A_23 = vector.shape_cast %reduce_sum3A_22 : vector<256xf32> to vector<256x1xf32>
    %iota3A_24 = tpu.iota {dimensions = array<i32: 1>} : vector<256x256xi32>
    %convert_element_type3A_25 = arith.sitofp %iota3A_24 : vector<256x256xi32> to vector<256x256xf32>
    %lt3A_26 = vector.broadcast %broadcast_in_dim3A_23 : vector<256x1xf32> to vector<256x256xf32>
    %lt3A_27 = arith.cmpf olt, %convert_element_type3A_25, %lt3A_26 : vector<256x256xf32>
    %jit3A_28 = arith.constant 0xFF800000 : f32
    %broadcast_in_dim3A_29 = vector.broadcast %jit3A_28 : f32 to vector<256x256xf32>
    %select_n3A_30 = arith.select %lt3A_27, %get3A_4, %broadcast_in_dim3A_29 : vector<256x256xi1>, vector<256x256xf32>
    %iota3A_31 = tpu.iota {dimensions = array<i32: 1>} : vector<1x21xi32>
    %convert_element_type3A_32 = arith.sitofp %iota3A_31 : vector<1x21xi32> to vector<1x21xf32>
    %add3A_33 = arith.constant 2.000000e+00 : f32
    %add3A_34 = vector.broadcast %add3A_33 : f32 to vector<1x21xf32>
    %add3A_35 = arith.addf %convert_element_type3A_32, %add3A_34 : vector<1x21xf32>
    %log3A = math.log %add3A_35 : vector<1x21xf32>
    %log3A_36 = arith.constant 2.000000e+00 : f32
    %log3A_37 = math.log %log3A_36 : f32
    %div3A = vector.broadcast %log3A_37 : f32 to vector<1x21xf32>
    %div3A_38 = arith.divf %log3A, %div3A : vector<1x21xf32>
    %div3A_39 = arith.constant 1.000000e+00 : f32
    %div3A_40 = vector.broadcast %div3A_39 : f32 to vector<1x21xf32>
    %div3A_41 = arith.divf %div3A_40, %div3A_38 : vector<1x21xf32>
    %lt3A_42 = arith.constant 2.100000e+01 : f32
    %lt3A_43 = vector.broadcast %lt3A_42 : f32 to vector<256x1xf32>
    %lt3A_44 = arith.cmpf olt, %broadcast_in_dim3A_15, %lt3A_43 : vector<256x1xf32>
    %eq3A_45 = vector.broadcast %convert_element_type3A_32 : vector<1x21xf32> to vector<256x21xf32>
    %eq3A_46 = vector.broadcast %broadcast_in_dim3A_15 : vector<256x1xf32> to vector<256x21xf32>
    %eq3A_47 = arith.cmpf oeq, %eq3A_45, %eq3A_46 : vector<256x21xf32>
    %jit3A_48 = arith.constant 0.000000e+00 : f32
    %broadcast_in_dim3A_49 = vector.shape_cast %div3A_41 : vector<1x21xf32> to vector<1x21xf32>
    %broadcast_in_dim3A_50 = vector.broadcast %broadcast_in_dim3A_49 : vector<1x21xf32> to vector<256x21xf32>
    %broadcast_in_dim3A_51 = vector.broadcast %jit3A_48 : f32 to vector<256x21xf32>
    %select_n3A_52 = arith.select %eq3A_47, %broadcast_in_dim3A_50, %broadcast_in_dim3A_51 : vector<256x21xi1>, vector<256x21xf32>
    %reduce_sum3A_53 = arith.constant dense<0.000000e+00> : vector<256xf32>
    %reduce_sum3A_54 = vector.multi_reduction <add>, %select_n3A_52, %reduce_sum3A_53 [1] : vector<256x21xf32> to vector<256xf32>
    %broadcast_in_dim3A_55 = vector.shape_cast %reduce_sum3A_54 : vector<256xf32> to vector<256x1xf32>
    %mul3A_56 = arith.constant 0.693147182 : f32
    %mul3A_57 = vector.broadcast %mul3A_56 : f32 to vector<256x1xf32>
    %mul3A_58 = arith.mulf %broadcast_in_dim3A_55, %mul3A_57 : vector<256x1xf32>
    %jit3A_59 = arith.constant 0.000000e+00 : f32
    %broadcast_in_dim3A_60 = vector.broadcast %jit3A_59 : f32 to vector<256x1xf32>
    %select_n3A_61 = arith.select %lt3A_44, %mul3A_58, %broadcast_in_dim3A_60 : vector<256x1xi1>, vector<256x1xf32>
    %jit3A_62 = arith.constant 2.000000e+01 : f32
    %jit3A_63 = arith.constant 2.100000e+01 : f32
    %broadcast_in_dim3A_64 = vector.broadcast %jit3A_62 : f32 to vector<256x1xf32>
    %broadcast_in_dim3A_65 = vector.broadcast %jit3A_63 : f32 to vector<256x1xf32>
    %select_n3A_66 = arith.select %lt3A_44, %broadcast_in_dim3A_64, %broadcast_in_dim3A_65 : vector<256x1xi1>, vector<256x1xf32>
    %swap3A = arith.constant 0 : index
    %swap3A_67 = arith.constant 0 : index
    %swap3A_68 = vector.load %arg5[%swap3A, %swap3A_67] : memref<256x256xf32, #tpu.memory_space<vmem>>, vector<256x256xf32>
    tpu.vector_store %arg5[%swap3A, %swap3A_67], %select_n3A_30 {strides = array<i32>} : memref<256x256xf32, #tpu.memory_space<vmem>>, vector<256x256xf32>,
    %broadcast_in_dim3A_69 = arith.constant 0.000000e+00 : f32
    %broadcast_in_dim3A_70 = vector.broadcast %broadcast_in_dim3A_69 : f32 to vector<256x1xf32>
    %scan3A = arith.constant 0xFF800000 : f32
    %scan3A_71 = arith.constant 0 : i32
    %scan3A_72 = arith.constant 21 : i32
    %scan3A_73 = arith.addi %scan3A_71, %scan3A_72 : i32
    %scan3A_74 = arith.constant 1 : i32
    %scan3A_75:2 = scf.for %scan3A_135 = %scan3A_71 to %scan3A_73 step %scan3A_74 iter_args(%scan3A_136 = %broadcast_in_dim3A_70, %scan3A_137 = %broadcast_in_dim3A_70) -> (vector<256x1xf32>, vector<256x1xf32>)  : i32 {
      %get3A_138 = arith.constant 0 : index
      %get3A_139 = arith.constant 0 : index
      %get3A_140 = vector.load %arg5[%get3A_138, %get3A_139] : memref<256x256xf32, #tpu.memory_space<vmem>>, vector<256x256xf32>
      %reduce_max3A_141 = arith.constant dense<0xFF800000> : vector<256xf32>
      %reduce_max3A_142 = vector.multi_reduction <maximumf>, %get3A_140, %reduce_max3A_141 [1] : vector<256x256xf32> to vector<256xf32>
      %broadcast_in_dim3A_143 = vector.shape_cast %reduce_max3A_142 : vector<256xf32> to vector<256x1xf32>
      %eq3A_144 = vector.broadcast %broadcast_in_dim3A_143 : vector<256x1xf32> to vector<256x256xf32>
      %eq3A_145 = arith.cmpf oeq, %get3A_140, %eq3A_144 : vector<256x256xf32>
      %convert_element_type3A_146 = arith.extui %eq3A_145 : vector<256x256xi1> to vector<256x256xi32>
      %convert_element_type3A_147 = arith.sitofp %convert_element_type3A_146 : vector<256x256xi32> to vector<256x256xf32>
      %reduce_sum3A_148 = arith.constant dense<0.000000e+00> : vector<256xf32>
      %reduce_sum3A_149 = vector.multi_reduction <add>, %convert_element_type3A_147, %reduce_sum3A_148 [1] : vector<256x256xf32> to vector<256xf32>
      %broadcast_in_dim3A_150 = vector.shape_cast %reduce_sum3A_149 : vector<256xf32> to vector<256x1xf32>
      %broadcast_in_dim3A_151 = vector.broadcast %scan3A : f32 to vector<256x256xf32>
      %select_n3A_152 = arith.select %eq3A_145, %broadcast_in_dim3A_151, %get3A_140 : vector<256x256xi1>, vector<256x256xf32>
      %swap3A_153 = arith.constant 0 : index
      %swap3A_154 = arith.constant 0 : index
      %swap3A_155 = vector.load %arg5[%swap3A_153, %swap3A_154] : memref<256x256xf32, #tpu.memory_space<vmem>>, vector<256x256xf32>
      tpu.vector_store %arg5[%swap3A_153, %swap3A_154], %select_n3A_152 {strides = array<i32>} : memref<256x256xf32, #tpu.memory_space<vmem>>, vector<256x256xf32>,
      %ge3A = vector.broadcast %convert_element_type3A_32 : vector<1x21xf32> to vector<256x21xf32>
      %ge3A_156 = vector.broadcast %scan3A_136 : vector<256x1xf32> to vector<256x21xf32>
      %ge3A_157 = arith.cmpf oge, %ge3A, %ge3A_156 : vector<256x21xf32>
      %add3A_158 = arith.addf %scan3A_136, %broadcast_in_dim3A_150 : vector<256x1xf32>
      %lt3A_159 = vector.broadcast %convert_element_type3A_32 : vector<1x21xf32> to vector<256x21xf32>
      %lt3A_160 = vector.broadcast %add3A_158 : vector<256x1xf32> to vector<256x21xf32>
      %lt3A_161 = arith.cmpf olt, %lt3A_159, %lt3A_160 : vector<256x21xf32>
      %and3A_162 = arith.andi %ge3A_157, %lt3A_161 : vector<256x21xi1>
      %jit3A_163 = arith.constant 0.000000e+00 : f32
      %broadcast_in_dim3A_164 = vector.shape_cast %div3A_41 : vector<1x21xf32> to vector<1x21xf32>
      %broadcast_in_dim3A_165 = vector.broadcast %broadcast_in_dim3A_164 : vector<1x21xf32> to vector<256x21xf32>
      %broadcast_in_dim3A_166 = vector.broadcast %jit3A_163 : f32 to vector<256x21xf32>
      %select_n3A_167 = arith.select %and3A_162, %broadcast_in_dim3A_165, %broadcast_in_dim3A_166 : vector<256x21xi1>, vector<256x21xf32>
      %reduce_sum3A_168 = arith.constant dense<0.000000e+00> : vector<256xf32>
      %reduce_sum3A_169 = vector.multi_reduction <add>, %select_n3A_167, %reduce_sum3A_168 [1] : vector<256x21xf32> to vector<256xf32>
      %broadcast_in_dim3A_170 = vector.shape_cast %reduce_sum3A_169 : vector<256xf32> to vector<256x1xf32>
      %sub3A_171 = arith.subf %broadcast_in_dim3A_9, %broadcast_in_dim3A_143 : vector<256x1xf32>
      %neg3A = arith.constant 0.000000e+00 : f32
      %neg3A_172 = vector.broadcast %neg3A : f32 to vector<256x1xf32>
      %neg3A_173 = arith.subf %neg3A_172, %sub3A_171 : vector<256x1xf32>
      %max3A_174 = arith.constant 0.000000e+00 : f32
      %max3A_175 = vector.broadcast %max3A_174 : f32 to vector<256x1xf32>
      %max3A_176 = arith.maximumf %neg3A_173, %max3A_175 : vector<256x1xf32>
      %abs3A = math.absf %sub3A_171 : vector<256x1xf32>
      %neg3A_177 = arith.constant 0.000000e+00 : f32
      %neg3A_178 = vector.broadcast %neg3A_177 : f32 to vector<256x1xf32>
      %neg3A_179 = arith.subf %neg3A_178, %abs3A : vector<256x1xf32>
      %exp3A = math.exp %neg3A_179 : vector<256x1xf32>
      %log1p3A = math.log1p %exp3A : vector<256x1xf32>
      %add3A_180 = arith.addf %max3A_176, %log1p3A : vector<256x1xf32>
      %gt3A_181 = arith.constant 0.000000e+00 : f32
      %gt3A_182 = vector.broadcast %gt3A_181 : f32 to vector<256x1xf32>
      %gt3A_183 = arith.cmpf ogt, %broadcast_in_dim3A_170, %gt3A_182 : vector<256x1xf32>
      %mul3A_184 = arith.mulf %add3A_180, %broadcast_in_dim3A_170 : vector<256x1xf32>
      %jit3A_185 = arith.constant 0.000000e+00 : f32
      %broadcast_in_dim3A_186 = vector.broadcast %jit3A_185 : f32 to vector<256x1xf32>
      %select_n3A_187 = arith.select %gt3A_183, %mul3A_184, %broadcast_in_dim3A_186 : vector<256x1xi1>, vector<256x1xf32>
      %add3A_188 = arith.addf %scan3A_137, %select_n3A_187 : vector<256x1xf32>
      %add3A_189 = arith.addf %scan3A_136, %broadcast_in_dim3A_150 : vector<256x1xf32>
      scf.yield %add3A_189, %add3A_188 : vector<256x1xf32>, vector<256x1xf32>
    }
    %sub3A = arith.subf %scan3A_75#1, %select_n3A_61 : vector<256x1xf32>
    %lt3A_76 = arith.constant 2.100000e+01 : f32
    %lt3A_77 = vector.broadcast %lt3A_76 : f32 to vector<256x1xf32>
    %lt3A_78 = arith.cmpf olt, %broadcast_in_dim3A_23, %lt3A_77 : vector<256x1xf32>
    %gt3A_79 = arith.constant 2.400000e+02 : f32
    %gt3A_80 = vector.broadcast %gt3A_79 : f32 to vector<256x1xf32>
    %gt3A_81 = arith.cmpf ogt, %broadcast_in_dim3A_23, %gt3A_80 : vector<256x1xf32>
    %or3A_82 = arith.ori %lt3A_78, %gt3A_81 : vector<256x1xi1>
    %eq3A_83 = arith.constant 0 : i32
    %eq3A_84 = arith.cmpi eq, %arg0, %eq3A_83 : i32
    %convert_element_type3A_85 = arith.extui %eq3A_84 : i1 to i32
    %cond3A = arith.constant 0 : i32
    %cond3A_86 = arith.cmpi ne, %convert_element_type3A_85, %cond3A : i32
    scf.if %cond3A_86 {
      %swap3A_135 = arith.constant 0.000000e+00 : f32
      %swap3A_136 = arith.constant 0 : index
      %swap3A_137 = memref.load %arg6[%swap3A_136] : memref<3xf32, #tpu.memory_space<smem>>
      memref.store %swap3A_135, %arg6[%swap3A_136] : memref<3xf32, #tpu.memory_space<smem>>
      %swap3A_138 = arith.constant 0.000000e+00 : f32
      %swap3A_139 = arith.constant 1 : index
      %swap3A_140 = memref.load %arg6[%swap3A_139] : memref<3xf32, #tpu.memory_space<smem>>
      memref.store %swap3A_138, %arg6[%swap3A_139] : memref<3xf32, #tpu.memory_space<smem>>
      %swap3A_141 = arith.constant 0.000000e+00 : f32
      %swap3A_142 = arith.constant 2 : index
      %swap3A_143 = memref.load %arg6[%swap3A_142] : memref<3xf32, #tpu.memory_space<smem>>
      memref.store %swap3A_141, %arg6[%swap3A_142] : memref<3xf32, #tpu.memory_space<smem>>
    } else {
    }
    %get3A_87 = arith.constant 0 : index
    %get3A_88 = memref.load %arg6[%get3A_87] : memref<3xf32, #tpu.memory_space<smem>>
    %reduce_sum3A_89 = vector.shape_cast %sub3A : vector<256x1xf32> to vector<1x256x1xf32>
    %reduce_sum3A_90 = arith.constant dense<0.000000e+00> : vector<1xf32>
    %reduce_sum3A_91 = vector.multi_reduction <add>, %reduce_sum3A_89, %reduce_sum3A_90 [1, 2] : vector<1x256x1xf32> to vector<1xf32>
    %reduce_sum3A_92 = vector.shape_cast %reduce_sum3A_91 : vector<1xf32> to vector<1x1x1xf32>
    %reduce_sum3A_93 = vector.extract %reduce_sum3A_92[0, 0, 0] : f32 from vector<1x1x1xf32>
    %add3A_94 = arith.addf %get3A_88, %reduce_sum3A_93 : f32
    %swap3A_95 = arith.constant 0 : index
    %swap3A_96 = memref.load %arg6[%swap3A_95] : memref<3xf32, #tpu.memory_space<smem>>
    memref.store %add3A_94, %arg6[%swap3A_95] : memref<3xf32, #tpu.memory_space<smem>>
    %get3A_97 = arith.constant 1 : index
    %get3A_98 = memref.load %arg6[%get3A_97] : memref<3xf32, #tpu.memory_space<smem>>
    %reduce_sum3A_99 = vector.shape_cast %select_n3A_66 : vector<256x1xf32> to vector<1x256x1xf32>
    %reduce_sum3A_100 = arith.constant dense<0.000000e+00> : vector<1xf32>
    %reduce_sum3A_101 = vector.multi_reduction <add>, %reduce_sum3A_99, %reduce_sum3A_100 [1, 2] : vector<1x256x1xf32> to vector<1xf32>
    %reduce_sum3A_102 = vector.shape_cast %reduce_sum3A_101 : vector<1xf32> to vector<1x1x1xf32>
    %reduce_sum3A_103 = vector.extract %reduce_sum3A_102[0, 0, 0] : f32 from vector<1x1x1xf32>
    %add3A_104 = arith.addf %get3A_98, %reduce_sum3A_103 : f32
    %swap3A_105 = arith.constant 1 : index
    %swap3A_106 = memref.load %arg6[%swap3A_105] : memref<3xf32, #tpu.memory_space<smem>>
    memref.store %add3A_104, %arg6[%swap3A_105] : memref<3xf32, #tpu.memory_space<smem>>
    %get3A_107 = arith.constant 2 : index
    %get3A_108 = memref.load %arg6[%get3A_107] : memref<3xf32, #tpu.memory_space<smem>>
    %convert_element_type3A_109 = arith.extui %or3A_82 : vector<256x1xi1> to vector<256x1xi32>
    %convert_element_type3A_110 = arith.sitofp %convert_element_type3A_109 : vector<256x1xi32> to vector<256x1xf32>
    %reduce_sum3A_111 = vector.shape_cast %convert_element_type3A_110 : vector<256x1xf32> to vector<1x256x1xf32>
    %reduce_sum3A_112 = arith.constant dense<0.000000e+00> : vector<1xf32>
    %reduce_sum3A_113 = vector.multi_reduction <add>, %reduce_sum3A_111, %reduce_sum3A_112 [1, 2] : vector<1x256x1xf32> to vector<1xf32>
    %reduce_sum3A_114 = vector.shape_cast %reduce_sum3A_113 : vector<1xf32> to vector<1x1x1xf32>
    %reduce_sum3A_115 = vector.extract %reduce_sum3A_114[0, 0, 0] : f32 from vector<1x1x1xf32>
    %add3A_116 = arith.addf %get3A_108, %reduce_sum3A_115 : f32
    %swap3A_117 = arith.constant 2 : index
    %swap3A_118 = memref.load %arg6[%swap3A_117] : memref<3xf32, #tpu.memory_space<smem>>
    memref.store %add3A_116, %arg6[%swap3A_117] : memref<3xf32, #tpu.memory_space<smem>>
    %get3A_119 = arith.constant 0 : index
    %get3A_120 = memref.load %arg6[%get3A_119] : memref<3xf32, #tpu.memory_space<smem>>
    %get3A_121 = arith.constant 1 : index
    %get3A_122 = memref.load %arg6[%get3A_121] : memref<3xf32, #tpu.memory_space<smem>>
    %max3A = arith.constant 1.000000e+00 : f32
    %max3A_123 = arith.maximumf %get3A_122, %max3A : f32
    %div3A_124 = arith.divf %get3A_120, %max3A_123 : f32
    %broadcast_in_dim3A_125 = vector.broadcast %div3A_124 : f32 to vector<1x1xf32>
    %swap3A_126 = arith.constant 0 : index
    %swap3A_127 = arith.constant 0 : index
    %swap3A_128 = vector.load %arg3[%swap3A_126, %swap3A_127] : memref<1x1xf32, #tpu.memory_space<vmem>>, vector<1x1xf32>
    tpu.vector_store %arg3[%swap3A_126, %swap3A_127], %broadcast_in_dim3A_125 {strides = array<i32>} : memref<1x1xf32, #tpu.memory_space<vmem>>, vector<1x1xf32>,
    %get3A_129 = arith.constant 2 : index
    %get3A_130 = memref.load %arg6[%get3A_129] : memref<3xf32, #tpu.memory_space<smem>>
    %broadcast_in_dim3A_131 = vector.broadcast %get3A_130 : f32 to vector<1x1xf32>
    %swap3A_132 = arith.constant 0 : index
    %swap3A_133 = arith.constant 0 : index
    %swap3A_134 = vector.load %arg4[%swap3A_132, %swap3A_133] : memref<1x1xf32, #tpu.memory_space<vmem>>, vector<1x1xf32>
    tpu.vector_store %arg4[%swap3A_132, %swap3A_133], %broadcast_in_dim3A_131 {strides = array<i32>} : memref<1x1xf32, #tpu.memory_space<vmem>>, vector<1x1xf32>,
    return
  }
  func.func @transform_0(%arg0: i32) -> (i32, i32) {
    %c0_i32 = arith.constant 0 : i32
    %c0_i32_0 = arith.constant 0 : i32
    return %arg0, %c0_i32 : i32, i32
  }
  func.func @transform_1(%arg0: i32) -> (i32, i32) {
    %c0_i32 = arith.constant 0 : i32
    %c0_i32_0 = arith.constant 0 : i32
    return %arg0, %c0_i32 : i32, i32
  }
  func.func @transform_2(%arg0: i32) -> (i32, i32) {
    %c0_i32 = arith.constant 0 : i32
    %c0_i32_0 = arith.constant 0 : i32
    %c0_i32_1 = arith.constant 0 : i32
    return %c0_i32, %c0_i32_0 : i32, i32
  }
  func.func @transform_3(%arg0: i32) -> (i32, i32) {
    %c0_i32 = arith.constant 0 : i32
    %c0_i32_0 = arith.constant 0 : i32
    %c0_i32_1 = arith.constant 0 : i32
    return %c0_i32, %c0_i32_0 : i32, i32
  }
}

</mosaic_0001>

<sc_bundles>
// kernel: kernel.4.cloned.1.call-start
scs
__scs_entry_jumppad:
0x0: {  	(pc) =	sbr.rel $0x88, $3  }
0x1: {  	(tag) =	ssettag $0x0;
	lr =	simm.s32 $0x1  }
0x2: {  	[smem:$0x3FA0] =	sst lr;
	_ =	strace $0xD0000000  }
0x3: {  	_ = 	snop  }
0x4: {  	_ = 	snop  }
0x5: {  	_ = 	snop  }
0x6: {  	_ = 	snop  }
0x7: {  	_ = 	snop  }
__scs_overlays_trampoline_lowered:
0x8: {  	[smem:$0x3FAF] =	sst s0  }
0x9: {  	[smem:$0x3FB0] =	sst s1  }
0xa: {  	[smem:$0x3FB1] =	sst s2  }
0xb: {  	[smem:$0x3FB2] =	sst s3  }
0xc: {  	[smem:$0x3FB3] =	sst s4  }
0xd: {  	[smem:$0x3FB4] =	sst s5  }
0xe: {  	[smem:$0x3FB5] =	sst s6  }
0xf: {  	[smem:$0x3FB6] =	sst s7  }
0x10: {  	[smem:$0x3FB7] =	sst s8  }
0x11: {  	[smem:$0x3FB8] =	sst s9;
	s0 =	simm.s32 @!p0 $0x0  }
0x12: {  	s1 =	sld [smem:$0x3F9E];
	s0 =	simm.s32 @p0 $0x1  }
0x13: {  	[smem:$0x3FB9] =	sst s0;
	s0 =	simm.s32 @!p1 $0x0  }
0x14: {  	s2 =	sld [smem:$0x3F9D];
	s0 =	simm.s32 @p1 $0x1  }
0x15: {  	[smem:$0x3FBA] =	sst s0;
	s0 =	simm.s32 @!p2 $0x0  }
0x16: {  	s3 =	sld [smem:$0x3FDB];
	s0 =	simm.s32 @p2 $0x1  }
0x17: {  	s4 =	simm.s32 $0x1BF5;
	[smem:$0x3FBC] =	sst s0  }
0x18: {  	s0 =	sld [smem:$0x3F9F];
	_ =	swait.ge [sflag:s4], $0x0  }
0x19: {  	s7 =	sld [smem:$0x3FA0]  }
0x1a: {  	s8 =	sadd.s32 $0xFFFFE003, lr  }
0x1b: {  	s9 =	sadd.s32 $0xFFFFFEF7, lr;
	s5 =	simm.s32 $0xFFFFFFFF;
	p2 =	slt.u32 s8, $0xFFFFF086  }
0x1c: {  	p1 =	slt.u32 s9, $0xF7A;
	s5 =	simm.s32 @!p2 $0x0  }
0x1d: {  	s5 =	simm.s32 @p1 $0x1;
	p0 =	seq.s32 s7, s2  }
0x1e: {  	s7 =	smul.u32 @!p0 $0xF7A, s2;
	p2 =	seq.s32 @!p0 s5, $0x0  }
0x1f: {  	s9 =	smul.u32 $0xF7A, s1;
	s8 =	simm.s32 @!p0 $0x1BF5;
	p2 =	por !p2, p0  }
0x20: {  	[sflag:s8] =	ssyncset.s32 @!p0 $0xFFFFF086;
	s6 =	sadd.s32 @!p0 s3, s7;
	s7 =	simm.s32 @!p0 $0x108  }
0x21: {  	s3 =	sadd.s32 s3, s9;
	s6 =	sadd.s32 @!p0 $0x88, s6;
	s7 =	simm.s32 @p2 $0x1082  }
0x22: {  	[simem:s7], [sflag:s8] =	dma.local @!p0 [hbm:s6], $0xF7A  }
0x23: {  	s9 =	sor.u32 $0xD0000000, s2;
	s6 =	simm.s32 $0x108;
	_ =	swait.ge @!p0 [sflag:s8], $0x0  }
0x24: {  	s3 =	sadd.s32 $0x88, s3;
	s6 =	simm.s32 @!p1 $0x1082;
	[sflag:s4] =	ssyncset.s32 $0xFFFFF086  }
0x25: {  	[simem:s6], [sflag:s4] =	dma.local [hbm:s3], $0xF7A  }
0x26: {  	[smem:$0x3FA0] =	sst s1;
	(tag) =	ssettag s2;
	_ =	strace s9  }
0x27: {  	s1 =	sld [smem:$0x3FB0]  }
0x28: {  	s2 =	sld [smem:$0x3FB1]  }
0x29: {  	s4 =	sld [smem:$0x3FB3]  }
0x2a: {  	p0 =	seq.s32 s5, $0x0;
	s5 =	sld [smem:$0x3FB4]  }
0x2b: {  	s6 =	sld [smem:$0x3FB5]  }
0x2c: {  	s7 =	sld [smem:$0x3FB6]  }
0x2d: {  	s3 =	simm.s32 $0x108;
	s8 =	sld [smem:$0x3FB7]  }
0x2e: {  	s3 =	simm.s32 @!p0 $0x1082;
	s9 =	sld [smem:$0x3FB8]  }
0x2f: {  	lr =	sadd.s32 s0, s3;
	s0 =	sld [smem:$0x3FAF]  }
0x30: {  	s3 =	sld [smem:$0x3FB2]  }
0x31: {  	[smem:$0x3FBB] =	sst s10  }
0x32: {  	s10 =	sld [smem:$0x3FB9];
	_ =	sdelay $0x3  }
0x33: {  	p0 =	seq.s32 s10, $0x1;
	s10 =	sld [smem:$0x3FBB];
	_ =	sdelay $0x3  }
0x34: {  	[smem:$0x3FBB] =	sst s10  }
0x35: {  	s10 =	sld [smem:$0x3FBA];
	_ =	sdelay $0x3  }
0x36: {  	p1 =	seq.s32 s10, $0x1;
	s10 =	sld [smem:$0x3FBB];
	_ =	sdelay $0x3  }
0x37: {  	[smem:$0x3FBB] =	sst s10  }
0x38: {  	s10 =	sld [smem:$0x3FBC]  }
0x39: {  	_ = 	snop;
	(pc) =	sbr.ind lr, $3  }
0x3a: {  	_ = 	snop  }
0x3b: {  	_ = 	snop  }
0x3c: {  	p2 =	seq.s32 s10, $0x1;
	s10 =	sld [smem:$0x3FBB]  }
0x3d: {  	_ =	shalt  }
0x3e: {  	_ =	shalt  }
0x3f: {  	_ =	shalt  }
0x40: {  	_ =	shalt  }
0x41: {  	_ =	shalt  }
0x42: {  	_ =	shalt  }
0x43: {  	_ =	shalt  }
0x44: {  	_ =	shalt  }
0x45: {  	_ =	shalt  }
0x46: {  	_ =	shalt  }
0x47: {  	_ =	shalt  }
0x48: {  	_ =	shalt  }
0x49: {  	_ =	shalt  }
0x4a: {  	_ =	shalt  }
0x4b: {  	_ =	shalt  }
0x4c: {  	_ =	shalt  }
0x4d: {  	_ =	shalt  }
0x4e: {  	_ =	shalt  }
0x4f: {  	_ =	shalt  }
0x50: {  	_ =	shalt  }
0x51: {  	_ =	shalt  }
0x52: {  	_ =	shalt  }
0x53: {  	_ =	shalt  }
0x54: {  	_ =	shalt  }
0x55: {  	_ =	shalt  }
0x56: {  	_ =	shalt  }
0x57: {  	_ =	shalt  }
0x58: {  	_ =	shalt  }
0x59: {  	_ =	shalt  }
0x5a: {  	_ =	shalt  }
0x5b: {  	_ =	shalt  }
0x5c: {  	_ =	shalt  }
0x5d: {  	_ =	shalt  }
0x5e: {  	_ =	shalt  }
0x5f: {  	_ =	shalt  }
0x60: {  	_ =	shalt  }
0x61: {  	_ =	shalt  }
0x62: {  	_ =	shalt  }
0x63: {  	_ =	shalt  }
0x64: {  	_ =	shalt  }
0x65: {  	_ =	shalt  }
0x66: {  	_ =	shalt  }
0x67: {  	_ =	shalt  }
0x68: {  	_ =	shalt  }
0x69: {  	_ =	shalt  }
0x6a: {  	_ =	shalt  }
0x6b: {  	_ =	shalt  }
0x6c: {  	_ =	shalt  }
0x6d: {  	_ =	shalt  }
0x6e: {  	_ =	shalt  }
0x6f: {  	_ =	shalt  }
0x70: {  	_ =	shalt  }
0x71: {  	_ =	shalt  }
0x72: {  	_ =	shalt  }
0x73: {  	_ =	shalt  }
0x74: {  	_ =	shalt  }
0x75: {  	_ =	shalt  }
0x76: {  	_ =	shalt  }
0x77: {  	_ =	shalt  }
0x78: {  	_ =	shalt  }
0x79: {  	_ =	shalt  }
0x7a: {  	_ =	shalt  }
0x7b: {  	_ =	shalt  }
0x7c: {  	_ =	shalt  }
0x7d: {  	_ =	shalt  }
0x7e: {  	_ =	shalt  }
0x7f: {  	_ =	shalt  }
0x80: {  	_ =	shalt  }
0x81: {  	_ =	shalt  }
0x82: {  	_ =	shalt  }
0x83: {  	_ =	shalt  }
0x84: {  	_ =	shalt  }
0x85: {  	_ =	shalt  }
0x86: {  	_ =	shalt  }
0x87: {  	_ =	shalt  }
.Lfunc_end0:
.L_simem_size_0:
called_computation_lowered:
.L_overlay_start_0:
0x88: {  	s2 =	sld [smem:$0x3FD9]  }
0x89: {  	s3 =	sld [smem:$0x3FFE];
	_ =	sdelay $0x1  }
0x8a: {  	s1 =	srdreg.scid  }
0x8b: {  	s0 =	sand.u32 $0x1, s1  }
0x8c: {  	s17 =	sshll.u32 s0, $0xA;
	s2 =	sadd.s32 s3, s2  }
0x8d: {  	s2 =	sadd.s32 s2, s17  }
0x8e: {  	[smem:$0x3FC7] =	sst s2  }
0x8f: {  	_ = 	snop  }
0x90: {  	s2 =	sld [smem:$0x3FC9];
	(tm) =	ssettm $0x1  }
0x91: {  	s18 =	sld [smem:$0x3FFB];
	_ =	sdelay $0x3  }
0x92: {  	_ =	strace s18  }
0x93: {  	s3 =	sld [smem:$0x3FFC];
	_ =	sdelay $0x3  }
0x94: {  	_ =	strace s3  }
0x95: {  	s3 =	sld [smem:$0x3FFD];
	_ =	sdelay $0x3  }
0x96: {  	_ =	strace s3  }
0x97: {  	_ =	strace $0x8FFFFFFF  }
0x98: {  	s19 =	sld [smem:$0x3FDB];
	_ =	sdelay $0x1  }
0x99: {  	s4 =	simm.s32 $_scs_section_size  }
0x9a: {  	s5 =	simm.s32 $_size__tile_overlayer_lowered;
	s6 =	simm.s32 $_tile_overlayer_lowered  }
0x9b: {  	s22 =	simm.s32 $0x1BFF;
	s21 =	sshll.u32 s6, $0x1;
	s3 =	sadd.s32 s4, s19  }
0x9c: {  	s7 =	simm.s32 $0x0;
	s20 =	sshll.u32 s5, $0x1;
	s5 =	sadd.s32 s21, s3  }
0x9d: {  	[timem:s7], [sflag:s22] =	dma.local [hbm:s5], s20  }
0x9e: {  	_ =	swait.ge [sflag:s22], s20  }
0x9f: {  	s4 =	ssub.s32 $0x0, s20;
	[sflag:s22] =	ssyncset.done $0x0  }
0xa0: {  	[sflag:s22] =	ssyncadd.s32 s4;
	_ =	sdelay $0x1  }
0xa1: {  	s23 =	simm.s32 $0x1B8B  }
0xa2: {  	_ =	swait.ge [sflag:s23], $0x1  }
0xa3: {  	[sflag:s23] =	ssyncset.done $0x0  }
0xa4: {  	s25 =	simm.s32 $0x1B8E;
	s24 =	sld [smem:$0x3FFE];
	[sflag:s23] =	ssyncadd.s32 $0xFFFFFFFF  }
0xa5: {  	s26 =	simm.s32 $execute0_lowered;
	[smem:$0x3FD2] =	sst s25  }
0xa6: {  	s5 =	sshll.u32 s26, $0x1;
	_ =	strace $0x80000046;
	[dreg:$0x1] =	wrdreg $0xFFFFFFFF  }
0xa7: {  	s28 =	simm.s32 $_size_execute0_lowered;
	s3 =	sadd.s32 s3, s5;
	[dreg:$0x0] =	wrdreg $0x0  }
0xa8: {  	s5 =	sshll.u32 s28, $0x1;
	[dreg:$0x2] =	wrdreg s3  }
0xa9: {  	[dreg:$0x3] =	wrdreg s5  }
0xaa: {  	[dreg:$0x4] =	wrdreg $0xC0  }
0xab: {  	_ =	task [dreg:s7], $0x5FFFF  }
0xac: {  	[dreg:$0x1] =	wrdreg $0xFFFFFFFF  }
0xad: {  	[dreg:$0x0] =	wrdreg $0x60  }
0xae: {  	[dreg:$0x2] =	wrdreg s2  }
0xaf: {  	[dreg:$0x3] =	wrdreg s24  }
0xb0: {  	[dreg:$0x4] =	wrdreg $0x9  }
0xb1: {  	_ =	task.clear_ibuf [dreg:s7], $0x5FFFF;
	_ =	strace $0x90000046  }
0xb2: {  	s29 =	simm.s32 $0x9;
	_ =	strace $0x80000048  }
0xb3: {  	_ =	swait.ge [sflag:s29], $0x1  }
0xb4: {  	[sflag:s29] =	ssyncadd.s32 $0xFFFFFFFF  }
0xb5: {  	_ =	strace $0x90000048  }
0xb6: {  	_ =	sfence  }
0xb7: {  	s30 =	sld [smem:$0x0];
	_ =	sdelay $0x2  }
0xb8: {  	s31 =	sshll.u32 s1, $0xD;
	s1 =	sshrl.u32 s1, $0x2  }
0xb9: {  	s3 =	sand.u32 $0x4000, s31;
	s1 =	sadd.s32 s1, s30  }
0xba: {  	s0 =	sor.u32 s3, s0;
	s1 =	sshll.u32 s1, $0x11  }
0xbb: {  	s0 =	sor.u32 s1, s0  }
0xbc: {  	s0 =	sadd.s32 $0x8F2B, s0  }
0xbd: {  	[sflag:s0] =	ssyncadd.remote.s32 $0x1  }
0xbe: {  	_ =	sfence.sel $0xFFFF  }
0xbf: {  	[dreg:$0x0] =	wrdreg $0xFFFFFFFF;
	(pc) =	sbr.abs _section_cstart, $3  }
0xc0: {  	[dreg:$0x1] =	wrdreg $0xFFFFFFFF  }
0xc1: {  	_ =	task.clear_ibuf [dreg:s7], $0x2FFFF;
	_ =	strace $0x9FFFFFFF  }
0xc2: {  	(tm) =	ssettm $0x7FFFFFFF  }
0xc3: {  	_ =	shalt  }
tec
execute0_lowered:
.L_overlay_start_1:
0x0: {  	(tag) =	ssettag $0x1  }
0x1: {  	s1 =	rddreg [dreg:$0x0]  }
0x2: {  	s4 =	rddreg [dreg:$0x1];
	s3 =	simm.s32 $0x0;
	s5 =	srdreg.scid  }
0x3: {  	s2 =	stileid.u32;
	s10 =	simm.s32 $0x1;
	s11 =	simm.s32 $0x8000  }
0x4: {  	s12 =	simm.s32 $0x10000;
	s13 =	simm.s32 $0x3;
	s14 =	simm.s32 $0x2  }
0x5: {  	s15 =	simm.s32 $0x0;
	[smem:$0x7FF] =	sst s3;
	s5 =	sand.u32 $0x1, s5  }
0x6: {  	s7 =	sshll.u32 s2, $0x8;
	s6 =	ssub.s32 $0x2, s5;
	s5 =	sshll.u32 s5, $0x7  }
0x7: {  	s4 =	sadd.s32 $0xE00, s4;
	s8 =	sshrl.u32 s6, $0x1;
	s7 =	sor.u32 s5, s7  }
0x8: {  	_ =	strace $0x80000047;
	s8 =	ssub.s32 s6, s8;
	s5 =	sshll.u32 s7, $0x9  }
0x9: {  	s6 =	sor.u32 $0x8, s7;
	s7 =	sshll.u32 s7, $0x5;
	s5 =	sadd.s32 s1, s5  }
0xa: {  	vm0 =	vmxor vm0, vm0;
	s7 =	sadd.s32 s4, s7;
	s8 =	smax.u32 s8, $0x1;
	s9 =	sadd.s32 $0x2000, s5  }
.LBB2_1:
0xb: {  	[tilespmem:s3], [sflag:$0x1] =	stream.linear.gather [hbm4b:s5+s3], $0x8000, $0x38;
	[tilespmem:$0x10800] =	vst v63  }
0xc: {  	s16 =	simm.s32 $0x0  }
.LBB2_2:
0xd: {  	s17 =	sshll.u32 s16, $0x4  }
0xe: {  	_ =	swait.ge [sflag:s10], $0x8000;
	s17 =	sadd.s32 s6, s17  }
0xf: {  	[sflag:s10] =	ssyncset.done $0x0;
	s18 =	sshll.u32 s17, $0x9  }
0x10: {  	[sflag:s10] =	ssyncadd.s32 $0xFFFF8000;
	s19 =	sadd.s32 s1, s18;
	s18 =	simm.s32 $0x0  }
0x11: {  	[tilespmem:s11], [sflag:$0x2] =	stream.linear.gather [hbm4b:s19+s18], $0x8000, $0x38;
	[tilespmem:$0x10800] =	vst v63  }
0x12: {  	s19 =	simm.s32 $0x0  }
0x13: {  	v6 =	vld [tilespmem:s19+$0x0];
	_ =	sdelay $0x1  }
0x14: {  	v5 =	vld [tilespmem:s19+$0x10]  }
0x15: {  	v4 =	vld [tilespmem:s19+$0x20];
	_ =	sdelay $0x1  }
0x16: {  	v3 =	vld [tilespmem:s19+$0x30];
	vm4 =	vgt.f32 v6, $2.000000000e+00  }
0x17: {  	v2 =	vld [tilespmem:s19+$0x40];
	v0 =	vmpcnt.ones.xlane vm4  }
0x18: {  	p0 =	por $0x1, $0x1;
	s22 =	simm.s32 $0x0;
	v1 =	vld [tilespmem:s19+$0x50];
	vm3 =	vgt.f32 v5, $2.000000000e+00  }
0x19: {  	s22 =	simm.s32 @!p0 $0xF0;
	vm1 =	vgt.f32 v4, $2.000000000e+00;
	v8 =	vmpcnt.ones.xlane vm3;
	(v2sf) =	vpush v0, $0x0;
	v0 =	vld [tilespmem:s19+$0x60]  }
0x1a: {  	s20 =	simm.s32 $0x1000;
	s21 =	sshll.u32 s22, $0x3;
	v7 =	vmpcnt.ones.xlane vm1  }
0x1b: {  	p2 =	por $0x1, $0x1;
	s23 =	sand.u32 $0xFFFFFC00, s21;
	s21 =	simm.s32 $0x0;
	vm2 =	vgt.f32 v3, $2.000000000e+00;
	(v2sf) =	vpush v8, $0x0  }
.LBB2_3:
0x1c: {  	p1 =	sne.s32 s20, $0x1F000;
	v8 =	vmpcnt.ones.xlane vm2;
	vm6 =	vgt.f32 v2, $2.000000000e+00;
	(v2sf) =	vpush v7, $0x0;
	s24 =	smov.u32 s20;
	s20 =	sadd.s32 $0x1000, s20  }
0x1d: {  	v7 =	vmpcnt.ones.xlane vm6;
	vm7 =	vgt.f32 v1, $2.000000000e+00  }
0x1e: {  	v9 =	vmpcnt.ones.xlane vm7;
	vm5 =	vgt.f32 v0, $2.000000000e+00;
	(v2sf) =	vpush v8, $0x0  }
0x1f: {  	v8 =	vmpcnt.ones.xlane vm5;
	(v2sf) =	vpush v7, $0x0  }
0x20: {  	(v2sf) =	vpush v9, $0x0  }
0x21: {  	(v2sf) =	vpush v8, $0x0;
	_ =	sdelay $0x2  }
0x22: {  	vm8 =	vmmov vm0  }
0x23: {  	s22 =	sand.u32 $0x7F, s22;
	vm8 =	vmneg @p2 vm8  }
0x24: {  	s22 =	sor.u32 s22, s23;
	vm4 =	vmand vm8, vm4;
	v7 =	vld [tilespmem:s19+$0x70]  }
0x25: {  	s19 =	sshra.s32 s24, $0x2;
	[tilespmem:s22+$0x10000] =	vst.msk vm4, v6;
	_ =	sdelay $0x1  }
0x26: {  	s22 =	spop (v2sf)  }
0x27: {  	s22 =	sadd.s32 s21, s22;
	s21 =	spop (v2sf)  }
0x28: {  	p0 =	slt.s32 s22, $0xF0;
	s23 =	sadd.s32 s22, s21;
	s21 =	spop (v2sf)  }
0x29: {  	vm4 =	vgt.f32 v7, $2.000000000e+00;
	p2 =	slt.s32 s22, $0xF1;
	s22 =	simm.s32 @!p0 $0xF0;
	p0 =	slt.s32 s23, $0xF0  }
0x2a: {  	vm8 =	vmmov vm0;
	v6 =	vmpcnt.ones.xlane vm4;
	s25 =	sadd.s32 s23, s21;
	s26 =	smov.u32 s23;
	s24 =	sshll.u32 s22, $0x3  }
0x2b: {  	vm8 =	vmneg @p2 vm8;
	s21 =	spop (v2sf);
	s26 =	simm.s32 @!p0 $0xF0;
	p0 =	slt.s32 s25, $0xF1  }
0x2c: {  	vm3 =	vmand vm3, vm8;
	s22 =	sand.u32 $0x7F, s22;
	s28 =	sadd.s32 s25, s21;
	s21 =	spop (v2sf);
	(v2sf) =	vpush v6, $0x0  }
0x2d: {  	vm8 =	vmmov vm0;
	s24 =	sand.u32 $0xFFFFFC00, s24;
	s21 =	sadd.s32 s28, s21;
	s29 =	spop (v2sf)  }
0x2e: {  	vm8 =	vmneg @p0 vm8;
	p2 =	slt.s32 s28, $0xF0;
	s31 =	smov.u32 s28;
	s30 =	spop (v2sf)  }
0x2f: {  	vm9 =	vmmov vm0;
	vm8 =	vmand vm2, vm8;
	vm2 =	vmmov vm0;
	s31 =	simm.s32 @!p2 $0xF0;
	p0 =	slt.s32 s21, $0xF1;
	p2 =	slt.s32 s23, $0xF1  }
0x30: {  	s23 =	sand.u32 $0x7F, s26;
	s0 =	sshll.u32 s31, $0x3;
	vm2 =	vmneg @p0 vm2;
	vm9 =	vmneg @p2 vm9  }
0x31: {  	p0 =	slt.s32 s25, $0xF0;
	p2 =	slt.s32 s28, $0xF1;
	s28 =	sadd.s32 s21, s29;
	vm2 =	vmand vm7, vm2;
	vm7 =	vmand vm1, vm9;
	vm1 =	vmmov vm0  }
0x32: {  	s26 =	sshll.u32 s26, $0x3;
	s29 =	sand.u32 $0x7F, s31;
	s25 =	simm.s32 @!p0 $0xF0;
	vm1 =	vmneg @p2 vm1  }
0x33: {  	s26 =	sand.u32 $0xFFFFFC00, s26;
	p0 =	slt.s32 s28, $0xF1;
	s31 =	sshll.u32 s25, $0x3;
	vm6 =	vmand vm6, vm1;
	vm1 =	vmmov vm0  }
0x34: {  	s23 =	sor.u32 s23, s26;
	s0 =	sand.u32 $0xFFFFFC00, s0;
	s26 =	sadd.s32 s28, s30;
	vm1 =	vmneg @p0 vm1  }
0x35: {  	s25 =	sand.u32 $0x7F, s25;
	p2 =	slt.s32 s28, $0xF0;
	p0 =	slt.s32 s21, $0xF0;
	vm1 =	vmand vm5, vm1  }
0x36: {  	s22 =	sor.u32 s22, s24;
	s21 =	simm.s32 @!p0 $0xF0;
	p0 =	slt.s32 s26, $0xF0  }
0x37: {  	s0 =	sor.u32 s29, s0;
	s24 =	sshll.u32 s21, $0x3;
	[tilespmem:s22+$0x10000] =	vst.msk vm3, v5;
	s22 =	sand.u32 $0xFFFFFC00, s31  }
0x38: {  	[tilespmem:s23+$0x10000] =	vst.msk vm7, v4;
	s23 =	smov.u32 s26  }
0x39: {  	s28 =	simm.s32 @!p2 $0xF0;
	s22 =	sor.u32 s25, s22;
	s23 =	simm.s32 @!p0 $0xF0  }
0x3a: {  	s21 =	sand.u32 $0x7F, s21;
	[tilespmem:s22+$0x10000] =	vst.msk vm8, v3;
	s22 =	sand.u32 $0xFFFFFC00, s24;
	s24 =	sshll.u32 s28, $0x3  }
0x3b: {  	p0 =	slt.s32 s26, $0xF1;
	[tilespmem:s0+$0x10000] =	vst.msk vm6, v2;
	s0 =	sor.u32 s21, s22;
	s22 =	sand.u32 $0xFFFFFC00, s24  }
0x3c: {  	[tilespmem:s0+$0x10000] =	vst.msk vm2, v1;
	vm2 =	vmmov vm0  }
0x3d: {  	s24 =	sand.u32 $0x7F, s28;
	s0 =	sshll.u32 s23, $0x3;
	s21 =	spop (v2sf);
	vm2 =	vmneg @p0 vm2  }
0x3e: {  	s24 =	sor.u32 s24, s22;
	s0 =	sand.u32 $0xFFFFFC00, s0;
	s21 =	sadd.s32 s26, s21;
	vm2 =	vmand vm4, vm2  }
0x3f: {  	s23 =	sand.u32 $0x7F, s23;
	p0 =	slt.s32 s21, $0xF0;
	s22 =	smov.u32 s21  }
0x40: {  	p2 =	slt.s32 s21, $0xF1;
	s0 =	sor.u32 s23, s0;
	s22 =	simm.s32 @!p0 $0xF0;
	[tilespmem:s24+$0x10000] =	vst.msk vm1, v0  }
0x41: {  	s23 =	sshll.u32 s22, $0x3;
	[tilespmem:s0+$0x10000] =	vst.msk vm2, v7  }
0x42: {  	s23 =	sand.u32 $0xFFFFFC00, s23;
	v6 =	vld [tilespmem:s19+$0x0]  }
0x43: {  	v5 =	vld [tilespmem:s19+$0x10]  }
0x44: {  	v4 =	vld [tilespmem:s19+$0x20];
	_ =	sdelay $0x1  }
0x45: {  	v3 =	vld [tilespmem:s19+$0x30]  }
.Ltmp0:
0x46: {  	vm4 =	vgt.f32 v6, $2.000000000e+00;
	v2 =	vld [tilespmem:s19+$0x40];
	(pc) =	sbr.rel @p1 .LBB2_3-.Ltmp0, $4  }
0x47: {  	v8 =	vmpcnt.ones.xlane vm4;
	vm3 =	vgt.f32 v5, $2.000000000e+00;
	v1 =	vld [tilespmem:s19+$0x50]  }
0x48: {  	v9 =	vmpcnt.ones.xlane vm3;
	vm1 =	vgt.f32 v4, $2.000000000e+00;
	v0 =	vld [tilespmem:s19+$0x60]  }
0x49: {  	v7 =	vmpcnt.ones.xlane vm1;
	(v2sf) =	vpush v8, $0x0  }
0x4a: {  	vm2 =	vgt.f32 v3, $2.000000000e+00;
	(v2sf) =	vpush v9, $0x0  }
0x4b: {  	v8 =	vmpcnt.ones.xlane vm2  }
0x4c: {  	vm7 =	vgt.f32 v2, $2.000000000e+00;
	(v2sf) =	vpush v7, $0x0  }
0x4d: {  	v59 =	vmpcnt.ones.xlane vm7;
	(v2sf) =	vpush v8, $0x0  }
0x4e: {  	vm6 =	vgt.f32 v1, $2.000000000e+00  }
0x4f: {  	v60 =	vmpcnt.ones.xlane vm6;
	vm5 =	vgt.f32 v0, $2.000000000e+00;
	(v2sf) =	vpush v59, $0x0  }
0x50: {  	v61 =	vmpcnt.ones.xlane vm5  }
0x51: {  	(v2sf) =	vpush v60, $0x0  }
0x52: {  	(v2sf) =	vpush v61, $0x0;
	_ =	sdelay $0x5  }
0x53: {  	s25 =	sand.u32 $0x7F, s22;
	s0 =	spop (v2sf)  }
0x54: {  	v62 =	vld [tilespmem:s19+$0x70];
	s19 =	sor.u32 s25, s23;
	s0 =	sadd.s32 s21, s0;
	s20 =	spop (v2sf)  }
0x55: {  	p0 =	slt.s32 s0, $0xF0;
	s20 =	sadd.s32 s0, s20;
	p3 =	slt.s32 s0, $0xF1  }
0x56: {  	s26 =	spop (v2sf);
	s0 =	simm.s32 @!p0 $0xF0;
	p0 =	slt.s32 s20, $0xF0  }
0x57: {  	s21 =	sadd.s32 s20, s26;
	s24 =	smov.u32 s20;
	s28 =	spop (v2sf)  }
0x58: {  	s29 =	sshll.u32 s0, $0x3;
	s24 =	simm.s32 @!p0 $0xF0;
	p6 =	slt.s32 s21, $0xF1  }
0x59: {  	vm8 =	vgt.f32 v62, $2.000000000e+00;
	s0 =	sand.u32 $0x7F, s0;
	s22 =	sadd.s32 s21, s28;
	s25 =	spop (v2sf)  }
0x5a: {  	v63 =	vmpcnt.ones.xlane vm8;
	s23 =	sand.u32 $0xFFFFFC00, s29;
	s30 =	sshll.u32 s24, $0x3;
	s24 =	sand.u32 $0x7F, s24  }
0x5b: {  	s25 =	sadd.s32 s22, s25;
	s26 =	spop (v2sf);
	p0 =	slt.s32 s22, $0xF0  }
0x5c: {  	(v2sf) =	vpush v63, $0x0;
	p4 =	slt.s32 s22, $0xF1;
	s0 =	sor.u32 s0, s23;
	s28 =	spop (v2sf)  }
0x5d: {  	vm9 =	vmmov vm0;
	s22 =	simm.s32 @!p0 $0xF0;
	p1 =	slt.s32 s25, $0xF1;
	p0 =	slt.s32 s21, $0xF0  }
0x5e: {  	vm9 =	vmneg @p2 vm9;
	s26 =	sadd.s32 s25, s26;
	p2 =	slt.s32 s25, $0xF0;
	s21 =	simm.s32 @!p0 $0xF0  }
0x5f: {  	p0 =	slt.s32 s20, $0xF1;
	s29 =	sshll.u32 s22, $0x3;
	s20 =	sand.u32 $0xFFFFFC00, s30  }
0x60: {  	s22 =	sand.u32 $0x7F, s22;
	p5 =	slt.s32 s26, $0xF1;
	s28 =	sadd.s32 s26, s28  }
0x61: {  	vm10 =	vmmov vm0;
	s25 =	simm.s32 @!p2 $0xF0;
	p2 =	slt.s32 s26, $0xF0;
	s20 =	sor.u32 s24, s20  }
0x62: {  	vm4 =	vmand vm9, vm4;
	vm9 =	vmmov vm0;
	vm10 =	vmneg @p3 vm10;
	s31 =	sshll.u32 s21, $0x3;
	s29 =	sand.u32 $0xFFFFFC00, s29;
	s21 =	sand.u32 $0x7F, s21  }
0x63: {  	[tilespmem:s19+$0x10000] =	vst.msk vm4, v6;
	vm4 =	vmmov vm0;
	vm3 =	vmand vm3, vm10;
	vm9 =	vmneg @p0 vm9;
	s26 =	simm.s32 @!p2 $0xF0;
	p0 =	slt.s32 s28, $0xF0;
	p2 =	slt.s32 s28, $0xF1  }
0x64: {  	vm4 =	vmneg @p6 vm4;
	[tilespmem:s0+$0x10000] =	vst.msk vm3, v5;
	s24 =	sand.u32 $0xFFFFFC00, s31;
	vm1 =	vmand vm1, vm9;
	vm9 =	vmmov vm0;
	s30 =	sor.u32 s22, s29;
	s31 =	sshll.u32 s25, $0x3  }
0x65: {  	vm2 =	vmand vm2, vm4;
	vm3 =	vmmov vm0;
	s23 =	sshll.u32 s26, $0x3;
	s28 =	simm.s32 @!p0 $0xF0;
	s19 =	sor.u32 s21, s24;
	vm9 =	vmneg @p4 vm9;
	[tilespmem:s20+$0x10000] =	vst.msk vm1, v4  }
0x66: {  	vm4 =	vmmov vm0;
	vm3 =	vmneg @p1 vm3;
	s26 =	sand.u32 $0x7F, s26;
	s21 =	sand.u32 $0x7F, s25;
	s22 =	sand.u32 $0xFFFFFC00, s31;
	vm1 =	vmand vm7, vm9;
	[tilespmem:s19+$0x10000] =	vst.msk vm2, v3  }
0x67: {  	vm4 =	vmneg @p5 vm4;
	s24 =	sand.u32 $0xFFFFFC00, s23;
	s25 =	sshll.u32 s28, $0x3;
	s20 =	sor.u32 s21, s22;
	vm2 =	vmand vm6, vm3;
	[tilespmem:s30+$0x10000] =	vst.msk vm1, v2;
	vm1 =	vmmov vm0  }
0x68: {  	s29 =	sand.u32 $0x7F, s28;
	vm3 =	vmand vm5, vm4;
	s19 =	sand.u32 $0xFFFFFC00, s25;
	s0 =	sor.u32 s26, s24;
	[tilespmem:s20+$0x10000] =	vst.msk vm2, v1;
	vm1 =	vmneg @p2 vm1  }
0x69: {  	p0 =	por $0x1, $0x1;
	s21 =	simm.s32 $0x0;
	s30 =	sor.u32 s29, s19;
	vm1 =	vmand vm8, vm1;
	[tilespmem:s0+$0x10000] =	vst.msk vm3, v0  }
0x6a: {  	p1 =	por $0x1, $0x1;
	s19 =	simm.s32 $0x0;
	s21 =	simm.s32 @!p0 $0xF0;
	[tilespmem:s30+$0x10000] =	vst.msk vm1, v62  }
0x6b: {  	s20 =	simm.s32 $0x1000;
	s22 =	sshll.u32 s21, $0x3;
	s31 =	spop (v2sf);
	v1 =	vld [tilespmem:s19+$0x80]  }
.LBB2_5:
0x6c: {  	p0 =	sne.s32 s20, $0x1F000;
	v3 =	vld [tilespmem:s19+$0x90];
	s0 =	smov.u32 s20;
	s20 =	sadd.s32 $0x1000, s20  }
0x6d: {  	v4 =	vld [tilespmem:s19+$0xA0];
	_ =	sdelay $0x2  }
0x6e: {  	vm1 =	vgt.f32 v1, $2.000000000e+00  }
0x6f: {  	v0 =	vmpcnt.ones.xlane vm1;
	vm7 =	vgt.f32 v3, $2.000000000e+00  }
0x70: {  	v2 =	vmpcnt.ones.xlane vm7;
	vm6 =	vgt.f32 v4, $2.000000000e+00;
	v5 =	vld [tilespmem:s19+$0xB0]  }
0x71: {  	v6 =	vmpcnt.ones.xlane vm6;
	(v2sf) =	vpush v0, $0x0  }
0x72: {  	v7 =	vld [tilespmem:s19+$0xC0];
	(v2sf) =	vpush v2, $0x0  }
0x73: {  	(v2sf) =	vpush v6, $0x0;
	_ =	sdelay $0x1  }
0x74: {  	s0 =	sshra.s32 s0, $0x2;
	vm4 =	vgt.f32 v5, $2.000000000e+00  }
0x75: {  	v2 =	vmpcnt.ones.xlane vm4  }
0x76: {  	vm2 =	vmmov vm0;
	vm5 =	vgt.f32 v7, $2.000000000e+00;
	v6 =	vld [tilespmem:s19+$0xD0]  }
0x77: {  	s21 =	sand.u32 $0x7F, s21;
	s22 =	sand.u32 $0xFFFFFC00, s22;
	vm2 =	vmneg @p1 vm2;
	v8 =	vmpcnt.ones.xlane vm5;
	v0 =	vld [tilespmem:s19+$0xF0];
	(v2sf) =	vpush v2, $0x0  }
0x78: {  	s21 =	sor.u32 s21, s22;
	vm1 =	vmand vm2, vm1;
	v2 =	vld [tilespmem:s19+$0xE0];
	s19 =	smov.u32 s0  }
0x79: {  	[tilespmem:s21+$0x10080] =	vst.msk vm1, v1;
	(v2sf) =	vpush v8, $0x0;
	_ =	sdelay $0x1  }
0x7a: {  	vm3 =	vgt.f32 v6, $2.000000000e+00  }
0x7b: {  	v1 =	vmpcnt.ones.xlane vm3  }
0x7c: {  	vm2 =	vgt.f32 v2, $2.000000000e+00  }
0x7d: {  	v8 =	vmpcnt.ones.xlane vm2;
	(v2sf) =	vpush v1, $0x0  }
0x7e: {  	s0 =	spop (v2sf)  }
0x7f: {  	s0 =	sadd.s32 s18, s0  }
0x80: {  	s18 =	spop (v2sf);
	(v2sf) =	vpush v8, $0x0;
	p1 =	slt.s32 s0, $0xF0  }
0x81: {  	s18 =	sadd.s32 s0, s18;
	s21 =	spop (v2sf);
	s22 =	smov.u32 s0  }
0x82: {  	vm1 =	vgt.f32 v0, $2.000000000e+00;
	p3 =	slt.s32 s0, $0xF1;
	s22 =	simm.s32 @!p1 $0xF0;
	p2 =	slt.s32 s18, $0xF0  }
0x83: {  	v1 =	vmpcnt.ones.xlane vm1;
	p1 =	slt.s32 s18, $0xF1;
	s0 =	sadd.s32 s18, s21;
	s18 =	simm.s32 @!p2 $0xF0  }
0x84: {  	vm8 =	vmmov vm0;
	s21 =	sshll.u32 s22, $0x3;
	p2 =	slt.s32 s0, $0xF1;
	s23 =	sshll.u32 s18, $0x3  }
0x85: {  	vm8 =	vmneg @p3 vm8;
	p3 =	slt.s32 s0, $0xF0;
	(v2sf) =	vpush v1, $0x0;
	s18 =	sand.u32 $0x7F, s18;
	s23 =	sand.u32 $0xFFFFFC00, s23  }
0x86: {  	vm7 =	vmand vm7, vm8;
	s22 =	sand.u32 $0x7F, s22;
	s18 =	sor.u32 s18, s23;
	s23 =	smov.u32 s0  }
0x87: {  	vm9 =	vmmov vm0;
	vm8 =	vmmov vm0;
	s21 =	sand.u32 $0xFFFFFC00, s21;
	s24 =	spop (v2sf);
	s23 =	simm.s32 @!p3 $0xF0  }
0x88: {  	vm8 =	vmneg @p1 vm8;
	vm9 =	vmneg @p2 vm9;
	s21 =	sor.u32 s22, s21;
	s0 =	sadd.s32 s0, s24;
	s24 =	sshll.u32 s23, $0x3  }
0x89: {  	vm6 =	vmand vm6, vm8;
	p1 =	slt.s32 s0, $0xF0;
	s22 =	smov.u32 s0;
	s25 =	spop (v2sf)  }
0x8a: {  	s22 =	simm.s32 @!p1 $0xF0;
	p1 =	slt.s32 s0, $0xF1  }
0x8b: {  	[tilespmem:s21+$0x10080] =	vst.msk vm7, v3;
	vm7 =	vmmov vm0  }
0x8c: {  	s0 =	sadd.s32 s0, s25;
	s21 =	sand.u32 $0x7F, s23;
	s23 =	sand.u32 $0xFFFFFC00, s24;
	vm7 =	vmneg @p1 vm7  }
0x8d: {  	vm4 =	vmand vm4, vm9;
	p1 =	slt.s32 s0, $0xF0;
	[tilespmem:s18+$0x10080] =	vst.msk vm6, v4;
	s18 =	sor.u32 s21, s23;
	vm5 =	vmand vm5, vm7;
	s21 =	sshll.u32 s22, $0x3  }
0x8e: {  	[tilespmem:s18+$0x10080] =	vst.msk vm4, v5;
	s18 =	sand.u32 $0x7F, s22;
	s21 =	sand.u32 $0xFFFFFC00, s21  }
0x8f: {  	p2 =	slt.s32 s0, $0xF1;
	vm4 =	vmmov vm0;
	s18 =	sor.u32 s18, s21;
	s21 =	smov.u32 s0  }
0x90: {  	vm4 =	vmneg @p2 vm4;
	s22 =	spop (v2sf);
	s21 =	simm.s32 @!p1 $0xF0  }
0x91: {  	s0 =	sadd.s32 s0, s22;
	[tilespmem:s18+$0x10080] =	vst.msk vm5, v7;
	s18 =	sand.u32 $0x7F, s21;
	s21 =	sshll.u32 s21, $0x3  }
0x92: {  	p1 =	slt.s32 s0, $0xF0;
	s21 =	sand.u32 $0xFFFFFC00, s21;
	s22 =	spop (v2sf)  }
0x93: {  	s18 =	sor.u32 s18, s21;
	s21 =	smov.u32 s0;
	s22 =	sadd.s32 s0, s22  }
0x94: {  	vm3 =	vmand vm3, vm4;
	s21 =	simm.s32 @!p1 $0xF0;
	p1 =	slt.s32 s0, $0xF1;
	p2 =	slt.s32 s22, $0xF0  }
0x95: {  	[tilespmem:s18+$0x10080] =	vst.msk vm3, v6;
	s0 =	sshll.u32 s21, $0x3;
	vm3 =	vmmov vm0;
	s18 =	sand.u32 $0x7F, s21;
	s21 =	smov.u32 s22  }
0x96: {  	vm3 =	vmneg @p1 vm3;
	s0 =	sand.u32 $0xFFFFFC00, s0;
	s21 =	simm.s32 @!p2 $0xF0;
	p1 =	slt.s32 s22, $0xF1  }
0x97: {  	vm2 =	vmand vm2, vm3;
	s0 =	sor.u32 s18, s0;
	s18 =	sshll.u32 s21, $0x3;
	s23 =	spop (v2sf)  }
.Ltmp1:
0x98: {  	[tilespmem:s0+$0x10080] =	vst.msk vm2, v2;
	s0 =	sand.u32 $0x7F, s21;
	s18 =	sand.u32 $0xFFFFFC00, s18;
	vm2 =	vmmov vm0;
	(pc) =	sbr.rel @p0 .LBB2_5-.Ltmp1, $4  }
0x99: {  	vm2 =	vmneg @p1 vm2;
	s0 =	sor.u32 s0, s18;
	s18 =	sadd.s32 s22, s23  }
0x9a: {  	p2 =	slt.s32 s18, $0xF0;
	p1 =	slt.s32 s18, $0xF1;
	vm1 =	vmand vm1, vm2;
	s21 =	smov.u32 s18  }
0x9b: {  	s21 =	simm.s32 @!p2 $0xF0;
	[tilespmem:s0+$0x10080] =	vst.msk vm1, v0  }
0x9c: {  	v1 =	vld [tilespmem:s19+$0x80];
	s22 =	sshll.u32 s21, $0x3  }
0x9d: {  	v0 =	vld [tilespmem:s19+$0x90];
	_ =	sdelay $0x1  }
0x9e: {  	v2 =	vld [tilespmem:s19+$0xA0];
	_ =	sdelay $0x1  }
0x9f: {  	vm7 =	vgt.f32 v1, $2.000000000e+00  }
0xa0: {  	v5 =	vld [tilespmem:s19+$0xB0];
	v3 =	vmpcnt.ones.xlane vm7;
	vm6 =	vgt.f32 v0, $2.000000000e+00  }
0xa1: {  	v4 =	vmpcnt.ones.xlane vm6  }
0xa2: {  	vm5 =	vgt.f32 v2, $2.000000000e+00;
	(v2sf) =	vpush v3, $0x0  }
0xa3: {  	v3 =	vmpcnt.ones.xlane vm5;
	(v2sf) =	vpush v4, $0x0;
	_ =	sdelay $0x1  }
0xa4: {  	vm4 =	vgt.f32 v5, $2.000000000e+00;
	v4 =	vld [tilespmem:s19+$0xC0];
	(v2sf) =	vpush v3, $0x0  }
0xa5: {  	v3 =	vmpcnt.ones.xlane vm4;
	_ =	sdelay $0x1  }
0xa6: {  	(v2sf) =	vpush v3, $0x0;
	_ =	sdelay $0x1  }
0xa7: {  	v3 =	vld [tilespmem:s19+$0xD0];
	vm3 =	vgt.f32 v4, $2.000000000e+00  }
0xa8: {  	v7 =	vld [tilespmem:s19+$0xE0];
	v6 =	vmpcnt.ones.xlane vm3;
	_ =	sdelay $0x1  }
0xa9: {  	(v2sf) =	vpush v6, $0x0;
	_ =	sdelay $0x1  }
0xaa: {  	vm2 =	vgt.f32 v3, $2.000000000e+00  }
0xab: {  	vm1 =	vgt.f32 v7, $2.000000000e+00;
	v6 =	vmpcnt.ones.xlane vm2  }
0xac: {  	s20 =	sand.u32 $0x7F, s21;
	v8 =	vmpcnt.ones.xlane vm1;
	s0 =	spop (v2sf)  }
0xad: {  	s22 =	sand.u32 $0xFFFFFC00, s22;
	(v2sf) =	vpush v6, $0x0;
	s0 =	sadd.s32 s18, s0;
	s23 =	spop (v2sf)  }
0xae: {  	s20 =	sor.u32 s20, s22;
	(v2sf) =	vpush v8, $0x0;
	s18 =	sadd.s32 s0, s23;
	p2 =	slt.s32 s0, $0xF0  }
0xaf: {  	s24 =	spop (v2sf);
	p3 =	slt.s32 s0, $0xF1;
	p4 =	slt.s32 s18, $0xF0  }
0xb0: {  	p0 =	slt.s32 s18, $0xF1;
	s21 =	sadd.s32 s18, s24;
	s0 =	simm.s32 @!p2 $0xF0  }
0xb1: {  	s18 =	simm.s32 @!p4 $0xF0;
	s25 =	sshll.u32 s0, $0x3;
	p2 =	slt.s32 s21, $0xF1  }
0xb2: {  	s24 =	spop (v2sf);
	p4 =	slt.s32 s21, $0xF0;
	s0 =	sand.u32 $0x7F, s0  }
0xb3: {  	s23 =	sshll.u32 s18, $0x3;
	s18 =	sand.u32 $0x7F, s18;
	s24 =	sadd.s32 s21, s24  }
0xb4: {  	s21 =	simm.s32 @!p4 $0xF0;
	s26 =	sand.u32 $0xFFFFFC00, s25;
	s23 =	sand.u32 $0xFFFFFC00, s23  }
0xb5: {  	s28 =	sshll.u32 s21, $0x3;
	p4 =	slt.s32 s24, $0xF0;
	s0 =	sor.u32 s0, s26  }
0xb6: {  	s29 =	sand.u32 $0x7F, s21;
	s18 =	sor.u32 s18, s23;
	s23 =	smov.u32 s24  }
0xb7: {  	s30 =	sand.u32 $0xFFFFFC00, s28;
	s23 =	simm.s32 @!p4 $0xF0;
	s25 =	spop (v2sf)  }
0xb8: {  	v6 =	vld [tilespmem:s19+$0xF0];
	p4 =	slt.s32 s24, $0xF1;
	s31 =	sadd.s32 s24, s25;
	s24 =	sshll.u32 s23, $0x3  }
0xb9: {  	vm9 =	vmmov vm0;
	p5 =	slt.s32 s31, $0xF0;
	s21 =	sand.u32 $0xFFFFFC00, s24;
	s24 =	smov.u32 s31  }
0xba: {  	vm10 =	vmmov vm0;
	vm9 =	vmneg @p1 vm9;
	s19 =	sor.u32 s29, s30;
	s23 =	sand.u32 $0x7F, s23;
	s24 =	simm.s32 @!p5 $0xF0  }
0xbb: {  	vm7 =	vmand vm9, vm7;
	vm9 =	vmmov vm0;
	vm10 =	vmneg @p3 vm10;
	p1 =	slt.s32 s31, $0xF1;
	s26 =	sand.u32 $0x7F, s24;
	s24 =	sshll.u32 s24, $0x3  }
0xbc: {  	[tilespmem:s20+$0x10080] =	vst.msk vm7, v1;
	vm7 =	vmmov vm0;
	vm6 =	vmand vm6, vm10;
	vm9 =	vmneg @p0 vm9;
	s21 =	sor.u32 s23, s21;
	s29 =	sand.u32 $0xFFFFFC00, s24;
	s25 =	spop (v2sf)  }
0xbd: {  	vm8 =	vgt.f32 v6, $2.000000000e+00;
	vm7 =	vmneg @p2 vm7;
	vm5 =	vmand vm5, vm9;
	[tilespmem:s0+$0x10080] =	vst.msk vm6, v0;
	s28 =	sadd.s32 s31, s25;
	s30 =	spop (v2sf);
	s31 =	sor.u32 s26, s29  }
0xbe: {  	v8 =	vmpcnt.ones.xlane vm8;
	vm6 =	vmmov vm0;
	[tilespmem:s18+$0x10080] =	vst.msk vm5, v2;
	vm5 =	vmmov vm0;
	p0 =	slt.s32 s28, $0xF0;
	s22 =	smov.u32 s28;
	s23 =	sadd.s32 s28, s30  }
0xbf: {  	vm4 =	vmand vm4, vm7;
	vm6 =	vmneg @p4 vm6;
	vm5 =	vmneg @p1 vm5;
	p1 =	slt.s32 s28, $0xF1;
	s22 =	simm.s32 @!p0 $0xF0;
	p2 =	slt.s32 s23, $0xF0  }
0xc0: {  	[tilespmem:s19+$0x10080] =	vst.msk vm4, v5;
	vm4 =	vmmov vm0;
	vm3 =	vmand vm3, vm6;
	(v2sf) =	vpush v8, $0x0;
	p0 =	slt.s32 s23, $0xF1;
	s20 =	sshll.u32 s22, $0x3;
	s23 =	simm.s32 @!p2 $0xF0  }
0xc1: {  	[tilespmem:s21+$0x10080] =	vst.msk vm3, v4;
	vm2 =	vmand vm2, vm5;
	vm3 =	vmmov vm0;
	vm4 =	vmneg @p1 vm4;
	s24 =	sand.u32 $0x7F, s22;
	s18 =	sand.u32 $0xFFFFFC00, s20;
	s25 =	sshll.u32 s23, $0x3  }
0xc2: {  	[tilespmem:s31+$0x10080] =	vst.msk vm2, v3;
	vm1 =	vmand vm1, vm4;
	vm3 =	vmneg @p0 vm3;
	s28 =	sand.u32 $0x7F, s23;
	s26 =	sor.u32 s24, s18;
	s29 =	sand.u32 $0xFFFFFC00, s25  }
0xc3: {  	[tilespmem:s26+$0x10080] =	vst.msk vm1, v7;
	s30 =	sor.u32 s28, s29;
	vm1 =	vmand vm8, vm3  }
0xc4: {  	s19 =	simm.s32 $0x0;
	[tilespmem:s30+$0x10080] =	vst.msk vm1, v6  }
0xc5: {  	v6 =	vld [tilespmem:s19+$0x100];
	_ =	sdelay $0x1  }
0xc6: {  	v5 =	vld [tilespmem:s19+$0x110]  }
0xc7: {  	v4 =	vld [tilespmem:s19+$0x120];
	_ =	sdelay $0x1  }
0xc8: {  	v3 =	vld [tilespmem:s19+$0x130];
	vm4 =	vgt.f32 v6, $2.000000000e+00  }
0xc9: {  	v2 =	vld [tilespmem:s19+$0x140];
	v0 =	vmpcnt.ones.xlane vm4  }
0xca: {  	s21 =	simm.s32 $0x0;
	p0 =	por $0x1, $0x1;
	v1 =	vld [tilespmem:s19+$0x150];
	vm3 =	vgt.f32 v5, $2.000000000e+00  }
0xcb: {  	p2 =	por $0x1, $0x1;
	s21 =	simm.s32 @!p0 $0xF0;
	vm1 =	vgt.f32 v4, $2.000000000e+00;
	v8 =	vmpcnt.ones.xlane vm3;
	(v2sf) =	vpush v0, $0x0;
	v0 =	vld [tilespmem:s19+$0x160]  }
0xcc: {  	s22 =	simm.s32 $0x0;
	s20 =	simm.s32 $0x1000;
	s0 =	sshll.u32 s21, $0x3;
	v7 =	vmpcnt.ones.xlane vm1  }
0xcd: {  	s18 =	simm.s32 $0x0;
	s23 =	sand.u32 $0xFFFFFC00, s0;
	vm2 =	vgt.f32 v3, $2.000000000e+00;
	s31 =	spop (v2sf);
	(v2sf) =	vpush v8, $0x0  }
.LBB2_7:
0xce: {  	p1 =	sne.s32 s20, $0x1F000;
	v8 =	vmpcnt.ones.xlane vm2;
	vm6 =	vgt.f32 v2, $2.000000000e+00;
	(v2sf) =	vpush v7, $0x0;
	s0 =	smov.u32 s20;
	s20 =	sadd.s32 $0x1000, s20  }
0xcf: {  	v7 =	vmpcnt.ones.xlane vm6;
	vm7 =	vgt.f32 v1, $2.000000000e+00  }
0xd0: {  	v9 =	vmpcnt.ones.xlane vm7;
	vm5 =	vgt.f32 v0, $2.000000000e+00;
	(v2sf) =	vpush v8, $0x0  }
0xd1: {  	v8 =	vmpcnt.ones.xlane vm5;
	(v2sf) =	vpush v7, $0x0  }
0xd2: {  	(v2sf) =	vpush v9, $0x0  }
0xd3: {  	(v2sf) =	vpush v8, $0x0;
	_ =	sdelay $0x2  }
0xd4: {  	vm8 =	vmmov vm0  }
0xd5: {  	s21 =	sand.u32 $0x7F, s21;
	vm8 =	vmneg @p2 vm8  }
0xd6: {  	s21 =	sor.u32 s21, s23;
	vm4 =	vmand vm8, vm4;
	v7 =	vld [tilespmem:s19+$0x170]  }
0xd7: {  	s19 =	sshra.s32 s0, $0x2;
	[tilespmem:s21+$0x10100] =	vst.msk vm4, v6;
	_ =	sdelay $0x1  }
0xd8: {  	s0 =	spop (v2sf)  }
0xd9: {  	s0 =	sadd.s32 s22, s0;
	s21 =	spop (v2sf)  }
0xda: {  	p0 =	slt.s32 s0, $0xF0;
	s22 =	sadd.s32 s0, s21;
	s21 =	spop (v2sf)  }
0xdb: {  	vm4 =	vgt.f32 v7, $2.000000000e+00;
	p2 =	slt.s32 s0, $0xF1;
	s0 =	simm.s32 @!p0 $0xF0;
	p0 =	slt.s32 s22, $0xF0  }
0xdc: {  	vm8 =	vmmov vm0;
	v6 =	vmpcnt.ones.xlane vm4;
	s24 =	sadd.s32 s22, s21;
	s25 =	smov.u32 s22;
	s23 =	sshll.u32 s0, $0x3  }
0xdd: {  	vm8 =	vmneg @p2 vm8;
	s21 =	spop (v2sf);
	s25 =	simm.s32 @!p0 $0xF0;
	p0 =	slt.s32 s24, $0xF1  }
0xde: {  	vm3 =	vmand vm3, vm8;
	s0 =	sand.u32 $0x7F, s0;
	s26 =	sadd.s32 s24, s21;
	s21 =	spop (v2sf);
	(v2sf) =	vpush v6, $0x0  }
0xdf: {  	vm8 =	vmmov vm0;
	s23 =	sand.u32 $0xFFFFFC00, s23;
	s21 =	sadd.s32 s26, s21;
	s28 =	spop (v2sf)  }
0xe0: {  	vm8 =	vmneg @p0 vm8;
	p2 =	slt.s32 s26, $0xF0;
	s30 =	smov.u32 s26;
	s29 =	spop (v2sf)  }
0xe1: {  	vm9 =	vmmov vm0;
	vm8 =	vmand vm2, vm8;
	vm2 =	vmmov vm0;
	s30 =	simm.s32 @!p2 $0xF0;
	p0 =	slt.s32 s21, $0xF1;
	p2 =	slt.s32 s22, $0xF1  }
0xe2: {  	s22 =	sand.u32 $0x7F, s25;
	s31 =	sshll.u32 s30, $0x3;
	vm2 =	vmneg @p0 vm2;
	vm9 =	vmneg @p2 vm9  }
0xe3: {  	p0 =	slt.s32 s24, $0xF0;
	p2 =	slt.s32 s26, $0xF1;
	s26 =	sadd.s32 s21, s28;
	vm2 =	vmand vm7, vm2;
	vm7 =	vmand vm1, vm9;
	vm1 =	vmmov vm0  }
0xe4: {  	s25 =	sshll.u32 s25, $0x3;
	s28 =	sand.u32 $0x7F, s30;
	s24 =	simm.s32 @!p0 $0xF0;
	vm1 =	vmneg @p2 vm1  }
0xe5: {  	s25 =	sand.u32 $0xFFFFFC00, s25;
	p0 =	slt.s32 s26, $0xF1;
	s30 =	sshll.u32 s24, $0x3;
	vm6 =	vmand vm6, vm1;
	vm1 =	vmmov vm0  }
0xe6: {  	s22 =	sor.u32 s22, s25;
	s25 =	sand.u32 $0xFFFFFC00, s31;
	s29 =	sadd.s32 s26, s29;
	vm1 =	vmneg @p0 vm1  }
0xe7: {  	s24 =	sand.u32 $0x7F, s24;
	p2 =	slt.s32 s26, $0xF0;
	p0 =	slt.s32 s21, $0xF0;
	vm1 =	vmand vm5, vm1  }
0xe8: {  	s0 =	sor.u32 s0, s23;
	s21 =	simm.s32 @!p0 $0xF0;
	p0 =	slt.s32 s29, $0xF0  }
0xe9: {  	s23 =	sor.u32 s28, s25;
	[tilespmem:s0+$0x10100] =	vst.msk vm3, v5;
	s0 =	sand.u32 $0xFFFFFC00, s30  }
0xea: {  	s25 =	sshll.u32 s21, $0x3;
	s0 =	sor.u32 s24, s0;
	s24 =	smov.u32 s29  }
0xeb: {  	s26 =	simm.s32 @!p2 $0xF0;
	[tilespmem:s22+$0x10100] =	vst.msk vm7, v4;
	s24 =	simm.s32 @!p0 $0xF0  }
0xec: {  	s22 =	sshll.u32 s26, $0x3;
	[tilespmem:s0+$0x10100] =	vst.msk vm8, v3;
	s0 =	sand.u32 $0x7F, s21;
	s21 =	sand.u32 $0xFFFFFC00, s25  }
0xed: {  	p0 =	slt.s32 s29, $0xF1;
	[tilespmem:s23+$0x10100] =	vst.msk vm6, v2;
	s0 =	sor.u32 s0, s21;
	s21 =	sand.u32 $0xFFFFFC00, s22  }
0xee: {  	[tilespmem:s0+$0x10100] =	vst.msk vm2, v1;
	vm2 =	vmmov vm0  }
0xef: {  	s23 =	sand.u32 $0x7F, s26;
	s0 =	sshll.u32 s24, $0x3;
	s22 =	spop (v2sf);
	vm2 =	vmneg @p0 vm2  }
0xf0: {  	s23 =	sor.u32 s23, s21;
	s0 =	sand.u32 $0xFFFFFC00, s0;
	s22 =	sadd.s32 s29, s22;
	vm2 =	vmand vm4, vm2  }
0xf1: {  	s24 =	sand.u32 $0x7F, s24;
	p0 =	slt.s32 s22, $0xF0;
	s21 =	smov.u32 s22  }
0xf2: {  	p2 =	slt.s32 s22, $0xF1;
	s0 =	sor.u32 s24, s0;
	s21 =	simm.s32 @!p0 $0xF0;
	[tilespmem:s23+$0x10100] =	vst.msk vm1, v0  }
0xf3: {  	s23 =	sshll.u32 s21, $0x3;
	[tilespmem:s0+$0x10100] =	vst.msk vm2, v7  }
0xf4: {  	s23 =	sand.u32 $0xFFFFFC00, s23;
	v6 =	vld [tilespmem:s19+$0x100]  }
0xf5: {  	v5 =	vld [tilespmem:s19+$0x110]  }
0xf6: {  	v4 =	vld [tilespmem:s19+$0x120];
	_ =	sdelay $0x1  }
0xf7: {  	v3 =	vld [tilespmem:s19+$0x130]  }
.Ltmp2:
0xf8: {  	vm4 =	vgt.f32 v6, $2.000000000e+00;
	v2 =	vld [tilespmem:s19+$0x140];
	(pc) =	sbr.rel @p1 .LBB2_7-.Ltmp2, $4  }
0xf9: {  	v8 =	vmpcnt.ones.xlane vm4;
	vm3 =	vgt.f32 v5, $2.000000000e+00;
	v1 =	vld [tilespmem:s19+$0x150]  }
0xfa: {  	v9 =	vmpcnt.ones.xlane vm3;
	vm1 =	vgt.f32 v4, $2.000000000e+00;
	v0 =	vld [tilespmem:s19+$0x160]  }
0xfb: {  	v7 =	vmpcnt.ones.xlane vm1;
	(v2sf) =	vpush v8, $0x0  }
0xfc: {  	vm2 =	vgt.f32 v3, $2.000000000e+00;
	(v2sf) =	vpush v9, $0x0  }
0xfd: {  	v8 =	vmpcnt.ones.xlane vm2  }
0xfe: {  	vm7 =	vgt.f32 v2, $2.000000000e+00;
	(v2sf) =	vpush v7, $0x0  }
0xff: {  	v59 =	vmpcnt.ones.xlane vm7;
	(v2sf) =	vpush v8, $0x0  }
0x100: {  	vm6 =	vgt.f32 v1, $2.000000000e+00  }
0x101: {  	v60 =	vmpcnt.ones.xlane vm6;
	vm5 =	vgt.f32 v0, $2.000000000e+00;
	(v2sf) =	vpush v59, $0x0  }
0x102: {  	v61 =	vmpcnt.ones.xlane vm5  }
0x103: {  	(v2sf) =	vpush v60, $0x0  }
0x104: {  	(v2sf) =	vpush v61, $0x0;
	_ =	sdelay $0x5  }
0x105: {  	s25 =	sand.u32 $0x7F, s21;
	s0 =	spop (v2sf)  }
0x106: {  	v62 =	vld [tilespmem:s19+$0x170];
	s19 =	sor.u32 s25, s23;
	s0 =	sadd.s32 s22, s0;
	s20 =	spop (v2sf)  }
0x107: {  	p0 =	slt.s32 s0, $0xF0;
	s20 =	sadd.s32 s0, s20;
	p3 =	slt.s32 s0, $0xF1  }
0x108: {  	s26 =	spop (v2sf);
	s0 =	simm.s32 @!p0 $0xF0;
	p0 =	slt.s32 s20, $0xF0  }
0x109: {  	s21 =	sadd.s32 s20, s26;
	s24 =	smov.u32 s20;
	s28 =	spop (v2sf)  }
0x10a: {  	s29 =	sshll.u32 s0, $0x3;
	s24 =	simm.s32 @!p0 $0xF0;
	p6 =	slt.s32 s21, $0xF1  }
0x10b: {  	vm8 =	vgt.f32 v62, $2.000000000e+00;
	s0 =	sand.u32 $0x7F, s0;
	s22 =	sadd.s32 s21, s28;
	s25 =	spop (v2sf)  }
0x10c: {  	v63 =	vmpcnt.ones.xlane vm8;
	s23 =	sand.u32 $0xFFFFFC00, s29;
	s30 =	sshll.u32 s24, $0x3;
	s24 =	sand.u32 $0x7F, s24  }
0x10d: {  	s25 =	sadd.s32 s22, s25;
	s26 =	spop (v2sf);
	p0 =	slt.s32 s22, $0xF0  }
0x10e: {  	(v2sf) =	vpush v63, $0x0;
	p4 =	slt.s32 s22, $0xF1;
	s0 =	sor.u32 s0, s23;
	s28 =	spop (v2sf)  }
0x10f: {  	vm9 =	vmmov vm0;
	s22 =	simm.s32 @!p0 $0xF0;
	p1 =	slt.s32 s25, $0xF1;
	p0 =	slt.s32 s21, $0xF0  }
0x110: {  	vm9 =	vmneg @p2 vm9;
	s26 =	sadd.s32 s25, s26;
	p2 =	slt.s32 s25, $0xF0;
	s21 =	simm.s32 @!p0 $0xF0  }
0x111: {  	p0 =	slt.s32 s20, $0xF1;
	s29 =	sshll.u32 s22, $0x3;
	s20 =	sand.u32 $0xFFFFFC00, s30  }
0x112: {  	s22 =	sand.u32 $0x7F, s22;
	p5 =	slt.s32 s26, $0xF1;
	s28 =	sadd.s32 s26, s28  }
0x113: {  	vm10 =	vmmov vm0;
	s25 =	simm.s32 @!p2 $0xF0;
	p2 =	slt.s32 s26, $0xF0;
	s20 =	sor.u32 s24, s20  }
0x114: {  	vm4 =	vmand vm9, vm4;
	vm9 =	vmmov vm0;
	vm10 =	vmneg @p3 vm10;
	s31 =	sshll.u32 s21, $0x3;
	s29 =	sand.u32 $0xFFFFFC00, s29;
	s21 =	sand.u32 $0x7F, s21  }
0x115: {  	[tilespmem:s19+$0x10100] =	vst.msk vm4, v6;
	vm4 =	vmmov vm0;
	vm3 =	vmand vm3, vm10;
	vm9 =	vmneg @p0 vm9;
	s26 =	simm.s32 @!p2 $0xF0;
	p0 =	slt.s32 s28, $0xF0;
	p2 =	slt.s32 s28, $0xF1  }
0x116: {  	vm4 =	vmneg @p6 vm4;
	[tilespmem:s0+$0x10100] =	vst.msk vm3, v5;
	s24 =	sand.u32 $0xFFFFFC00, s31;
	vm1 =	vmand vm1, vm9;
	vm9 =	vmmov vm0;
	s30 =	sor.u32 s22, s29;
	s31 =	sshll.u32 s25, $0x3  }
0x117: {  	vm2 =	vmand vm2, vm4;
	vm3 =	vmmov vm0;
	s23 =	sshll.u32 s26, $0x3;
	s28 =	simm.s32 @!p0 $0xF0;
	s19 =	sor.u32 s21, s24;
	vm9 =	vmneg @p4 vm9;
	[tilespmem:s20+$0x10100] =	vst.msk vm1, v4  }
0x118: {  	vm4 =	vmmov vm0;
	vm3 =	vmneg @p1 vm3;
	s26 =	sand.u32 $0x7F, s26;
	s21 =	sand.u32 $0x7F, s25;
	s22 =	sand.u32 $0xFFFFFC00, s31;
	vm1 =	vmand vm7, vm9;
	[tilespmem:s19+$0x10100] =	vst.msk vm2, v3  }
0x119: {  	vm4 =	vmneg @p5 vm4;
	s24 =	sand.u32 $0xFFFFFC00, s23;
	s25 =	sshll.u32 s28, $0x3;
	s20 =	sor.u32 s21, s22;
	vm2 =	vmand vm6, vm3;
	[tilespmem:s30+$0x10100] =	vst.msk vm1, v2;
	vm1 =	vmmov vm0  }
0x11a: {  	s29 =	sand.u32 $0x7F, s28;
	vm3 =	vmand vm5, vm4;
	s19 =	sand.u32 $0xFFFFFC00, s25;
	s0 =	sor.u32 s26, s24;
	[tilespmem:s20+$0x10100] =	vst.msk vm2, v1;
	vm1 =	vmneg @p2 vm1  }
0x11b: {  	p0 =	por $0x1, $0x1;
	s21 =	simm.s32 $0x0;
	s30 =	sor.u32 s29, s19;
	vm1 =	vmand vm8, vm1;
	[tilespmem:s0+$0x10100] =	vst.msk vm3, v0  }
0x11c: {  	p1 =	por $0x1, $0x1;
	s19 =	simm.s32 $0x0;
	s21 =	simm.s32 @!p0 $0xF0;
	[tilespmem:s30+$0x10100] =	vst.msk vm1, v62  }
0x11d: {  	s20 =	simm.s32 $0x1000;
	s22 =	sshll.u32 s21, $0x3;
	s31 =	spop (v2sf);
	v1 =	vld [tilespmem:s19+$0x180]  }
.LBB2_9:
0x11e: {  	p0 =	sne.s32 s20, $0x1F000;
	v3 =	vld [tilespmem:s19+$0x190];
	s0 =	smov.u32 s20;
	s20 =	sadd.s32 $0x1000, s20  }
0x11f: {  	v4 =	vld [tilespmem:s19+$0x1A0];
	_ =	sdelay $0x2  }
0x120: {  	vm1 =	vgt.f32 v1, $2.000000000e+00  }
0x121: {  	v0 =	vmpcnt.ones.xlane vm1;
	vm7 =	vgt.f32 v3, $2.000000000e+00  }
0x122: {  	v2 =	vmpcnt.ones.xlane vm7;
	vm6 =	vgt.f32 v4, $2.000000000e+00;
	v5 =	vld [tilespmem:s19+$0x1B0]  }
0x123: {  	v6 =	vmpcnt.ones.xlane vm6;
	(v2sf) =	vpush v0, $0x0  }
0x124: {  	v7 =	vld [tilespmem:s19+$0x1C0];
	(v2sf) =	vpush v2, $0x0  }
0x125: {  	(v2sf) =	vpush v6, $0x0;
	_ =	sdelay $0x1  }
0x126: {  	s0 =	sshra.s32 s0, $0x2;
	vm4 =	vgt.f32 v5, $2.000000000e+00  }
0x127: {  	v2 =	vmpcnt.ones.xlane vm4  }
0x128: {  	vm2 =	vmmov vm0;
	vm5 =	vgt.f32 v7, $2.000000000e+00;
	v6 =	vld [tilespmem:s19+$0x1D0]  }
0x129: {  	s21 =	sand.u32 $0x7F, s21;
	s22 =	sand.u32 $0xFFFFFC00, s22;
	vm2 =	vmneg @p1 vm2;
	v8 =	vmpcnt.ones.xlane vm5;
	v0 =	vld [tilespmem:s19+$0x1F0];
	(v2sf) =	vpush v2, $0x0  }
0x12a: {  	s21 =	sor.u32 s21, s22;
	vm1 =	vmand vm2, vm1;
	v2 =	vld [tilespmem:s19+$0x1E0];
	s19 =	smov.u32 s0  }
0x12b: {  	[tilespmem:s21+$0x10180] =	vst.msk vm1, v1;
	(v2sf) =	vpush v8, $0x0;
	_ =	sdelay $0x1  }
0x12c: {  	vm3 =	vgt.f32 v6, $2.000000000e+00  }
0x12d: {  	v1 =	vmpcnt.ones.xlane vm3  }
0x12e: {  	vm2 =	vgt.f32 v2, $2.000000000e+00  }
0x12f: {  	v8 =	vmpcnt.ones.xlane vm2;
	(v2sf) =	vpush v1, $0x0  }
0x130: {  	s0 =	spop (v2sf)  }
0x131: {  	s0 =	sadd.s32 s18, s0  }
0x132: {  	s18 =	spop (v2sf);
	(v2sf) =	vpush v8, $0x0;
	p1 =	slt.s32 s0, $0xF0  }
0x133: {  	s18 =	sadd.s32 s0, s18;
	s21 =	spop (v2sf);
	s22 =	smov.u32 s0  }
0x134: {  	vm1 =	vgt.f32 v0, $2.000000000e+00;
	p3 =	slt.s32 s0, $0xF1;
	s22 =	simm.s32 @!p1 $0xF0;
	p2 =	slt.s32 s18, $0xF0  }
0x135: {  	v1 =	vmpcnt.ones.xlane vm1;
	p1 =	slt.s32 s18, $0xF1;
	s0 =	sadd.s32 s18, s21;
	s18 =	simm.s32 @!p2 $0xF0  }
0x136: {  	vm8 =	vmmov vm0;
	s21 =	sshll.u32 s22, $0x3;
	p2 =	slt.s32 s0, $0xF1;
	s23 =	sshll.u32 s18, $0x3  }
0x137: {  	vm8 =	vmneg @p3 vm8;
	p3 =	slt.s32 s0, $0xF0;
	(v2sf) =	vpush v1, $0x0;
	s18 =	sand.u32 $0x7F, s18;
	s23 =	sand.u32 $0xFFFFFC00, s23  }
0x138: {  	vm7 =	vmand vm7, vm8;
	s22 =	sand.u32 $0x7F, s22;
	s18 =	sor.u32 s18, s23;
	s23 =	smov.u32 s0  }
0x139: {  	vm9 =	vmmov vm0;
	vm8 =	vmmov vm0;
	s21 =	sand.u32 $0xFFFFFC00, s21;
	s24 =	spop (v2sf);
	s23 =	simm.s32 @!p3 $0xF0  }
0x13a: {  	vm8 =	vmneg @p1 vm8;
	vm9 =	vmneg @p2 vm9;
	s21 =	sor.u32 s22, s21;
	s0 =	sadd.s32 s0, s24;
	s24 =	sshll.u32 s23, $0x3  }
0x13b: {  	vm6 =	vmand vm6, vm8;
	p1 =	slt.s32 s0, $0xF0;
	s22 =	smov.u32 s0;
	s25 =	spop (v2sf)  }
0x13c: {  	s22 =	simm.s32 @!p1 $0xF0;
	p1 =	slt.s32 s0, $0xF1  }
0x13d: {  	[tilespmem:s21+$0x10180] =	vst.msk vm7, v3;
	vm7 =	vmmov vm0  }
0x13e: {  	s0 =	sadd.s32 s0, s25;
	s21 =	sand.u32 $0x7F, s23;
	s23 =	sand.u32 $0xFFFFFC00, s24;
	vm7 =	vmneg @p1 vm7  }
0x13f: {  	vm4 =	vmand vm4, vm9;
	p1 =	slt.s32 s0, $0xF0;
	[tilespmem:s18+$0x10180] =	vst.msk vm6, v4;
	s18 =	sor.u32 s21, s23;
	vm5 =	vmand vm5, vm7;
	s21 =	sshll.u32 s22, $0x3  }
0x140: {  	[tilespmem:s18+$0x10180] =	vst.msk vm4, v5;
	s18 =	sand.u32 $0x7F, s22;
	s21 =	sand.u32 $0xFFFFFC00, s21  }
0x141: {  	p2 =	slt.s32 s0, $0xF1;
	vm4 =	vmmov vm0;
	s18 =	sor.u32 s18, s21;
	s21 =	smov.u32 s0  }
0x142: {  	vm4 =	vmneg @p2 vm4;
	s22 =	spop (v2sf);
	s21 =	simm.s32 @!p1 $0xF0  }
0x143: {  	s0 =	sadd.s32 s0, s22;
	[tilespmem:s18+$0x10180] =	vst.msk vm5, v7;
	s18 =	sand.u32 $0x7F, s21;
	s21 =	sshll.u32 s21, $0x3  }
0x144: {  	p1 =	slt.s32 s0, $0xF0;
	s21 =	sand.u32 $0xFFFFFC00, s21;
	s22 =	spop (v2sf)  }
0x145: {  	s18 =	sor.u32 s18, s21;
	s21 =	smov.u32 s0;
	s22 =	sadd.s32 s0, s22  }
0x146: {  	vm3 =	vmand vm3, vm4;
	s21 =	simm.s32 @!p1 $0xF0;
	p1 =	slt.s32 s0, $0xF1;
	p2 =	slt.s32 s22, $0xF0  }
0x147: {  	[tilespmem:s18+$0x10180] =	vst.msk vm3, v6;
	s0 =	sshll.u32 s21, $0x3;
	vm3 =	vmmov vm0;
	s18 =	sand.u32 $0x7F, s21;
	s21 =	smov.u32 s22  }
0x148: {  	vm3 =	vmneg @p1 vm3;
	s0 =	sand.u32 $0xFFFFFC00, s0;
	s21 =	simm.s32 @!p2 $0xF0;
	p1 =	slt.s32 s22, $0xF1  }
0x149: {  	vm2 =	vmand vm2, vm3;
	s0 =	sor.u32 s18, s0;
	s18 =	sshll.u32 s21, $0x3;
	s23 =	spop (v2sf)  }
.Ltmp3:
0x14a: {  	[tilespmem:s0+$0x10180] =	vst.msk vm2, v2;
	s0 =	sand.u32 $0x7F, s21;
	s18 =	sand.u32 $0xFFFFFC00, s18;
	vm2 =	vmmov vm0;
	(pc) =	sbr.rel @p0 .LBB2_9-.Ltmp3, $4  }
0x14b: {  	vm2 =	vmneg @p1 vm2;
	s0 =	sor.u32 s0, s18;
	s18 =	sadd.s32 s22, s23  }
0x14c: {  	p2 =	slt.s32 s18, $0xF0;
	p1 =	slt.s32 s18, $0xF1;
	vm1 =	vmand vm1, vm2;
	s21 =	smov.u32 s18  }
0x14d: {  	s21 =	simm.s32 @!p2 $0xF0;
	[tilespmem:s0+$0x10180] =	vst.msk vm1, v0  }
0x14e: {  	v1 =	vld [tilespmem:s19+$0x180];
	s22 =	sshll.u32 s21, $0x3  }
0x14f: {  	v0 =	vld [tilespmem:s19+$0x190];
	_ =	sdelay $0x1  }
0x150: {  	v2 =	vld [tilespmem:s19+$0x1A0];
	_ =	sdelay $0x1  }
0x151: {  	vm7 =	vgt.f32 v1, $2.000000000e+00  }
0x152: {  	v5 =	vld [tilespmem:s19+$0x1B0];
	v3 =	vmpcnt.ones.xlane vm7;
	vm6 =	vgt.f32 v0, $2.000000000e+00  }
0x153: {  	v4 =	vmpcnt.ones.xlane vm6  }
0x154: {  	vm5 =	vgt.f32 v2, $2.000000000e+00;
	(v2sf) =	vpush v3, $0x0  }
0x155: {  	v3 =	vmpcnt.ones.xlane vm5;
	(v2sf) =	vpush v4, $0x0;
	_ =	sdelay $0x1  }
0x156: {  	vm4 =	vgt.f32 v5, $2.000000000e+00;
	v4 =	vld [tilespmem:s19+$0x1C0];
	(v2sf) =	vpush v3, $0x0  }
0x157: {  	v3 =	vmpcnt.ones.xlane vm4;
	_ =	sdelay $0x1  }
0x158: {  	(v2sf) =	vpush v3, $0x0;
	_ =	sdelay $0x1  }
0x159: {  	v3 =	vld [tilespmem:s19+$0x1D0];
	vm3 =	vgt.f32 v4, $2.000000000e+00  }
0x15a: {  	v7 =	vld [tilespmem:s19+$0x1E0];
	v6 =	vmpcnt.ones.xlane vm3;
	_ =	sdelay $0x1  }
0x15b: {  	(v2sf) =	vpush v6, $0x0;
	_ =	sdelay $0x1  }
0x15c: {  	vm2 =	vgt.f32 v3, $2.000000000e+00  }
0x15d: {  	vm1 =	vgt.f32 v7, $2.000000000e+00;
	v6 =	vmpcnt.ones.xlane vm2  }
0x15e: {  	s20 =	sand.u32 $0x7F, s21;
	v8 =	vmpcnt.ones.xlane vm1;
	s0 =	spop (v2sf)  }
0x15f: {  	s22 =	sand.u32 $0xFFFFFC00, s22;
	(v2sf) =	vpush v6, $0x0;
	s0 =	sadd.s32 s18, s0;
	s23 =	spop (v2sf)  }
0x160: {  	s20 =	sor.u32 s20, s22;
	(v2sf) =	vpush v8, $0x0;
	s18 =	sadd.s32 s0, s23;
	p2 =	slt.s32 s0, $0xF0  }
0x161: {  	s24 =	spop (v2sf);
	p3 =	slt.s32 s0, $0xF1;
	p4 =	slt.s32 s18, $0xF0  }
0x162: {  	p0 =	slt.s32 s18, $0xF1;
	s21 =	sadd.s32 s18, s24;
	s0 =	simm.s32 @!p2 $0xF0  }
0x163: {  	s18 =	simm.s32 @!p4 $0xF0;
	s25 =	sshll.u32 s0, $0x3;
	p2 =	slt.s32 s21, $0xF1  }
0x164: {  	s24 =	spop (v2sf);
	p4 =	slt.s32 s21, $0xF0;
	s0 =	sand.u32 $0x7F, s0  }
0x165: {  	s23 =	sshll.u32 s18, $0x3;
	s18 =	sand.u32 $0x7F, s18;
	s24 =	sadd.s32 s21, s24  }
0x166: {  	s21 =	simm.s32 @!p4 $0xF0;
	s26 =	sand.u32 $0xFFFFFC00, s25;
	s23 =	sand.u32 $0xFFFFFC00, s23  }
0x167: {  	s28 =	sshll.u32 s21, $0x3;
	p4 =	slt.s32 s24, $0xF0;
	s0 =	sor.u32 s0, s26  }
0x168: {  	s29 =	sand.u32 $0x7F, s21;
	s18 =	sor.u32 s18, s23;
	s23 =	smov.u32 s24  }
0x169: {  	s30 =	sand.u32 $0xFFFFFC00, s28;
	s23 =	simm.s32 @!p4 $0xF0;
	s25 =	spop (v2sf)  }
0x16a: {  	v6 =	vld [tilespmem:s19+$0x1F0];
	p4 =	slt.s32 s24, $0xF1;
	s31 =	sadd.s32 s24, s25;
	s24 =	sshll.u32 s23, $0x3  }
0x16b: {  	vm9 =	vmmov vm0;
	p5 =	slt.s32 s31, $0xF0;
	s21 =	sand.u32 $0xFFFFFC00, s24;
	s24 =	smov.u32 s31  }
0x16c: {  	vm10 =	vmmov vm0;
	vm9 =	vmneg @p1 vm9;
	s19 =	sor.u32 s29, s30;
	s23 =	sand.u32 $0x7F, s23;
	s24 =	simm.s32 @!p5 $0xF0  }
0x16d: {  	vm7 =	vmand vm9, vm7;
	vm9 =	vmmov vm0;
	vm10 =	vmneg @p3 vm10;
	p1 =	slt.s32 s31, $0xF1;
	s26 =	sand.u32 $0x7F, s24;
	s24 =	sshll.u32 s24, $0x3  }
0x16e: {  	[tilespmem:s20+$0x10180] =	vst.msk vm7, v1;
	vm7 =	vmmov vm0;
	vm6 =	vmand vm6, vm10;
	vm9 =	vmneg @p0 vm9;
	s21 =	sor.u32 s23, s21;
	s29 =	sand.u32 $0xFFFFFC00, s24;
	s25 =	spop (v2sf)  }
0x16f: {  	vm8 =	vgt.f32 v6, $2.000000000e+00;
	vm7 =	vmneg @p2 vm7;
	vm5 =	vmand vm5, vm9;
	[tilespmem:s0+$0x10180] =	vst.msk vm6, v0;
	s28 =	sadd.s32 s31, s25;
	s30 =	spop (v2sf);
	s31 =	sor.u32 s26, s29  }
0x170: {  	v8 =	vmpcnt.ones.xlane vm8;
	vm6 =	vmmov vm0;
	[tilespmem:s18+$0x10180] =	vst.msk vm5, v2;
	vm5 =	vmmov vm0;
	p0 =	slt.s32 s28, $0xF0;
	s22 =	smov.u32 s28;
	s23 =	sadd.s32 s28, s30  }
0x171: {  	vm4 =	vmand vm4, vm7;
	vm6 =	vmneg @p4 vm6;
	vm5 =	vmneg @p1 vm5;
	p1 =	slt.s32 s28, $0xF1;
	s22 =	simm.s32 @!p0 $0xF0;
	p2 =	slt.s32 s23, $0xF0  }
0x172: {  	[tilespmem:s19+$0x10180] =	vst.msk vm4, v5;
	vm4 =	vmmov vm0;
	vm3 =	vmand vm3, vm6;
	(v2sf) =	vpush v8, $0x0;
	p0 =	slt.s32 s23, $0xF1;
	s20 =	sshll.u32 s22, $0x3;
	s23 =	simm.s32 @!p2 $0xF0  }
0x173: {  	[tilespmem:s21+$0x10180] =	vst.msk vm3, v4;
	vm2 =	vmand vm2, vm5;
	vm3 =	vmmov vm0;
	vm4 =	vmneg @p1 vm4;
	s24 =	sand.u32 $0x7F, s22;
	s18 =	sand.u32 $0xFFFFFC00, s20;
	s25 =	sshll.u32 s23, $0x3  }
0x174: {  	[tilespmem:s31+$0x10180] =	vst.msk vm2, v3;
	vm1 =	vmand vm1, vm4;
	vm3 =	vmneg @p0 vm3;
	s28 =	sand.u32 $0x7F, s23;
	s26 =	sor.u32 s24, s18;
	s29 =	sand.u32 $0xFFFFFC00, s25  }
0x175: {  	[tilespmem:s26+$0x10180] =	vst.msk vm1, v7;
	s30 =	sor.u32 s28, s29;
	vm1 =	vmand vm8, vm3  }
0x176: {  	s19 =	simm.s32 $0x0;
	[tilespmem:s30+$0x10180] =	vst.msk vm1, v6  }
0x177: {  	v6 =	vld [tilespmem:s19+$0x200];
	_ =	sdelay $0x1  }
0x178: {  	v5 =	vld [tilespmem:s19+$0x210]  }
0x179: {  	v4 =	vld [tilespmem:s19+$0x220];
	_ =	sdelay $0x1  }
0x17a: {  	v3 =	vld [tilespmem:s19+$0x230];
	vm4 =	vgt.f32 v6, $2.000000000e+00  }
0x17b: {  	v2 =	vld [tilespmem:s19+$0x240];
	v0 =	vmpcnt.ones.xlane vm4  }
0x17c: {  	s21 =	simm.s32 $0x0;
	p0 =	por $0x1, $0x1;
	v1 =	vld [tilespmem:s19+$0x250];
	vm3 =	vgt.f32 v5, $2.000000000e+00  }
0x17d: {  	p2 =	por $0x1, $0x1;
	s21 =	simm.s32 @!p0 $0xF0;
	vm1 =	vgt.f32 v4, $2.000000000e+00;
	v8 =	vmpcnt.ones.xlane vm3;
	(v2sf) =	vpush v0, $0x0;
	v0 =	vld [tilespmem:s19+$0x260]  }
0x17e: {  	s22 =	simm.s32 $0x0;
	s20 =	simm.s32 $0x1000;
	s0 =	sshll.u32 s21, $0x3;
	v7 =	vmpcnt.ones.xlane vm1  }
0x17f: {  	s18 =	simm.s32 $0x0;
	s23 =	sand.u32 $0xFFFFFC00, s0;
	vm2 =	vgt.f32 v3, $2.000000000e+00;
	s31 =	spop (v2sf);
	(v2sf) =	vpush v8, $0x0  }
.LBB2_11:
0x180: {  	p1 =	sne.s32 s20, $0x1F000;
	v8 =	vmpcnt.ones.xlane vm2;
	vm6 =	vgt.f32 v2, $2.000000000e+00;
	(v2sf) =	vpush v7, $0x0;
	s0 =	smov.u32 s20;
	s20 =	sadd.s32 $0x1000, s20  }
0x181: {  	v7 =	vmpcnt.ones.xlane vm6;
	vm7 =	vgt.f32 v1, $2.000000000e+00  }
0x182: {  	v9 =	vmpcnt.ones.xlane vm7;
	vm5 =	vgt.f32 v0, $2.000000000e+00;
	(v2sf) =	vpush v8, $0x0  }
0x183: {  	v8 =	vmpcnt.ones.xlane vm5;
	(v2sf) =	vpush v7, $0x0  }
0x184: {  	(v2sf) =	vpush v9, $0x0  }
0x185: {  	(v2sf) =	vpush v8, $0x0;
	_ =	sdelay $0x2  }
0x186: {  	vm8 =	vmmov vm0  }
0x187: {  	s21 =	sand.u32 $0x7F, s21;
	vm8 =	vmneg @p2 vm8  }
0x188: {  	s21 =	sor.u32 s21, s23;
	vm4 =	vmand vm8, vm4;
	v7 =	vld [tilespmem:s19+$0x270]  }
0x189: {  	s19 =	sshra.s32 s0, $0x2;
	[tilespmem:s21+$0x10200] =	vst.msk vm4, v6;
	_ =	sdelay $0x1  }
0x18a: {  	s0 =	spop (v2sf)  }
0x18b: {  	s0 =	sadd.s32 s22, s0;
	s21 =	spop (v2sf)  }
0x18c: {  	p0 =	slt.s32 s0, $0xF0;
	s22 =	sadd.s32 s0, s21;
	s21 =	spop (v2sf)  }
0x18d: {  	vm4 =	vgt.f32 v7, $2.000000000e+00;
	p2 =	slt.s32 s0, $0xF1;
	s0 =	simm.s32 @!p0 $0xF0;
	p0 =	slt.s32 s22, $0xF0  }
0x18e: {  	vm8 =	vmmov vm0;
	v6 =	vmpcnt.ones.xlane vm4;
	s24 =	sadd.s32 s22, s21;
	s25 =	smov.u32 s22;
	s23 =	sshll.u32 s0, $0x3  }
0x18f: {  	vm8 =	vmneg @p2 vm8;
	s21 =	spop (v2sf);
	s25 =	simm.s32 @!p0 $0xF0;
	p0 =	slt.s32 s24, $0xF1  }
0x190: {  	vm3 =	vmand vm3, vm8;
	s0 =	sand.u32 $0x7F, s0;
	s26 =	sadd.s32 s24, s21;
	s21 =	spop (v2sf);
	(v2sf) =	vpush v6, $0x0  }
0x191: {  	vm8 =	vmmov vm0;
	s23 =	sand.u32 $0xFFFFFC00, s23;
	s21 =	sadd.s32 s26, s21;
	s28 =	spop (v2sf)  }
0x192: {  	vm8 =	vmneg @p0 vm8;
	p2 =	slt.s32 s26, $0xF0;
	s30 =	smov.u32 s26;
	s29 =	spop (v2sf)  }
0x193: {  	vm9 =	vmmov vm0;
	vm8 =	vmand vm2, vm8;
	vm2 =	vmmov vm0;
	s30 =	simm.s32 @!p2 $0xF0;
	p0 =	slt.s32 s21, $0xF1;
	p2 =	slt.s32 s22, $0xF1  }
0x194: {  	s22 =	sand.u32 $0x7F, s25;
	s31 =	sshll.u32 s30, $0x3;
	vm2 =	vmneg @p0 vm2;
	vm9 =	vmneg @p2 vm9  }
0x195: {  	p0 =	slt.s32 s24, $0xF0;
	p2 =	slt.s32 s26, $0xF1;
	s26 =	sadd.s32 s21, s28;
	vm2 =	vmand vm7, vm2;
	vm7 =	vmand vm1, vm9;
	vm1 =	vmmov vm0  }
0x196: {  	s25 =	sshll.u32 s25, $0x3;
	s28 =	sand.u32 $0x7F, s30;
	s24 =	simm.s32 @!p0 $0xF0;
	vm1 =	vmneg @p2 vm1  }
0x197: {  	s25 =	sand.u32 $0xFFFFFC00, s25;
	p0 =	slt.s32 s26, $0xF1;
	s30 =	sshll.u32 s24, $0x3;
	vm6 =	vmand vm6, vm1;
	vm1 =	vmmov vm0  }
0x198: {  	s22 =	sor.u32 s22, s25;
	s25 =	sand.u32 $0xFFFFFC00, s31;
	s29 =	sadd.s32 s26, s29;
	vm1 =	vmneg @p0 vm1  }
0x199: {  	s24 =	sand.u32 $0x7F, s24;
	p2 =	slt.s32 s26, $0xF0;
	p0 =	slt.s32 s21, $0xF0;
	vm1 =	vmand vm5, vm1  }
0x19a: {  	s0 =	sor.u32 s0, s23;
	s21 =	simm.s32 @!p0 $0xF0;
	p0 =	slt.s32 s29, $0xF0  }
0x19b: {  	s23 =	sor.u32 s28, s25;
	[tilespmem:s0+$0x10200] =	vst.msk vm3, v5;
	s0 =	sand.u32 $0xFFFFFC00, s30  }
0x19c: {  	s25 =	sshll.u32 s21, $0x3;
	s0 =	sor.u32 s24, s0;
	s24 =	smov.u32 s29  }
0x19d: {  	s26 =	simm.s32 @!p2 $0xF0;
	[tilespmem:s22+$0x10200] =	vst.msk vm7, v4;
	s24 =	simm.s32 @!p0 $0xF0  }
0x19e: {  	s22 =	sshll.u32 s26, $0x3;
	[tilespmem:s0+$0x10200] =	vst.msk vm8, v3;
	s0 =	sand.u32 $0x7F, s21;
	s21 =	sand.u32 $0xFFFFFC00, s25  }
0x19f: {  	p0 =	slt.s32 s29, $0xF1;
	[tilespmem:s23+$0x10200] =	vst.msk vm6, v2;
	s0 =	sor.u32 s0, s21;
	s21 =	sand.u32 $0xFFFFFC00, s22  }
0x1a0: {  	[tilespmem:s0+$0x10200] =	vst.msk vm2, v1;
	vm2 =	vmmov vm0  }
0x1a1: {  	s23 =	sand.u32 $0x7F, s26;
	s0 =	sshll.u32 s24, $0x3;
	s22 =	spop (v2sf);
	vm2 =	vmneg @p0 vm2  }
0x1a2: {  	s23 =	sor.u32 s23, s21;
	s0 =	sand.u32 $0xFFFFFC00, s0;
	s22 =	sadd.s32 s29, s22;
	vm2 =	vmand vm4, vm2  }
0x1a3: {  	s24 =	sand.u32 $0x7F, s24;
	p0 =	slt.s32 s22, $0xF0;
	s21 =	smov.u32 s22  }
0x1a4: {  	p2 =	slt.s32 s22, $0xF1;
	s0 =	sor.u32 s24, s0;
	s21 =	simm.s32 @!p0 $0xF0;
	[tilespmem:s23+$0x10200] =	vst.msk vm1, v0  }
0x1a5: {  	s23 =	sshll.u32 s21, $0x3;
	[tilespmem:s0+$0x10200] =	vst.msk vm2, v7  }
0x1a6: {  	s23 =	sand.u32 $0xFFFFFC00, s23;
	v6 =	vld [tilespmem:s19+$0x200]  }
0x1a7: {  	v5 =	vld [tilespmem:s19+$0x210]  }
0x1a8: {  	v4 =	vld [tilespmem:s19+$0x220];
	_ =	sdelay $0x1  }
0x1a9: {  	v3 =	vld [tilespmem:s19+$0x230]  }
.Ltmp4:
0x1aa: {  	vm4 =	vgt.f32 v6, $2.000000000e+00;
	v2 =	vld [tilespmem:s19+$0x240];
	(pc) =	sbr.rel @p1 .LBB2_11-.Ltmp4, $4  }
0x1ab: {  	v8 =	vmpcnt.ones.xlane vm4;
	vm3 =	vgt.f32 v5, $2.000000000e+00;
	v1 =	vld [tilespmem:s19+$0x250]  }
0x1ac: {  	v9 =	vmpcnt.ones.xlane vm3;
	vm1 =	vgt.f32 v4, $2.000000000e+00;
	v0 =	vld [tilespmem:s19+$0x260]  }
0x1ad: {  	v7 =	vmpcnt.ones.xlane vm1;
	(v2sf) =	vpush v8, $0x0  }
0x1ae: {  	vm2 =	vgt.f32 v3, $2.000000000e+00;
	(v2sf) =	vpush v9, $0x0  }
0x1af: {  	v8 =	vmpcnt.ones.xlane vm2  }
0x1b0: {  	vm7 =	vgt.f32 v2, $2.000000000e+00;
	(v2sf) =	vpush v7, $0x0  }
0x1b1: {  	v59 =	vmpcnt.ones.xlane vm7;
	(v2sf) =	vpush v8, $0x0  }
0x1b2: {  	vm6 =	vgt.f32 v1, $2.000000000e+00  }
0x1b3: {  	v60 =	vmpcnt.ones.xlane vm6;
	vm5 =	vgt.f32 v0, $2.000000000e+00;
	(v2sf) =	vpush v59, $0x0  }
0x1b4: {  	v61 =	vmpcnt.ones.xlane vm5  }
0x1b5: {  	(v2sf) =	vpush v60, $0x0  }
0x1b6: {  	(v2sf) =	vpush v61, $0x0;
	_ =	sdelay $0x5  }
0x1b7: {  	s25 =	sand.u32 $0x7F, s21;
	s0 =	spop (v2sf)  }
0x1b8: {  	v62 =	vld [tilespmem:s19+$0x270];
	s19 =	sor.u32 s25, s23;
	s0 =	sadd.s32 s22, s0;
	s20 =	spop (v2sf)  }
0x1b9: {  	p0 =	slt.s32 s0, $0xF0;
	s20 =	sadd.s32 s0, s20;
	p3 =	slt.s32 s0, $0xF1  }
0x1ba: {  	s26 =	spop (v2sf);
	s0 =	simm.s32 @!p0 $0xF0;
	p0 =	slt.s32 s20, $0xF0  }
0x1bb: {  	s21 =	sadd.s32 s20, s26;
	s24 =	smov.u32 s20;
	s28 =	spop (v2sf)  }
0x1bc: {  	s29 =	sshll.u32 s0, $0x3;
	s24 =	simm.s32 @!p0 $0xF0;
	p6 =	slt.s32 s21, $0xF1  }
0x1bd: {  	vm8 =	vgt.f32 v62, $2.000000000e+00;
	s0 =	sand.u32 $0x7F, s0;
	s22 =	sadd.s32 s21, s28;
	s25 =	spop (v2sf)  }
0x1be: {  	v63 =	vmpcnt.ones.xlane vm8;
	s23 =	sand.u32 $0xFFFFFC00, s29;
	s30 =	sshll.u32 s24, $0x3;
	s24 =	sand.u32 $0x7F, s24  }
0x1bf: {  	s25 =	sadd.s32 s22, s25;
	s26 =	spop (v2sf);
	p0 =	slt.s32 s22, $0xF0  }
0x1c0: {  	(v2sf) =	vpush v63, $0x0;
	p4 =	slt.s32 s22, $0xF1;
	s0 =	sor.u32 s0, s23;
	s28 =	spop (v2sf)  }
0x1c1: {  	vm9 =	vmmov vm0;
	s22 =	simm.s32 @!p0 $0xF0;
	p1 =	slt.s32 s25, $0xF1;
	p0 =	slt.s32 s21, $0xF0  }
0x1c2: {  	vm9 =	vmneg @p2 vm9;
	s26 =	sadd.s32 s25, s26;
	p2 =	slt.s32 s25, $0xF0;
	s21 =	simm.s32 @!p0 $0xF0  }
0x1c3: {  	p0 =	slt.s32 s20, $0xF1;
	s29 =	sshll.u32 s22, $0x3;
	s20 =	sand.u32 $0xFFFFFC00, s30  }
0x1c4: {  	s22 =	sand.u32 $0x7F, s22;
	p5 =	slt.s32 s26, $0xF1;
	s28 =	sadd.s32 s26, s28  }
0x1c5: {  	vm10 =	vmmov vm0;
	s25 =	simm.s32 @!p2 $0xF0;
	p2 =	slt.s32 s26, $0xF0;
	s20 =	sor.u32 s24, s20  }
0x1c6: {  	vm4 =	vmand vm9, vm4;
	vm9 =	vmmov vm0;
	vm10 =	vmneg @p3 vm10;
	s31 =	sshll.u32 s21, $0x3;
	s29 =	sand.u32 $0xFFFFFC00, s29;
	s21 =	sand.u32 $0x7F, s21  }
0x1c7: {  	[tilespmem:s19+$0x10200] =	vst.msk vm4, v6;
	vm4 =	vmmov vm0;
	vm3 =	vmand vm3, vm10;
	vm9 =	vmneg @p0 vm9;
	s26 =	simm.s32 @!p2 $0xF0;
	p0 =	slt.s32 s28, $0xF0;
	p2 =	slt.s32 s28, $0xF1  }
0x1c8: {  	vm4 =	vmneg @p6 vm4;
	[tilespmem:s0+$0x10200] =	vst.msk vm3, v5;
	s24 =	sand.u32 $0xFFFFFC00, s31;
	vm1 =	vmand vm1, vm9;
	vm9 =	vmmov vm0;
	s30 =	sor.u32 s22, s29;
	s31 =	sshll.u32 s25, $0x3  }
0x1c9: {  	vm2 =	vmand vm2, vm4;
	vm3 =	vmmov vm0;
	s23 =	sshll.u32 s26, $0x3;
	s28 =	simm.s32 @!p0 $0xF0;
	s19 =	sor.u32 s21, s24;
	vm9 =	vmneg @p4 vm9;
	[tilespmem:s20+$0x10200] =	vst.msk vm1, v4  }
0x1ca: {  	vm4 =	vmmov vm0;
	vm3 =	vmneg @p1 vm3;
	s26 =	sand.u32 $0x7F, s26;
	s21 =	sand.u32 $0x7F, s25;
	s22 =	sand.u32 $0xFFFFFC00, s31;
	vm1 =	vmand vm7, vm9;
	[tilespmem:s19+$0x10200] =	vst.msk vm2, v3  }
0x1cb: {  	vm4 =	vmneg @p5 vm4;
	s24 =	sand.u32 $0xFFFFFC00, s23;
	s25 =	sshll.u32 s28, $0x3;
	s20 =	sor.u32 s21, s22;
	vm2 =	vmand vm6, vm3;
	[tilespmem:s30+$0x10200] =	vst.msk vm1, v2;
	vm1 =	vmmov vm0  }
0x1cc: {  	s29 =	sand.u32 $0x7F, s28;
	vm3 =	vmand vm5, vm4;
	s19 =	sand.u32 $0xFFFFFC00, s25;
	s0 =	sor.u32 s26, s24;
	[tilespmem:s20+$0x10200] =	vst.msk vm2, v1;
	vm1 =	vmneg @p2 vm1  }
0x1cd: {  	p0 =	por $0x1, $0x1;
	s21 =	simm.s32 $0x0;
	s30 =	sor.u32 s29, s19;
	vm1 =	vmand vm8, vm1;
	[tilespmem:s0+$0x10200] =	vst.msk vm3, v0  }
0x1ce: {  	p1 =	por $0x1, $0x1;
	s19 =	simm.s32 $0x0;
	s21 =	simm.s32 @!p0 $0xF0;
	[tilespmem:s30+$0x10200] =	vst.msk vm1, v62  }
0x1cf: {  	s20 =	simm.s32 $0x1000;
	s22 =	sshll.u32 s21, $0x3;
	s31 =	spop (v2sf);
	v1 =	vld [tilespmem:s19+$0x280]  }
.LBB2_13:
0x1d0: {  	p0 =	sne.s32 s20, $0x1F000;
	v3 =	vld [tilespmem:s19+$0x290];
	s0 =	smov.u32 s20;
	s20 =	sadd.s32 $0x1000, s20  }
0x1d1: {  	v4 =	vld [tilespmem:s19+$0x2A0];
	_ =	sdelay $0x2  }
0x1d2: {  	vm1 =	vgt.f32 v1, $2.000000000e+00  }
0x1d3: {  	v0 =	vmpcnt.ones.xlane vm1;
	vm7 =	vgt.f32 v3, $2.000000000e+00  }
0x1d4: {  	v2 =	vmpcnt.ones.xlane vm7;
	vm6 =	vgt.f32 v4, $2.000000000e+00;
	v5 =	vld [tilespmem:s19+$0x2B0]  }
0x1d5: {  	v6 =	vmpcnt.ones.xlane vm6;
	(v2sf) =	vpush v0, $0x0  }
0x1d6: {  	v7 =	vld [tilespmem:s19+$0x2C0];
	(v2sf) =	vpush v2, $0x0  }
0x1d7: {  	(v2sf) =	vpush v6, $0x0;
	_ =	sdelay $0x1  }
0x1d8: {  	s0 =	sshra.s32 s0, $0x2;
	vm4 =	vgt.f32 v5, $2.000000000e+00  }
0x1d9: {  	v2 =	vmpcnt.ones.xlane vm4  }
0x1da: {  	vm2 =	vmmov vm0;
	vm5 =	vgt.f32 v7, $2.000000000e+00;
	v6 =	vld [tilespmem:s19+$0x2D0]  }
0x1db: {  	s21 =	sand.u32 $0x7F, s21;
	s22 =	sand.u32 $0xFFFFFC00, s22;
	vm2 =	vmneg @p1 vm2;
	v8 =	vmpcnt.ones.xlane vm5;
	v0 =	vld [tilespmem:s19+$0x2F0];
	(v2sf) =	vpush v2, $0x0  }
0x1dc: {  	s21 =	sor.u32 s21, s22;
	vm1 =	vmand vm2, vm1;
	v2 =	vld [tilespmem:s19+$0x2E0];
	s19 =	smov.u32 s0  }
0x1dd: {  	[tilespmem:s21+$0x10280] =	vst.msk vm1, v1;
	(v2sf) =	vpush v8, $0x0;
	_ =	sdelay $0x1  }
0x1de: {  	vm3 =	vgt.f32 v6, $2.000000000e+00  }
0x1df: {  	v1 =	vmpcnt.ones.xlane vm3  }
0x1e0: {  	vm2 =	vgt.f32 v2, $2.000000000e+00  }
0x1e1: {  	v8 =	vmpcnt.ones.xlane vm2;
	(v2sf) =	vpush v1, $0x0  }
0x1e2: {  	s0 =	spop (v2sf)  }
0x1e3: {  	s0 =	sadd.s32 s18, s0  }
0x1e4: {  	s18 =	spop (v2sf);
	(v2sf) =	vpush v8, $0x0;
	p1 =	slt.s32 s0, $0xF0  }
0x1e5: {  	s18 =	sadd.s32 s0, s18;
	s21 =	spop (v2sf);
	s22 =	smov.u32 s0  }
0x1e6: {  	vm1 =	vgt.f32 v0, $2.000000000e+00;
	p3 =	slt.s32 s0, $0xF1;
	s22 =	simm.s32 @!p1 $0xF0;
	p2 =	slt.s32 s18, $0xF0  }
0x1e7: {  	v1 =	vmpcnt.ones.xlane vm1;
	p1 =	slt.s32 s18, $0xF1;
	s0 =	sadd.s32 s18, s21;
	s18 =	simm.s32 @!p2 $0xF0  }
0x1e8: {  	vm8 =	vmmov vm0;
	s21 =	sshll.u32 s22, $0x3;
	p2 =	slt.s32 s0, $0xF1;
	s23 =	sshll.u32 s18, $0x3  }
0x1e9: {  	vm8 =	vmneg @p3 vm8;
	p3 =	slt.s32 s0, $0xF0;
	(v2sf) =	vpush v1, $0x0;
	s18 =	sand.u32 $0x7F, s18;
	s23 =	sand.u32 $0xFFFFFC00, s23  }
0x1ea: {  	vm7 =	vmand vm7, vm8;
	s22 =	sand.u32 $0x7F, s22;
	s18 =	sor.u32 s18, s23;
	s23 =	smov.u32 s0  }
0x1eb: {  	vm9 =	vmmov vm0;
	vm8 =	vmmov vm0;
	s21 =	sand.u32 $0xFFFFFC00, s21;
	s24 =	spop (v2sf);
	s23 =	simm.s32 @!p3 $0xF0  }
0x1ec: {  	vm8 =	vmneg @p1 vm8;
	vm9 =	vmneg @p2 vm9;
	s21 =	sor.u32 s22, s21;
	s0 =	sadd.s32 s0, s24;
	s24 =	sshll.u32 s23, $0x3  }
0x1ed: {  	vm6 =	vmand vm6, vm8;
	p1 =	slt.s32 s0, $0xF0;
	s22 =	smov.u32 s0;
	s25 =	spop (v2sf)  }
0x1ee: {  	s22 =	simm.s32 @!p1 $0xF0;
	p1 =	slt.s32 s0, $0xF1  }
0x1ef: {  	[tilespmem:s21+$0x10280] =	vst.msk vm7, v3;
	vm7 =	vmmov vm0  }
0x1f0: {  	s0 =	sadd.s32 s0, s25;
	s21 =	sand.u32 $0x7F, s23;
	s23 =	sand.u32 $0xFFFFFC00, s24;
	vm7 =	vmneg @p1 vm7  }
0x1f1: {  	vm4 =	vmand vm4, vm9;
	p1 =	slt.s32 s0, $0xF0;
	[tilespmem:s18+$0x10280] =	vst.msk vm6, v4;
	s18 =	sor.u32 s21, s23;
	vm5 =	vmand vm5, vm7;
	s21 =	sshll.u32 s22, $0x3  }
0x1f2: {  	[tilespmem:s18+$0x10280] =	vst.msk vm4, v5;
	s18 =	sand.u32 $0x7F, s22;
	s21 =	sand.u32 $0xFFFFFC00, s21  }
0x1f3: {  	p2 =	slt.s32 s0, $0xF1;
	vm4 =	vmmov vm0;
	s18 =	sor.u32 s18, s21;
	s21 =	smov.u32 s0  }
0x1f4: {  	vm4 =	vmneg @p2 vm4;
	s22 =	spop (v2sf);
	s21 =	simm.s32 @!p1 $0xF0  }
0x1f5: {  	s0 =	sadd.s32 s0, s22;
	[tilespmem:s18+$0x10280] =	vst.msk vm5, v7;
	s18 =	sand.u32 $0x7F, s21;
	s21 =	sshll.u32 s21, $0x3  }
0x1f6: {  	p1 =	slt.s32 s0, $0xF0;
	s21 =	sand.u32 $0xFFFFFC00, s21;
	s22 =	spop (v2sf)  }
0x1f7: {  	s18 =	sor.u32 s18, s21;
	s21 =	smov.u32 s0;
	s22 =	sadd.s32 s0, s22  }
0x1f8: {  	vm3 =	vmand vm3, vm4;
	s21 =	simm.s32 @!p1 $0xF0;
	p1 =	slt.s32 s0, $0xF1;
	p2 =	slt.s32 s22, $0xF0  }
0x1f9: {  	[tilespmem:s18+$0x10280] =	vst.msk vm3, v6;
	s0 =	sshll.u32 s21, $0x3;
	vm3 =	vmmov vm0;
	s18 =	sand.u32 $0x7F, s21;
	s21 =	smov.u32 s22  }
0x1fa: {  	vm3 =	vmneg @p1 vm3;
	s0 =	sand.u32 $0xFFFFFC00, s0;
	s21 =	simm.s32 @!p2 $0xF0;
	p1 =	slt.s32 s22, $0xF1  }
0x1fb: {  	vm2 =	vmand vm2, vm3;
	s0 =	sor.u32 s18, s0;
	s18 =	sshll.u32 s21, $0x3;
	s23 =	spop (v2sf)  }
.Ltmp5:
0x1fc: {  	[tilespmem:s0+$0x10280] =	vst.msk vm2, v2;
	s0 =	sand.u32 $0x7F, s21;
	s18 =	sand.u32 $0xFFFFFC00, s18;
	vm2 =	vmmov vm0;
	(pc) =	sbr.rel @p0 .LBB2_13-.Ltmp5, $4  }
0x1fd: {  	vm2 =	vmneg @p1 vm2;
	s0 =	sor.u32 s0, s18;
	s18 =	sadd.s32 s22, s23  }
0x1fe: {  	p2 =	slt.s32 s18, $0xF0;
	p1 =	slt.s32 s18, $0xF1;
	vm1 =	vmand vm1, vm2;
	s21 =	smov.u32 s18  }
0x1ff: {  	s21 =	simm.s32 @!p2 $0xF0;
	[tilespmem:s0+$0x10280] =	vst.msk vm1, v0  }
0x200: {  	v1 =	vld [tilespmem:s19+$0x280];
	s22 =	sshll.u32 s21, $0x3  }
0x201: {  	v0 =	vld [tilespmem:s19+$0x290];
	_ =	sdelay $0x1  }
0x202: {  	v2 =	vld [tilespmem:s19+$0x2A0];
	_ =	sdelay $0x1  }
0x203: {  	vm7 =	vgt.f32 v1, $2.000000000e+00  }
0x204: {  	v5 =	vld [tilespmem:s19+$0x2B0];
	v3 =	vmpcnt.ones.xlane vm7;
	vm6 =	vgt.f32 v0, $2.000000000e+00  }
0x205: {  	v4 =	vmpcnt.ones.xlane vm6  }
0x206: {  	vm5 =	vgt.f32 v2, $2.000000000e+00;
	(v2sf) =	vpush v3, $0x0  }
0x207: {  	v3 =	vmpcnt.ones.xlane vm5;
	(v2sf) =	vpush v4, $0x0;
	_ =	sdelay $0x1  }
0x208: {  	vm4 =	vgt.f32 v5, $2.000000000e+00;
	v4 =	vld [tilespmem:s19+$0x2C0];
	(v2sf) =	vpush v3, $0x0  }
0x209: {  	v3 =	vmpcnt.ones.xlane vm4;
	_ =	sdelay $0x1  }
0x20a: {  	(v2sf) =	vpush v3, $0x0;
	_ =	sdelay $0x1  }
0x20b: {  	v3 =	vld [tilespmem:s19+$0x2D0];
	vm3 =	vgt.f32 v4, $2.000000000e+00  }
0x20c: {  	v7 =	vld [tilespmem:s19+$0x2E0];
	v6 =	vmpcnt.ones.xlane vm3;
	_ =	sdelay $0x1  }
0x20d: {  	(v2sf) =	vpush v6, $0x0;
	_ =	sdelay $0x1  }
0x20e: {  	vm2 =	vgt.f32 v3, $2.000000000e+00  }
0x20f: {  	vm1 =	vgt.f32 v7, $2.000000000e+00;
	v6 =	vmpcnt.ones.xlane vm2  }
0x210: {  	s20 =	sand.u32 $0x7F, s21;
	v8 =	vmpcnt.ones.xlane vm1;
	s0 =	spop (v2sf)  }
0x211: {  	s22 =	sand.u32 $0xFFFFFC00, s22;
	(v2sf) =	vpush v6, $0x0;
	s0 =	sadd.s32 s18, s0;
	s23 =	spop (v2sf)  }
0x212: {  	s20 =	sor.u32 s20, s22;
	(v2sf) =	vpush v8, $0x0;
	s18 =	sadd.s32 s0, s23;
	p2 =	slt.s32 s0, $0xF0  }
0x213: {  	s24 =	spop (v2sf);
	p3 =	slt.s32 s0, $0xF1;
	p4 =	slt.s32 s18, $0xF0  }
0x214: {  	p0 =	slt.s32 s18, $0xF1;
	s21 =	sadd.s32 s18, s24;
	s0 =	simm.s32 @!p2 $0xF0  }
0x215: {  	s18 =	simm.s32 @!p4 $0xF0;
	s25 =	sshll.u32 s0, $0x3;
	p2 =	slt.s32 s21, $0xF1  }
0x216: {  	s24 =	spop (v2sf);
	p4 =	slt.s32 s21, $0xF0;
	s0 =	sand.u32 $0x7F, s0  }
0x217: {  	s23 =	sshll.u32 s18, $0x3;
	s18 =	sand.u32 $0x7F, s18;
	s24 =	sadd.s32 s21, s24  }
0x218: {  	s21 =	simm.s32 @!p4 $0xF0;
	s26 =	sand.u32 $0xFFFFFC00, s25;
	s23 =	sand.u32 $0xFFFFFC00, s23  }
0x219: {  	s28 =	sshll.u32 s21, $0x3;
	p4 =	slt.s32 s24, $0xF0;
	s0 =	sor.u32 s0, s26  }
0x21a: {  	s29 =	sand.u32 $0x7F, s21;
	s18 =	sor.u32 s18, s23;
	s23 =	smov.u32 s24  }
0x21b: {  	s30 =	sand.u32 $0xFFFFFC00, s28;
	s23 =	simm.s32 @!p4 $0xF0;
	s25 =	spop (v2sf)  }
0x21c: {  	v6 =	vld [tilespmem:s19+$0x2F0];
	p4 =	slt.s32 s24, $0xF1;
	s31 =	sadd.s32 s24, s25;
	s24 =	sshll.u32 s23, $0x3  }
0x21d: {  	vm9 =	vmmov vm0;
	p5 =	slt.s32 s31, $0xF0;
	s21 =	sand.u32 $0xFFFFFC00, s24;
	s24 =	smov.u32 s31  }
0x21e: {  	vm10 =	vmmov vm0;
	vm9 =	vmneg @p1 vm9;
	s19 =	sor.u32 s29, s30;
	s23 =	sand.u32 $0x7F, s23;
	s24 =	simm.s32 @!p5 $0xF0  }
0x21f: {  	vm7 =	vmand vm9, vm7;
	vm9 =	vmmov vm0;
	vm10 =	vmneg @p3 vm10;
	p1 =	slt.s32 s31, $0xF1;
	s26 =	sand.u32 $0x7F, s24;
	s24 =	sshll.u32 s24, $0x3  }
0x220: {  	[tilespmem:s20+$0x10280] =	vst.msk vm7, v1;
	vm7 =	vmmov vm0;
	vm6 =	vmand vm6, vm10;
	vm9 =	vmneg @p0 vm9;
	s21 =	sor.u32 s23, s21;
	s29 =	sand.u32 $0xFFFFFC00, s24;
	s25 =	spop (v2sf)  }
0x221: {  	vm8 =	vgt.f32 v6, $2.000000000e+00;
	vm7 =	vmneg @p2 vm7;
	vm5 =	vmand vm5, vm9;
	[tilespmem:s0+$0x10280] =	vst.msk vm6, v0;
	s28 =	sadd.s32 s31, s25;
	s30 =	spop (v2sf);
	s31 =	sor.u32 s26, s29  }
0x222: {  	v8 =	vmpcnt.ones.xlane vm8;
	vm6 =	vmmov vm0;
	[tilespmem:s18+$0x10280] =	vst.msk vm5, v2;
	vm5 =	vmmov vm0;
	p0 =	slt.s32 s28, $0xF0;
	s22 =	smov.u32 s28;
	s23 =	sadd.s32 s28, s30  }
0x223: {  	vm4 =	vmand vm4, vm7;
	vm6 =	vmneg @p4 vm6;
	vm5 =	vmneg @p1 vm5;
	p1 =	slt.s32 s28, $0xF1;
	s22 =	simm.s32 @!p0 $0xF0;
	p2 =	slt.s32 s23, $0xF0  }
0x224: {  	[tilespmem:s19+$0x10280] =	vst.msk vm4, v5;
	vm4 =	vmmov vm0;
	vm3 =	vmand vm3, vm6;
	(v2sf) =	vpush v8, $0x0;
	p0 =	slt.s32 s23, $0xF1;
	s20 =	sshll.u32 s22, $0x3;
	s23 =	simm.s32 @!p2 $0xF0  }
0x225: {  	[tilespmem:s21+$0x10280] =	vst.msk vm3, v4;
	vm2 =	vmand vm2, vm5;
	vm3 =	vmmov vm0;
	vm4 =	vmneg @p1 vm4;
	s24 =	sand.u32 $0x7F, s22;
	s18 =	sand.u32 $0xFFFFFC00, s20;
	s25 =	sshll.u32 s23, $0x3  }
0x226: {  	[tilespmem:s31+$0x10280] =	vst.msk vm2, v3;
	vm1 =	vmand vm1, vm4;
	vm3 =	vmneg @p0 vm3;
	s28 =	sand.u32 $0x7F, s23;
	s26 =	sor.u32 s24, s18;
	s29 =	sand.u32 $0xFFFFFC00, s25  }
0x227: {  	[tilespmem:s26+$0x10280] =	vst.msk vm1, v7;
	s30 =	sor.u32 s28, s29;
	vm1 =	vmand vm8, vm3  }
0x228: {  	s19 =	simm.s32 $0x0;
	[tilespmem:s30+$0x10280] =	vst.msk vm1, v6  }
0x229: {  	v6 =	vld [tilespmem:s19+$0x300];
	_ =	sdelay $0x1  }
0x22a: {  	v5 =	vld [tilespmem:s19+$0x310]  }
0x22b: {  	v4 =	vld [tilespmem:s19+$0x320];
	_ =	sdelay $0x1  }
0x22c: {  	v3 =	vld [tilespmem:s19+$0x330];
	vm4 =	vgt.f32 v6, $2.000000000e+00  }
0x22d: {  	v2 =	vld [tilespmem:s19+$0x340];
	v0 =	vmpcnt.ones.xlane vm4  }
0x22e: {  	s21 =	simm.s32 $0x0;
	p0 =	por $0x1, $0x1;
	v1 =	vld [tilespmem:s19+$0x350];
	vm3 =	vgt.f32 v5, $2.000000000e+00  }
0x22f: {  	p2 =	por $0x1, $0x1;
	s21 =	simm.s32 @!p0 $0xF0;
	vm1 =	vgt.f32 v4, $2.000000000e+00;
	v8 =	vmpcnt.ones.xlane vm3;
	(v2sf) =	vpush v0, $0x0;
	v0 =	vld [tilespmem:s19+$0x360]  }
0x230: {  	s22 =	simm.s32 $0x0;
	s20 =	simm.s32 $0x1000;
	s0 =	sshll.u32 s21, $0x3;
	v7 =	vmpcnt.ones.xlane vm1  }
0x231: {  	s18 =	simm.s32 $0x0;
	s23 =	sand.u32 $0xFFFFFC00, s0;
	vm2 =	vgt.f32 v3, $2.000000000e+00;
	s31 =	spop (v2sf);
	(v2sf) =	vpush v8, $0x0  }
.LBB2_15:
0x232: {  	p1 =	sne.s32 s20, $0x1F000;
	v8 =	vmpcnt.ones.xlane vm2;
	vm6 =	vgt.f32 v2, $2.000000000e+00;
	(v2sf) =	vpush v7, $0x0;
	s0 =	smov.u32 s20;
	s20 =	sadd.s32 $0x1000, s20  }
0x233: {  	v7 =	vmpcnt.ones.xlane vm6;
	vm7 =	vgt.f32 v1, $2.000000000e+00  }
0x234: {  	v9 =	vmpcnt.ones.xlane vm7;
	vm5 =	vgt.f32 v0, $2.000000000e+00;
	(v2sf) =	vpush v8, $0x0  }
0x235: {  	v8 =	vmpcnt.ones.xlane vm5;
	(v2sf) =	vpush v7, $0x0  }
0x236: {  	(v2sf) =	vpush v9, $0x0  }
0x237: {  	(v2sf) =	vpush v8, $0x0;
	_ =	sdelay $0x2  }
0x238: {  	vm8 =	vmmov vm0  }
0x239: {  	s21 =	sand.u32 $0x7F, s21;
	vm8 =	vmneg @p2 vm8  }
0x23a: {  	s21 =	sor.u32 s21, s23;
	vm4 =	vmand vm8, vm4;
	v7 =	vld [tilespmem:s19+$0x370]  }
0x23b: {  	s19 =	sshra.s32 s0, $0x2;
	[tilespmem:s21+$0x10300] =	vst.msk vm4, v6;
	_ =	sdelay $0x1  }
0x23c: {  	s0 =	spop (v2sf)  }
0x23d: {  	s0 =	sadd.s32 s22, s0;
	s21 =	spop (v2sf)  }
0x23e: {  	p0 =	slt.s32 s0, $0xF0;
	s22 =	sadd.s32 s0, s21;
	s21 =	spop (v2sf)  }
0x23f: {  	vm4 =	vgt.f32 v7, $2.000000000e+00;
	p2 =	slt.s32 s0, $0xF1;
	s0 =	simm.s32 @!p0 $0xF0;
	p0 =	slt.s32 s22, $0xF0  }
0x240: {  	vm8 =	vmmov vm0;
	v6 =	vmpcnt.ones.xlane vm4;
	s24 =	sadd.s32 s22, s21;
	s25 =	smov.u32 s22;
	s23 =	sshll.u32 s0, $0x3  }
0x241: {  	vm8 =	vmneg @p2 vm8;
	s21 =	spop (v2sf);
	s25 =	simm.s32 @!p0 $0xF0;
	p0 =	slt.s32 s24, $0xF1  }
0x242: {  	vm3 =	vmand vm3, vm8;
	s0 =	sand.u32 $0x7F, s0;
	s26 =	sadd.s32 s24, s21;
	s21 =	spop (v2sf);
	(v2sf) =	vpush v6, $0x0  }
0x243: {  	vm8 =	vmmov vm0;
	s23 =	sand.u32 $0xFFFFFC00, s23;
	s21 =	sadd.s32 s26, s21;
	s28 =	spop (v2sf)  }
0x244: {  	vm8 =	vmneg @p0 vm8;
	p2 =	slt.s32 s26, $0xF0;
	s30 =	smov.u32 s26;
	s29 =	spop (v2sf)  }
0x245: {  	vm9 =	vmmov vm0;
	vm8 =	vmand vm2, vm8;
	vm2 =	vmmov vm0;
	s30 =	simm.s32 @!p2 $0xF0;
	p0 =	slt.s32 s21, $0xF1;
	p2 =	slt.s32 s22, $0xF1  }
0x246: {  	s22 =	sand.u32 $0x7F, s25;
	s31 =	sshll.u32 s30, $0x3;
	vm2 =	vmneg @p0 vm2;
	vm9 =	vmneg @p2 vm9  }
0x247: {  	p0 =	slt.s32 s24, $0xF0;
	p2 =	slt.s32 s26, $0xF1;
	s26 =	sadd.s32 s21, s28;
	vm2 =	vmand vm7, vm2;
	vm7 =	vmand vm1, vm9;
	vm1 =	vmmov vm0  }
0x248: {  	s25 =	sshll.u32 s25, $0x3;
	s28 =	sand.u32 $0x7F, s30;
	s24 =	simm.s32 @!p0 $0xF0;
	vm1 =	vmneg @p2 vm1  }
0x249: {  	s25 =	sand.u32 $0xFFFFFC00, s25;
	p0 =	slt.s32 s26, $0xF1;
	s30 =	sshll.u32 s24, $0x3;
	vm6 =	vmand vm6, vm1;
	vm1 =	vmmov vm0  }
0x24a: {  	s22 =	sor.u32 s22, s25;
	s25 =	sand.u32 $0xFFFFFC00, s31;
	s29 =	sadd.s32 s26, s29;
	vm1 =	vmneg @p0 vm1  }
0x24b: {  	s24 =	sand.u32 $0x7F, s24;
	p2 =	slt.s32 s26, $0xF0;
	p0 =	slt.s32 s21, $0xF0;
	vm1 =	vmand vm5, vm1  }
0x24c: {  	s0 =	sor.u32 s0, s23;
	s21 =	simm.s32 @!p0 $0xF0;
	p0 =	slt.s32 s29, $0xF0  }
0x24d: {  	s23 =	sor.u32 s28, s25;
	[tilespmem:s0+$0x10300] =	vst.msk vm3, v5;
	s0 =	sand.u32 $0xFFFFFC00, s30  }
0x24e: {  	s25 =	sshll.u32 s21, $0x3;
	s0 =	sor.u32 s24, s0;
	s24 =	smov.u32 s29  }
0x24f: {  	s26 =	simm.s32 @!p2 $0xF0;
	[tilespmem:s22+$0x10300] =	vst.msk vm7, v4;
	s24 =	simm.s32 @!p0 $0xF0  }
0x250: {  	s22 =	sshll.u32 s26, $0x3;
	[tilespmem:s0+$0x10300] =	vst.msk vm8, v3;
	s0 =	sand.u32 $0x7F, s21;
	s21 =	sand.u32 $0xFFFFFC00, s25  }
0x251: {  	p0 =	slt.s32 s29, $0xF1;
	[tilespmem:s23+$0x10300] =	vst.msk vm6, v2;
	s0 =	sor.u32 s0, s21;
	s21 =	sand.u32 $0xFFFFFC00, s22  }
0x252: {  	[tilespmem:s0+$0x10300] =	vst.msk vm2, v1;
	vm2 =	vmmov vm0  }
0x253: {  	s23 =	sand.u32 $0x7F, s26;
	s0 =	sshll.u32 s24, $0x3;
	s22 =	spop (v2sf);
	vm2 =	vmneg @p0 vm2  }
0x254: {  	s23 =	sor.u32 s23, s21;
	s0 =	sand.u32 $0xFFFFFC00, s0;
	s22 =	sadd.s32 s29, s22;
	vm2 =	vmand vm4, vm2  }
0x255: {  	s24 =	sand.u32 $0x7F, s24;
	p0 =	slt.s32 s22, $0xF0;
	s21 =	smov.u32 s22  }
0x256: {  	p2 =	slt.s32 s22, $0xF1;
	s0 =	sor.u32 s24, s0;
	s21 =	simm.s32 @!p0 $0xF0;
	[tilespmem:s23+$0x10300] =	vst.msk vm1, v0  }
0x257: {  	s23 =	sshll.u32 s21, $0x3;
	[tilespmem:s0+$0x10300] =	vst.msk vm2, v7  }
0x258: {  	s23 =	sand.u32 $0xFFFFFC00, s23;
	v6 =	vld [tilespmem:s19+$0x300]  }
0x259: {  	v5 =	vld [tilespmem:s19+$0x310]  }
0x25a: {  	v4 =	vld [tilespmem:s19+$0x320];
	_ =	sdelay $0x1  }
0x25b: {  	v3 =	vld [tilespmem:s19+$0x330]  }
.Ltmp6:
0x25c: {  	vm4 =	vgt.f32 v6, $2.000000000e+00;
	v2 =	vld [tilespmem:s19+$0x340];
	(pc) =	sbr.rel @p1 .LBB2_15-.Ltmp6, $4  }
0x25d: {  	v8 =	vmpcnt.ones.xlane vm4;
	vm3 =	vgt.f32 v5, $2.000000000e+00;
	v1 =	vld [tilespmem:s19+$0x350]  }
0x25e: {  	v9 =	vmpcnt.ones.xlane vm3;
	vm1 =	vgt.f32 v4, $2.000000000e+00;
	v0 =	vld [tilespmem:s19+$0x360]  }
0x25f: {  	v7 =	vmpcnt.ones.xlane vm1;
	(v2sf) =	vpush v8, $0x0  }
0x260: {  	vm2 =	vgt.f32 v3, $2.000000000e+00;
	(v2sf) =	vpush v9, $0x0  }
0x261: {  	v8 =	vmpcnt.ones.xlane vm2  }
0x262: {  	vm7 =	vgt.f32 v2, $2.000000000e+00;
	(v2sf) =	vpush v7, $0x0  }
0x263: {  	v7 =	vmpcnt.ones.xlane vm7;
	vm6 =	vgt.f32 v1, $2.000000000e+00;
	(v2sf) =	vpush v8, $0x0  }
0x264: {  	v8 =	vmpcnt.ones.xlane vm6  }
0x265: {  	vm5 =	vgt.f32 v0, $2.000000000e+00;
	(v2sf) =	vpush v7, $0x0  }
0x266: {  	v7 =	vmpcnt.ones.xlane vm5;
	(v2sf) =	vpush v8, $0x0;
	_ =	sdelay $0x1  }
0x267: {  	(v2sf) =	vpush v7, $0x0;
	_ =	sdelay $0x5  }
0x268: {  	s20 =	sand.u32 $0x7F, s21;
	s0 =	spop (v2sf)  }
0x269: {  	s20 =	sor.u32 s20, s23;
	s0 =	sadd.s32 s22, s0;
	s29 =	spop (v2sf)  }
0x26a: {  	p0 =	slt.s32 s0, $0xF0;
	s21 =	sadd.s32 s0, s29;
	p5 =	slt.s32 s0, $0xF1  }
0x26b: {  	s30 =	spop (v2sf);
	s0 =	simm.s32 @!p0 $0xF0;
	p0 =	slt.s32 s21, $0xF0  }
0x26c: {  	s22 =	sadd.s32 s21, s30;
	s25 =	smov.u32 s21;
	s31 =	spop (v2sf)  }
0x26d: {  	s24 =	sshll.u32 s0, $0x3;
	s25 =	simm.s32 @!p0 $0xF0;
	p6 =	slt.s32 s22, $0xF1  }
0x26e: {  	s0 =	sand.u32 $0x7F, s0;
	s23 =	sadd.s32 s22, s31;
	s26 =	spop (v2sf)  }
0x26f: {  	s24 =	sand.u32 $0xFFFFFC00, s24;
	s26 =	sadd.s32 s23, s26;
	s28 =	spop (v2sf)  }
0x270: {  	v7 =	vld [tilespmem:s19+$0x370];
	p0 =	slt.s32 s23, $0xF0;
	p3 =	slt.s32 s23, $0xF1;
	s0 =	sor.u32 s0, s24  }
0x271: {  	vm9 =	vmmov vm0;
	s29 =	spop (v2sf);
	s23 =	simm.s32 @!p0 $0xF0;
	p1 =	slt.s32 s26, $0xF1  }
0x272: {  	vm9 =	vmneg @p2 vm9;
	p0 =	slt.s32 s22, $0xF0;
	s28 =	sadd.s32 s26, s28;
	p2 =	slt.s32 s26, $0xF0  }
0x273: {  	s22 =	simm.s32 @!p0 $0xF0;
	p0 =	slt.s32 s21, $0xF1;
	s21 =	sshll.u32 s25, $0x3  }
0x274: {  	s25 =	sand.u32 $0x7F, s25;
	s30 =	sshll.u32 s23, $0x3;
	s23 =	sand.u32 $0x7F, s23  }
0x275: {  	vm10 =	vmmov vm0;
	vm8 =	vgt.f32 v7, $2.000000000e+00;
	p4 =	slt.s32 s28, $0xF1;
	s29 =	sadd.s32 s28, s29;
	s26 =	simm.s32 @!p2 $0xF0  }
0x276: {  	vm4 =	vmand vm9, vm4;
	vm9 =	vmmov vm0;
	v8 =	vmpcnt.ones.xlane vm8;
	p2 =	slt.s32 s28, $0xF0;
	s19 =	sand.u32 $0xFFFFFC00, s21;
	s31 =	sshll.u32 s22, $0x3  }
0x277: {  	vm10 =	vmneg @p5 vm10;
	s22 =	sand.u32 $0x7F, s22;
	vm9 =	vmneg @p0 vm9;
	s28 =	simm.s32 @!p2 $0xF0;
	p0 =	slt.s32 s29, $0xF0  }
0x278: {  	[tilespmem:s20+$0x10300] =	vst.msk vm4, v6;
	vm4 =	vmmov vm0;
	(v2sf) =	vpush v8, $0x0;
	vm3 =	vmand vm3, vm10;
	p2 =	slt.s32 s29, $0xF1;
	s19 =	sor.u32 s25, s19;
	s25 =	sand.u32 $0xFFFFFC00, s30  }
0x279: {  	vm4 =	vmneg @p6 vm4;
	[tilespmem:s0+$0x10300] =	vst.msk vm3, v5;
	s24 =	sand.u32 $0xFFFFFC00, s31;
	vm1 =	vmand vm1, vm9;
	vm9 =	vmmov vm0;
	s31 =	sshll.u32 s26, $0x3;
	s29 =	simm.s32 @!p0 $0xF0  }
0x27a: {  	vm2 =	vmand vm2, vm4;
	vm3 =	vmmov vm0;
	s30 =	sor.u32 s23, s25;
	s20 =	sor.u32 s22, s24;
	vm9 =	vmneg @p3 vm9;
	[tilespmem:s19+$0x10300] =	vst.msk vm1, v4;
	s22 =	sand.u32 $0x7F, s26  }
0x27b: {  	vm4 =	vmmov vm0;
	vm3 =	vmneg @p1 vm3;
	s21 =	sand.u32 $0xFFFFFC00, s31;
	s23 =	sshll.u32 s28, $0x3;
	s25 =	sshll.u32 s29, $0x3;
	vm1 =	vmand vm7, vm9;
	[tilespmem:s20+$0x10300] =	vst.msk vm2, v3  }
0x27c: {  	vm4 =	vmneg @p4 vm4;
	s26 =	sand.u32 $0x7F, s28;
	s19 =	sor.u32 s22, s21;
	vm2 =	vmand vm6, vm3;
	s24 =	sand.u32 $0xFFFFFC00, s23;
	[tilespmem:s30+$0x10300] =	vst.msk vm1, v2;
	vm1 =	vmmov vm0  }
0x27d: {  	s29 =	sand.u32 $0x7F, s29;
	vm3 =	vmand vm5, vm4;
	s28 =	sand.u32 $0xFFFFFC00, s25;
	s0 =	sor.u32 s26, s24;
	[tilespmem:s19+$0x10300] =	vst.msk vm2, v1;
	vm1 =	vmneg @p2 vm1  }
0x27e: {  	s30 =	sor.u32 s29, s28;
	vm1 =	vmand vm8, vm1;
	[tilespmem:s0+$0x10300] =	vst.msk vm3, v0  }
0x27f: {  	s19 =	simm.s32 $0x0;
	[tilespmem:s30+$0x10300] =	vst.msk vm1, v7  }
0x280: {  	v6 =	vld [tilespmem:s19+$0x380];
	_ =	sdelay $0x1  }
0x281: {  	v5 =	vld [tilespmem:s19+$0x390]  }
0x282: {  	v4 =	vld [tilespmem:s19+$0x3A0];
	_ =	sdelay $0x1  }
0x283: {  	v3 =	vld [tilespmem:s19+$0x3B0];
	vm4 =	vgt.f32 v6, $2.000000000e+00  }
0x284: {  	v2 =	vld [tilespmem:s19+$0x3C0];
	v0 =	vmpcnt.ones.xlane vm4  }
0x285: {  	p0 =	por $0x1, $0x1;
	s21 =	simm.s32 $0x0;
	v1 =	vld [tilespmem:s19+$0x3D0];
	vm3 =	vgt.f32 v5, $2.000000000e+00  }
0x286: {  	s21 =	simm.s32 @!p0 $0xF0;
	vm1 =	vgt.f32 v4, $2.000000000e+00;
	v8 =	vmpcnt.ones.xlane vm3;
	(v2sf) =	vpush v0, $0x0;
	v0 =	vld [tilespmem:s19+$0x3E0]  }
0x287: {  	p1 =	por $0x1, $0x1;
	s0 =	sshll.u32 s21, $0x3;
	v7 =	vmpcnt.ones.xlane vm1  }
0x288: {  	s20 =	simm.s32 $0x1000;
	s31 =	spop (v2sf);
	s22 =	sand.u32 $0xFFFFFC00, s0;
	vm2 =	vgt.f32 v3, $2.000000000e+00;
	(v2sf) =	vpush v8, $0x0  }
.LBB2_17:
0x289: {  	p0 =	sne.s32 s20, $0x1F000;
	v8 =	vmpcnt.ones.xlane vm2;
	vm6 =	vgt.f32 v2, $2.000000000e+00;
	(v2sf) =	vpush v7, $0x0;
	s0 =	smov.u32 s20;
	s20 =	sadd.s32 $0x1000, s20  }
0x28a: {  	v7 =	vmpcnt.ones.xlane vm6;
	vm7 =	vgt.f32 v1, $2.000000000e+00  }
0x28b: {  	v9 =	vmpcnt.ones.xlane vm7;
	vm5 =	vgt.f32 v0, $2.000000000e+00;
	(v2sf) =	vpush v8, $0x0  }
0x28c: {  	v8 =	vmpcnt.ones.xlane vm5;
	(v2sf) =	vpush v7, $0x0  }
0x28d: {  	(v2sf) =	vpush v9, $0x0  }
0x28e: {  	(v2sf) =	vpush v8, $0x0;
	_ =	sdelay $0x2  }
0x28f: {  	vm8 =	vmmov vm0  }
0x290: {  	s21 =	sand.u32 $0x7F, s21;
	vm8 =	vmneg @p1 vm8  }
0x291: {  	s21 =	sor.u32 s21, s22;
	vm4 =	vmand vm8, vm4;
	v7 =	vld [tilespmem:s19+$0x3F0]  }
0x292: {  	s19 =	sshra.s32 s0, $0x2;
	[tilespmem:s21+$0x10380] =	vst.msk vm4, v6;
	_ =	sdelay $0x1  }
0x293: {  	s0 =	spop (v2sf)  }
0x294: {  	s0 =	sadd.s32 s18, s0;
	s18 =	spop (v2sf)  }
0x295: {  	p1 =	slt.s32 s0, $0xF0;
	s21 =	sadd.s32 s0, s18;
	s18 =	spop (v2sf)  }
0x296: {  	vm4 =	vgt.f32 v7, $2.000000000e+00;
	p2 =	slt.s32 s0, $0xF1;
	s0 =	simm.s32 @!p1 $0xF0;
	p1 =	slt.s32 s21, $0xF0  }
0x297: {  	vm8 =	vmmov vm0;
	v6 =	vmpcnt.ones.xlane vm4;
	s23 =	sadd.s32 s21, s18;
	s24 =	smov.u32 s21;
	s22 =	sshll.u32 s0, $0x3  }
0x298: {  	vm8 =	vmneg @p2 vm8;
	s18 =	spop (v2sf);
	s24 =	simm.s32 @!p1 $0xF0;
	p1 =	slt.s32 s23, $0xF1  }
0x299: {  	vm3 =	vmand vm3, vm8;
	s0 =	sand.u32 $0x7F, s0;
	s25 =	sadd.s32 s23, s18;
	s18 =	spop (v2sf);
	(v2sf) =	vpush v6, $0x0  }
0x29a: {  	vm8 =	vmmov vm0;
	s22 =	sand.u32 $0xFFFFFC00, s22;
	s18 =	sadd.s32 s25, s18;
	s26 =	spop (v2sf)  }
0x29b: {  	vm8 =	vmneg @p1 vm8;
	p2 =	slt.s32 s25, $0xF0;
	s29 =	smov.u32 s25;
	s28 =	spop (v2sf)  }
0x29c: {  	vm9 =	vmmov vm0;
	vm8 =	vmand vm2, vm8;
	vm2 =	vmmov vm0;
	s29 =	simm.s32 @!p2 $0xF0;
	p1 =	slt.s32 s18, $0xF1;
	p2 =	slt.s32 s21, $0xF1  }
0x29d: {  	s21 =	sand.u32 $0x7F, s24;
	s30 =	sshll.u32 s29, $0x3;
	vm2 =	vmneg @p1 vm2;
	vm9 =	vmneg @p2 vm9  }
0x29e: {  	p1 =	slt.s32 s23, $0xF0;
	p2 =	slt.s32 s25, $0xF1;
	s25 =	sadd.s32 s18, s26;
	vm2 =	vmand vm7, vm2;
	vm7 =	vmand vm1, vm9;
	vm1 =	vmmov vm0  }
0x29f: {  	s24 =	sshll.u32 s24, $0x3;
	s26 =	sand.u32 $0x7F, s29;
	s23 =	simm.s32 @!p1 $0xF0;
	vm1 =	vmneg @p2 vm1  }
0x2a0: {  	s24 =	sand.u32 $0xFFFFFC00, s24;
	p1 =	slt.s32 s25, $0xF1;
	s29 =	sshll.u32 s23, $0x3;
	vm6 =	vmand vm6, vm1;
	vm1 =	vmmov vm0  }
0x2a1: {  	s21 =	sor.u32 s21, s24;
	s24 =	sand.u32 $0xFFFFFC00, s30;
	s28 =	sadd.s32 s25, s28;
	vm1 =	vmneg @p1 vm1  }
0x2a2: {  	s23 =	sand.u32 $0x7F, s23;
	p2 =	slt.s32 s25, $0xF0;
	p1 =	slt.s32 s18, $0xF0;
	vm1 =	vmand vm5, vm1  }
0x2a3: {  	s0 =	sor.u32 s0, s22;
	s18 =	simm.s32 @!p1 $0xF0;
	p1 =	slt.s32 s28, $0xF0  }
0x2a4: {  	s22 =	sor.u32 s26, s24;
	s24 =	sshll.u32 s18, $0x3;
	[tilespmem:s0+$0x10380] =	vst.msk vm3, v5;
	s0 =	sand.u32 $0xFFFFFC00, s29  }
0x2a5: {  	[tilespmem:s21+$0x10380] =	vst.msk vm7, v4;
	s21 =	smov.u32 s28  }
0x2a6: {  	s25 =	simm.s32 @!p2 $0xF0;
	s0 =	sor.u32 s23, s0;
	s21 =	simm.s32 @!p1 $0xF0  }
0x2a7: {  	s23 =	sshll.u32 s25, $0x3;
	[tilespmem:s0+$0x10380] =	vst.msk vm8, v3;
	s0 =	sand.u32 $0x7F, s18;
	s18 =	sand.u32 $0xFFFFFC00, s24  }
0x2a8: {  	p1 =	slt.s32 s28, $0xF1;
	[tilespmem:s22+$0x10380] =	vst.msk vm6, v2;
	s0 =	sor.u32 s0, s18;
	s22 =	sand.u32 $0xFFFFFC00, s23  }
0x2a9: {  	[tilespmem:s0+$0x10380] =	vst.msk vm2, v1;
	vm2 =	vmmov vm0  }
0x2aa: {  	s23 =	sand.u32 $0x7F, s25;
	s0 =	sshll.u32 s21, $0x3;
	s18 =	spop (v2sf);
	vm2 =	vmneg @p1 vm2  }
0x2ab: {  	s22 =	sor.u32 s23, s22;
	s0 =	sand.u32 $0xFFFFFC00, s0;
	s18 =	sadd.s32 s28, s18;
	vm2 =	vmand vm4, vm2  }
0x2ac: {  	s23 =	sand.u32 $0x7F, s21;
	p1 =	slt.s32 s18, $0xF0;
	s21 =	smov.u32 s18  }
0x2ad: {  	s0 =	sor.u32 s23, s0;
	s21 =	simm.s32 @!p1 $0xF0;
	p1 =	slt.s32 s18, $0xF1;
	[tilespmem:s22+$0x10380] =	vst.msk vm1, v0  }
0x2ae: {  	s22 =	sshll.u32 s21, $0x3;
	[tilespmem:s0+$0x10380] =	vst.msk vm2, v7  }
0x2af: {  	s22 =	sand.u32 $0xFFFFFC00, s22;
	v6 =	vld [tilespmem:s19+$0x380]  }
0x2b0: {  	v5 =	vld [tilespmem:s19+$0x390]  }
0x2b1: {  	v4 =	vld [tilespmem:s19+$0x3A0];
	_ =	sdelay $0x1  }
0x2b2: {  	v3 =	vld [tilespmem:s19+$0x3B0]  }
.Ltmp7:
0x2b3: {  	vm4 =	vgt.f32 v6, $2.000000000e+00;
	v2 =	vld [tilespmem:s19+$0x3C0];
	(pc) =	sbr.rel @p0 .LBB2_17-.Ltmp7, $4  }
0x2b4: {  	v8 =	vmpcnt.ones.xlane vm4;
	vm3 =	vgt.f32 v5, $2.000000000e+00;
	v1 =	vld [tilespmem:s19+$0x3D0]  }
0x2b5: {  	v9 =	vmpcnt.ones.xlane vm3;
	vm1 =	vgt.f32 v4, $2.000000000e+00;
	v0 =	vld [tilespmem:s19+$0x3E0]  }
0x2b6: {  	v7 =	vmpcnt.ones.xlane vm1;
	(v2sf) =	vpush v8, $0x0  }
0x2b7: {  	vm2 =	vgt.f32 v3, $2.000000000e+00;
	(v2sf) =	vpush v9, $0x0  }
0x2b8: {  	_ = 	snop  }
0x2b9: {  	v8 =	vmpcnt.ones.xlane vm2;
	(v2sf) =	vpush v7, $0x0  }
0x2ba: {  	vm7 =	vgt.f32 v2, $2.000000000e+00  }
0x2bb: {  	v7 =	vmpcnt.ones.xlane vm7;
	(v2sf) =	vpush v8, $0x0  }
0x2bc: {  	vm6 =	vgt.f32 v1, $2.000000000e+00  }
0x2bd: {  	v8 =	vmpcnt.ones.xlane vm6;
	(v2sf) =	vpush v7, $0x0  }
0x2be: {  	vm5 =	vgt.f32 v0, $2.000000000e+00  }
0x2bf: {  	v7 =	vmpcnt.ones.xlane vm5;
	(v2sf) =	vpush v8, $0x0;
	_ =	sdelay $0x1  }
0x2c0: {  	(v2sf) =	vpush v7, $0x0;
	_ =	sdelay $0x3  }
0x2c1: {  	s25 =	sand.u32 $0x7F, s21;
	v7 =	vld [tilespmem:s19+$0x3F0];
	s0 =	spop (v2sf)  }
0x2c2: {  	s19 =	sor.u32 s25, s22;
	s0 =	sadd.s32 s18, s0;
	s26 =	spop (v2sf)  }
0x2c3: {  	p0 =	slt.s32 s0, $0xF0;
	s18 =	sadd.s32 s0, s26;
	p2 =	slt.s32 s0, $0xF1  }
0x2c4: {  	s20 =	spop (v2sf);
	s0 =	simm.s32 @!p0 $0xF0;
	p0 =	slt.s32 s18, $0xF0  }
0x2c5: {  	s20 =	sadd.s32 s18, s20;
	s23 =	smov.u32 s18;
	p6 =	slt.s32 s18, $0xF1  }
0x2c6: {  	vm8 =	vgt.f32 v7, $2.000000000e+00;
	s28 =	spop (v2sf);
	s29 =	sshll.u32 s0, $0x3;
	s23 =	simm.s32 @!p0 $0xF0  }
0x2c7: {  	v8 =	vmpcnt.ones.xlane vm8;
	p5 =	slt.s32 s20, $0xF1;
	s0 =	sand.u32 $0x7F, s0;
	p4 =	slt.s32 s20, $0xF0  }
0x2c8: {  	s21 =	sadd.s32 s20, s28;
	s24 =	spop (v2sf);
	s22 =	sand.u32 $0xFFFFFC00, s29  }
0x2c9: {  	(v2sf) =	vpush v8, $0x0;
	s30 =	sand.u32 $0x7F, s23;
	s23 =	sshll.u32 s23, $0x3;
	s20 =	simm.s32 @!p4 $0xF0  }
0x2ca: {  	s24 =	sadd.s32 s21, s24;
	s25 =	spop (v2sf);
	p0 =	slt.s32 s21, $0xF0  }
0x2cb: {  	p3 =	slt.s32 s21, $0xF1;
	s23 =	sand.u32 $0xFFFFFC00, s23;
	s31 =	sshll.u32 s20, $0x3  }
0x2cc: {  	s20 =	sand.u32 $0x7F, s20;
	s0 =	sor.u32 s0, s22;
	s26 =	spop (v2sf)  }
0x2cd: {  	vm9 =	vmmov vm0;
	s21 =	simm.s32 @!p0 $0xF0;
	p0 =	slt.s32 s24, $0xF1;
	s25 =	sadd.s32 s24, s25  }
0x2ce: {  	vm9 =	vmneg @p1 vm9;
	s18 =	sor.u32 s30, s23;
	p1 =	slt.s32 s24, $0xF0;
	s22 =	sand.u32 $0xFFFFFC00, s31  }
0x2cf: {  	vm10 =	vmmov vm0;
	s28 =	sshll.u32 s21, $0x3;
	s21 =	sand.u32 $0x7F, s21;
	p4 =	slt.s32 s25, $0xF1  }
0x2d0: {  	vm4 =	vmand vm9, vm4;
	vm9 =	vmmov vm0;
	vm10 =	vmneg @p2 vm10;
	s26 =	sadd.s32 s25, s26;
	s24 =	simm.s32 @!p1 $0xF0;
	p1 =	slt.s32 s25, $0xF0  }
0x2d1: {  	[tilespmem:s19+$0x10380] =	vst.msk vm4, v6;
	vm4 =	vmmov vm0;
	vm9 =	vmneg @p6 vm9;
	vm3 =	vmand vm3, vm10;
	s19 =	sor.u32 s20, s22;
	s28 =	sand.u32 $0xFFFFFC00, s28;
	s25 =	simm.s32 @!p1 $0xF0  }
0x2d2: {  	vm4 =	vmneg @p5 vm4;
	vm1 =	vmand vm1, vm9;
	vm9 =	vmmov vm0;
	[tilespmem:s0+$0x10380] =	vst.msk vm3, v5;
	p1 =	slt.s32 s26, $0xF0;
	s29 =	sand.u32 $0x7F, s24;
	p2 =	slt.s32 s26, $0xF1  }
0x2d3: {  	vm2 =	vmand vm2, vm4;
	vm3 =	vmmov vm0;
	vm9 =	vmneg @p3 vm9;
	[tilespmem:s18+$0x10380] =	vst.msk vm1, v4;
	s23 =	sor.u32 s21, s28;
	s28 =	sshll.u32 s24, $0x3;
	s31 =	sshll.u32 s25, $0x3  }
0x2d4: {  	vm4 =	vmmov vm0;
	vm3 =	vmneg @p0 vm3;
	vm1 =	vmand vm7, vm9;
	[tilespmem:s19+$0x10380] =	vst.msk vm2, v3;
	s26 =	simm.s32 @!p1 $0xF0;
	s30 =	sand.u32 $0xFFFFFC00, s28;
	s21 =	sand.u32 $0xFFFFFC00, s31  }
0x2d5: {  	vm2 =	vmand vm6, vm3;
	vm4 =	vmneg @p4 vm4;
	[tilespmem:s23+$0x10380] =	vst.msk vm1, v2;
	vm1 =	vmmov vm0;
	s22 =	sshll.u32 s26, $0x3;
	s23 =	sand.u32 $0x7F, s25;
	s18 =	sor.u32 s29, s30  }
0x2d6: {  	vm3 =	vmand vm5, vm4;
	s25 =	sand.u32 $0x7F, s26;
	vm1 =	vmneg @p2 vm1;
	s24 =	sand.u32 $0xFFFFFC00, s22;
	s0 =	sor.u32 s23, s21;
	[tilespmem:s18+$0x10380] =	vst.msk vm2, v1  }
0x2d7: {  	s28 =	sshll.u32 s16, $0x9;
	vm1 =	vmand vm8, vm1;
	s26 =	sor.u32 s25, s24;
	[tilespmem:s0+$0x10380] =	vst.msk vm3, v0  }
0x2d8: {  	s30 =	sadd.s32 s28, s7;
	[tilespmem:s26+$0x10380] =	vst.msk vm1, v7;
	s29 =	spop (v2sf)  }
0x2d9: {  	[hbm4b:s30+s3] =	stream.linear.scatter [tilespmem:s12], [sflag:$0x3], $0x800, $0x38;
	[tilespmem:$0x10800] =	vst v63  }
0x2da: {  	_ =	swait.ge [sflag:s13], $0x800  }
0x2db: {  	[sflag:s13] =	ssyncset.done $0x0  }
0x2dc: {  	[sflag:s13] =	ssyncadd.s32 $0xFFFFF800  }
0x2dd: {  	p0 =	seq.s32 s16, $0x7;
	_ =	swait.ge [sflag:s14], $0x8000  }
0x2de: {  	s19 =	simm.s32 $0x0;
	s0 =	sshll.u32 @!p0 s16, $0xD;
	[sflag:s14] =	ssyncset.done $0x0  }
0x2df: {  	s18 =	simm.s32 @!p0 $0x0;
	s0 =	sadd.s32 @!p0 s9, s0;
	[sflag:s14] =	ssyncadd.s32 $0xFFFF8000  }
0x2e0: {  	[tilespmem:s18], [sflag:$0x1] =	stream.linear.gather @!p0 [hbm4b:s0+s18], $0x8000, $0x38;
	[tilespmem:$0x10800] =	vst v63  }
0x2e1: {  	v6 =	vld [tilespmem:s19+$0x8000];
	_ =	sdelay $0x1  }
0x2e2: {  	v5 =	vld [tilespmem:s19+$0x8010]  }
0x2e3: {  	v4 =	vld [tilespmem:s19+$0x8020];
	_ =	sdelay $0x1  }
0x2e4: {  	v3 =	vld [tilespmem:s19+$0x8030];
	vm4 =	vgt.f32 v6, $2.000000000e+00  }
0x2e5: {  	v2 =	vld [tilespmem:s19+$0x8040];
	v0 =	vmpcnt.ones.xlane vm4  }
0x2e6: {  	s22 =	simm.s32 $0x0;
	p0 =	por $0x1, $0x1;
	v1 =	vld [tilespmem:s19+$0x8050];
	vm3 =	vgt.f32 v5, $2.000000000e+00  }
0x2e7: {  	s22 =	simm.s32 @!p0 $0xF0;
	vm1 =	vgt.f32 v4, $2.000000000e+00;
	v8 =	vmpcnt.ones.xlane vm3;
	(v2sf) =	vpush v0, $0x0;
	v0 =	vld [tilespmem:s19+$0x8060]  }
0x2e8: {  	s20 =	simm.s32 $0x1000;
	p2 =	por $0x1, $0x1;
	s31 =	sshll.u32 s22, $0x3;
	v7 =	vmpcnt.ones.xlane vm1  }
0x2e9: {  	s21 =	simm.s32 $0x0;
	s18 =	simm.s32 $0x0;
	s23 =	sand.u32 $0xFFFFFC00, s31;
	vm2 =	vgt.f32 v3, $2.000000000e+00;
	(v2sf) =	vpush v8, $0x0  }
.LBB2_19:
0x2ea: {  	p1 =	sne.s32 s20, $0x1F000;
	v8 =	vmpcnt.ones.xlane vm2;
	vm6 =	vgt.f32 v2, $2.000000000e+00;
	(v2sf) =	vpush v7, $0x0;
	s0 =	smov.u32 s20;
	s20 =	sadd.s32 $0x1000, s20  }
0x2eb: {  	v7 =	vmpcnt.ones.xlane vm6;
	vm7 =	vgt.f32 v1, $2.000000000e+00  }
0x2ec: {  	v9 =	vmpcnt.ones.xlane vm7;
	vm5 =	vgt.f32 v0, $2.000000000e+00;
	(v2sf) =	vpush v8, $0x0  }
0x2ed: {  	v8 =	vmpcnt.ones.xlane vm5;
	(v2sf) =	vpush v7, $0x0  }
0x2ee: {  	(v2sf) =	vpush v9, $0x0  }
0x2ef: {  	(v2sf) =	vpush v8, $0x0;
	_ =	sdelay $0x2  }
0x2f0: {  	vm8 =	vmmov vm0  }
0x2f1: {  	s22 =	sand.u32 $0x7F, s22;
	vm8 =	vmneg @p2 vm8  }
0x2f2: {  	s22 =	sor.u32 s22, s23;
	vm4 =	vmand vm8, vm4;
	v7 =	vld [tilespmem:s19+$0x8070]  }
0x2f3: {  	s19 =	sshra.s32 s0, $0x2;
	[tilespmem:s22+$0x10000] =	vst.msk vm4, v6;
	_ =	sdelay $0x1  }
0x2f4: {  	s0 =	spop (v2sf)  }
0x2f5: {  	s0 =	sadd.s32 s21, s0;
	s21 =	spop (v2sf)  }
0x2f6: {  	p0 =	slt.s32 s0, $0xF0;
	s22 =	sadd.s32 s0, s21;
	s21 =	spop (v2sf)  }
0x2f7: {  	vm4 =	vgt.f32 v7, $2.000000000e+00;
	p2 =	slt.s32 s0, $0xF1;
	s0 =	simm.s32 @!p0 $0xF0;
	p0 =	slt.s32 s22, $0xF0  }
0x2f8: {  	vm8 =	vmmov vm0;
	v6 =	vmpcnt.ones.xlane vm4;
	s24 =	sadd.s32 s22, s21;
	s25 =	smov.u32 s22;
	s23 =	sshll.u32 s0, $0x3  }
0x2f9: {  	vm8 =	vmneg @p2 vm8;
	s21 =	spop (v2sf);
	s25 =	simm.s32 @!p0 $0xF0;
	p0 =	slt.s32 s24, $0xF1  }
0x2fa: {  	vm3 =	vmand vm3, vm8;
	s0 =	sand.u32 $0x7F, s0;
	s26 =	sadd.s32 s24, s21;
	s21 =	spop (v2sf);
	(v2sf) =	vpush v6, $0x0  }
0x2fb: {  	vm8 =	vmmov vm0;
	s23 =	sand.u32 $0xFFFFFC00, s23;
	s21 =	sadd.s32 s26, s21;
	s28 =	spop (v2sf)  }
0x2fc: {  	vm8 =	vmneg @p0 vm8;
	p2 =	slt.s32 s26, $0xF0;
	s30 =	smov.u32 s26;
	s29 =	spop (v2sf)  }
0x2fd: {  	vm9 =	vmmov vm0;
	vm8 =	vmand vm2, vm8;
	vm2 =	vmmov vm0;
	s30 =	simm.s32 @!p2 $0xF0;
	p0 =	slt.s32 s21, $0xF1;
	p2 =	slt.s32 s22, $0xF1  }
0x2fe: {  	s22 =	sand.u32 $0x7F, s25;
	s31 =	sshll.u32 s30, $0x3;
	vm2 =	vmneg @p0 vm2;
	vm9 =	vmneg @p2 vm9  }
0x2ff: {  	p0 =	slt.s32 s24, $0xF0;
	p2 =	slt.s32 s26, $0xF1;
	s26 =	sadd.s32 s21, s28;
	vm2 =	vmand vm7, vm2;
	vm7 =	vmand vm1, vm9;
	vm1 =	vmmov vm0  }
0x300: {  	s25 =	sshll.u32 s25, $0x3;
	s28 =	sand.u32 $0x7F, s30;
	s24 =	simm.s32 @!p0 $0xF0;
	vm1 =	vmneg @p2 vm1  }
0x301: {  	s25 =	sand.u32 $0xFFFFFC00, s25;
	p0 =	slt.s32 s26, $0xF1;
	s30 =	sshll.u32 s24, $0x3;
	vm6 =	vmand vm6, vm1;
	vm1 =	vmmov vm0  }
0x302: {  	s22 =	sor.u32 s22, s25;
	s25 =	sand.u32 $0xFFFFFC00, s31;
	s29 =	sadd.s32 s26, s29;
	vm1 =	vmneg @p0 vm1  }
0x303: {  	s24 =	sand.u32 $0x7F, s24;
	p2 =	slt.s32 s26, $0xF0;
	p0 =	slt.s32 s21, $0xF0;
	vm1 =	vmand vm5, vm1  }
0x304: {  	s0 =	sor.u32 s0, s23;
	s21 =	simm.s32 @!p0 $0xF0;
	p0 =	slt.s32 s29, $0xF0  }
0x305: {  	s23 =	sor.u32 s28, s25;
	s25 =	sshll.u32 s21, $0x3;
	[tilespmem:s0+$0x10000] =	vst.msk vm3, v5;
	s0 =	sand.u32 $0xFFFFFC00, s30  }
0x306: {  	[tilespmem:s22+$0x10000] =	vst.msk vm7, v4;
	s22 =	smov.u32 s29  }
0x307: {  	s26 =	simm.s32 @!p2 $0xF0;
	s0 =	sor.u32 s24, s0;
	s22 =	simm.s32 @!p0 $0xF0  }
0x308: {  	s24 =	sshll.u32 s26, $0x3;
	[tilespmem:s0+$0x10000] =	vst.msk vm8, v3;
	s0 =	sand.u32 $0x7F, s21;
	s21 =	sand.u32 $0xFFFFFC00, s25  }
0x309: {  	p0 =	slt.s32 s29, $0xF1;
	[tilespmem:s23+$0x10000] =	vst.msk vm6, v2;
	s0 =	sor.u32 s0, s21;
	s23 =	sand.u32 $0xFFFFFC00, s24  }
0x30a: {  	[tilespmem:s0+$0x10000] =	vst.msk vm2, v1;
	vm2 =	vmmov vm0  }
0x30b: {  	s24 =	sand.u32 $0x7F, s26;
	s0 =	sshll.u32 s22, $0x3;
	s21 =	spop (v2sf);
	vm2 =	vmneg @p0 vm2  }
0x30c: {  	s23 =	sor.u32 s24, s23;
	s0 =	sand.u32 $0xFFFFFC00, s0;
	s21 =	sadd.s32 s29, s21;
	vm2 =	vmand vm4, vm2  }
0x30d: {  	s24 =	sand.u32 $0x7F, s22;
	p0 =	slt.s32 s21, $0xF0;
	s22 =	smov.u32 s21  }
0x30e: {  	p2 =	slt.s32 s21, $0xF1;
	s0 =	sor.u32 s24, s0;
	s22 =	simm.s32 @!p0 $0xF0;
	[tilespmem:s23+$0x10000] =	vst.msk vm1, v0  }
0x30f: {  	s23 =	sshll.u32 s22, $0x3;
	[tilespmem:s0+$0x10000] =	vst.msk vm2, v7  }
0x310: {  	s23 =	sand.u32 $0xFFFFFC00, s23;
	v6 =	vld [tilespmem:s19+$0x8000]  }
0x311: {  	v5 =	vld [tilespmem:s19+$0x8010]  }
0x312: {  	v4 =	vld [tilespmem:s19+$0x8020];
	_ =	sdelay $0x1  }
0x313: {  	v3 =	vld [tilespmem:s19+$0x8030]  }
.Ltmp8:
0x314: {  	vm4 =	vgt.f32 v6, $2.000000000e+00;
	v2 =	vld [tilespmem:s19+$0x8040];
	(pc) =	sbr.rel @p1 .LBB2_19-.Ltmp8, $4  }
0x315: {  	v8 =	vmpcnt.ones.xlane vm4;
	vm3 =	vgt.f32 v5, $2.000000000e+00;
	v1 =	vld [tilespmem:s19+$0x8050]  }
0x316: {  	v9 =	vmpcnt.ones.xlane vm3;
	vm1 =	vgt.f32 v4, $2.000000000e+00;
	v0 =	vld [tilespmem:s19+$0x8060]  }
0x317: {  	v7 =	vmpcnt.ones.xlane vm1;
	(v2sf) =	vpush v8, $0x0  }
0x318: {  	vm2 =	vgt.f32 v3, $2.000000000e+00;
	(v2sf) =	vpush v9, $0x0  }
0x319: {  	v8 =	vmpcnt.ones.xlane vm2  }
0x31a: {  	vm7 =	vgt.f32 v2, $2.000000000e+00;
	(v2sf) =	vpush v7, $0x0  }
0x31b: {  	v59 =	vmpcnt.ones.xlane vm7;
	(v2sf) =	vpush v8, $0x0  }
0x31c: {  	vm6 =	vgt.f32 v1, $2.000000000e+00  }
0x31d: {  	v60 =	vmpcnt.ones.xlane vm6;
	vm5 =	vgt.f32 v0, $2.000000000e+00;
	(v2sf) =	vpush v59, $0x0  }
0x31e: {  	v61 =	vmpcnt.ones.xlane vm5  }
0x31f: {  	(v2sf) =	vpush v60, $0x0  }
0x320: {  	(v2sf) =	vpush v61, $0x0;
	_ =	sdelay $0x5  }
0x321: {  	s25 =	sand.u32 $0x7F, s22;
	s0 =	spop (v2sf)  }
0x322: {  	v62 =	vld [tilespmem:s19+$0x8070];
	s19 =	sor.u32 s25, s23;
	s0 =	sadd.s32 s21, s0;
	s20 =	spop (v2sf)  }
0x323: {  	p0 =	slt.s32 s0, $0xF0;
	s20 =	sadd.s32 s0, s20;
	p3 =	slt.s32 s0, $0xF1  }
0x324: {  	s26 =	spop (v2sf);
	s0 =	simm.s32 @!p0 $0xF0;
	p0 =	slt.s32 s20, $0xF0  }
0x325: {  	s21 =	sadd.s32 s20, s26;
	s24 =	smov.u32 s20;
	s28 =	spop (v2sf)  }
0x326: {  	s29 =	sshll.u32 s0, $0x3;
	s24 =	simm.s32 @!p0 $0xF0;
	p6 =	slt.s32 s21, $0xF1  }
0x327: {  	vm8 =	vgt.f32 v62, $2.000000000e+00;
	s0 =	sand.u32 $0x7F, s0;
	s22 =	sadd.s32 s21, s28;
	s25 =	spop (v2sf)  }
0x328: {  	v63 =	vmpcnt.ones.xlane vm8;
	s23 =	sand.u32 $0xFFFFFC00, s29;
	s30 =	sshll.u32 s24, $0x3;
	s24 =	sand.u32 $0x7F, s24  }
0x329: {  	s25 =	sadd.s32 s22, s25;
	s26 =	spop (v2sf);
	p0 =	slt.s32 s22, $0xF0  }
0x32a: {  	(v2sf) =	vpush v63, $0x0;
	p4 =	slt.s32 s22, $0xF1;
	s0 =	sor.u32 s0, s23;
	s28 =	spop (v2sf)  }
0x32b: {  	vm9 =	vmmov vm0;
	s22 =	simm.s32 @!p0 $0xF0;
	p1 =	slt.s32 s25, $0xF1;
	p0 =	slt.s32 s21, $0xF0  }
0x32c: {  	vm9 =	vmneg @p2 vm9;
	s26 =	sadd.s32 s25, s26;
	p2 =	slt.s32 s25, $0xF0;
	s21 =	simm.s32 @!p0 $0xF0  }
0x32d: {  	p0 =	slt.s32 s20, $0xF1;
	s29 =	sshll.u32 s22, $0x3;
	s20 =	sand.u32 $0xFFFFFC00, s30  }
0x32e: {  	s22 =	sand.u32 $0x7F, s22;
	p5 =	slt.s32 s26, $0xF1;
	s28 =	sadd.s32 s26, s28  }
0x32f: {  	vm10 =	vmmov vm0;
	s25 =	simm.s32 @!p2 $0xF0;
	p2 =	slt.s32 s26, $0xF0;
	s20 =	sor.u32 s24, s20  }
0x330: {  	vm4 =	vmand vm9, vm4;
	vm9 =	vmmov vm0;
	vm10 =	vmneg @p3 vm10;
	s31 =	sshll.u32 s21, $0x3;
	s29 =	sand.u32 $0xFFFFFC00, s29;
	s21 =	sand.u32 $0x7F, s21  }
0x331: {  	[tilespmem:s19+$0x10000] =	vst.msk vm4, v6;
	vm4 =	vmmov vm0;
	vm3 =	vmand vm3, vm10;
	vm9 =	vmneg @p0 vm9;
	s26 =	simm.s32 @!p2 $0xF0;
	p0 =	slt.s32 s28, $0xF0;
	p2 =	slt.s32 s28, $0xF1  }
0x332: {  	vm4 =	vmneg @p6 vm4;
	[tilespmem:s0+$0x10000] =	vst.msk vm3, v5;
	s24 =	sand.u32 $0xFFFFFC00, s31;
	vm1 =	vmand vm1, vm9;
	vm9 =	vmmov vm0;
	s30 =	sor.u32 s22, s29;
	s31 =	sshll.u32 s25, $0x3  }
0x333: {  	vm2 =	vmand vm2, vm4;
	vm3 =	vmmov vm0;
	s23 =	sshll.u32 s26, $0x3;
	s28 =	simm.s32 @!p0 $0xF0;
	s19 =	sor.u32 s21, s24;
	vm9 =	vmneg @p4 vm9;
	[tilespmem:s20+$0x10000] =	vst.msk vm1, v4  }
0x334: {  	vm4 =	vmmov vm0;
	vm3 =	vmneg @p1 vm3;
	s26 =	sand.u32 $0x7F, s26;
	s21 =	sand.u32 $0x7F, s25;
	s22 =	sand.u32 $0xFFFFFC00, s31;
	vm1 =	vmand vm7, vm9;
	[tilespmem:s19+$0x10000] =	vst.msk vm2, v3  }
0x335: {  	vm4 =	vmneg @p5 vm4;
	s24 =	sand.u32 $0xFFFFFC00, s23;
	s25 =	sshll.u32 s28, $0x3;
	s20 =	sor.u32 s21, s22;
	vm2 =	vmand vm6, vm3;
	[tilespmem:s30+$0x10000] =	vst.msk vm1, v2;
	vm1 =	vmmov vm0  }
0x336: {  	s29 =	sand.u32 $0x7F, s28;
	vm3 =	vmand vm5, vm4;
	s19 =	sand.u32 $0xFFFFFC00, s25;
	s0 =	sor.u32 s26, s24;
	[tilespmem:s20+$0x10000] =	vst.msk vm2, v1;
	vm1 =	vmneg @p2 vm1  }
0x337: {  	p0 =	por $0x1, $0x1;
	s21 =	simm.s32 $0x0;
	s30 =	sor.u32 s29, s19;
	vm1 =	vmand vm8, vm1;
	[tilespmem:s0+$0x10000] =	vst.msk vm3, v0  }
0x338: {  	p1 =	por $0x1, $0x1;
	s19 =	simm.s32 $0x0;
	s21 =	simm.s32 @!p0 $0xF0;
	[tilespmem:s30+$0x10000] =	vst.msk vm1, v62  }
0x339: {  	s20 =	simm.s32 $0x1000;
	s22 =	sshll.u32 s21, $0x3;
	s31 =	spop (v2sf);
	v1 =	vld [tilespmem:s19+$0x8080]  }
.LBB2_21:
0x33a: {  	p0 =	sne.s32 s20, $0x1F000;
	v3 =	vld [tilespmem:s19+$0x8090];
	s0 =	smov.u32 s20;
	s20 =	sadd.s32 $0x1000, s20  }
0x33b: {  	v4 =	vld [tilespmem:s19+$0x80A0];
	_ =	sdelay $0x2  }
0x33c: {  	vm1 =	vgt.f32 v1, $2.000000000e+00  }
0x33d: {  	v0 =	vmpcnt.ones.xlane vm1;
	vm7 =	vgt.f32 v3, $2.000000000e+00  }
0x33e: {  	v2 =	vmpcnt.ones.xlane vm7;
	vm6 =	vgt.f32 v4, $2.000000000e+00;
	v5 =	vld [tilespmem:s19+$0x80B0]  }
0x33f: {  	v6 =	vmpcnt.ones.xlane vm6;
	(v2sf) =	vpush v0, $0x0  }
0x340: {  	v7 =	vld [tilespmem:s19+$0x80C0];
	(v2sf) =	vpush v2, $0x0  }
0x341: {  	(v2sf) =	vpush v6, $0x0;
	_ =	sdelay $0x1  }
0x342: {  	s0 =	sshra.s32 s0, $0x2;
	vm4 =	vgt.f32 v5, $2.000000000e+00  }
0x343: {  	v2 =	vmpcnt.ones.xlane vm4  }
0x344: {  	vm2 =	vmmov vm0;
	vm5 =	vgt.f32 v7, $2.000000000e+00;
	v6 =	vld [tilespmem:s19+$0x80D0]  }
0x345: {  	s21 =	sand.u32 $0x7F, s21;
	s22 =	sand.u32 $0xFFFFFC00, s22;
	vm2 =	vmneg @p1 vm2;
	v8 =	vmpcnt.ones.xlane vm5;
	v0 =	vld [tilespmem:s19+$0x80F0];
	(v2sf) =	vpush v2, $0x0  }
0x346: {  	s21 =	sor.u32 s21, s22;
	vm1 =	vmand vm2, vm1;
	v2 =	vld [tilespmem:s19+$0x80E0];
	s19 =	smov.u32 s0  }
0x347: {  	[tilespmem:s21+$0x10080] =	vst.msk vm1, v1;
	(v2sf) =	vpush v8, $0x0;
	_ =	sdelay $0x1  }
0x348: {  	vm3 =	vgt.f32 v6, $2.000000000e+00  }
0x349: {  	v1 =	vmpcnt.ones.xlane vm3  }
0x34a: {  	vm2 =	vgt.f32 v2, $2.000000000e+00  }
0x34b: {  	v8 =	vmpcnt.ones.xlane vm2;
	(v2sf) =	vpush v1, $0x0  }
0x34c: {  	s0 =	spop (v2sf)  }
0x34d: {  	s0 =	sadd.s32 s18, s0  }
0x34e: {  	s18 =	spop (v2sf);
	(v2sf) =	vpush v8, $0x0;
	p1 =	slt.s32 s0, $0xF0  }
0x34f: {  	s18 =	sadd.s32 s0, s18;
	s21 =	spop (v2sf);
	s22 =	smov.u32 s0  }
0x350: {  	vm1 =	vgt.f32 v0, $2.000000000e+00;
	p3 =	slt.s32 s0, $0xF1;
	s22 =	simm.s32 @!p1 $0xF0;
	p2 =	slt.s32 s18, $0xF0  }
0x351: {  	v1 =	vmpcnt.ones.xlane vm1;
	p1 =	slt.s32 s18, $0xF1;
	s0 =	sadd.s32 s18, s21;
	s18 =	simm.s32 @!p2 $0xF0  }
0x352: {  	vm8 =	vmmov vm0;
	s21 =	sshll.u32 s22, $0x3;
	p2 =	slt.s32 s0, $0xF1;
	s23 =	sshll.u32 s18, $0x3  }
0x353: {  	vm8 =	vmneg @p3 vm8;
	p3 =	slt.s32 s0, $0xF0;
	(v2sf) =	vpush v1, $0x0;
	s18 =	sand.u32 $0x7F, s18;
	s23 =	sand.u32 $0xFFFFFC00, s23  }
0x354: {  	vm7 =	vmand vm7, vm8;
	s22 =	sand.u32 $0x7F, s22;
	s18 =	sor.u32 s18, s23;
	s23 =	smov.u32 s0  }
0x355: {  	vm9 =	vmmov vm0;
	vm8 =	vmmov vm0;
	s21 =	sand.u32 $0xFFFFFC00, s21;
	s24 =	spop (v2sf);
	s23 =	simm.s32 @!p3 $0xF0  }
0x356: {  	vm8 =	vmneg @p1 vm8;
	vm9 =	vmneg @p2 vm9;
	s21 =	sor.u32 s22, s21;
	s0 =	sadd.s32 s0, s24;
	s24 =	sshll.u32 s23, $0x3  }
0x357: {  	vm6 =	vmand vm6, vm8;
	p1 =	slt.s32 s0, $0xF0;
	s22 =	smov.u32 s0;
	s25 =	spop (v2sf)  }
0x358: {  	s22 =	simm.s32 @!p1 $0xF0;
	p1 =	slt.s32 s0, $0xF1  }
0x359: {  	[tilespmem:s21+$0x10080] =	vst.msk vm7, v3;
	vm7 =	vmmov vm0  }
0x35a: {  	s0 =	sadd.s32 s0, s25;
	s21 =	sand.u32 $0x7F, s23;
	s23 =	sand.u32 $0xFFFFFC00, s24;
	vm7 =	vmneg @p1 vm7  }
0x35b: {  	vm4 =	vmand vm4, vm9;
	p1 =	slt.s32 s0, $0xF0;
	[tilespmem:s18+$0x10080] =	vst.msk vm6, v4;
	s18 =	sor.u32 s21, s23;
	vm5 =	vmand vm5, vm7;
	s21 =	sshll.u32 s22, $0x3  }
0x35c: {  	[tilespmem:s18+$0x10080] =	vst.msk vm4, v5;
	s18 =	sand.u32 $0x7F, s22;
	s21 =	sand.u32 $0xFFFFFC00, s21  }
0x35d: {  	p2 =	slt.s32 s0, $0xF1;
	vm4 =	vmmov vm0;
	s18 =	sor.u32 s18, s21;
	s21 =	smov.u32 s0  }
0x35e: {  	vm4 =	vmneg @p2 vm4;
	s22 =	spop (v2sf);
	s21 =	simm.s32 @!p1 $0xF0  }
0x35f: {  	s0 =	sadd.s32 s0, s22;
	[tilespmem:s18+$0x10080] =	vst.msk vm5, v7;
	s18 =	sand.u32 $0x7F, s21;
	s21 =	sshll.u32 s21, $0x3  }
0x360: {  	p1 =	slt.s32 s0, $0xF0;
	s21 =	sand.u32 $0xFFFFFC00, s21;
	s22 =	spop (v2sf)  }
0x361: {  	s18 =	sor.u32 s18, s21;
	s21 =	smov.u32 s0;
	s22 =	sadd.s32 s0, s22  }
0x362: {  	vm3 =	vmand vm3, vm4;
	s21 =	simm.s32 @!p1 $0xF0;
	p1 =	slt.s32 s0, $0xF1;
	p2 =	slt.s32 s22, $0xF0  }
0x363: {  	[tilespmem:s18+$0x10080] =	vst.msk vm3, v6;
	s0 =	sshll.u32 s21, $0x3;
	vm3 =	vmmov vm0;
	s18 =	sand.u32 $0x7F, s21;
	s21 =	smov.u32 s22  }
0x364: {  	vm3 =	vmneg @p1 vm3;
	s0 =	sand.u32 $0xFFFFFC00, s0;
	s21 =	simm.s32 @!p2 $0xF0;
	p1 =	slt.s32 s22, $0xF1  }
0x365: {  	vm2 =	vmand vm2, vm3;
	s0 =	sor.u32 s18, s0;
	s18 =	sshll.u32 s21, $0x3;
	s23 =	spop (v2sf)  }
.Ltmp9:
0x366: {  	[tilespmem:s0+$0x10080] =	vst.msk vm2, v2;
	s0 =	sand.u32 $0x7F, s21;
	s18 =	sand.u32 $0xFFFFFC00, s18;
	vm2 =	vmmov vm0;
	(pc) =	sbr.rel @p0 .LBB2_21-.Ltmp9, $4  }
0x367: {  	vm2 =	vmneg @p1 vm2;
	s0 =	sor.u32 s0, s18;
	s18 =	sadd.s32 s22, s23  }
0x368: {  	p2 =	slt.s32 s18, $0xF0;
	p1 =	slt.s32 s18, $0xF1;
	vm1 =	vmand vm1, vm2;
	s21 =	smov.u32 s18  }
0x369: {  	s21 =	simm.s32 @!p2 $0xF0;
	[tilespmem:s0+$0x10080] =	vst.msk vm1, v0  }
0x36a: {  	v1 =	vld [tilespmem:s19+$0x8080];
	s22 =	sshll.u32 s21, $0x3  }
0x36b: {  	v0 =	vld [tilespmem:s19+$0x8090];
	_ =	sdelay $0x1  }
0x36c: {  	v2 =	vld [tilespmem:s19+$0x80A0];
	_ =	sdelay $0x1  }
0x36d: {  	vm7 =	vgt.f32 v1, $2.000000000e+00  }
0x36e: {  	v5 =	vld [tilespmem:s19+$0x80B0];
	v3 =	vmpcnt.ones.xlane vm7;
	vm6 =	vgt.f32 v0, $2.000000000e+00  }
0x36f: {  	v4 =	vmpcnt.ones.xlane vm6  }
0x370: {  	vm5 =	vgt.f32 v2, $2.000000000e+00;
	(v2sf) =	vpush v3, $0x0  }
0x371: {  	v3 =	vmpcnt.ones.xlane vm5;
	(v2sf) =	vpush v4, $0x0;
	_ =	sdelay $0x1  }
0x372: {  	vm4 =	vgt.f32 v5, $2.000000000e+00;
	v4 =	vld [tilespmem:s19+$0x80C0];
	(v2sf) =	vpush v3, $0x0  }
0x373: {  	v3 =	vmpcnt.ones.xlane vm4;
	_ =	sdelay $0x1  }
0x374: {  	(v2sf) =	vpush v3, $0x0;
	_ =	sdelay $0x1  }
0x375: {  	v3 =	vld [tilespmem:s19+$0x80D0];
	vm3 =	vgt.f32 v4, $2.000000000e+00  }
0x376: {  	v7 =	vld [tilespmem:s19+$0x80E0];
	v6 =	vmpcnt.ones.xlane vm3;
	_ =	sdelay $0x1  }
0x377: {  	(v2sf) =	vpush v6, $0x0;
	_ =	sdelay $0x1  }
0x378: {  	vm2 =	vgt.f32 v3, $2.000000000e+00  }
0x379: {  	vm1 =	vgt.f32 v7, $2.000000000e+00;
	v6 =	vmpcnt.ones.xlane vm2  }
0x37a: {  	s20 =	sand.u32 $0x7F, s21;
	v8 =	vmpcnt.ones.xlane vm1;
	s0 =	spop (v2sf)  }
0x37b: {  	s22 =	sand.u32 $0xFFFFFC00, s22;
	(v2sf) =	vpush v6, $0x0;
	s0 =	sadd.s32 s18, s0;
	s23 =	spop (v2sf)  }
0x37c: {  	s20 =	sor.u32 s20, s22;
	(v2sf) =	vpush v8, $0x0;
	s18 =	sadd.s32 s0, s23;
	p2 =	slt.s32 s0, $0xF0  }
0x37d: {  	s24 =	spop (v2sf);
	p3 =	slt.s32 s0, $0xF1;
	p4 =	slt.s32 s18, $0xF0  }
0x37e: {  	p0 =	slt.s32 s18, $0xF1;
	s21 =	sadd.s32 s18, s24;
	s0 =	simm.s32 @!p2 $0xF0  }
0x37f: {  	s18 =	simm.s32 @!p4 $0xF0;
	s25 =	sshll.u32 s0, $0x3;
	p2 =	slt.s32 s21, $0xF1  }
0x380: {  	s24 =	spop (v2sf);
	p4 =	slt.s32 s21, $0xF0;
	s0 =	sand.u32 $0x7F, s0  }
0x381: {  	s23 =	sshll.u32 s18, $0x3;
	s18 =	sand.u32 $0x7F, s18;
	s24 =	sadd.s32 s21, s24  }
0x382: {  	s21 =	simm.s32 @!p4 $0xF0;
	s26 =	sand.u32 $0xFFFFFC00, s25;
	s23 =	sand.u32 $0xFFFFFC00, s23  }
0x383: {  	s28 =	sshll.u32 s21, $0x3;
	p4 =	slt.s32 s24, $0xF0;
	s0 =	sor.u32 s0, s26  }
0x384: {  	s29 =	sand.u32 $0x7F, s21;
	s18 =	sor.u32 s18, s23;
	s23 =	smov.u32 s24  }
0x385: {  	s30 =	sand.u32 $0xFFFFFC00, s28;
	s23 =	simm.s32 @!p4 $0xF0;
	s25 =	spop (v2sf)  }
0x386: {  	v6 =	vld [tilespmem:s19+$0x80F0];
	p4 =	slt.s32 s24, $0xF1;
	s31 =	sadd.s32 s24, s25;
	s24 =	sshll.u32 s23, $0x3  }
0x387: {  	vm9 =	vmmov vm0;
	p5 =	slt.s32 s31, $0xF0;
	s21 =	sand.u32 $0xFFFFFC00, s24;
	s24 =	smov.u32 s31  }
0x388: {  	vm10 =	vmmov vm0;
	vm9 =	vmneg @p1 vm9;
	s19 =	sor.u32 s29, s30;
	s23 =	sand.u32 $0x7F, s23;
	s24 =	simm.s32 @!p5 $0xF0  }
0x389: {  	vm7 =	vmand vm9, vm7;
	vm9 =	vmmov vm0;
	vm10 =	vmneg @p3 vm10;
	p1 =	slt.s32 s31, $0xF1;
	s26 =	sand.u32 $0x7F, s24;
	s24 =	sshll.u32 s24, $0x3  }
0x38a: {  	[tilespmem:s20+$0x10080] =	vst.msk vm7, v1;
	vm7 =	vmmov vm0;
	vm6 =	vmand vm6, vm10;
	vm9 =	vmneg @p0 vm9;
	s21 =	sor.u32 s23, s21;
	s29 =	sand.u32 $0xFFFFFC00, s24;
	s25 =	spop (v2sf)  }
0x38b: {  	vm8 =	vgt.f32 v6, $2.000000000e+00;
	vm7 =	vmneg @p2 vm7;
	vm5 =	vmand vm5, vm9;
	[tilespmem:s0+$0x10080] =	vst.msk vm6, v0;
	s28 =	sadd.s32 s31, s25;
	s30 =	spop (v2sf);
	s31 =	sor.u32 s26, s29  }
0x38c: {  	v8 =	vmpcnt.ones.xlane vm8;
	vm6 =	vmmov vm0;
	[tilespmem:s18+$0x10080] =	vst.msk vm5, v2;
	vm5 =	vmmov vm0;
	p0 =	slt.s32 s28, $0xF0;
	s22 =	smov.u32 s28;
	s23 =	sadd.s32 s28, s30  }
0x38d: {  	vm4 =	vmand vm4, vm7;
	vm6 =	vmneg @p4 vm6;
	vm5 =	vmneg @p1 vm5;
	p1 =	slt.s32 s28, $0xF1;
	s22 =	simm.s32 @!p0 $0xF0;
	p2 =	slt.s32 s23, $0xF0  }
0x38e: {  	[tilespmem:s19+$0x10080] =	vst.msk vm4, v5;
	vm4 =	vmmov vm0;
	vm3 =	vmand vm3, vm6;
	(v2sf) =	vpush v8, $0x0;
	p0 =	slt.s32 s23, $0xF1;
	s20 =	sshll.u32 s22, $0x3;
	s23 =	simm.s32 @!p2 $0xF0  }
0x38f: {  	[tilespmem:s21+$0x10080] =	vst.msk vm3, v4;
	vm2 =	vmand vm2, vm5;
	vm3 =	vmmov vm0;
	vm4 =	vmneg @p1 vm4;
	s24 =	sand.u32 $0x7F, s22;
	s18 =	sand.u32 $0xFFFFFC00, s20;
	s25 =	sshll.u32 s23, $0x3  }
0x390: {  	[tilespmem:s31+$0x10080] =	vst.msk vm2, v3;
	vm1 =	vmand vm1, vm4;
	vm3 =	vmneg @p0 vm3;
	s28 =	sand.u32 $0x7F, s23;
	s26 =	sor.u32 s24, s18;
	s29 =	sand.u32 $0xFFFFFC00, s25  }
0x391: {  	[tilespmem:s26+$0x10080] =	vst.msk vm1, v7;
	s30 =	sor.u32 s28, s29;
	vm1 =	vmand vm8, vm3  }
0x392: {  	s19 =	simm.s32 $0x0;
	[tilespmem:s30+$0x10080] =	vst.msk vm1, v6  }
0x393: {  	v6 =	vld [tilespmem:s19+$0x8100];
	_ =	sdelay $0x1  }
0x394: {  	v5 =	vld [tilespmem:s19+$0x8110]  }
0x395: {  	v4 =	vld [tilespmem:s19+$0x8120];
	_ =	sdelay $0x1  }
0x396: {  	v3 =	vld [tilespmem:s19+$0x8130];
	vm4 =	vgt.f32 v6, $2.000000000e+00  }
0x397: {  	v2 =	vld [tilespmem:s19+$0x8140];
	v0 =	vmpcnt.ones.xlane vm4  }
0x398: {  	s21 =	simm.s32 $0x0;
	p0 =	por $0x1, $0x1;
	v1 =	vld [tilespmem:s19+$0x8150];
	vm3 =	vgt.f32 v5, $2.000000000e+00  }
0x399: {  	p2 =	por $0x1, $0x1;
	s21 =	simm.s32 @!p0 $0xF0;
	vm1 =	vgt.f32 v4, $2.000000000e+00;
	v8 =	vmpcnt.ones.xlane vm3;
	(v2sf) =	vpush v0, $0x0;
	v0 =	vld [tilespmem:s19+$0x8160]  }
0x39a: {  	s22 =	simm.s32 $0x0;
	s20 =	simm.s32 $0x1000;
	s0 =	sshll.u32 s21, $0x3;
	v7 =	vmpcnt.ones.xlane vm1  }
0x39b: {  	s18 =	simm.s32 $0x0;
	s23 =	sand.u32 $0xFFFFFC00, s0;
	vm2 =	vgt.f32 v3, $2.000000000e+00;
	s31 =	spop (v2sf);
	(v2sf) =	vpush v8, $0x0  }
.LBB2_23:
0x39c: {  	p1 =	sne.s32 s20, $0x1F000;
	v8 =	vmpcnt.ones.xlane vm2;
	vm6 =	vgt.f32 v2, $2.000000000e+00;
	(v2sf) =	vpush v7, $0x0;
	s0 =	smov.u32 s20;
	s20 =	sadd.s32 $0x1000, s20  }
0x39d: {  	v7 =	vmpcnt.ones.xlane vm6;
	vm7 =	vgt.f32 v1, $2.000000000e+00  }
0x39e: {  	v9 =	vmpcnt.ones.xlane vm7;
	vm5 =	vgt.f32 v0, $2.000000000e+00;
	(v2sf) =	vpush v8, $0x0  }
0x39f: {  	v8 =	vmpcnt.ones.xlane vm5;
	(v2sf) =	vpush v7, $0x0  }
0x3a0: {  	(v2sf) =	vpush v9, $0x0  }
0x3a1: {  	(v2sf) =	vpush v8, $0x0;
	_ =	sdelay $0x2  }
0x3a2: {  	vm8 =	vmmov vm0  }
0x3a3: {  	s21 =	sand.u32 $0x7F, s21;
	vm8 =	vmneg @p2 vm8  }
0x3a4: {  	s21 =	sor.u32 s21, s23;
	vm4 =	vmand vm8, vm4;
	v7 =	vld [tilespmem:s19+$0x8170]  }
0x3a5: {  	s19 =	sshra.s32 s0, $0x2;
	[tilespmem:s21+$0x10100] =	vst.msk vm4, v6;
	_ =	sdelay $0x1  }
0x3a6: {  	s0 =	spop (v2sf)  }
0x3a7: {  	s0 =	sadd.s32 s22, s0;
	s21 =	spop (v2sf)  }
0x3a8: {  	p0 =	slt.s32 s0, $0xF0;
	s22 =	sadd.s32 s0, s21;
	s21 =	spop (v2sf)  }
0x3a9: {  	vm4 =	vgt.f32 v7, $2.000000000e+00;
	p2 =	slt.s32 s0, $0xF1;
	s0 =	simm.s32 @!p0 $0xF0;
	p0 =	slt.s32 s22, $0xF0  }
0x3aa: {  	vm8 =	vmmov vm0;
	v6 =	vmpcnt.ones.xlane vm4;
	s24 =	sadd.s32 s22, s21;
	s25 =	smov.u32 s22;
	s23 =	sshll.u32 s0, $0x3  }
0x3ab: {  	vm8 =	vmneg @p2 vm8;
	s21 =	spop (v2sf);
	s25 =	simm.s32 @!p0 $0xF0;
	p0 =	slt.s32 s24, $0xF1  }
0x3ac: {  	vm3 =	vmand vm3, vm8;
	s0 =	sand.u32 $0x7F, s0;
	s26 =	sadd.s32 s24, s21;
	s21 =	spop (v2sf);
	(v2sf) =	vpush v6, $0x0  }
0x3ad: {  	vm8 =	vmmov vm0;
	s23 =	sand.u32 $0xFFFFFC00, s23;
	s21 =	sadd.s32 s26, s21;
	s28 =	spop (v2sf)  }
0x3ae: {  	vm8 =	vmneg @p0 vm8;
	p2 =	slt.s32 s26, $0xF0;
	s30 =	smov.u32 s26;
	s29 =	spop (v2sf)  }
0x3af: {  	vm9 =	vmmov vm0;
	vm8 =	vmand vm2, vm8;
	vm2 =	vmmov vm0;
	s30 =	simm.s32 @!p2 $0xF0;
	p0 =	slt.s32 s21, $0xF1;
	p2 =	slt.s32 s22, $0xF1  }
0x3b0: {  	s22 =	sand.u32 $0x7F, s25;
	s31 =	sshll.u32 s30, $0x3;
	vm2 =	vmneg @p0 vm2;
	vm9 =	vmneg @p2 vm9  }
0x3b1: {  	p0 =	slt.s32 s24, $0xF0;
	p2 =	slt.s32 s26, $0xF1;
	s26 =	sadd.s32 s21, s28;
	vm2 =	vmand vm7, vm2;
	vm7 =	vmand vm1, vm9;
	vm1 =	vmmov vm0  }
0x3b2: {  	s25 =	sshll.u32 s25, $0x3;
	s28 =	sand.u32 $0x7F, s30;
	s24 =	simm.s32 @!p0 $0xF0;
	vm1 =	vmneg @p2 vm1  }
0x3b3: {  	s25 =	sand.u32 $0xFFFFFC00, s25;
	p0 =	slt.s32 s26, $0xF1;
	s30 =	sshll.u32 s24, $0x3;
	vm6 =	vmand vm6, vm1;
	vm1 =	vmmov vm0  }
0x3b4: {  	s22 =	sor.u32 s22, s25;
	s25 =	sand.u32 $0xFFFFFC00, s31;
	s29 =	sadd.s32 s26, s29;
	vm1 =	vmneg @p0 vm1  }
0x3b5: {  	s24 =	sand.u32 $0x7F, s24;
	p2 =	slt.s32 s26, $0xF0;
	p0 =	slt.s32 s21, $0xF0;
	vm1 =	vmand vm5, vm1  }
0x3b6: {  	s0 =	sor.u32 s0, s23;
	s21 =	simm.s32 @!p0 $0xF0;
	p0 =	slt.s32 s29, $0xF0  }
0x3b7: {  	s23 =	sor.u32 s28, s25;
	[tilespmem:s0+$0x10100] =	vst.msk vm3, v5;
	s0 =	sand.u32 $0xFFFFFC00, s30  }
0x3b8: {  	s25 =	sshll.u32 s21, $0x3;
	s0 =	sor.u32 s24, s0;
	s24 =	smov.u32 s29  }
0x3b9: {  	s26 =	simm.s32 @!p2 $0xF0;
	[tilespmem:s22+$0x10100] =	vst.msk vm7, v4;
	s24 =	simm.s32 @!p0 $0xF0  }
0x3ba: {  	s22 =	sshll.u32 s26, $0x3;
	[tilespmem:s0+$0x10100] =	vst.msk vm8, v3;
	s0 =	sand.u32 $0x7F, s21;
	s21 =	sand.u32 $0xFFFFFC00, s25  }
0x3bb: {  	p0 =	slt.s32 s29, $0xF1;
	[tilespmem:s23+$0x10100] =	vst.msk vm6, v2;
	s0 =	sor.u32 s0, s21;
	s21 =	sand.u32 $0xFFFFFC00, s22  }
0x3bc: {  	[tilespmem:s0+$0x10100] =	vst.msk vm2, v1;
	vm2 =	vmmov vm0  }
0x3bd: {  	s23 =	sand.u32 $0x7F, s26;
	s0 =	sshll.u32 s24, $0x3;
	s22 =	spop (v2sf);
	vm2 =	vmneg @p0 vm2  }
0x3be: {  	s23 =	sor.u32 s23, s21;
	s0 =	sand.u32 $0xFFFFFC00, s0;
	s22 =	sadd.s32 s29, s22;
	vm2 =	vmand vm4, vm2  }
0x3bf: {  	s24 =	sand.u32 $0x7F, s24;
	p0 =	slt.s32 s22, $0xF0;
	s21 =	smov.u32 s22  }
0x3c0: {  	p2 =	slt.s32 s22, $0xF1;
	s0 =	sor.u32 s24, s0;
	s21 =	simm.s32 @!p0 $0xF0;
	[tilespmem:s23+$0x10100] =	vst.msk vm1, v0  }
0x3c1: {  	s23 =	sshll.u32 s21, $0x3;
	[tilespmem:s0+$0x10100] =	vst.msk vm2, v7  }
0x3c2: {  	s23 =	sand.u32 $0xFFFFFC00, s23;
	v6 =	vld [tilespmem:s19+$0x8100]  }
0x3c3: {  	v5 =	vld [tilespmem:s19+$0x8110]  }
0x3c4: {  	v4 =	vld [tilespmem:s19+$0x8120];
	_ =	sdelay $0x1  }
0x3c5: {  	v3 =	vld [tilespmem:s19+$0x8130]  }
.Ltmp10:
0x3c6: {  	vm4 =	vgt.f32 v6, $2.000000000e+00;
	v2 =	vld [tilespmem:s19+$0x8140];
	(pc) =	sbr.rel @p1 .LBB2_23-.Ltmp10, $4  }
0x3c7: {  	v8 =	vmpcnt.ones.xlane vm4;
	vm3 =	vgt.f32 v5, $2.000000000e+00;
	v1 =	vld [tilespmem:s19+$0x8150]  }
0x3c8: {  	v9 =	vmpcnt.ones.xlane vm3;
	vm1 =	vgt.f32 v4, $2.000000000e+00;
	v0 =	vld [tilespmem:s19+$0x8160]  }
0x3c9: {  	v7 =	vmpcnt.ones.xlane vm1;
	(v2sf) =	vpush v8, $0x0  }
0x3ca: {  	vm2 =	vgt.f32 v3, $2.000000000e+00;
	(v2sf) =	vpush v9, $0x0  }
0x3cb: {  	v8 =	vmpcnt.ones.xlane vm2  }
0x3cc: {  	vm7 =	vgt.f32 v2, $2.000000000e+00;
	(v2sf) =	vpush v7, $0x0  }
0x3cd: {  	v59 =	vmpcnt.ones.xlane vm7;
	(v2sf) =	vpush v8, $0x0  }
0x3ce: {  	vm6 =	vgt.f32 v1, $2.000000000e+00  }
0x3cf: {  	v60 =	vmpcnt.ones.xlane vm6;
	vm5 =	vgt.f32 v0, $2.000000000e+00;
	(v2sf) =	vpush v59, $0x0  }
0x3d0: {  	v61 =	vmpcnt.ones.xlane vm5  }
0x3d1: {  	(v2sf) =	vpush v60, $0x0  }
0x3d2: {  	(v2sf) =	vpush v61, $0x0;
	_ =	sdelay $0x5  }
0x3d3: {  	s25 =	sand.u32 $0x7F, s21;
	s0 =	spop (v2sf)  }
0x3d4: {  	v62 =	vld [tilespmem:s19+$0x8170];
	s19 =	sor.u32 s25, s23;
	s0 =	sadd.s32 s22, s0;
	s20 =	spop (v2sf)  }
0x3d5: {  	p0 =	slt.s32 s0, $0xF0;
	s20 =	sadd.s32 s0, s20;
	p3 =	slt.s32 s0, $0xF1  }
0x3d6: {  	s26 =	spop (v2sf);
	s0 =	simm.s32 @!p0 $0xF0;
	p0 =	slt.s32 s20, $0xF0  }
0x3d7: {  	s21 =	sadd.s32 s20, s26;
	s24 =	smov.u32 s20;
	s28 =	spop (v2sf)  }
0x3d8: {  	s29 =	sshll.u32 s0, $0x3;
	s24 =	simm.s32 @!p0 $0xF0;
	p6 =	slt.s32 s21, $0xF1  }
0x3d9: {  	vm8 =	vgt.f32 v62, $2.000000000e+00;
	s0 =	sand.u32 $0x7F, s0;
	s22 =	sadd.s32 s21, s28;
	s25 =	spop (v2sf)  }
0x3da: {  	v63 =	vmpcnt.ones.xlane vm8;
	s23 =	sand.u32 $0xFFFFFC00, s29;
	s30 =	sshll.u32 s24, $0x3;
	s24 =	sand.u32 $0x7F, s24  }
0x3db: {  	s25 =	sadd.s32 s22, s25;
	s26 =	spop (v2sf);
	p0 =	slt.s32 s22, $0xF0  }
0x3dc: {  	(v2sf) =	vpush v63, $0x0;
	p4 =	slt.s32 s22, $0xF1;
	s0 =	sor.u32 s0, s23;
	s28 =	spop (v2sf)  }
0x3dd: {  	vm9 =	vmmov vm0;
	s22 =	simm.s32 @!p0 $0xF0;
	p1 =	slt.s32 s25, $0xF1;
	p0 =	slt.s32 s21, $0xF0  }
0x3de: {  	vm9 =	vmneg @p2 vm9;
	s26 =	sadd.s32 s25, s26;
	p2 =	slt.s32 s25, $0xF0;
	s21 =	simm.s32 @!p0 $0xF0  }
0x3df: {  	p0 =	slt.s32 s20, $0xF1;
	s29 =	sshll.u32 s22, $0x3;
	s20 =	sand.u32 $0xFFFFFC00, s30  }
0x3e0: {  	s22 =	sand.u32 $0x7F, s22;
	p5 =	slt.s32 s26, $0xF1;
	s28 =	sadd.s32 s26, s28  }
0x3e1: {  	vm10 =	vmmov vm0;
	s25 =	simm.s32 @!p2 $0xF0;
	p2 =	slt.s32 s26, $0xF0;
	s20 =	sor.u32 s24, s20  }
0x3e2: {  	vm4 =	vmand vm9, vm4;
	vm9 =	vmmov vm0;
	vm10 =	vmneg @p3 vm10;
	s31 =	sshll.u32 s21, $0x3;
	s29 =	sand.u32 $0xFFFFFC00, s29;
	s21 =	sand.u32 $0x7F, s21  }
0x3e3: {  	[tilespmem:s19+$0x10100] =	vst.msk vm4, v6;
	vm4 =	vmmov vm0;
	vm3 =	vmand vm3, vm10;
	vm9 =	vmneg @p0 vm9;
	s26 =	simm.s32 @!p2 $0xF0;
	p0 =	slt.s32 s28, $0xF0;
	p2 =	slt.s32 s28, $0xF1  }
0x3e4: {  	vm4 =	vmneg @p6 vm4;
	[tilespmem:s0+$0x10100] =	vst.msk vm3, v5;
	s24 =	sand.u32 $0xFFFFFC00, s31;
	vm1 =	vmand vm1, vm9;
	vm9 =	vmmov vm0;
	s30 =	sor.u32 s22, s29;
	s31 =	sshll.u32 s25, $0x3  }
0x3e5: {  	vm2 =	vmand vm2, vm4;
	vm3 =	vmmov vm0;
	s23 =	sshll.u32 s26, $0x3;
	s28 =	simm.s32 @!p0 $0xF0;
	s19 =	sor.u32 s21, s24;
	vm9 =	vmneg @p4 vm9;
	[tilespmem:s20+$0x10100] =	vst.msk vm1, v4  }
0x3e6: {  	vm4 =	vmmov vm0;
	vm3 =	vmneg @p1 vm3;
	s26 =	sand.u32 $0x7F, s26;
	s21 =	sand.u32 $0x7F, s25;
	s22 =	sand.u32 $0xFFFFFC00, s31;
	vm1 =	vmand vm7, vm9;
	[tilespmem:s19+$0x10100] =	vst.msk vm2, v3  }
0x3e7: {  	vm4 =	vmneg @p5 vm4;
	s24 =	sand.u32 $0xFFFFFC00, s23;
	s25 =	sshll.u32 s28, $0x3;
	s20 =	sor.u32 s21, s22;
	vm2 =	vmand vm6, vm3;
	[tilespmem:s30+$0x10100] =	vst.msk vm1, v2;
	vm1 =	vmmov vm0  }
0x3e8: {  	s29 =	sand.u32 $0x7F, s28;
	vm3 =	vmand vm5, vm4;
	s19 =	sand.u32 $0xFFFFFC00, s25;
	s0 =	sor.u32 s26, s24;
	[tilespmem:s20+$0x10100] =	vst.msk vm2, v1;
	vm1 =	vmneg @p2 vm1  }
0x3e9: {  	p0 =	por $0x1, $0x1;
	s21 =	simm.s32 $0x0;
	s30 =	sor.u32 s29, s19;
	vm1 =	vmand vm8, vm1;
	[tilespmem:s0+$0x10100] =	vst.msk vm3, v0  }
0x3ea: {  	p1 =	por $0x1, $0x1;
	s19 =	simm.s32 $0x0;
	s21 =	simm.s32 @!p0 $0xF0;
	[tilespmem:s30+$0x10100] =	vst.msk vm1, v62  }
0x3eb: {  	s20 =	simm.s32 $0x1000;
	s22 =	sshll.u32 s21, $0x3;
	s31 =	spop (v2sf);
	v1 =	vld [tilespmem:s19+$0x8180]  }
.LBB2_25:
0x3ec: {  	p0 =	sne.s32 s20, $0x1F000;
	v3 =	vld [tilespmem:s19+$0x8190];
	s0 =	smov.u32 s20;
	s20 =	sadd.s32 $0x1000, s20  }
0x3ed: {  	v4 =	vld [tilespmem:s19+$0x81A0];
	_ =	sdelay $0x2  }
0x3ee: {  	vm1 =	vgt.f32 v1, $2.000000000e+00  }
0x3ef: {  	v0 =	vmpcnt.ones.xlane vm1;
	vm7 =	vgt.f32 v3, $2.000000000e+00  }
0x3f0: {  	v2 =	vmpcnt.ones.xlane vm7;
	vm6 =	vgt.f32 v4, $2.000000000e+00;
	v5 =	vld [tilespmem:s19+$0x81B0]  }
0x3f1: {  	v6 =	vmpcnt.ones.xlane vm6;
	(v2sf) =	vpush v0, $0x0  }
0x3f2: {  	v7 =	vld [tilespmem:s19+$0x81C0];
	(v2sf) =	vpush v2, $0x0  }
0x3f3: {  	(v2sf) =	vpush v6, $0x0;
	_ =	sdelay $0x1  }
0x3f4: {  	s0 =	sshra.s32 s0, $0x2;
	vm4 =	vgt.f32 v5, $2.000000000e+00  }
0x3f5: {  	v2 =	vmpcnt.ones.xlane vm4  }
0x3f6: {  	vm2 =	vmmov vm0;
	vm5 =	vgt.f32 v7, $2.000000000e+00;
	v6 =	vld [tilespmem:s19+$0x81D0]  }
0x3f7: {  	s21 =	sand.u32 $0x7F, s21;
	s22 =	sand.u32 $0xFFFFFC00, s22;
	vm2 =	vmneg @p1 vm2;
	v8 =	vmpcnt.ones.xlane vm5;
	v0 =	vld [tilespmem:s19+$0x81F0];
	(v2sf) =	vpush v2, $0x0  }
0x3f8: {  	s21 =	sor.u32 s21, s22;
	vm1 =	vmand vm2, vm1;
	v2 =	vld [tilespmem:s19+$0x81E0];
	s19 =	smov.u32 s0  }
0x3f9: {  	[tilespmem:s21+$0x10180] =	vst.msk vm1, v1;
	(v2sf) =	vpush v8, $0x0;
	_ =	sdelay $0x1  }
0x3fa: {  	vm3 =	vgt.f32 v6, $2.000000000e+00  }
0x3fb: {  	v1 =	vmpcnt.ones.xlane vm3  }
0x3fc: {  	vm2 =	vgt.f32 v2, $2.000000000e+00  }
0x3fd: {  	v8 =	vmpcnt.ones.xlane vm2;
	(v2sf) =	vpush v1, $0x0  }
0x3fe: {  	s0 =	spop (v2sf)  }
0x3ff: {  	s0 =	sadd.s32 s18, s0  }
0x400: {  	s18 =	spop (v2sf);
	(v2sf) =	vpush v8, $0x0;
	p1 =	slt.s32 s0, $0xF0  }
0x401: {  	s18 =	sadd.s32 s0, s18;
	s21 =	spop (v2sf);
	s22 =	smov.u32 s0  }
0x402: {  	vm1 =	vgt.f32 v0, $2.000000000e+00;
	p3 =	slt.s32 s0, $0xF1;
	s22 =	simm.s32 @!p1 $0xF0;
	p2 =	slt.s32 s18, $0xF0  }
0x403: {  	v1 =	vmpcnt.ones.xlane vm1;
	p1 =	slt.s32 s18, $0xF1;
	s0 =	sadd.s32 s18, s21;
	s18 =	simm.s32 @!p2 $0xF0  }
0x404: {  	vm8 =	vmmov vm0;
	s21 =	sshll.u32 s22, $0x3;
	p2 =	slt.s32 s0, $0xF1;
	s23 =	sshll.u32 s18, $0x3  }
0x405: {  	vm8 =	vmneg @p3 vm8;
	p3 =	slt.s32 s0, $0xF0;
	(v2sf) =	vpush v1, $0x0;
	s18 =	sand.u32 $0x7F, s18;
	s23 =	sand.u32 $0xFFFFFC00, s23  }
0x406: {  	vm7 =	vmand vm7, vm8;
	s22 =	sand.u32 $0x7F, s22;
	s18 =	sor.u32 s18, s23;
	s23 =	smov.u32 s0  }
0x407: {  	vm9 =	vmmov vm0;
	vm8 =	vmmov vm0;
	s21 =	sand.u32 $0xFFFFFC00, s21;
	s24 =	spop (v2sf);
	s23 =	simm.s32 @!p3 $0xF0  }
0x408: {  	vm8 =	vmneg @p1 vm8;
	vm9 =	vmneg @p2 vm9;
	s21 =	sor.u32 s22, s21;
	s0 =	sadd.s32 s0, s24;
	s24 =	sshll.u32 s23, $0x3  }
0x409: {  	vm6 =	vmand vm6, vm8;
	p1 =	slt.s32 s0, $0xF0;
	s22 =	smov.u32 s0;
	s25 =	spop (v2sf)  }
0x40a: {  	s22 =	simm.s32 @!p1 $0xF0;
	p1 =	slt.s32 s0, $0xF1  }
0x40b: {  	[tilespmem:s21+$0x10180] =	vst.msk vm7, v3;
	vm7 =	vmmov vm0  }
0x40c: {  	s0 =	sadd.s32 s0, s25;
	s21 =	sand.u32 $0x7F, s23;
	s23 =	sand.u32 $0xFFFFFC00, s24;
	vm7 =	vmneg @p1 vm7  }
0x40d: {  	vm4 =	vmand vm4, vm9;
	p1 =	slt.s32 s0, $0xF0;
	[tilespmem:s18+$0x10180] =	vst.msk vm6, v4;
	s18 =	sor.u32 s21, s23;
	vm5 =	vmand vm5, vm7;
	s21 =	sshll.u32 s22, $0x3  }
0x40e: {  	[tilespmem:s18+$0x10180] =	vst.msk vm4, v5;
	s18 =	sand.u32 $0x7F, s22;
	s21 =	sand.u32 $0xFFFFFC00, s21  }
0x40f: {  	p2 =	slt.s32 s0, $0xF1;
	vm4 =	vmmov vm0;
	s18 =	sor.u32 s18, s21;
	s21 =	smov.u32 s0  }
0x410: {  	vm4 =	vmneg @p2 vm4;
	s22 =	spop (v2sf);
	s21 =	simm.s32 @!p1 $0xF0  }
0x411: {  	s0 =	sadd.s32 s0, s22;
	[tilespmem:s18+$0x10180] =	vst.msk vm5, v7;
	s18 =	sand.u32 $0x7F, s21;
	s21 =	sshll.u32 s21, $0x3  }
0x412: {  	p1 =	slt.s32 s0, $0xF0;
	s21 =	sand.u32 $0xFFFFFC00, s21;
	s22 =	spop (v2sf)  }
0x413: {  	s18 =	sor.u32 s18, s21;
	s21 =	smov.u32 s0;
	s22 =	sadd.s32 s0, s22  }
0x414: {  	vm3 =	vmand vm3, vm4;
	s21 =	simm.s32 @!p1 $0xF0;
	p1 =	slt.s32 s0, $0xF1;
	p2 =	slt.s32 s22, $0xF0  }
0x415: {  	[tilespmem:s18+$0x10180] =	vst.msk vm3, v6;
	s0 =	sshll.u32 s21, $0x3;
	vm3 =	vmmov vm0;
	s18 =	sand.u32 $0x7F, s21;
	s21 =	smov.u32 s22  }
0x416: {  	vm3 =	vmneg @p1 vm3;
	s0 =	sand.u32 $0xFFFFFC00, s0;
	s21 =	simm.s32 @!p2 $0xF0;
	p1 =	slt.s32 s22, $0xF1  }
0x417: {  	vm2 =	vmand vm2, vm3;
	s0 =	sor.u32 s18, s0;
	s18 =	sshll.u32 s21, $0x3;
	s23 =	spop (v2sf)  }
.Ltmp11:
0x418: {  	[tilespmem:s0+$0x10180] =	vst.msk vm2, v2;
	s0 =	sand.u32 $0x7F, s21;
	s18 =	sand.u32 $0xFFFFFC00, s18;
	vm2 =	vmmov vm0;
	(pc) =	sbr.rel @p0 .LBB2_25-.Ltmp11, $4  }
0x419: {  	vm2 =	vmneg @p1 vm2;
	s0 =	sor.u32 s0, s18;
	s18 =	sadd.s32 s22, s23  }
0x41a: {  	p2 =	slt.s32 s18, $0xF0;
	p1 =	slt.s32 s18, $0xF1;
	vm1 =	vmand vm1, vm2;
	s21 =	smov.u32 s18  }
0x41b: {  	s21 =	simm.s32 @!p2 $0xF0;
	[tilespmem:s0+$0x10180] =	vst.msk vm1, v0  }
0x41c: {  	v1 =	vld [tilespmem:s19+$0x8180];
	s22 =	sshll.u32 s21, $0x3  }
0x41d: {  	v0 =	vld [tilespmem:s19+$0x8190];
	_ =	sdelay $0x1  }
0x41e: {  	v2 =	vld [tilespmem:s19+$0x81A0];
	_ =	sdelay $0x1  }
0x41f: {  	vm7 =	vgt.f32 v1, $2.000000000e+00  }
0x420: {  	v5 =	vld [tilespmem:s19+$0x81B0];
	v3 =	vmpcnt.ones.xlane vm7;
	vm6 =	vgt.f32 v0, $2.000000000e+00  }
0x421: {  	v4 =	vmpcnt.ones.xlane vm6  }
0x422: {  	vm5 =	vgt.f32 v2, $2.000000000e+00;
	(v2sf) =	vpush v3, $0x0  }
0x423: {  	v3 =	vmpcnt.ones.xlane vm5;
	(v2sf) =	vpush v4, $0x0;
	_ =	sdelay $0x1  }
0x424: {  	vm4 =	vgt.f32 v5, $2.000000000e+00;
	v4 =	vld [tilespmem:s19+$0x81C0];
	(v2sf) =	vpush v3, $0x0  }
0x425: {  	v3 =	vmpcnt.ones.xlane vm4;
	_ =	sdelay $0x1  }
0x426: {  	(v2sf) =	vpush v3, $0x0;
	_ =	sdelay $0x1  }
0x427: {  	v3 =	vld [tilespmem:s19+$0x81D0];
	vm3 =	vgt.f32 v4, $2.000000000e+00  }
0x428: {  	v7 =	vld [tilespmem:s19+$0x81E0];
	v6 =	vmpcnt.ones.xlane vm3;
	_ =	sdelay $0x1  }
0x429: {  	(v2sf) =	vpush v6, $0x0;
	_ =	sdelay $0x1  }
0x42a: {  	vm2 =	vgt.f32 v3, $2.000000000e+00  }
0x42b: {  	vm1 =	vgt.f32 v7, $2.000000000e+00;
	v6 =	vmpcnt.ones.xlane vm2  }
0x42c: {  	s20 =	sand.u32 $0x7F, s21;
	v8 =	vmpcnt.ones.xlane vm1;
	s0 =	spop (v2sf)  }
0x42d: {  	s22 =	sand.u32 $0xFFFFFC00, s22;
	(v2sf) =	vpush v6, $0x0;
	s0 =	sadd.s32 s18, s0;
	s23 =	spop (v2sf)  }
0x42e: {  	s20 =	sor.u32 s20, s22;
	(v2sf) =	vpush v8, $0x0;
	s18 =	sadd.s32 s0, s23;
	p2 =	slt.s32 s0, $0xF0  }
0x42f: {  	s24 =	spop (v2sf);
	p3 =	slt.s32 s0, $0xF1;
	p4 =	slt.s32 s18, $0xF0  }
0x430: {  	p0 =	slt.s32 s18, $0xF1;
	s21 =	sadd.s32 s18, s24;
	s0 =	simm.s32 @!p2 $0xF0  }
0x431: {  	s18 =	simm.s32 @!p4 $0xF0;
	s25 =	sshll.u32 s0, $0x3;
	p2 =	slt.s32 s21, $0xF1  }
0x432: {  	s24 =	spop (v2sf);
	p4 =	slt.s32 s21, $0xF0;
	s0 =	sand.u32 $0x7F, s0  }
0x433: {  	s23 =	sshll.u32 s18, $0x3;
	s18 =	sand.u32 $0x7F, s18;
	s24 =	sadd.s32 s21, s24  }
0x434: {  	s21 =	simm.s32 @!p4 $0xF0;
	s26 =	sand.u32 $0xFFFFFC00, s25;
	s23 =	sand.u32 $0xFFFFFC00, s23  }
0x435: {  	s28 =	sshll.u32 s21, $0x3;
	p4 =	slt.s32 s24, $0xF0;
	s0 =	sor.u32 s0, s26  }
0x436: {  	s29 =	sand.u32 $0x7F, s21;
	s18 =	sor.u32 s18, s23;
	s23 =	smov.u32 s24  }
0x437: {  	s30 =	sand.u32 $0xFFFFFC00, s28;
	s23 =	simm.s32 @!p4 $0xF0;
	s25 =	spop (v2sf)  }
0x438: {  	v6 =	vld [tilespmem:s19+$0x81F0];
	p4 =	slt.s32 s24, $0xF1;
	s31 =	sadd.s32 s24, s25;
	s24 =	sshll.u32 s23, $0x3  }
0x439: {  	vm9 =	vmmov vm0;
	p5 =	slt.s32 s31, $0xF0;
	s21 =	sand.u32 $0xFFFFFC00, s24;
	s24 =	smov.u32 s31  }
0x43a: {  	vm10 =	vmmov vm0;
	vm9 =	vmneg @p1 vm9;
	s19 =	sor.u32 s29, s30;
	s23 =	sand.u32 $0x7F, s23;
	s24 =	simm.s32 @!p5 $0xF0  }
0x43b: {  	vm7 =	vmand vm9, vm7;
	vm9 =	vmmov vm0;
	vm10 =	vmneg @p3 vm10;
	p1 =	slt.s32 s31, $0xF1;
	s26 =	sand.u32 $0x7F, s24;
	s24 =	sshll.u32 s24, $0x3  }
0x43c: {  	[tilespmem:s20+$0x10180] =	vst.msk vm7, v1;
	vm7 =	vmmov vm0;
	vm6 =	vmand vm6, vm10;
	vm9 =	vmneg @p0 vm9;
	s21 =	sor.u32 s23, s21;
	s29 =	sand.u32 $0xFFFFFC00, s24;
	s25 =	spop (v2sf)  }
0x43d: {  	vm8 =	vgt.f32 v6, $2.000000000e+00;
	vm7 =	vmneg @p2 vm7;
	vm5 =	vmand vm5, vm9;
	[tilespmem:s0+$0x10180] =	vst.msk vm6, v0;
	s28 =	sadd.s32 s31, s25;
	s30 =	spop (v2sf);
	s31 =	sor.u32 s26, s29  }
0x43e: {  	v8 =	vmpcnt.ones.xlane vm8;
	vm6 =	vmmov vm0;
	[tilespmem:s18+$0x10180] =	vst.msk vm5, v2;
	vm5 =	vmmov vm0;
	p0 =	slt.s32 s28, $0xF0;
	s22 =	smov.u32 s28;
	s23 =	sadd.s32 s28, s30  }
0x43f: {  	vm4 =	vmand vm4, vm7;
	vm6 =	vmneg @p4 vm6;
	vm5 =	vmneg @p1 vm5;
	p1 =	slt.s32 s28, $0xF1;
	s22 =	simm.s32 @!p0 $0xF0;
	p2 =	slt.s32 s23, $0xF0  }
0x440: {  	[tilespmem:s19+$0x10180] =	vst.msk vm4, v5;
	vm4 =	vmmov vm0;
	vm3 =	vmand vm3, vm6;
	(v2sf) =	vpush v8, $0x0;
	p0 =	slt.s32 s23, $0xF1;
	s20 =	sshll.u32 s22, $0x3;
	s23 =	simm.s32 @!p2 $0xF0  }
0x441: {  	[tilespmem:s21+$0x10180] =	vst.msk vm3, v4;
	vm2 =	vmand vm2, vm5;
	vm3 =	vmmov vm0;
	vm4 =	vmneg @p1 vm4;
	s24 =	sand.u32 $0x7F, s22;
	s18 =	sand.u32 $0xFFFFFC00, s20;
	s25 =	sshll.u32 s23, $0x3  }
0x442: {  	[tilespmem:s31+$0x10180] =	vst.msk vm2, v3;
	vm1 =	vmand vm1, vm4;
	vm3 =	vmneg @p0 vm3;
	s28 =	sand.u32 $0x7F, s23;
	s26 =	sor.u32 s24, s18;
	s29 =	sand.u32 $0xFFFFFC00, s25  }
0x443: {  	[tilespmem:s26+$0x10180] =	vst.msk vm1, v7;
	s30 =	sor.u32 s28, s29;
	vm1 =	vmand vm8, vm3  }
0x444: {  	s19 =	simm.s32 $0x0;
	[tilespmem:s30+$0x10180] =	vst.msk vm1, v6  }
0x445: {  	v6 =	vld [tilespmem:s19+$0x8200];
	_ =	sdelay $0x1  }
0x446: {  	v5 =	vld [tilespmem:s19+$0x8210]  }
0x447: {  	v4 =	vld [tilespmem:s19+$0x8220];
	_ =	sdelay $0x1  }
0x448: {  	v3 =	vld [tilespmem:s19+$0x8230];
	vm4 =	vgt.f32 v6, $2.000000000e+00  }
0x449: {  	v2 =	vld [tilespmem:s19+$0x8240];
	v0 =	vmpcnt.ones.xlane vm4  }
0x44a: {  	s21 =	simm.s32 $0x0;
	p0 =	por $0x1, $0x1;
	v1 =	vld [tilespmem:s19+$0x8250];
	vm3 =	vgt.f32 v5, $2.000000000e+00  }
0x44b: {  	p2 =	por $0x1, $0x1;
	s21 =	simm.s32 @!p0 $0xF0;
	vm1 =	vgt.f32 v4, $2.000000000e+00;
	v8 =	vmpcnt.ones.xlane vm3;
	(v2sf) =	vpush v0, $0x0;
	v0 =	vld [tilespmem:s19+$0x8260]  }
0x44c: {  	s22 =	simm.s32 $0x0;
	s20 =	simm.s32 $0x1000;
	s0 =	sshll.u32 s21, $0x3;
	v7 =	vmpcnt.ones.xlane vm1  }
0x44d: {  	s18 =	simm.s32 $0x0;
	s23 =	sand.u32 $0xFFFFFC00, s0;
	vm2 =	vgt.f32 v3, $2.000000000e+00;
	s31 =	spop (v2sf);
	(v2sf) =	vpush v8, $0x0  }
.LBB2_27:
0x44e: {  	p1 =	sne.s32 s20, $0x1F000;
	v8 =	vmpcnt.ones.xlane vm2;
	vm6 =	vgt.f32 v2, $2.000000000e+00;
	(v2sf) =	vpush v7, $0x0;
	s0 =	smov.u32 s20;
	s20 =	sadd.s32 $0x1000, s20  }
0x44f: {  	v7 =	vmpcnt.ones.xlane vm6;
	vm7 =	vgt.f32 v1, $2.000000000e+00  }
0x450: {  	v9 =	vmpcnt.ones.xlane vm7;
	vm5 =	vgt.f32 v0, $2.000000000e+00;
	(v2sf) =	vpush v8, $0x0  }
0x451: {  	v8 =	vmpcnt.ones.xlane vm5;
	(v2sf) =	vpush v7, $0x0  }
0x452: {  	(v2sf) =	vpush v9, $0x0  }
0x453: {  	(v2sf) =	vpush v8, $0x0;
	_ =	sdelay $0x2  }
0x454: {  	vm8 =	vmmov vm0  }
0x455: {  	s21 =	sand.u32 $0x7F, s21;
	vm8 =	vmneg @p2 vm8  }
0x456: {  	s21 =	sor.u32 s21, s23;
	vm4 =	vmand vm8, vm4;
	v7 =	vld [tilespmem:s19+$0x8270]  }
0x457: {  	s19 =	sshra.s32 s0, $0x2;
	[tilespmem:s21+$0x10200] =	vst.msk vm4, v6;
	_ =	sdelay $0x1  }
0x458: {  	s0 =	spop (v2sf)  }
0x459: {  	s0 =	sadd.s32 s22, s0;
	s21 =	spop (v2sf)  }
0x45a: {  	p0 =	slt.s32 s0, $0xF0;
	s22 =	sadd.s32 s0, s21;
	s21 =	spop (v2sf)  }
0x45b: {  	vm4 =	vgt.f32 v7, $2.000000000e+00;
	p2 =	slt.s32 s0, $0xF1;
	s0 =	simm.s32 @!p0 $0xF0;
	p0 =	slt.s32 s22, $0xF0  }
0x45c: {  	vm8 =	vmmov vm0;
	v6 =	vmpcnt.ones.xlane vm4;
	s24 =	sadd.s32 s22, s21;
	s25 =	smov.u32 s22;
	s23 =	sshll.u32 s0, $0x3  }
0x45d: {  	vm8 =	vmneg @p2 vm8;
	s21 =	spop (v2sf);
	s25 =	simm.s32 @!p0 $0xF0;
	p0 =	slt.s32 s24, $0xF1  }
0x45e: {  	vm3 =	vmand vm3, vm8;
	s0 =	sand.u32 $0x7F, s0;
	s26 =	sadd.s32 s24, s21;
	s21 =	spop (v2sf);
	(v2sf) =	vpush v6, $0x0  }
0x45f: {  	vm8 =	vmmov vm0;
	s23 =	sand.u32 $0xFFFFFC00, s23;
	s21 =	sadd.s32 s26, s21;
	s28 =	spop (v2sf)  }
0x460: {  	vm8 =	vmneg @p0 vm8;
	p2 =	slt.s32 s26, $0xF0;
	s30 =	smov.u32 s26;
	s29 =	spop (v2sf)  }
0x461: {  	vm9 =	vmmov vm0;
	vm8 =	vmand vm2, vm8;
	vm2 =	vmmov vm0;
	s30 =	simm.s32 @!p2 $0xF0;
	p0 =	slt.s32 s21, $0xF1;
	p2 =	slt.s32 s22, $0xF1  }
0x462: {  	s22 =	sand.u32 $0x7F, s25;
	s31 =	sshll.u32 s30, $0x3;
	vm2 =	vmneg @p0 vm2;
	vm9 =	vmneg @p2 vm9  }
0x463: {  	p0 =	slt.s32 s24, $0xF0;
	p2 =	slt.s32 s26, $0xF1;
	s26 =	sadd.s32 s21, s28;
	vm2 =	vmand vm7, vm2;
	vm7 =	vmand vm1, vm9;
	vm1 =	vmmov vm0  }
0x464: {  	s25 =	sshll.u32 s25, $0x3;
	s28 =	sand.u32 $0x7F, s30;
	s24 =	simm.s32 @!p0 $0xF0;
	vm1 =	vmneg @p2 vm1  }
0x465: {  	s25 =	sand.u32 $0xFFFFFC00, s25;
	p0 =	slt.s32 s26, $0xF1;
	s30 =	sshll.u32 s24, $0x3;
	vm6 =	vmand vm6, vm1;
	vm1 =	vmmov vm0  }
0x466: {  	s22 =	sor.u32 s22, s25;
	s25 =	sand.u32 $0xFFFFFC00, s31;
	s29 =	sadd.s32 s26, s29;
	vm1 =	vmneg @p0 vm1  }
0x467: {  	s24 =	sand.u32 $0x7F, s24;
	p2 =	slt.s32 s26, $0xF0;
	p0 =	slt.s32 s21, $0xF0;
	vm1 =	vmand vm5, vm1  }
0x468: {  	s0 =	sor.u32 s0, s23;
	s21 =	simm.s32 @!p0 $0xF0;
	p0 =	slt.s32 s29, $0xF0  }
0x469: {  	s23 =	sor.u32 s28, s25;
	[tilespmem:s0+$0x10200] =	vst.msk vm3, v5;
	s0 =	sand.u32 $0xFFFFFC00, s30  }
0x46a: {  	s25 =	sshll.u32 s21, $0x3;
	s0 =	sor.u32 s24, s0;
	s24 =	smov.u32 s29  }
0x46b: {  	s26 =	simm.s32 @!p2 $0xF0;
	[tilespmem:s22+$0x10200] =	vst.msk vm7, v4;
	s24 =	simm.s32 @!p0 $0xF0  }
0x46c: {  	s22 =	sshll.u32 s26, $0x3;
	[tilespmem:s0+$0x10200] =	vst.msk vm8, v3;
	s0 =	sand.u32 $0x7F, s21;
	s21 =	sand.u32 $0xFFFFFC00, s25  }
0x46d: {  	p0 =	slt.s32 s29, $0xF1;
	[tilespmem:s23+$0x10200] =	vst.msk vm6, v2;
	s0 =	sor.u32 s0, s21;
	s21 =	sand.u32 $0xFFFFFC00, s22  }
0x46e: {  	[tilespmem:s0+$0x10200] =	vst.msk vm2, v1;
	vm2 =	vmmov vm0  }
0x46f: {  	s23 =	sand.u32 $0x7F, s26;
	s0 =	sshll.u32 s24, $0x3;
	s22 =	spop (v2sf);
	vm2 =	vmneg @p0 vm2  }
0x470: {  	s23 =	sor.u32 s23, s21;
	s0 =	sand.u32 $0xFFFFFC00, s0;
	s22 =	sadd.s32 s29, s22;
	vm2 =	vmand vm4, vm2  }
0x471: {  	s24 =	sand.u32 $0x7F, s24;
	p0 =	slt.s32 s22, $0xF0;
	s21 =	smov.u32 s22  }
0x472: {  	p2 =	slt.s32 s22, $0xF1;
	s0 =	sor.u32 s24, s0;
	s21 =	simm.s32 @!p0 $0xF0;
	[tilespmem:s23+$0x10200] =	vst.msk vm1, v0  }
0x473: {  	s23 =	sshll.u32 s21, $0x3;
	[tilespmem:s0+$0x10200] =	vst.msk vm2, v7  }
0x474: {  	s23 =	sand.u32 $0xFFFFFC00, s23;
	v6 =	vld [tilespmem:s19+$0x8200]  }
0x475: {  	v5 =	vld [tilespmem:s19+$0x8210]  }
0x476: {  	v4 =	vld [tilespmem:s19+$0x8220];
	_ =	sdelay $0x1  }
0x477: {  	v3 =	vld [tilespmem:s19+$0x8230]  }
.Ltmp12:
0x478: {  	vm4 =	vgt.f32 v6, $2.000000000e+00;
	v2 =	vld [tilespmem:s19+$0x8240];
	(pc) =	sbr.rel @p1 .LBB2_27-.Ltmp12, $4  }
0x479: {  	v8 =	vmpcnt.ones.xlane vm4;
	vm3 =	vgt.f32 v5, $2.000000000e+00;
	v1 =	vld [tilespmem:s19+$0x8250]  }
0x47a: {  	v9 =	vmpcnt.ones.xlane vm3;
	vm1 =	vgt.f32 v4, $2.000000000e+00;
	v0 =	vld [tilespmem:s19+$0x8260]  }
0x47b: {  	v7 =	vmpcnt.ones.xlane vm1;
	(v2sf) =	vpush v8, $0x0  }
0x47c: {  	vm2 =	vgt.f32 v3, $2.000000000e+00;
	(v2sf) =	vpush v9, $0x0  }
0x47d: {  	v8 =	vmpcnt.ones.xlane vm2  }
0x47e: {  	vm7 =	vgt.f32 v2, $2.000000000e+00;
	(v2sf) =	vpush v7, $0x0  }
0x47f: {  	v59 =	vmpcnt.ones.xlane vm7;
	(v2sf) =	vpush v8, $0x0  }
0x480: {  	vm6 =	vgt.f32 v1, $2.000000000e+00  }
0x481: {  	v60 =	vmpcnt.ones.xlane vm6;
	vm5 =	vgt.f32 v0, $2.000000000e+00;
	(v2sf) =	vpush v59, $0x0  }
0x482: {  	v61 =	vmpcnt.ones.xlane vm5  }
0x483: {  	(v2sf) =	vpush v60, $0x0  }
0x484: {  	(v2sf) =	vpush v61, $0x0;
	_ =	sdelay $0x5  }
0x485: {  	s25 =	sand.u32 $0x7F, s21;
	s0 =	spop (v2sf)  }
0x486: {  	v62 =	vld [tilespmem:s19+$0x8270];
	s19 =	sor.u32 s25, s23;
	s0 =	sadd.s32 s22, s0;
	s20 =	spop (v2sf)  }
0x487: {  	p0 =	slt.s32 s0, $0xF0;
	s20 =	sadd.s32 s0, s20;
	p3 =	slt.s32 s0, $0xF1  }
0x488: {  	s26 =	spop (v2sf);
	s0 =	simm.s32 @!p0 $0xF0;
	p0 =	slt.s32 s20, $0xF0  }
0x489: {  	s21 =	sadd.s32 s20, s26;
	s24 =	smov.u32 s20;
	s28 =	spop (v2sf)  }
0x48a: {  	s29 =	sshll.u32 s0, $0x3;
	s24 =	simm.s32 @!p0 $0xF0;
	p6 =	slt.s32 s21, $0xF1  }
0x48b: {  	vm8 =	vgt.f32 v62, $2.000000000e+00;
	s0 =	sand.u32 $0x7F, s0;
	s22 =	sadd.s32 s21, s28;
	s25 =	spop (v2sf)  }
0x48c: {  	v63 =	vmpcnt.ones.xlane vm8;
	s23 =	sand.u32 $0xFFFFFC00, s29;
	s30 =	sshll.u32 s24, $0x3;
	s24 =	sand.u32 $0x7F, s24  }
0x48d: {  	s25 =	sadd.s32 s22, s25;
	s26 =	spop (v2sf);
	p0 =	slt.s32 s22, $0xF0  }
0x48e: {  	(v2sf) =	vpush v63, $0x0;
	p4 =	slt.s32 s22, $0xF1;
	s0 =	sor.u32 s0, s23;
	s28 =	spop (v2sf)  }
0x48f: {  	vm9 =	vmmov vm0;
	s22 =	simm.s32 @!p0 $0xF0;
	p1 =	slt.s32 s25, $0xF1;
	p0 =	slt.s32 s21, $0xF0  }
0x490: {  	vm9 =	vmneg @p2 vm9;
	s26 =	sadd.s32 s25, s26;
	p2 =	slt.s32 s25, $0xF0;
	s21 =	simm.s32 @!p0 $0xF0  }
0x491: {  	p0 =	slt.s32 s20, $0xF1;
	s29 =	sshll.u32 s22, $0x3;
	s20 =	sand.u32 $0xFFFFFC00, s30  }
0x492: {  	s22 =	sand.u32 $0x7F, s22;
	p5 =	slt.s32 s26, $0xF1;
	s28 =	sadd.s32 s26, s28  }
0x493: {  	vm10 =	vmmov vm0;
	s25 =	simm.s32 @!p2 $0xF0;
	p2 =	slt.s32 s26, $0xF0;
	s20 =	sor.u32 s24, s20  }
0x494: {  	vm4 =	vmand vm9, vm4;
	vm9 =	vmmov vm0;
	vm10 =	vmneg @p3 vm10;
	s31 =	sshll.u32 s21, $0x3;
	s29 =	sand.u32 $0xFFFFFC00, s29;
	s21 =	sand.u32 $0x7F, s21  }
0x495: {  	[tilespmem:s19+$0x10200] =	vst.msk vm4, v6;
	vm4 =	vmmov vm0;
	vm3 =	vmand vm3, vm10;
	vm9 =	vmneg @p0 vm9;
	s26 =	simm.s32 @!p2 $0xF0;
	p0 =	slt.s32 s28, $0xF0;
	p2 =	slt.s32 s28, $0xF1  }
0x496: {  	vm4 =	vmneg @p6 vm4;
	[tilespmem:s0+$0x10200] =	vst.msk vm3, v5;
	s24 =	sand.u32 $0xFFFFFC00, s31;
	vm1 =	vmand vm1, vm9;
	vm9 =	vmmov vm0;
	s30 =	sor.u32 s22, s29;
	s31 =	sshll.u32 s25, $0x3  }
0x497: {  	vm2 =	vmand vm2, vm4;
	vm3 =	vmmov vm0;
	s23 =	sshll.u32 s26, $0x3;
	s28 =	simm.s32 @!p0 $0xF0;
	s19 =	sor.u32 s21, s24;
	vm9 =	vmneg @p4 vm9;
	[tilespmem:s20+$0x10200] =	vst.msk vm1, v4  }
0x498: {  	vm4 =	vmmov vm0;
	vm3 =	vmneg @p1 vm3;
	s26 =	sand.u32 $0x7F, s26;
	s21 =	sand.u32 $0x7F, s25;
	s22 =	sand.u32 $0xFFFFFC00, s31;
	vm1 =	vmand vm7, vm9;
	[tilespmem:s19+$0x10200] =	vst.msk vm2, v3  }
0x499: {  	vm4 =	vmneg @p5 vm4;
	s24 =	sand.u32 $0xFFFFFC00, s23;
	s25 =	sshll.u32 s28, $0x3;
	s20 =	sor.u32 s21, s22;
	vm2 =	vmand vm6, vm3;
	[tilespmem:s30+$0x10200] =	vst.msk vm1, v2;
	vm1 =	vmmov vm0  }
0x49a: {  	s29 =	sand.u32 $0x7F, s28;
	vm3 =	vmand vm5, vm4;
	s19 =	sand.u32 $0xFFFFFC00, s25;
	s0 =	sor.u32 s26, s24;
	[tilespmem:s20+$0x10200] =	vst.msk vm2, v1;
	vm1 =	vmneg @p2 vm1  }
0x49b: {  	p0 =	por $0x1, $0x1;
	s21 =	simm.s32 $0x0;
	s30 =	sor.u32 s29, s19;
	vm1 =	vmand vm8, vm1;
	[tilespmem:s0+$0x10200] =	vst.msk vm3, v0  }
0x49c: {  	p1 =	por $0x1, $0x1;
	s19 =	simm.s32 $0x0;
	s21 =	simm.s32 @!p0 $0xF0;
	[tilespmem:s30+$0x10200] =	vst.msk vm1, v62  }
0x49d: {  	s20 =	simm.s32 $0x1000;
	s22 =	sshll.u32 s21, $0x3;
	s31 =	spop (v2sf);
	v1 =	vld [tilespmem:s19+$0x8280]  }
.LBB2_29:
0x49e: {  	p0 =	sne.s32 s20, $0x1F000;
	v3 =	vld [tilespmem:s19+$0x8290];
	s0 =	smov.u32 s20;
	s20 =	sadd.s32 $0x1000, s20  }
0x49f: {  	v4 =	vld [tilespmem:s19+$0x82A0];
	_ =	sdelay $0x2  }
0x4a0: {  	vm1 =	vgt.f32 v1, $2.000000000e+00  }
0x4a1: {  	v0 =	vmpcnt.ones.xlane vm1;
	vm7 =	vgt.f32 v3, $2.000000000e+00  }
0x4a2: {  	v2 =	vmpcnt.ones.xlane vm7;
	vm6 =	vgt.f32 v4, $2.000000000e+00;
	v5 =	vld [tilespmem:s19+$0x82B0]  }
0x4a3: {  	v6 =	vmpcnt.ones.xlane vm6;
	(v2sf) =	vpush v0, $0x0  }
0x4a4: {  	v7 =	vld [tilespmem:s19+$0x82C0];
	(v2sf) =	vpush v2, $0x0  }
0x4a5: {  	(v2sf) =	vpush v6, $0x0;
	_ =	sdelay $0x1  }
0x4a6: {  	s0 =	sshra.s32 s0, $0x2;
	vm4 =	vgt.f32 v5, $2.000000000e+00  }
0x4a7: {  	v2 =	vmpcnt.ones.xlane vm4  }
0x4a8: {  	vm2 =	vmmov vm0;
	vm5 =	vgt.f32 v7, $2.000000000e+00;
	v6 =	vld [tilespmem:s19+$0x82D0]  }
0x4a9: {  	s21 =	sand.u32 $0x7F, s21;
	s22 =	sand.u32 $0xFFFFFC00, s22;
	vm2 =	vmneg @p1 vm2;
	v8 =	vmpcnt.ones.xlane vm5;
	v0 =	vld [tilespmem:s19+$0x82F0];
	(v2sf) =	vpush v2, $0x0  }
0x4aa: {  	s21 =	sor.u32 s21, s22;
	vm1 =	vmand vm2, vm1;
	v2 =	vld [tilespmem:s19+$0x82E0];
	s19 =	smov.u32 s0  }
0x4ab: {  	[tilespmem:s21+$0x10280] =	vst.msk vm1, v1;
	(v2sf) =	vpush v8, $0x0;
	_ =	sdelay $0x1  }
0x4ac: {  	vm3 =	vgt.f32 v6, $2.000000000e+00  }
0x4ad: {  	v1 =	vmpcnt.ones.xlane vm3  }
0x4ae: {  	vm2 =	vgt.f32 v2, $2.000000000e+00  }
0x4af: {  	v8 =	vmpcnt.ones.xlane vm2;
	(v2sf) =	vpush v1, $0x0  }
0x4b0: {  	s0 =	spop (v2sf)  }
0x4b1: {  	s0 =	sadd.s32 s18, s0  }
0x4b2: {  	s18 =	spop (v2sf);
	(v2sf) =	vpush v8, $0x0;
	p1 =	slt.s32 s0, $0xF0  }
0x4b3: {  	s18 =	sadd.s32 s0, s18;
	s21 =	spop (v2sf);
	s22 =	smov.u32 s0  }
0x4b4: {  	vm1 =	vgt.f32 v0, $2.000000000e+00;
	p3 =	slt.s32 s0, $0xF1;
	s22 =	simm.s32 @!p1 $0xF0;
	p2 =	slt.s32 s18, $0xF0  }
0x4b5: {  	v1 =	vmpcnt.ones.xlane vm1;
	p1 =	slt.s32 s18, $0xF1;
	s0 =	sadd.s32 s18, s21;
	s18 =	simm.s32 @!p2 $0xF0  }
0x4b6: {  	vm8 =	vmmov vm0;
	s21 =	sshll.u32 s22, $0x3;
	p2 =	slt.s32 s0, $0xF1;
	s23 =	sshll.u32 s18, $0x3  }
0x4b7: {  	vm8 =	vmneg @p3 vm8;
	p3 =	slt.s32 s0, $0xF0;
	(v2sf) =	vpush v1, $0x0;
	s18 =	sand.u32 $0x7F, s18;
	s23 =	sand.u32 $0xFFFFFC00, s23  }
0x4b8: {  	vm7 =	vmand vm7, vm8;
	s22 =	sand.u32 $0x7F, s22;
	s18 =	sor.u32 s18, s23;
	s23 =	smov.u32 s0  }
0x4b9: {  	vm9 =	vmmov vm0;
	vm8 =	vmmov vm0;
	s21 =	sand.u32 $0xFFFFFC00, s21;
	s24 =	spop (v2sf);
	s23 =	simm.s32 @!p3 $0xF0  }
0x4ba: {  	vm8 =	vmneg @p1 vm8;
	vm9 =	vmneg @p2 vm9;
	s21 =	sor.u32 s22, s21;
	s0 =	sadd.s32 s0, s24;
	s24 =	sshll.u32 s23, $0x3  }
0x4bb: {  	vm6 =	vmand vm6, vm8;
	p1 =	slt.s32 s0, $0xF0;
	s22 =	smov.u32 s0;
	s25 =	spop (v2sf)  }
0x4bc: {  	s22 =	simm.s32 @!p1 $0xF0;
	p1 =	slt.s32 s0, $0xF1  }
0x4bd: {  	[tilespmem:s21+$0x10280] =	vst.msk vm7, v3;
	vm7 =	vmmov vm0  }
0x4be: {  	s0 =	sadd.s32 s0, s25;
	s21 =	sand.u32 $0x7F, s23;
	s23 =	sand.u32 $0xFFFFFC00, s24;
	vm7 =	vmneg @p1 vm7  }
0x4bf: {  	vm4 =	vmand vm4, vm9;
	p1 =	slt.s32 s0, $0xF0;
	[tilespmem:s18+$0x10280] =	vst.msk vm6, v4;
	s18 =	sor.u32 s21, s23;
	vm5 =	vmand vm5, vm7;
	s21 =	sshll.u32 s22, $0x3  }
0x4c0: {  	[tilespmem:s18+$0x10280] =	vst.msk vm4, v5;
	s18 =	sand.u32 $0x7F, s22;
	s21 =	sand.u32 $0xFFFFFC00, s21  }
0x4c1: {  	p2 =	slt.s32 s0, $0xF1;
	vm4 =	vmmov vm0;
	s18 =	sor.u32 s18, s21;
	s21 =	smov.u32 s0  }
0x4c2: {  	vm4 =	vmneg @p2 vm4;
	s22 =	spop (v2sf);
	s21 =	simm.s32 @!p1 $0xF0  }
0x4c3: {  	s0 =	sadd.s32 s0, s22;
	[tilespmem:s18+$0x10280] =	vst.msk vm5, v7;
	s18 =	sand.u32 $0x7F, s21;
	s21 =	sshll.u32 s21, $0x3  }
0x4c4: {  	p1 =	slt.s32 s0, $0xF0;
	s21 =	sand.u32 $0xFFFFFC00, s21;
	s22 =	spop (v2sf)  }
0x4c5: {  	s18 =	sor.u32 s18, s21;
	s21 =	smov.u32 s0;
	s22 =	sadd.s32 s0, s22  }
0x4c6: {  	vm3 =	vmand vm3, vm4;
	s21 =	simm.s32 @!p1 $0xF0;
	p1 =	slt.s32 s0, $0xF1;
	p2 =	slt.s32 s22, $0xF0  }
0x4c7: {  	[tilespmem:s18+$0x10280] =	vst.msk vm3, v6;
	s0 =	sshll.u32 s21, $0x3;
	vm3 =	vmmov vm0;
	s18 =	sand.u32 $0x7F, s21;
	s21 =	smov.u32 s22  }
0x4c8: {  	vm3 =	vmneg @p1 vm3;
	s0 =	sand.u32 $0xFFFFFC00, s0;
	s21 =	simm.s32 @!p2 $0xF0;
	p1 =	slt.s32 s22, $0xF1  }
0x4c9: {  	vm2 =	vmand vm2, vm3;
	s0 =	sor.u32 s18, s0;
	s18 =	sshll.u32 s21, $0x3;
	s23 =	spop (v2sf)  }
.Ltmp13:
0x4ca: {  	[tilespmem:s0+$0x10280] =	vst.msk vm2, v2;
	s0 =	sand.u32 $0x7F, s21;
	s18 =	sand.u32 $0xFFFFFC00, s18;
	vm2 =	vmmov vm0;
	(pc) =	sbr.rel @p0 .LBB2_29-.Ltmp13, $4  }
0x4cb: {  	vm2 =	vmneg @p1 vm2;
	s0 =	sor.u32 s0, s18;
	s18 =	sadd.s32 s22, s23  }
0x4cc: {  	p2 =	slt.s32 s18, $0xF0;
	p1 =	slt.s32 s18, $0xF1;
	vm1 =	vmand vm1, vm2;
	s21 =	smov.u32 s18  }
0x4cd: {  	s21 =	simm.s32 @!p2 $0xF0;
	[tilespmem:s0+$0x10280] =	vst.msk vm1, v0  }
0x4ce: {  	v1 =	vld [tilespmem:s19+$0x8280];
	s22 =	sshll.u32 s21, $0x3  }
0x4cf: {  	v0 =	vld [tilespmem:s19+$0x8290];
	_ =	sdelay $0x1  }
0x4d0: {  	v2 =	vld [tilespmem:s19+$0x82A0];
	_ =	sdelay $0x1  }
0x4d1: {  	vm7 =	vgt.f32 v1, $2.000000000e+00  }
0x4d2: {  	v5 =	vld [tilespmem:s19+$0x82B0];
	v3 =	vmpcnt.ones.xlane vm7;
	vm6 =	vgt.f32 v0, $2.000000000e+00  }
0x4d3: {  	v4 =	vmpcnt.ones.xlane vm6  }
0x4d4: {  	vm5 =	vgt.f32 v2, $2.000000000e+00;
	(v2sf) =	vpush v3, $0x0  }
0x4d5: {  	v3 =	vmpcnt.ones.xlane vm5;
	(v2sf) =	vpush v4, $0x0;
	_ =	sdelay $0x1  }
0x4d6: {  	vm4 =	vgt.f32 v5, $2.000000000e+00;
	v4 =	vld [tilespmem:s19+$0x82C0];
	(v2sf) =	vpush v3, $0x0  }
0x4d7: {  	v3 =	vmpcnt.ones.xlane vm4;
	_ =	sdelay $0x1  }
0x4d8: {  	(v2sf) =	vpush v3, $0x0;
	_ =	sdelay $0x1  }
0x4d9: {  	v3 =	vld [tilespmem:s19+$0x82D0];
	vm3 =	vgt.f32 v4, $2.000000000e+00  }
0x4da: {  	v7 =	vld [tilespmem:s19+$0x82E0];
	v6 =	vmpcnt.ones.xlane vm3;
	_ =	sdelay $0x1  }
0x4db: {  	(v2sf) =	vpush v6, $0x0;
	_ =	sdelay $0x1  }
0x4dc: {  	vm2 =	vgt.f32 v3, $2.000000000e+00  }
0x4dd: {  	vm1 =	vgt.f32 v7, $2.000000000e+00;
	v6 =	vmpcnt.ones.xlane vm2  }
0x4de: {  	s20 =	sand.u32 $0x7F, s21;
	v8 =	vmpcnt.ones.xlane vm1;
	s0 =	spop (v2sf)  }
0x4df: {  	s22 =	sand.u32 $0xFFFFFC00, s22;
	(v2sf) =	vpush v6, $0x0;
	s0 =	sadd.s32 s18, s0;
	s23 =	spop (v2sf)  }
0x4e0: {  	s20 =	sor.u32 s20, s22;
	(v2sf) =	vpush v8, $0x0;
	s18 =	sadd.s32 s0, s23;
	p2 =	slt.s32 s0, $0xF0  }
0x4e1: {  	s24 =	spop (v2sf);
	p3 =	slt.s32 s0, $0xF1;
	p4 =	slt.s32 s18, $0xF0  }
0x4e2: {  	p0 =	slt.s32 s18, $0xF1;
	s21 =	sadd.s32 s18, s24;
	s0 =	simm.s32 @!p2 $0xF0  }
0x4e3: {  	s18 =	simm.s32 @!p4 $0xF0;
	s25 =	sshll.u32 s0, $0x3;
	p2 =	slt.s32 s21, $0xF1  }
0x4e4: {  	s24 =	spop (v2sf);
	p4 =	slt.s32 s21, $0xF0;
	s0 =	sand.u32 $0x7F, s0  }
0x4e5: {  	s23 =	sshll.u32 s18, $0x3;
	s18 =	sand.u32 $0x7F, s18;
	s24 =	sadd.s32 s21, s24  }
0x4e6: {  	s21 =	simm.s32 @!p4 $0xF0;
	s26 =	sand.u32 $0xFFFFFC00, s25;
	s23 =	sand.u32 $0xFFFFFC00, s23  }
0x4e7: {  	s28 =	sshll.u32 s21, $0x3;
	p4 =	slt.s32 s24, $0xF0;
	s0 =	sor.u32 s0, s26  }
0x4e8: {  	s29 =	sand.u32 $0x7F, s21;
	s18 =	sor.u32 s18, s23;
	s23 =	smov.u32 s24  }
0x4e9: {  	s30 =	sand.u32 $0xFFFFFC00, s28;
	s23 =	simm.s32 @!p4 $0xF0;
	s25 =	spop (v2sf)  }
0x4ea: {  	v6 =	vld [tilespmem:s19+$0x82F0];
	p4 =	slt.s32 s24, $0xF1;
	s31 =	sadd.s32 s24, s25;
	s24 =	sshll.u32 s23, $0x3  }
0x4eb: {  	vm9 =	vmmov vm0;
	p5 =	slt.s32 s31, $0xF0;
	s21 =	sand.u32 $0xFFFFFC00, s24;
	s24 =	smov.u32 s31  }
0x4ec: {  	vm10 =	vmmov vm0;
	vm9 =	vmneg @p1 vm9;
	s19 =	sor.u32 s29, s30;
	s23 =	sand.u32 $0x7F, s23;
	s24 =	simm.s32 @!p5 $0xF0  }
0x4ed: {  	vm7 =	vmand vm9, vm7;
	vm9 =	vmmov vm0;
	vm10 =	vmneg @p3 vm10;
	p1 =	slt.s32 s31, $0xF1;
	s26 =	sand.u32 $0x7F, s24;
	s24 =	sshll.u32 s24, $0x3  }
0x4ee: {  	[tilespmem:s20+$0x10280] =	vst.msk vm7, v1;
	vm7 =	vmmov vm0;
	vm6 =	vmand vm6, vm10;
	vm9 =	vmneg @p0 vm9;
	s21 =	sor.u32 s23, s21;
	s29 =	sand.u32 $0xFFFFFC00, s24;
	s25 =	spop (v2sf)  }
0x4ef: {  	vm8 =	vgt.f32 v6, $2.000000000e+00;
	vm7 =	vmneg @p2 vm7;
	vm5 =	vmand vm5, vm9;
	[tilespmem:s0+$0x10280] =	vst.msk vm6, v0;
	s28 =	sadd.s32 s31, s25;
	s30 =	spop (v2sf);
	s31 =	sor.u32 s26, s29  }
0x4f0: {  	v8 =	vmpcnt.ones.xlane vm8;
	vm6 =	vmmov vm0;
	[tilespmem:s18+$0x10280] =	vst.msk vm5, v2;
	vm5 =	vmmov vm0;
	p0 =	slt.s32 s28, $0xF0;
	s22 =	smov.u32 s28;
	s23 =	sadd.s32 s28, s30  }
0x4f1: {  	vm4 =	vmand vm4, vm7;
	vm6 =	vmneg @p4 vm6;
	vm5 =	vmneg @p1 vm5;
	p1 =	slt.s32 s28, $0xF1;
	s22 =	simm.s32 @!p0 $0xF0;
	p2 =	slt.s32 s23, $0xF0  }
0x4f2: {  	[tilespmem:s19+$0x10280] =	vst.msk vm4, v5;
	vm4 =	vmmov vm0;
	vm3 =	vmand vm3, vm6;
	(v2sf) =	vpush v8, $0x0;
	p0 =	slt.s32 s23, $0xF1;
	s20 =	sshll.u32 s22, $0x3;
	s23 =	simm.s32 @!p2 $0xF0  }
0x4f3: {  	[tilespmem:s21+$0x10280] =	vst.msk vm3, v4;
	vm2 =	vmand vm2, vm5;
	vm3 =	vmmov vm0;
	vm4 =	vmneg @p1 vm4;
	s24 =	sand.u32 $0x7F, s22;
	s18 =	sand.u32 $0xFFFFFC00, s20;
	s25 =	sshll.u32 s23, $0x3  }
0x4f4: {  	[tilespmem:s31+$0x10280] =	vst.msk vm2, v3;
	vm1 =	vmand vm1, vm4;
	vm3 =	vmneg @p0 vm3;
	s28 =	sand.u32 $0x7F, s23;
	s26 =	sor.u32 s24, s18;
	s29 =	sand.u32 $0xFFFFFC00, s25  }
0x4f5: {  	[tilespmem:s26+$0x10280] =	vst.msk vm1, v7;
	s30 =	sor.u32 s28, s29;
	vm1 =	vmand vm8, vm3  }
0x4f6: {  	s19 =	simm.s32 $0x0;
	[tilespmem:s30+$0x10280] =	vst.msk vm1, v6  }
0x4f7: {  	v6 =	vld [tilespmem:s19+$0x8300];
	_ =	sdelay $0x1  }
0x4f8: {  	v5 =	vld [tilespmem:s19+$0x8310]  }
0x4f9: {  	v4 =	vld [tilespmem:s19+$0x8320];
	_ =	sdelay $0x1  }
0x4fa: {  	v3 =	vld [tilespmem:s19+$0x8330];
	vm4 =	vgt.f32 v6, $2.000000000e+00  }
0x4fb: {  	v2 =	vld [tilespmem:s19+$0x8340];
	v0 =	vmpcnt.ones.xlane vm4  }
0x4fc: {  	s21 =	simm.s32 $0x0;
	p0 =	por $0x1, $0x1;
	v1 =	vld [tilespmem:s19+$0x8350];
	vm3 =	vgt.f32 v5, $2.000000000e+00  }
0x4fd: {  	p2 =	por $0x1, $0x1;
	s21 =	simm.s32 @!p0 $0xF0;
	vm1 =	vgt.f32 v4, $2.000000000e+00;
	v8 =	vmpcnt.ones.xlane vm3;
	(v2sf) =	vpush v0, $0x0;
	v0 =	vld [tilespmem:s19+$0x8360]  }
0x4fe: {  	s22 =	simm.s32 $0x0;
	s20 =	simm.s32 $0x1000;
	s0 =	sshll.u32 s21, $0x3;
	v7 =	vmpcnt.ones.xlane vm1  }
0x4ff: {  	s18 =	simm.s32 $0x0;
	s23 =	sand.u32 $0xFFFFFC00, s0;
	vm2 =	vgt.f32 v3, $2.000000000e+00;
	s31 =	spop (v2sf);
	(v2sf) =	vpush v8, $0x0  }
.LBB2_31:
0x500: {  	p1 =	sne.s32 s20, $0x1F000;
	v8 =	vmpcnt.ones.xlane vm2;
	vm6 =	vgt.f32 v2, $2.000000000e+00;
	(v2sf) =	vpush v7, $0x0;
	s0 =	smov.u32 s20;
	s20 =	sadd.s32 $0x1000, s20  }
0x501: {  	v7 =	vmpcnt.ones.xlane vm6;
	vm7 =	vgt.f32 v1, $2.000000000e+00  }
0x502: {  	v9 =	vmpcnt.ones.xlane vm7;
	vm5 =	vgt.f32 v0, $2.000000000e+00;
	(v2sf) =	vpush v8, $0x0  }
0x503: {  	v8 =	vmpcnt.ones.xlane vm5;
	(v2sf) =	vpush v7, $0x0  }
0x504: {  	(v2sf) =	vpush v9, $0x0  }
0x505: {  	(v2sf) =	vpush v8, $0x0;
	_ =	sdelay $0x2  }
0x506: {  	vm8 =	vmmov vm0  }
0x507: {  	s21 =	sand.u32 $0x7F, s21;
	vm8 =	vmneg @p2 vm8  }
0x508: {  	s21 =	sor.u32 s21, s23;
	vm4 =	vmand vm8, vm4;
	v7 =	vld [tilespmem:s19+$0x8370]  }
0x509: {  	s19 =	sshra.s32 s0, $0x2;
	[tilespmem:s21+$0x10300] =	vst.msk vm4, v6;
	_ =	sdelay $0x1  }
0x50a: {  	s0 =	spop (v2sf)  }
0x50b: {  	s0 =	sadd.s32 s22, s0;
	s21 =	spop (v2sf)  }
0x50c: {  	p0 =	slt.s32 s0, $0xF0;
	s22 =	sadd.s32 s0, s21;
	s21 =	spop (v2sf)  }
0x50d: {  	vm4 =	vgt.f32 v7, $2.000000000e+00;
	p2 =	slt.s32 s0, $0xF1;
	s0 =	simm.s32 @!p0 $0xF0;
	p0 =	slt.s32 s22, $0xF0  }
0x50e: {  	vm8 =	vmmov vm0;
	v6 =	vmpcnt.ones.xlane vm4;
	s24 =	sadd.s32 s22, s21;
	s25 =	smov.u32 s22;
	s23 =	sshll.u32 s0, $0x3  }
0x50f: {  	vm8 =	vmneg @p2 vm8;
	s21 =	spop (v2sf);
	s25 =	simm.s32 @!p0 $0xF0;
	p0 =	slt.s32 s24, $0xF1  }
0x510: {  	vm3 =	vmand vm3, vm8;
	s0 =	sand.u32 $0x7F, s0;
	s26 =	sadd.s32 s24, s21;
	s21 =	spop (v2sf);
	(v2sf) =	vpush v6, $0x0  }
0x511: {  	vm8 =	vmmov vm0;
	s23 =	sand.u32 $0xFFFFFC00, s23;
	s21 =	sadd.s32 s26, s21;
	s28 =	spop (v2sf)  }
0x512: {  	vm8 =	vmneg @p0 vm8;
	p2 =	slt.s32 s26, $0xF0;
	s30 =	smov.u32 s26;
	s29 =	spop (v2sf)  }
0x513: {  	vm9 =	vmmov vm0;
	vm8 =	vmand vm2, vm8;
	vm2 =	vmmov vm0;
	s30 =	simm.s32 @!p2 $0xF0;
	p0 =	slt.s32 s21, $0xF1;
	p2 =	slt.s32 s22, $0xF1  }
0x514: {  	s22 =	sand.u32 $0x7F, s25;
	s31 =	sshll.u32 s30, $0x3;
	vm2 =	vmneg @p0 vm2;
	vm9 =	vmneg @p2 vm9  }
0x515: {  	p0 =	slt.s32 s24, $0xF0;
	p2 =	slt.s32 s26, $0xF1;
	s26 =	sadd.s32 s21, s28;
	vm2 =	vmand vm7, vm2;
	vm7 =	vmand vm1, vm9;
	vm1 =	vmmov vm0  }
0x516: {  	s25 =	sshll.u32 s25, $0x3;
	s28 =	sand.u32 $0x7F, s30;
	s24 =	simm.s32 @!p0 $0xF0;
	vm1 =	vmneg @p2 vm1  }
0x517: {  	s25 =	sand.u32 $0xFFFFFC00, s25;
	p0 =	slt.s32 s26, $0xF1;
	s30 =	sshll.u32 s24, $0x3;
	vm6 =	vmand vm6, vm1;
	vm1 =	vmmov vm0  }
0x518: {  	s22 =	sor.u32 s22, s25;
	s25 =	sand.u32 $0xFFFFFC00, s31;
	s29 =	sadd.s32 s26, s29;
	vm1 =	vmneg @p0 vm1  }
0x519: {  	s24 =	sand.u32 $0x7F, s24;
	p2 =	slt.s32 s26, $0xF0;
	p0 =	slt.s32 s21, $0xF0;
	vm1 =	vmand vm5, vm1  }
0x51a: {  	s0 =	sor.u32 s0, s23;
	s21 =	simm.s32 @!p0 $0xF0;
	p0 =	slt.s32 s29, $0xF0  }
0x51b: {  	s23 =	sor.u32 s28, s25;
	[tilespmem:s0+$0x10300] =	vst.msk vm3, v5;
	s0 =	sand.u32 $0xFFFFFC00, s30  }
0x51c: {  	s25 =	sshll.u32 s21, $0x3;
	s0 =	sor.u32 s24, s0;
	s24 =	smov.u32 s29  }
0x51d: {  	s26 =	simm.s32 @!p2 $0xF0;
	[tilespmem:s22+$0x10300] =	vst.msk vm7, v4;
	s24 =	simm.s32 @!p0 $0xF0  }
0x51e: {  	s22 =	sshll.u32 s26, $0x3;
	[tilespmem:s0+$0x10300] =	vst.msk vm8, v3;
	s0 =	sand.u32 $0x7F, s21;
	s21 =	sand.u32 $0xFFFFFC00, s25  }
0x51f: {  	p0 =	slt.s32 s29, $0xF1;
	[tilespmem:s23+$0x10300] =	vst.msk vm6, v2;
	s0 =	sor.u32 s0, s21;
	s21 =	sand.u32 $0xFFFFFC00, s22  }
0x520: {  	[tilespmem:s0+$0x10300] =	vst.msk vm2, v1;
	vm2 =	vmmov vm0  }
0x521: {  	s23 =	sand.u32 $0x7F, s26;
	s0 =	sshll.u32 s24, $0x3;
	s22 =	spop (v2sf);
	vm2 =	vmneg @p0 vm2  }
0x522: {  	s23 =	sor.u32 s23, s21;
	s0 =	sand.u32 $0xFFFFFC00, s0;
	s22 =	sadd.s32 s29, s22;
	vm2 =	vmand vm4, vm2  }
0x523: {  	s24 =	sand.u32 $0x7F, s24;
	p0 =	slt.s32 s22, $0xF0;
	s21 =	smov.u32 s22  }
0x524: {  	p2 =	slt.s32 s22, $0xF1;
	s0 =	sor.u32 s24, s0;
	s21 =	simm.s32 @!p0 $0xF0;
	[tilespmem:s23+$0x10300] =	vst.msk vm1, v0  }
0x525: {  	s23 =	sshll.u32 s21, $0x3;
	[tilespmem:s0+$0x10300] =	vst.msk vm2, v7  }
0x526: {  	s23 =	sand.u32 $0xFFFFFC00, s23;
	v6 =	vld [tilespmem:s19+$0x8300]  }
0x527: {  	v5 =	vld [tilespmem:s19+$0x8310]  }
0x528: {  	v4 =	vld [tilespmem:s19+$0x8320];
	_ =	sdelay $0x1  }
0x529: {  	v3 =	vld [tilespmem:s19+$0x8330]  }
.Ltmp14:
0x52a: {  	vm4 =	vgt.f32 v6, $2.000000000e+00;
	v2 =	vld [tilespmem:s19+$0x8340];
	(pc) =	sbr.rel @p1 .LBB2_31-.Ltmp14, $4  }
0x52b: {  	v8 =	vmpcnt.ones.xlane vm4;
	vm3 =	vgt.f32 v5, $2.000000000e+00;
	v1 =	vld [tilespmem:s19+$0x8350]  }
0x52c: {  	v9 =	vmpcnt.ones.xlane vm3;
	vm1 =	vgt.f32 v4, $2.000000000e+00;
	v0 =	vld [tilespmem:s19+$0x8360]  }
0x52d: {  	v7 =	vmpcnt.ones.xlane vm1;
	(v2sf) =	vpush v8, $0x0  }
0x52e: {  	vm2 =	vgt.f32 v3, $2.000000000e+00;
	(v2sf) =	vpush v9, $0x0  }
0x52f: {  	v8 =	vmpcnt.ones.xlane vm2  }
0x530: {  	vm7 =	vgt.f32 v2, $2.000000000e+00;
	(v2sf) =	vpush v7, $0x0  }
0x531: {  	v7 =	vmpcnt.ones.xlane vm7;
	vm6 =	vgt.f32 v1, $2.000000000e+00;
	(v2sf) =	vpush v8, $0x0  }
0x532: {  	v8 =	vmpcnt.ones.xlane vm6  }
0x533: {  	vm5 =	vgt.f32 v0, $2.000000000e+00;
	(v2sf) =	vpush v7, $0x0  }
0x534: {  	v7 =	vmpcnt.ones.xlane vm5;
	(v2sf) =	vpush v8, $0x0;
	_ =	sdelay $0x1  }
0x535: {  	(v2sf) =	vpush v7, $0x0;
	_ =	sdelay $0x5  }
0x536: {  	s20 =	sand.u32 $0x7F, s21;
	s0 =	spop (v2sf)  }
0x537: {  	s20 =	sor.u32 s20, s23;
	s0 =	sadd.s32 s22, s0;
	s29 =	spop (v2sf)  }
0x538: {  	p0 =	slt.s32 s0, $0xF0;
	s21 =	sadd.s32 s0, s29;
	p5 =	slt.s32 s0, $0xF1  }
0x539: {  	s30 =	spop (v2sf);
	s0 =	simm.s32 @!p0 $0xF0;
	p0 =	slt.s32 s21, $0xF0  }
0x53a: {  	s22 =	sadd.s32 s21, s30;
	s25 =	smov.u32 s21;
	s31 =	spop (v2sf)  }
0x53b: {  	s24 =	sshll.u32 s0, $0x3;
	s25 =	simm.s32 @!p0 $0xF0;
	p6 =	slt.s32 s22, $0xF1  }
0x53c: {  	s0 =	sand.u32 $0x7F, s0;
	s23 =	sadd.s32 s22, s31;
	s26 =	spop (v2sf)  }
0x53d: {  	s24 =	sand.u32 $0xFFFFFC00, s24;
	s26 =	sadd.s32 s23, s26;
	s28 =	spop (v2sf)  }
0x53e: {  	v7 =	vld [tilespmem:s19+$0x8370];
	p0 =	slt.s32 s23, $0xF0;
	p3 =	slt.s32 s23, $0xF1;
	s0 =	sor.u32 s0, s24  }
0x53f: {  	vm9 =	vmmov vm0;
	s29 =	spop (v2sf);
	s23 =	simm.s32 @!p0 $0xF0;
	p1 =	slt.s32 s26, $0xF1  }
0x540: {  	vm9 =	vmneg @p2 vm9;
	p0 =	slt.s32 s22, $0xF0;
	s28 =	sadd.s32 s26, s28;
	p2 =	slt.s32 s26, $0xF0  }
0x541: {  	s22 =	simm.s32 @!p0 $0xF0;
	p0 =	slt.s32 s21, $0xF1;
	s21 =	sshll.u32 s25, $0x3  }
0x542: {  	s25 =	sand.u32 $0x7F, s25;
	s30 =	sshll.u32 s23, $0x3;
	s23 =	sand.u32 $0x7F, s23  }
0x543: {  	vm10 =	vmmov vm0;
	vm8 =	vgt.f32 v7, $2.000000000e+00;
	p4 =	slt.s32 s28, $0xF1;
	s29 =	sadd.s32 s28, s29;
	s26 =	simm.s32 @!p2 $0xF0  }
0x544: {  	vm4 =	vmand vm9, vm4;
	vm9 =	vmmov vm0;
	v8 =	vmpcnt.ones.xlane vm8;
	p2 =	slt.s32 s28, $0xF0;
	s19 =	sand.u32 $0xFFFFFC00, s21;
	s31 =	sshll.u32 s22, $0x3  }
0x545: {  	vm10 =	vmneg @p5 vm10;
	s22 =	sand.u32 $0x7F, s22;
	vm9 =	vmneg @p0 vm9;
	s28 =	simm.s32 @!p2 $0xF0;
	p0 =	slt.s32 s29, $0xF0  }
0x546: {  	[tilespmem:s20+$0x10300] =	vst.msk vm4, v6;
	vm4 =	vmmov vm0;
	(v2sf) =	vpush v8, $0x0;
	vm3 =	vmand vm3, vm10;
	p2 =	slt.s32 s29, $0xF1;
	s19 =	sor.u32 s25, s19;
	s25 =	sand.u32 $0xFFFFFC00, s30  }
0x547: {  	vm4 =	vmneg @p6 vm4;
	[tilespmem:s0+$0x10300] =	vst.msk vm3, v5;
	s24 =	sand.u32 $0xFFFFFC00, s31;
	vm1 =	vmand vm1, vm9;
	vm9 =	vmmov vm0;
	s31 =	sshll.u32 s26, $0x3;
	s29 =	simm.s32 @!p0 $0xF0  }
0x548: {  	vm2 =	vmand vm2, vm4;
	vm3 =	vmmov vm0;
	s30 =	sor.u32 s23, s25;
	s20 =	sor.u32 s22, s24;
	vm9 =	vmneg @p3 vm9;
	[tilespmem:s19+$0x10300] =	vst.msk vm1, v4;
	s22 =	sand.u32 $0x7F, s26  }
0x549: {  	vm4 =	vmmov vm0;
	vm3 =	vmneg @p1 vm3;
	s21 =	sand.u32 $0xFFFFFC00, s31;
	s23 =	sshll.u32 s28, $0x3;
	s25 =	sshll.u32 s29, $0x3;
	vm1 =	vmand vm7, vm9;
	[tilespmem:s20+$0x10300] =	vst.msk vm2, v3  }
0x54a: {  	vm4 =	vmneg @p4 vm4;
	s26 =	sand.u32 $0x7F, s28;
	s19 =	sor.u32 s22, s21;
	vm2 =	vmand vm6, vm3;
	s24 =	sand.u32 $0xFFFFFC00, s23;
	[tilespmem:s30+$0x10300] =	vst.msk vm1, v2;
	vm1 =	vmmov vm0  }
0x54b: {  	s29 =	sand.u32 $0x7F, s29;
	vm3 =	vmand vm5, vm4;
	s28 =	sand.u32 $0xFFFFFC00, s25;
	s0 =	sor.u32 s26, s24;
	[tilespmem:s19+$0x10300] =	vst.msk vm2, v1;
	vm1 =	vmneg @p2 vm1  }
0x54c: {  	s30 =	sor.u32 s29, s28;
	vm1 =	vmand vm8, vm1;
	[tilespmem:s0+$0x10300] =	vst.msk vm3, v0  }
0x54d: {  	s19 =	simm.s32 $0x0;
	[tilespmem:s30+$0x10300] =	vst.msk vm1, v7  }
0x54e: {  	v6 =	vld [tilespmem:s19+$0x8380];
	_ =	sdelay $0x1  }
0x54f: {  	v5 =	vld [tilespmem:s19+$0x8390]  }
0x550: {  	v4 =	vld [tilespmem:s19+$0x83A0];
	_ =	sdelay $0x1  }
0x551: {  	v3 =	vld [tilespmem:s19+$0x83B0];
	vm4 =	vgt.f32 v6, $2.000000000e+00  }
0x552: {  	v2 =	vld [tilespmem:s19+$0x83C0];
	v0 =	vmpcnt.ones.xlane vm4  }
0x553: {  	p0 =	por $0x1, $0x1;
	s21 =	simm.s32 $0x0;
	v1 =	vld [tilespmem:s19+$0x83D0];
	vm3 =	vgt.f32 v5, $2.000000000e+00  }
0x554: {  	s21 =	simm.s32 @!p0 $0xF0;
	vm1 =	vgt.f32 v4, $2.000000000e+00;
	v8 =	vmpcnt.ones.xlane vm3;
	(v2sf) =	vpush v0, $0x0;
	v0 =	vld [tilespmem:s19+$0x83E0]  }
0x555: {  	p1 =	por $0x1, $0x1;
	s0 =	sshll.u32 s21, $0x3;
	v7 =	vmpcnt.ones.xlane vm1  }
0x556: {  	s20 =	simm.s32 $0x1000;
	s31 =	spop (v2sf);
	s22 =	sand.u32 $0xFFFFFC00, s0;
	vm2 =	vgt.f32 v3, $2.000000000e+00;
	(v2sf) =	vpush v8, $0x0  }
.LBB2_33:
0x557: {  	p0 =	sne.s32 s20, $0x1F000;
	v8 =	vmpcnt.ones.xlane vm2;
	vm6 =	vgt.f32 v2, $2.000000000e+00;
	(v2sf) =	vpush v7, $0x0;
	s0 =	smov.u32 s20;
	s20 =	sadd.s32 $0x1000, s20  }
0x558: {  	v7 =	vmpcnt.ones.xlane vm6;
	vm7 =	vgt.f32 v1, $2.000000000e+00  }
0x559: {  	v9 =	vmpcnt.ones.xlane vm7;
	vm5 =	vgt.f32 v0, $2.000000000e+00;
	(v2sf) =	vpush v8, $0x0  }
0x55a: {  	v8 =	vmpcnt.ones.xlane vm5;
	(v2sf) =	vpush v7, $0x0  }
0x55b: {  	(v2sf) =	vpush v9, $0x0  }
0x55c: {  	(v2sf) =	vpush v8, $0x0;
	_ =	sdelay $0x2  }
0x55d: {  	vm8 =	vmmov vm0  }
0x55e: {  	s21 =	sand.u32 $0x7F, s21;
	vm8 =	vmneg @p1 vm8  }
0x55f: {  	s21 =	sor.u32 s21, s22;
	vm4 =	vmand vm8, vm4;
	v7 =	vld [tilespmem:s19+$0x83F0]  }
0x560: {  	s19 =	sshra.s32 s0, $0x2;
	[tilespmem:s21+$0x10380] =	vst.msk vm4, v6;
	_ =	sdelay $0x1  }
0x561: {  	s0 =	spop (v2sf)  }
0x562: {  	s0 =	sadd.s32 s18, s0;
	s18 =	spop (v2sf)  }
0x563: {  	p1 =	slt.s32 s0, $0xF0;
	s21 =	sadd.s32 s0, s18;
	s18 =	spop (v2sf)  }
0x564: {  	vm4 =	vgt.f32 v7, $2.000000000e+00;
	p2 =	slt.s32 s0, $0xF1;
	s0 =	simm.s32 @!p1 $0xF0;
	p1 =	slt.s32 s21, $0xF0  }
0x565: {  	vm8 =	vmmov vm0;
	v6 =	vmpcnt.ones.xlane vm4;
	s23 =	sadd.s32 s21, s18;
	s24 =	smov.u32 s21;
	s22 =	sshll.u32 s0, $0x3  }
0x566: {  	vm8 =	vmneg @p2 vm8;
	s18 =	spop (v2sf);
	s24 =	simm.s32 @!p1 $0xF0;
	p1 =	slt.s32 s23, $0xF1  }
0x567: {  	vm3 =	vmand vm3, vm8;
	s0 =	sand.u32 $0x7F, s0;
	s25 =	sadd.s32 s23, s18;
	s18 =	spop (v2sf);
	(v2sf) =	vpush v6, $0x0  }
0x568: {  	vm8 =	vmmov vm0;
	s22 =	sand.u32 $0xFFFFFC00, s22;
	s18 =	sadd.s32 s25, s18;
	s26 =	spop (v2sf)  }
0x569: {  	vm8 =	vmneg @p1 vm8;
	p2 =	slt.s32 s25, $0xF0;
	s29 =	smov.u32 s25;
	s28 =	spop (v2sf)  }
0x56a: {  	vm9 =	vmmov vm0;
	vm8 =	vmand vm2, vm8;
	vm2 =	vmmov vm0;
	s29 =	simm.s32 @!p2 $0xF0;
	p1 =	slt.s32 s18, $0xF1;
	p2 =	slt.s32 s21, $0xF1  }
0x56b: {  	s21 =	sand.u32 $0x7F, s24;
	s30 =	sshll.u32 s29, $0x3;
	vm2 =	vmneg @p1 vm2;
	vm9 =	vmneg @p2 vm9  }
0x56c: {  	p1 =	slt.s32 s23, $0xF0;
	p2 =	slt.s32 s25, $0xF1;
	s25 =	sadd.s32 s18, s26;
	vm2 =	vmand vm7, vm2;
	vm7 =	vmand vm1, vm9;
	vm1 =	vmmov vm0  }
0x56d: {  	s24 =	sshll.u32 s24, $0x3;
	s26 =	sand.u32 $0x7F, s29;
	s23 =	simm.s32 @!p1 $0xF0;
	vm1 =	vmneg @p2 vm1  }
0x56e: {  	s24 =	sand.u32 $0xFFFFFC00, s24;
	p1 =	slt.s32 s25, $0xF1;
	s29 =	sshll.u32 s23, $0x3;
	vm6 =	vmand vm6, vm1;
	vm1 =	vmmov vm0  }
0x56f: {  	s21 =	sor.u32 s21, s24;
	s24 =	sand.u32 $0xFFFFFC00, s30;
	s28 =	sadd.s32 s25, s28;
	vm1 =	vmneg @p1 vm1  }
0x570: {  	s23 =	sand.u32 $0x7F, s23;
	p2 =	slt.s32 s25, $0xF0;
	p1 =	slt.s32 s18, $0xF0;
	vm1 =	vmand vm5, vm1  }
0x571: {  	s0 =	sor.u32 s0, s22;
	s18 =	simm.s32 @!p1 $0xF0;
	p1 =	slt.s32 s28, $0xF0  }
0x572: {  	s22 =	sor.u32 s26, s24;
	s24 =	sshll.u32 s18, $0x3;
	[tilespmem:s0+$0x10380] =	vst.msk vm3, v5;
	s0 =	sand.u32 $0xFFFFFC00, s29  }
0x573: {  	[tilespmem:s21+$0x10380] =	vst.msk vm7, v4;
	s21 =	smov.u32 s28  }
0x574: {  	s25 =	simm.s32 @!p2 $0xF0;
	s0 =	sor.u32 s23, s0;
	s21 =	simm.s32 @!p1 $0xF0  }
0x575: {  	s23 =	sshll.u32 s25, $0x3;
	[tilespmem:s0+$0x10380] =	vst.msk vm8, v3;
	s0 =	sand.u32 $0x7F, s18;
	s18 =	sand.u32 $0xFFFFFC00, s24  }
0x576: {  	p1 =	slt.s32 s28, $0xF1;
	[tilespmem:s22+$0x10380] =	vst.msk vm6, v2;
	s0 =	sor.u32 s0, s18;
	s22 =	sand.u32 $0xFFFFFC00, s23  }
0x577: {  	[tilespmem:s0+$0x10380] =	vst.msk vm2, v1;
	vm2 =	vmmov vm0  }
0x578: {  	s23 =	sand.u32 $0x7F, s25;
	s0 =	sshll.u32 s21, $0x3;
	s18 =	spop (v2sf);
	vm2 =	vmneg @p1 vm2  }
0x579: {  	s22 =	sor.u32 s23, s22;
	s0 =	sand.u32 $0xFFFFFC00, s0;
	s18 =	sadd.s32 s28, s18;
	vm2 =	vmand vm4, vm2  }
0x57a: {  	s23 =	sand.u32 $0x7F, s21;
	p1 =	slt.s32 s18, $0xF0;
	s21 =	smov.u32 s18  }
0x57b: {  	s0 =	sor.u32 s23, s0;
	s21 =	simm.s32 @!p1 $0xF0;
	p1 =	slt.s32 s18, $0xF1;
	[tilespmem:s22+$0x10380] =	vst.msk vm1, v0  }
0x57c: {  	s22 =	sshll.u32 s21, $0x3;
	[tilespmem:s0+$0x10380] =	vst.msk vm2, v7  }
0x57d: {  	s22 =	sand.u32 $0xFFFFFC00, s22;
	v6 =	vld [tilespmem:s19+$0x8380]  }
0x57e: {  	v5 =	vld [tilespmem:s19+$0x8390]  }
0x57f: {  	v4 =	vld [tilespmem:s19+$0x83A0];
	_ =	sdelay $0x1  }
0x580: {  	v3 =	vld [tilespmem:s19+$0x83B0]  }
.Ltmp15:
0x581: {  	vm4 =	vgt.f32 v6, $2.000000000e+00;
	v2 =	vld [tilespmem:s19+$0x83C0];
	(pc) =	sbr.rel @p0 .LBB2_33-.Ltmp15, $4  }
0x582: {  	v8 =	vmpcnt.ones.xlane vm4;
	vm3 =	vgt.f32 v5, $2.000000000e+00;
	v1 =	vld [tilespmem:s19+$0x83D0]  }
0x583: {  	v9 =	vmpcnt.ones.xlane vm3;
	vm1 =	vgt.f32 v4, $2.000000000e+00;
	v0 =	vld [tilespmem:s19+$0x83E0]  }
0x584: {  	v7 =	vmpcnt.ones.xlane vm1;
	(v2sf) =	vpush v8, $0x0  }
0x585: {  	vm2 =	vgt.f32 v3, $2.000000000e+00;
	(v2sf) =	vpush v9, $0x0  }
0x586: {  	_ = 	snop  }
0x587: {  	v8 =	vmpcnt.ones.xlane vm2;
	(v2sf) =	vpush v7, $0x0  }
0x588: {  	vm7 =	vgt.f32 v2, $2.000000000e+00  }
0x589: {  	v59 =	vmpcnt.ones.xlane vm7;
	(v2sf) =	vpush v8, $0x0  }
0x58a: {  	vm6 =	vgt.f32 v1, $2.000000000e+00  }
0x58b: {  	v60 =	vmpcnt.ones.xlane vm6;
	(v2sf) =	vpush v59, $0x0  }
0x58c: {  	vm5 =	vgt.f32 v0, $2.000000000e+00  }
0x58d: {  	v61 =	vmpcnt.ones.xlane vm5;
	(v2sf) =	vpush v60, $0x0;
	_ =	sdelay $0x1  }
0x58e: {  	(v2sf) =	vpush v61, $0x0;
	_ =	sdelay $0x3  }
0x58f: {  	v62 =	vld [tilespmem:s19+$0x83F0];
	s25 =	sand.u32 $0x7F, s21;
	s16 =	sadd.s32 $0x1, s16;
	s0 =	spop (v2sf)  }
0x590: {  	s19 =	sor.u32 s25, s22;
	s0 =	sadd.s32 s18, s0;
	s26 =	spop (v2sf)  }
0x591: {  	p0 =	slt.s32 s0, $0xF0;
	s18 =	sadd.s32 s0, s26;
	p2 =	slt.s32 s0, $0xF1  }
0x592: {  	s20 =	spop (v2sf);
	s0 =	simm.s32 @!p0 $0xF0;
	p0 =	slt.s32 s18, $0xF0  }
0x593: {  	s20 =	sadd.s32 s18, s20;
	s23 =	smov.u32 s18;
	p6 =	slt.s32 s18, $0xF1  }
0x594: {  	vm8 =	vgt.f32 v62, $2.000000000e+00;
	s28 =	spop (v2sf);
	s29 =	sshll.u32 s0, $0x3;
	s23 =	simm.s32 @!p0 $0xF0  }
0x595: {  	v63 =	vmpcnt.ones.xlane vm8;
	p5 =	slt.s32 s20, $0xF1;
	s0 =	sand.u32 $0x7F, s0;
	p4 =	slt.s32 s20, $0xF0  }
0x596: {  	s21 =	sadd.s32 s20, s28;
	s24 =	spop (v2sf);
	s22 =	sand.u32 $0xFFFFFC00, s29  }
0x597: {  	(v2sf) =	vpush v63, $0x0;
	s30 =	sand.u32 $0x7F, s23;
	s23 =	sshll.u32 s23, $0x3;
	s20 =	simm.s32 @!p4 $0xF0  }
0x598: {  	s24 =	sadd.s32 s21, s24;
	s25 =	spop (v2sf);
	p0 =	slt.s32 s21, $0xF0  }
0x599: {  	p3 =	slt.s32 s21, $0xF1;
	s23 =	sand.u32 $0xFFFFFC00, s23;
	s31 =	sshll.u32 s20, $0x3  }
0x59a: {  	s20 =	sand.u32 $0x7F, s20;
	s0 =	sor.u32 s0, s22;
	s26 =	spop (v2sf)  }
0x59b: {  	vm9 =	vmmov vm0;
	s21 =	simm.s32 @!p0 $0xF0;
	p0 =	slt.s32 s24, $0xF1;
	s25 =	sadd.s32 s24, s25  }
0x59c: {  	vm9 =	vmneg @p1 vm9;
	s18 =	sor.u32 s30, s23;
	p1 =	slt.s32 s24, $0xF0;
	s23 =	sand.u32 $0xFFFFFC00, s31  }
0x59d: {  	vm10 =	vmmov vm0;
	s28 =	sshll.u32 s21, $0x3;
	s21 =	sand.u32 $0x7F, s21;
	p4 =	slt.s32 s25, $0xF1  }
0x59e: {  	vm4 =	vmand vm9, vm4;
	vm9 =	vmmov vm0;
	vm10 =	vmneg @p2 vm10;
	s26 =	sadd.s32 s25, s26;
	s24 =	simm.s32 @!p1 $0xF0;
	p1 =	slt.s32 s25, $0xF0  }
0x59f: {  	[tilespmem:s19+$0x10380] =	vst.msk vm4, v6;
	vm4 =	vmmov vm0;
	vm9 =	vmneg @p6 vm9;
	vm3 =	vmand vm3, vm10;
	s19 =	sor.u32 s20, s23;
	s28 =	sand.u32 $0xFFFFFC00, s28;
	s25 =	simm.s32 @!p1 $0xF0  }
0x5a0: {  	vm4 =	vmneg @p5 vm4;
	vm1 =	vmand vm1, vm9;
	vm9 =	vmmov vm0;
	[tilespmem:s0+$0x10380] =	vst.msk vm3, v5;
	p1 =	slt.s32 s26, $0xF0;
	s29 =	sshll.u32 s24, $0x3;
	s30 =	sand.u32 $0x7F, s24  }
0x5a1: {  	vm2 =	vmand vm2, vm4;
	vm3 =	vmmov vm0;
	vm9 =	vmneg @p3 vm9;
	[tilespmem:s18+$0x10380] =	vst.msk vm1, v4;
	p2 =	slt.s32 s26, $0xF1;
	s28 =	sor.u32 s21, s28;
	s31 =	sand.u32 $0xFFFFFC00, s29  }
0x5a2: {  	vm4 =	vmmov vm0;
	vm3 =	vmneg @p0 vm3;
	vm1 =	vmand vm7, vm9;
	[tilespmem:s19+$0x10380] =	vst.msk vm2, v3;
	s21 =	sshll.u32 s25, $0x3;
	s26 =	simm.s32 @!p1 $0xF0;
	s24 =	sand.u32 $0x7F, s25  }
0x5a3: {  	vm2 =	vmand vm6, vm3;
	vm4 =	vmneg @p4 vm4;
	s18 =	sor.u32 s30, s31;
	[tilespmem:s28+$0x10380] =	vst.msk vm1, v2;
	s22 =	sand.u32 $0xFFFFFC00, s21;
	vm1 =	vmmov vm0;
	s23 =	sshll.u32 s26, $0x3  }
0x5a4: {  	vm3 =	vmand vm5, vm4;
	s28 =	sand.u32 $0x7F, s26;
	[tilespmem:s18+$0x10380] =	vst.msk vm2, v1;
	vm1 =	vmneg @p2 vm1;
	s25 =	sand.u32 $0xFFFFFC00, s23;
	s0 =	sor.u32 s24, s22  }
0x5a5: {  	s17 =	sshll.u32 s17, $0x5;
	p0 =	sne.s32 s16, $0x8;
	vm1 =	vmand vm8, vm1;
	[tilespmem:s0+$0x10380] =	vst.msk vm3, v0;
	s29 =	sor.u32 s28, s25  }
.Ltmp16:
0x5a6: {  	s31 =	sadd.s32 s4, s17;
	[tilespmem:s29+$0x10380] =	vst.msk vm1, v62;
	s30 =	spop (v2sf);
	(pc) =	sbr.rel @p0 .LBB2_2-.Ltmp16, $4  }
0x5a7: {  	[hbm4b:s31+s3] =	stream.linear.scatter [tilespmem:s12], [sflag:$0x3], $0x800, $0x38;
	[tilespmem:$0x10800] =	vst v63  }
0x5a8: {  	_ =	swait.ge [sflag:s13], $0x800  }
0x5a9: {  	[sflag:s13] =	ssyncset.done $0x0  }
0x5aa: {  	[sflag:s13] =	ssyncadd.s32 $0xFFFFF800  }
0x5ab: {  	s15 =	sadd.s32 $0x1, s15  }
0x5ac: {  	p0 =	sne.s32 s15, s8  }
.Ltmp17:
0x5ad: {  	_ = 	snop;
	(pc) =	sbr.rel @p0 .LBB2_1-.Ltmp17, $1  }
0x5ae: {  	_ =	sdelay $0x3  }
0x5af: {  	_ =	sfence.sel $0x180000  }
0x5b0: {  	[bflag:$0x0] =	sbarrier.arrive $0xFFFF  }
0x5b1: {  	_ =	strace $0x90000047  }
0x5b2: {  	[bflag:$0x2] =	sbarrier.arrive $0xFFFF  }
0x5b3: {  	p0 =	sne.s32 s2, $0x0;
	s0 =	rddreg [dreg:$0x2]  }
0x5b4: {  	s0 =	sadd.s32 @!p0 $0x100000, s0  }
0x5b5: {  	[sflag:s0] =	ssyncadd.tile.s32 @!p0 $0x1;
	_ =	shalt  }
.Lfunc_end2:
_tile_overlayer_lowered:
.L_overlay_start_2:
0x5b6: {  	(tag) =	ssettag $0x2  }
0x5b7: {  	s0 =	rddreg [dreg:$0x0];
	s2 =	stileid.u32  }
0x5b8: {  	s1 =	rddreg [dreg:$0x1];
	p0 =	sne.s32 s2, $0x0  }
0x5b9: {  	s3 =	rddreg [dreg:$0x2];
	[bflag:$0x3] =	sbarrier.arrive $0xFFFF;
	s2 =	simm.s32 @!p0 $0x1C03  }
0x5ba: {  	[timem:s3], [sflag:s2] =	dma.local @!p0 [hbm:s0], s1  }
0x5bb: {  	s0 =	simm.s32 @!p0 $0x3  }
0x5bc: {  	_ =	swait.ge @!p0 [sflag:s0], s1  }
0x5bd: {  	s1 =	ssub.s32 @!p0 $0x0, s1;
	[sflag:s0] =	ssyncset.done @!p0 $0x0  }
0x5be: {  	[sflag:s0] =	ssyncadd.s32 @!p0 s1  }
0x5bf: {  	[bflag:$0x3] =	sbarrier.arrive $0xFFFF  }
0x5c0: {  	_ =	shalt  }

</sc_bundles>
